<compile_context>
chip_gen: v7x
topology: tpu7x:2x2x1
jax: 0.10.2.dev20260603
libtpu: 0.0.44.dev20260713+nightly
codegen_flags: <defaults>
</compile_context>

<pallas_src>
import functools

import jax
import jax.numpy as jnp
from jax import lax
from jax.experimental import pallas as pl
from jax.experimental.pallas import tpu as pltpu
from jax.experimental.pallas import tpu_sc as plsc

_LANES = 16


def _pooled_sc_kernel(indices, emb_table):
    B, L = indices.shape
    V, D = emb_table.shape

    info = plsc.get_sparse_core_info()
    NC, NS = info.num_cores, info.num_subcores
    NW = NC * NS

    rows_per_w = B // NW
    C = 64
    n_groups = rows_per_w // C
    n_sub = C // _LANES

    mesh = plsc.VectorSubcoreMesh(core_axis_name="c", subcore_axis_name="s")

    def body(idx_hbm, table_hbm, out_hbm, table_v, idx_v, out_v,
             isem0, isem1, osem0, osem1):
        wid = lax.axis_index("s") * NC + lax.axis_index("c")
        base_row = wid * rows_per_w
        isems = (isem0, isem1)
        osems = (osem0, osem1)

        idx_cp = [None] * n_groups
        idx_cp[0] = pltpu.async_copy(
            idx_hbm.at[pl.ds(base_row, C), :], idx_v.at[0], isems[0]
        )
        pltpu.sync_copy(table_hbm, table_v)

        row_iota = lax.iota(jnp.int32, _LANES)
        zeros = tuple(jnp.zeros((_LANES,), jnp.float32) for _ in range(D))
        inv_l = jnp.float32(1.0 / L)

        out_cp = [None] * n_groups
        for g in range(n_groups):
            buf = g % 2
            row0 = base_row + g * C
            if g + 1 < n_groups:
                idx_cp[g + 1] = pltpu.async_copy(
                    idx_hbm.at[pl.ds(row0 + C, C), :],
                    idx_v.at[1 - buf],
                    isems[1 - buf],
                )
            idx_cp[g].wait()
            if g >= 2:
                out_cp[g - 2].wait()

            def sub_body(s, carry2):
                rvec = s * _LANES + row_iota

                def l_body(l, accs):
                    lvec = jnp.full((_LANES,), l, jnp.int32)
                    vidx = plsc.load_gather(idx_v.at[buf], [rvec, lvec])
                    tbase = vidx * D
                    return tuple(
                        accs[d] + plsc.load_gather(table_v, [tbase + d])
                        for d in range(D)
                    )

                accs = lax.fori_loop(0, L, l_body, zeros, unroll=2)
                for d in range(D):
                    dvec = jnp.full((_LANES,), d, jnp.int32)
                    plsc.store_scatter(out_v.at[buf], [rvec, dvec], accs[d] * inv_l)
                return carry2

            lax.fori_loop(0, n_sub, sub_body, 0)
            out_cp[g] = pltpu.async_copy(
                out_v.at[buf], out_hbm.at[pl.ds(row0, C), :], osems[buf]
            )
        for g in range(max(0, n_groups - 2), n_groups):
            out_cp[g].wait()

    return pl.kernel(
        body,
        out_type=jax.ShapeDtypeStruct((B, D), jnp.float32),
        mesh=mesh,
        compiler_params=pltpu.CompilerParams(needs_layout_passes=False),
        scratch_types=[
            pltpu.VMEM((V * D,), jnp.float32),
            pltpu.VMEM((2, C, L), jnp.int32),
            pltpu.VMEM((2, C, D), jnp.float32),
            pltpu.SemaphoreType.DMA,
            pltpu.SemaphoreType.DMA,
            pltpu.SemaphoreType.DMA,
            pltpu.SemaphoreType.DMA,
        ],
    )(indices, emb_table.reshape(V * D))


def _mlp_body(x_ref, w1_ref, b1_ref, w2_ref, b2_ref, w3_ref, b3_ref, o_ref):
    x = x_ref[...]
    h1 = jnp.maximum(
        jnp.dot(x, w1_ref[...], preferred_element_type=jnp.float32) + b1_ref[...], 0.0
    )
    h2 = jnp.maximum(
        jnp.dot(h1, w2_ref[...], preferred_element_type=jnp.float32) + b2_ref[...], 0.0
    )
    o_ref[...] = jax.nn.sigmoid(
        jnp.dot(h2, w3_ref[...], preferred_element_type=jnp.float32) + b3_ref[...]
    )


def _mlp_tc(pooled, W1, b1, W2, b2, W3, b3):
    B, D = pooled.shape
    H1 = W1.shape[1]
    H2 = W2.shape[1]
    TB = B
    grid = (B // TB,)
    b1r, b2r, b3r = b1.reshape(1, H1), b2.reshape(1, H2), b3.reshape(1, 1)
    fixed = lambda i: (0, 0)
    return pl.pallas_call(
        _mlp_body,
        grid=grid,
        in_specs=[
            pl.BlockSpec((TB, D), lambda i: (i, 0)),
            pl.BlockSpec((D, H1), fixed),
            pl.BlockSpec((1, H1), fixed),
            pl.BlockSpec((H1, H2), fixed),
            pl.BlockSpec((1, H2), fixed),
            pl.BlockSpec((H2, 1), fixed),
            pl.BlockSpec((1, 1), fixed),
        ],
        out_specs=pl.BlockSpec((TB, 1), lambda i: (i, 0)),
        out_shape=jax.ShapeDtypeStruct((B, 1), jnp.float32),
    )(pooled, W1, b1r, W2, b2r, W3, b3r)


def kernel(indices, emb_table, W1, b1, W2, b2, W3, b3):
    pooled = _pooled_sc_kernel(indices, emb_table)
    return _mlp_tc(pooled, W1, b1, W2, b2, W3, b3)

# --- scband reference (transcript-rebuilt; emitter-appended) ---
"""Pipeline reference for scband-my-model-87522843560113 (READ-ONLY COPY).

The authoritative reference and input builder live on the scoring server;
editing this copy changes nothing except your own understanding.
"""

import jax, jax.numpy as jnp
import numpy as np

B, L, V, D = 16384, 200, 1000, 12
H1, H2 = 64, 128


def setup_inputs(seed: int = 0) -> dict:
    key = jax.random.key(seed)
    ks = jax.random.split(key, 8)
    # 'hisList' string features are hashed into 1000 buckets by
    # categorical_column_with_hash_bucket; we model the post-hash bucket ids
    # directly as integer indices in [0, 1000).
    indices = jax.random.randint(ks[0], (B, L), 0, V)
    emb_table = jax.random.normal(ks[1], (V, D), dtype=jnp.float32) * 0.05
    W1 = jax.random.normal(ks[2], (D, H1), dtype=jnp.float32) * (1.0 / np.sqrt(D))
    b1 = jnp.zeros((H1,), dtype=jnp.float32)
    W2 = jax.random.normal(ks[3], (H1, H2), dtype=jnp.float32) * (1.0 / np.sqrt(H1))
    b2 = jnp.zeros((H2,), dtype=jnp.float32)
    W3 = jax.random.normal(ks[4], (H2, 1), dtype=jnp.float32) * (1.0 / np.sqrt(H2))
    b3 = jnp.zeros((1,), dtype=jnp.float32)
    return {
        "indices": indices,
        "emb_table": emb_table,
        "W1": W1, "b1": b1,
        "W2": W2, "b2": b2,
        "W3": W3, "b3": b3,
    }


def reference(indices, emb_table, W1, b1, W2, b2, W3, b3):
    # embedding_column with default combiner='mean': gather then mean over the list axis
    e = jnp.take(emb_table, indices, axis=0)          # [B, L, D]
    x = jnp.mean(e, axis=1)                            # [B, D]
    x = jax.nn.relu(x @ W1 + b1)                       # [B, 64]
    x = jax.nn.relu(x @ W2 + b2)                       # [B, 128]
    out = jax.nn.sigmoid(x @ W3 + b3)                  # [B, 1]
    return out

if __name__ == "__main__":
    import jax
    _d = setup_inputs()
    print(jax.jit(kernel)(*tuple(_d.values())))

</pallas_src>

<mosaic_0001>
#map = affine_map<(d0, d1) -> (0, 0)>
#map1 = affine_map<(d0, d1) -> (0)>
module attributes {stable_mosaic.version = 14 : i64} {
  func.func @body(%arg0: i32, %arg1: i32, %arg2: memref<16384x200xi32, #tpu.memory_space<hbm>>, %arg3: memref<12000xf32, #tpu.memory_space<hbm>>, %arg4: memref<16384x12xf32, #tpu.memory_space<hbm>>, %arg5: memref<12000xf32, #tpu.memory_space<vmem>>, %arg6: memref<2x64x200xi32, #tpu.memory_space<vmem>>, %arg7: memref<2x64x12xf32, #tpu.memory_space<vmem>>, %arg8: memref<!tpu.dma_semaphore, #tpu.memory_space<semaphore_mem>>, %arg9: memref<!tpu.dma_semaphore, #tpu.memory_space<semaphore_mem>>, %arg10: memref<!tpu.dma_semaphore, #tpu.memory_space<semaphore_mem>>, %arg11: memref<!tpu.dma_semaphore, #tpu.memory_space<semaphore_mem>>) attributes {dimension_semantics = [#tpu.dimension_semantics<core_parallel>, #tpu.dimension_semantics<subcore_parallel>], iteration_bounds = array<i64: 2, 16>, scalar_prefetch = 0 : i64, scratch_operands = 7 : i64, tpu.core_type = #tpu.core_type<sc_vector_subcore>, window_params = [{transform_indices = #map}, {transform_indices = #map1}, {transform_indices = #map}]} {
    %mul3A = arith.constant 2 : i32
    %mul3A_0 = arith.muli %arg1, %mul3A : i32
    %add3A = arith.addi %mul3A_0, %arg0 : i32
    %mul3A_1 = arith.constant 512 : i32
    %mul3A_2 = arith.muli %add3A, %mul3A_1 : i32
    %dma_start3A = arith.constant 0 : i32
    %dma_start3A_3 = arith.constant 0 : i32
    %dma_start3A_4 = arith.constant 0 : i32
    %dma_start3A_5 = tpu.memref_slice %arg6[%dma_start3A, %dma_start3A_3, %dma_start3A_4] : memref<2x64x200xi32, #tpu.memory_space<vmem>> -> memref<1x64x200xi32, #tpu.memory_space<vmem>>
    %dma_start3A_6 = tpu.memref_squeeze %dma_start3A_5 : memref<1x64x200xi32, #tpu.memory_space<vmem>> -> memref<64x200xi32, #tpu.memory_space<vmem>>
    %dma_start3A_7 = arith.constant 0 : i32
    %dma_start3A_8 = tpu.memref_slice %arg2[%mul3A_2, %dma_start3A_7] : memref<16384x200xi32, #tpu.memory_space<hbm>> -> memref<64x200xi32, #tpu.memory_space<hbm>>
    %dma_start3A_9 = arith.constant 0 : i32
    %dma_start3A_10 = arith.constant 0 : i32
    %dma_start3A_11 = tpu.memref_slice %arg6[%dma_start3A, %dma_start3A_9, %dma_start3A_10] : memref<2x64x200xi32, #tpu.memory_space<vmem>> -> memref<1x64x200xi32, #tpu.memory_space<vmem>>
    %dma_start3A_12 = tpu.memref_squeeze %dma_start3A_11 : memref<1x64x200xi32, #tpu.memory_space<vmem>> -> memref<64x200xi32, #tpu.memory_space<vmem>>
    %dma_start3A_13 = arith.constant 0 : i32
    %dma_start3A_14 = tpu.memref_slice %arg2[%mul3A_2, %dma_start3A_13] : memref<16384x200xi32, #tpu.memory_space<hbm>> -> memref<64x200xi32, #tpu.memory_space<hbm>>
    tpu.enqueue_dma source(%dma_start3A_14 : memref<64x200xi32, #tpu.memory_space<hbm>>) target(%dma_start3A_12 : memref<64x200xi32, #tpu.memory_space<vmem>>) target_semaphore(%arg8 : memref<!tpu.dma_semaphore, #tpu.memory_space<semaphore_mem>>)
    "tpu.region"() ({
      %run_scoped3A = tpu.sem_alloc : memref<!tpu.dma_semaphore, #tpu.memory_space<semaphore_mem>>
      tpu.enqueue_dma source(%arg3 : memref<12000xf32, #tpu.memory_space<hbm>>) target(%arg5 : memref<12000xf32, #tpu.memory_space<vmem>>) target_semaphore(%run_scoped3A : memref<!tpu.dma_semaphore, #tpu.memory_space<semaphore_mem>>)
      tpu.wait_dma2 semaphore(%run_scoped3A : memref<!tpu.dma_semaphore, #tpu.memory_space<semaphore_mem>>) src(%arg3 : memref<12000xf32, #tpu.memory_space<hbm>>) dst(%arg5 : memref<12000xf32, #tpu.memory_space<vmem>>)
      tpu.yield
    }) : () -> ()
    %iota3A = tpu.iota {dimensions = array<i32: 0>} : vector<16xi32>
    %broadcast_in_dim3A = arith.constant 0.000000e+00 : f32
    %broadcast_in_dim3A_15 = vector.broadcast %broadcast_in_dim3A : f32 to vector<16xf32>
    %broadcast_in_dim3A_16 = arith.constant 0.000000e+00 : f32
    %broadcast_in_dim3A_17 = vector.broadcast %broadcast_in_dim3A_16 : f32 to vector<16xf32>
    %broadcast_in_dim3A_18 = arith.constant 0.000000e+00 : f32
    %broadcast_in_dim3A_19 = vector.broadcast %broadcast_in_dim3A_18 : f32 to vector<16xf32>
    %broadcast_in_dim3A_20 = arith.constant 0.000000e+00 : f32
    %broadcast_in_dim3A_21 = vector.broadcast %broadcast_in_dim3A_20 : f32 to vector<16xf32>
    %broadcast_in_dim3A_22 = arith.constant 0.000000e+00 : f32
    %broadcast_in_dim3A_23 = vector.broadcast %broadcast_in_dim3A_22 : f32 to vector<16xf32>
    %broadcast_in_dim3A_24 = arith.constant 0.000000e+00 : f32
    %broadcast_in_dim3A_25 = vector.broadcast %broadcast_in_dim3A_24 : f32 to vector<16xf32>
    %broadcast_in_dim3A_26 = arith.constant 0.000000e+00 : f32
    %broadcast_in_dim3A_27 = vector.broadcast %broadcast_in_dim3A_26 : f32 to vector<16xf32>
    %broadcast_in_dim3A_28 = arith.constant 0.000000e+00 : f32
    %broadcast_in_dim3A_29 = vector.broadcast %broadcast_in_dim3A_28 : f32 to vector<16xf32>
    %broadcast_in_dim3A_30 = arith.constant 0.000000e+00 : f32
    %broadcast_in_dim3A_31 = vector.broadcast %broadcast_in_dim3A_30 : f32 to vector<16xf32>
    %broadcast_in_dim3A_32 = arith.constant 0.000000e+00 : f32
    %broadcast_in_dim3A_33 = vector.broadcast %broadcast_in_dim3A_32 : f32 to vector<16xf32>
    %broadcast_in_dim3A_34 = arith.constant 0.000000e+00 : f32
    %broadcast_in_dim3A_35 = vector.broadcast %broadcast_in_dim3A_34 : f32 to vector<16xf32>
    %broadcast_in_dim3A_36 = arith.constant 0.000000e+00 : f32
    %broadcast_in_dim3A_37 = vector.broadcast %broadcast_in_dim3A_36 : f32 to vector<16xf32>
    %add3A_38 = arith.constant 0 : i32
    %add3A_39 = arith.addi %mul3A_2, %add3A_38 : i32
    %add3A_40 = arith.constant 64 : i32
    %add3A_41 = arith.addi %add3A_39, %add3A_40 : i32
    %dma_start3A_42 = arith.constant 1 : i32
    %dma_start3A_43 = arith.constant 0 : i32
    %dma_start3A_44 = arith.constant 0 : i32
    %dma_start3A_45 = tpu.memref_slice %arg6[%dma_start3A_42, %dma_start3A_43, %dma_start3A_44] : memref<2x64x200xi32, #tpu.memory_space<vmem>> -> memref<1x64x200xi32, #tpu.memory_space<vmem>>
    %dma_start3A_46 = tpu.memref_squeeze %dma_start3A_45 : memref<1x64x200xi32, #tpu.memory_space<vmem>> -> memref<64x200xi32, #tpu.memory_space<vmem>>
    %dma_start3A_47 = arith.constant 0 : i32
    %dma_start3A_48 = tpu.memref_slice %arg2[%add3A_41, %dma_start3A_47] : memref<16384x200xi32, #tpu.memory_space<hbm>> -> memref<64x200xi32, #tpu.memory_space<hbm>>
    %dma_start3A_49 = arith.constant 0 : i32
    %dma_start3A_50 = arith.constant 0 : i32
    %dma_start3A_51 = tpu.memref_slice %arg6[%dma_start3A_42, %dma_start3A_49, %dma_start3A_50] : memref<2x64x200xi32, #tpu.memory_space<vmem>> -> memref<1x64x200xi32, #tpu.memory_space<vmem>>
    %dma_start3A_52 = tpu.memref_squeeze %dma_start3A_51 : memref<1x64x200xi32, #tpu.memory_space<vmem>> -> memref<64x200xi32, #tpu.memory_space<vmem>>
    %dma_start3A_53 = arith.constant 0 : i32
    %dma_start3A_54 = tpu.memref_slice %arg2[%add3A_41, %dma_start3A_53] : memref<16384x200xi32, #tpu.memory_space<hbm>> -> memref<64x200xi32, #tpu.memory_space<hbm>>
    tpu.enqueue_dma source(%dma_start3A_54 : memref<64x200xi32, #tpu.memory_space<hbm>>) target(%dma_start3A_52 : memref<64x200xi32, #tpu.memory_space<vmem>>) target_semaphore(%arg9 : memref<!tpu.dma_semaphore, #tpu.memory_space<semaphore_mem>>)
    %dma_wait3A = arith.constant 0 : i32
    %dma_wait3A_55 = arith.constant 0 : i32
    %dma_wait3A_56 = arith.constant 0 : i32
    %dma_wait3A_57 = tpu.memref_slice %arg6[%dma_wait3A, %dma_wait3A_55, %dma_wait3A_56] : memref<2x64x200xi32, #tpu.memory_space<vmem>> -> memref<1x64x200xi32, #tpu.memory_space<vmem>>
    %dma_wait3A_58 = tpu.memref_squeeze %dma_wait3A_57 : memref<1x64x200xi32, #tpu.memory_space<vmem>> -> memref<64x200xi32, #tpu.memory_space<vmem>>
    %dma_wait3A_59 = arith.constant 0 : i32
    %dma_wait3A_60 = tpu.memref_slice %arg2[%mul3A_2, %dma_wait3A_59] : memref<16384x200xi32, #tpu.memory_space<hbm>> -> memref<64x200xi32, #tpu.memory_space<hbm>>
    %dma_wait3A_61 = arith.constant 0 : i32
    %dma_wait3A_62 = arith.constant 0 : i32
    %dma_wait3A_63 = tpu.memref_slice %arg6[%dma_wait3A, %dma_wait3A_61, %dma_wait3A_62] : memref<2x64x200xi32, #tpu.memory_space<vmem>> -> memref<1x64x200xi32, #tpu.memory_space<vmem>>
    %dma_wait3A_64 = tpu.memref_squeeze %dma_wait3A_63 : memref<1x64x200xi32, #tpu.memory_space<vmem>> -> memref<64x200xi32, #tpu.memory_space<vmem>>
    %dma_wait3A_65 = arith.constant 0 : i32
    %dma_wait3A_66 = tpu.memref_slice %arg2[%mul3A_2, %dma_wait3A_65] : memref<16384x200xi32, #tpu.memory_space<hbm>> -> memref<64x200xi32, #tpu.memory_space<hbm>>
    tpu.wait_dma2 semaphore(%arg8 : memref<!tpu.dma_semaphore, #tpu.memory_space<semaphore_mem>>) src(%dma_wait3A_66 : memref<64x200xi32, #tpu.memory_space<hbm>>) dst(%dma_wait3A_64 : memref<64x200xi32, #tpu.memory_space<vmem>>)
    %scan3A = arith.constant 0 : i32
    %scan3A_67 = arith.constant 5.000000e-03 : f32
    %scan3A_68 = arith.constant 0 : i32
    %scan3A_69 = arith.constant 4 : i32
    %scan3A_70 = arith.addi %scan3A_68, %scan3A_69 : i32
    %scan3A_71 = arith.constant 1 : i32
    scf.for %scan3A_525 = %scan3A_68 to %scan3A_70 step %scan3A_71  : i32 {
      %mul3A_526 = arith.constant 16 : i32
      %mul3A_527 = arith.muli %scan3A_525, %mul3A_526 : i32
      %add3A_528 = vector.broadcast %mul3A_527 : i32 to vector<16xi32>
      %add3A_529 = arith.addi %add3A_528, %iota3A : vector<16xi32>
      %scan3A_530 = arith.constant 0 : i32
      %scan3A_531 = arith.constant 200 : i32
      %scan3A_532 = arith.addi %scan3A_530, %scan3A_531 : i32
      %scan3A_533 = arith.constant 2 : i32
      %scan3A_534:12 = scf.for %scan3A_643 = %scan3A_530 to %scan3A_532 step %scan3A_533 iter_args(%scan3A_644 = %broadcast_in_dim3A_15, %scan3A_645 = %broadcast_in_dim3A_17, %scan3A_646 = %broadcast_in_dim3A_19, %scan3A_647 = %broadcast_in_dim3A_21, %scan3A_648 = %broadcast_in_dim3A_23, %scan3A_649 = %broadcast_in_dim3A_25, %scan3A_650 = %broadcast_in_dim3A_27, %scan3A_651 = %broadcast_in_dim3A_29, %scan3A_652 = %broadcast_in_dim3A_31, %scan3A_653 = %broadcast_in_dim3A_33, %scan3A_654 = %broadcast_in_dim3A_35, %scan3A_655 = %broadcast_in_dim3A_37) -> (vector<16xf32>, vector<16xf32>, vector<16xf32>, vector<16xf32>, vector<16xf32>, vector<16xf32>, vector<16xf32>, vector<16xf32>, vector<16xf32>, vector<16xf32>, vector<16xf32>, vector<16xf32>)  : i32 {
        %broadcast_in_dim3A_656 = vector.broadcast %scan3A_643 : i32 to vector<16xi32>
        %gather3A = arith.constant 0 : i32
        %gather3A_657 = arith.constant 0 : i32
        %gather3A_658 = arith.constant 0 : i32
        %gather3A_659 = tpu.memref_slice %arg6[%gather3A, %gather3A_657, %gather3A_658] : memref<2x64x200xi32, #tpu.memory_space<vmem>> -> memref<1x64x200xi32, #tpu.memory_space<vmem>>
        %gather3A_660 = tpu.memref_squeeze %gather3A_659 : memref<1x64x200xi32, #tpu.memory_space<vmem>> -> memref<64x200xi32, #tpu.memory_space<vmem>>
        %gather3A_661 = tpu.vector_load_idx %gather3A_660[%add3A_529, %broadcast_in_dim3A_656] : memref<64x200xi32, #tpu.memory_space<vmem>>[vector<16xi32>, vector<16xi32>], vector<16xi32>,
        %mul3A_662 = arith.constant 12 : i32
        %mul3A_663 = vector.broadcast %mul3A_662 : i32 to vector<16xi32>
        %mul3A_664 = arith.muli %gather3A_661, %mul3A_663 : vector<16xi32>
        %add3A_665 = arith.constant 0 : i32
        %add3A_666 = vector.broadcast %add3A_665 : i32 to vector<16xi32>
        %add3A_667 = arith.addi %mul3A_664, %add3A_666 : vector<16xi32>
        %gather3A_668 = tpu.vector_load_idx %arg5[%add3A_667] : memref<12000xf32, #tpu.memory_space<vmem>>[vector<16xi32>], vector<16xf32>,
        %add3A_669 = arith.addf %scan3A_644, %gather3A_668 : vector<16xf32>
        %add3A_670 = arith.constant 1 : i32
        %add3A_671 = vector.broadcast %add3A_670 : i32 to vector<16xi32>
        %add3A_672 = arith.addi %mul3A_664, %add3A_671 : vector<16xi32>
        %gather3A_673 = tpu.vector_load_idx %arg5[%add3A_672] : memref<12000xf32, #tpu.memory_space<vmem>>[vector<16xi32>], vector<16xf32>,
        %add3A_674 = arith.addf %scan3A_645, %gather3A_673 : vector<16xf32>
        %add3A_675 = arith.constant 2 : i32
        %add3A_676 = vector.broadcast %add3A_675 : i32 to vector<16xi32>
        %add3A_677 = arith.addi %mul3A_664, %add3A_676 : vector<16xi32>
        %gather3A_678 = tpu.vector_load_idx %arg5[%add3A_677] : memref<12000xf32, #tpu.memory_space<vmem>>[vector<16xi32>], vector<16xf32>,
        %add3A_679 = arith.addf %scan3A_646, %gather3A_678 : vector<16xf32>
        %add3A_680 = arith.constant 3 : i32
        %add3A_681 = vector.broadcast %add3A_680 : i32 to vector<16xi32>
        %add3A_682 = arith.addi %mul3A_664, %add3A_681 : vector<16xi32>
        %gather3A_683 = tpu.vector_load_idx %arg5[%add3A_682] : memref<12000xf32, #tpu.memory_space<vmem>>[vector<16xi32>], vector<16xf32>,
        %add3A_684 = arith.addf %scan3A_647, %gather3A_683 : vector<16xf32>
        %add3A_685 = arith.constant 4 : i32
        %add3A_686 = vector.broadcast %add3A_685 : i32 to vector<16xi32>
        %add3A_687 = arith.addi %mul3A_664, %add3A_686 : vector<16xi32>
        %gather3A_688 = tpu.vector_load_idx %arg5[%add3A_687] : memref<12000xf32, #tpu.memory_space<vmem>>[vector<16xi32>], vector<16xf32>,
        %add3A_689 = arith.addf %scan3A_648, %gather3A_688 : vector<16xf32>
        %add3A_690 = arith.constant 5 : i32
        %add3A_691 = vector.broadcast %add3A_690 : i32 to vector<16xi32>
        %add3A_692 = arith.addi %mul3A_664, %add3A_691 : vector<16xi32>
        %gather3A_693 = tpu.vector_load_idx %arg5[%add3A_692] : memref<12000xf32, #tpu.memory_space<vmem>>[vector<16xi32>], vector<16xf32>,
        %add3A_694 = arith.addf %scan3A_649, %gather3A_693 : vector<16xf32>
        %add3A_695 = arith.constant 6 : i32
        %add3A_696 = vector.broadcast %add3A_695 : i32 to vector<16xi32>
        %add3A_697 = arith.addi %mul3A_664, %add3A_696 : vector<16xi32>
        %gather3A_698 = tpu.vector_load_idx %arg5[%add3A_697] : memref<12000xf32, #tpu.memory_space<vmem>>[vector<16xi32>], vector<16xf32>,
        %add3A_699 = arith.addf %scan3A_650, %gather3A_698 : vector<16xf32>
        %add3A_700 = arith.constant 7 : i32
        %add3A_701 = vector.broadcast %add3A_700 : i32 to vector<16xi32>
        %add3A_702 = arith.addi %mul3A_664, %add3A_701 : vector<16xi32>
        %gather3A_703 = tpu.vector_load_idx %arg5[%add3A_702] : memref<12000xf32, #tpu.memory_space<vmem>>[vector<16xi32>], vector<16xf32>,
        %add3A_704 = arith.addf %scan3A_651, %gather3A_703 : vector<16xf32>
        %add3A_705 = arith.constant 8 : i32
        %add3A_706 = vector.broadcast %add3A_705 : i32 to vector<16xi32>
        %add3A_707 = arith.addi %mul3A_664, %add3A_706 : vector<16xi32>
        %gather3A_708 = tpu.vector_load_idx %arg5[%add3A_707] : memref<12000xf32, #tpu.memory_space<vmem>>[vector<16xi32>], vector<16xf32>,
        %add3A_709 = arith.addf %scan3A_652, %gather3A_708 : vector<16xf32>
        %add3A_710 = arith.constant 9 : i32
        %add3A_711 = vector.broadcast %add3A_710 : i32 to vector<16xi32>
        %add3A_712 = arith.addi %mul3A_664, %add3A_711 : vector<16xi32>
        %gather3A_713 = tpu.vector_load_idx %arg5[%add3A_712] : memref<12000xf32, #tpu.memory_space<vmem>>[vector<16xi32>], vector<16xf32>,
        %add3A_714 = arith.addf %scan3A_653, %gather3A_713 : vector<16xf32>
        %add3A_715 = arith.constant 10 : i32
        %add3A_716 = vector.broadcast %add3A_715 : i32 to vector<16xi32>
        %add3A_717 = arith.addi %mul3A_664, %add3A_716 : vector<16xi32>
        %gather3A_718 = tpu.vector_load_idx %arg5[%add3A_717] : memref<12000xf32, #tpu.memory_space<vmem>>[vector<16xi32>], vector<16xf32>,
        %add3A_719 = arith.addf %scan3A_654, %gather3A_718 : vector<16xf32>
        %add3A_720 = arith.constant 11 : i32
        %add3A_721 = vector.broadcast %add3A_720 : i32 to vector<16xi32>
        %add3A_722 = arith.addi %mul3A_664, %add3A_721 : vector<16xi32>
        %gather3A_723 = tpu.vector_load_idx %arg5[%add3A_722] : memref<12000xf32, #tpu.memory_space<vmem>>[vector<16xi32>], vector<16xf32>,
        %add3A_724 = arith.addf %scan3A_655, %gather3A_723 : vector<16xf32>
        %scan3A_725 = arith.constant 1 : i32
        %scan3A_726 = arith.addi %scan3A_643, %scan3A_725 : i32
        %broadcast_in_dim3A_727 = vector.broadcast %scan3A_726 : i32 to vector<16xi32>
        %gather3A_728 = arith.constant 0 : i32
        %gather3A_729 = arith.constant 0 : i32
        %gather3A_730 = arith.constant 0 : i32
        %gather3A_731 = tpu.memref_slice %arg6[%gather3A_728, %gather3A_729, %gather3A_730] : memref<2x64x200xi32, #tpu.memory_space<vmem>> -> memref<1x64x200xi32, #tpu.memory_space<vmem>>
        %gather3A_732 = tpu.memref_squeeze %gather3A_731 : memref<1x64x200xi32, #tpu.memory_space<vmem>> -> memref<64x200xi32, #tpu.memory_space<vmem>>
        %gather3A_733 = tpu.vector_load_idx %gather3A_732[%add3A_529, %broadcast_in_dim3A_727] : memref<64x200xi32, #tpu.memory_space<vmem>>[vector<16xi32>, vector<16xi32>], vector<16xi32>,
        %mul3A_734 = arith.constant 12 : i32
        %mul3A_735 = vector.broadcast %mul3A_734 : i32 to vector<16xi32>
        %mul3A_736 = arith.muli %gather3A_733, %mul3A_735 : vector<16xi32>
        %add3A_737 = arith.constant 0 : i32
        %add3A_738 = vector.broadcast %add3A_737 : i32 to vector<16xi32>
        %add3A_739 = arith.addi %mul3A_736, %add3A_738 : vector<16xi32>
        %gather3A_740 = tpu.vector_load_idx %arg5[%add3A_739] : memref<12000xf32, #tpu.memory_space<vmem>>[vector<16xi32>], vector<16xf32>,
        %add3A_741 = arith.addf %add3A_669, %gather3A_740 : vector<16xf32>
        %add3A_742 = arith.constant 1 : i32
        %add3A_743 = vector.broadcast %add3A_742 : i32 to vector<16xi32>
        %add3A_744 = arith.addi %mul3A_736, %add3A_743 : vector<16xi32>
        %gather3A_745 = tpu.vector_load_idx %arg5[%add3A_744] : memref<12000xf32, #tpu.memory_space<vmem>>[vector<16xi32>], vector<16xf32>,
        %add3A_746 = arith.addf %add3A_674, %gather3A_745 : vector<16xf32>
        %add3A_747 = arith.constant 2 : i32
        %add3A_748 = vector.broadcast %add3A_747 : i32 to vector<16xi32>
        %add3A_749 = arith.addi %mul3A_736, %add3A_748 : vector<16xi32>
        %gather3A_750 = tpu.vector_load_idx %arg5[%add3A_749] : memref<12000xf32, #tpu.memory_space<vmem>>[vector<16xi32>], vector<16xf32>,
        %add3A_751 = arith.addf %add3A_679, %gather3A_750 : vector<16xf32>
        %add3A_752 = arith.constant 3 : i32
        %add3A_753 = vector.broadcast %add3A_752 : i32 to vector<16xi32>
        %add3A_754 = arith.addi %mul3A_736, %add3A_753 : vector<16xi32>
        %gather3A_755 = tpu.vector_load_idx %arg5[%add3A_754] : memref<12000xf32, #tpu.memory_space<vmem>>[vector<16xi32>], vector<16xf32>,
        %add3A_756 = arith.addf %add3A_684, %gather3A_755 : vector<16xf32>
        %add3A_757 = arith.constant 4 : i32
        %add3A_758 = vector.broadcast %add3A_757 : i32 to vector<16xi32>
        %add3A_759 = arith.addi %mul3A_736, %add3A_758 : vector<16xi32>
        %gather3A_760 = tpu.vector_load_idx %arg5[%add3A_759] : memref<12000xf32, #tpu.memory_space<vmem>>[vector<16xi32>], vector<16xf32>,
        %add3A_761 = arith.addf %add3A_689, %gather3A_760 : vector<16xf32>
        %add3A_762 = arith.constant 5 : i32
        %add3A_763 = vector.broadcast %add3A_762 : i32 to vector<16xi32>
        %add3A_764 = arith.addi %mul3A_736, %add3A_763 : vector<16xi32>
        %gather3A_765 = tpu.vector_load_idx %arg5[%add3A_764] : memref<12000xf32, #tpu.memory_space<vmem>>[vector<16xi32>], vector<16xf32>,
        %add3A_766 = arith.addf %add3A_694, %gather3A_765 : vector<16xf32>
        %add3A_767 = arith.constant 6 : i32
        %add3A_768 = vector.broadcast %add3A_767 : i32 to vector<16xi32>
        %add3A_769 = arith.addi %mul3A_736, %add3A_768 : vector<16xi32>
        %gather3A_770 = tpu.vector_load_idx %arg5[%add3A_769] : memref<12000xf32, #tpu.memory_space<vmem>>[vector<16xi32>], vector<16xf32>,
        %add3A_771 = arith.addf %add3A_699, %gather3A_770 : vector<16xf32>
        %add3A_772 = arith.constant 7 : i32
        %add3A_773 = vector.broadcast %add3A_772 : i32 to vector<16xi32>
        %add3A_774 = arith.addi %mul3A_736, %add3A_773 : vector<16xi32>
        %gather3A_775 = tpu.vector_load_idx %arg5[%add3A_774] : memref<12000xf32, #tpu.memory_space<vmem>>[vector<16xi32>], vector<16xf32>,
        %add3A_776 = arith.addf %add3A_704, %gather3A_775 : vector<16xf32>
        %add3A_777 = arith.constant 8 : i32
        %add3A_778 = vector.broadcast %add3A_777 : i32 to vector<16xi32>
        %add3A_779 = arith.addi %mul3A_736, %add3A_778 : vector<16xi32>
        %gather3A_780 = tpu.vector_load_idx %arg5[%add3A_779] : memref<12000xf32, #tpu.memory_space<vmem>>[vector<16xi32>], vector<16xf32>,
        %add3A_781 = arith.addf %add3A_709, %gather3A_780 : vector<16xf32>
        %add3A_782 = arith.constant 9 : i32
        %add3A_783 = vector.broadcast %add3A_782 : i32 to vector<16xi32>
        %add3A_784 = arith.addi %mul3A_736, %add3A_783 : vector<16xi32>
        %gather3A_785 = tpu.vector_load_idx %arg5[%add3A_784] : memref<12000xf32, #tpu.memory_space<vmem>>[vector<16xi32>], vector<16xf32>,
        %add3A_786 = arith.addf %add3A_714, %gather3A_785 : vector<16xf32>
        %add3A_787 = arith.constant 10 : i32
        %add3A_788 = vector.broadcast %add3A_787 : i32 to vector<16xi32>
        %add3A_789 = arith.addi %mul3A_736, %add3A_788 : vector<16xi32>
        %gather3A_790 = tpu.vector_load_idx %arg5[%add3A_789] : memref<12000xf32, #tpu.memory_space<vmem>>[vector<16xi32>], vector<16xf32>,
        %add3A_791 = arith.addf %add3A_719, %gather3A_790 : vector<16xf32>
        %add3A_792 = arith.constant 11 : i32
        %add3A_793 = vector.broadcast %add3A_792 : i32 to vector<16xi32>
        %add3A_794 = arith.addi %mul3A_736, %add3A_793 : vector<16xi32>
        %gather3A_795 = tpu.vector_load_idx %arg5[%add3A_794] : memref<12000xf32, #tpu.memory_space<vmem>>[vector<16xi32>], vector<16xf32>,
        %add3A_796 = arith.addf %add3A_724, %gather3A_795 : vector<16xf32>
        scf.yield %add3A_741, %add3A_746, %add3A_751, %add3A_756, %add3A_761, %add3A_766, %add3A_771, %add3A_776, %add3A_781, %add3A_786, %add3A_791, %add3A_796 : vector<16xf32>, vector<16xf32>, vector<16xf32>, vector<16xf32>, vector<16xf32>, vector<16xf32>, vector<16xf32>, vector<16xf32>, vector<16xf32>, vector<16xf32>, vector<16xf32>, vector<16xf32>
      }
      %scan3A_535 = arith.constant 200 : i32
      %broadcast_in_dim3A_536 = arith.constant 0 : i32
      %broadcast_in_dim3A_537 = vector.broadcast %broadcast_in_dim3A_536 : i32 to vector<16xi32>
      %mul3A_538 = vector.broadcast %scan3A_67 : f32 to vector<16xf32>
      %mul3A_539 = arith.mulf %scan3A_534#0, %mul3A_538 : vector<16xf32>
      %scatter3A = arith.constant 0 : i32
      %scatter3A_540 = arith.constant 0 : i32
      %scatter3A_541 = arith.constant 0 : i32
      %scatter3A_542 = tpu.memref_slice %arg7[%scatter3A, %scatter3A_540, %scatter3A_541] : memref<2x64x12xf32, #tpu.memory_space<vmem>> -> memref<1x64x12xf32, #tpu.memory_space<vmem>>
      %scatter3A_543 = tpu.memref_squeeze %scatter3A_542 : memref<1x64x12xf32, #tpu.memory_space<vmem>> -> memref<64x12xf32, #tpu.memory_space<vmem>>
      tpu.vector_store_idx %scatter3A_543[%add3A_529, %broadcast_in_dim3A_537], %mul3A_539 : memref<64x12xf32, #tpu.memory_space<vmem>>[vector<16xi32>, vector<16xi32>], vector<16xf32>,
      %broadcast_in_dim3A_544 = arith.constant 1 : i32
      %broadcast_in_dim3A_545 = vector.broadcast %broadcast_in_dim3A_544 : i32 to vector<16xi32>
      %mul3A_546 = vector.broadcast %scan3A_67 : f32 to vector<16xf32>
      %mul3A_547 = arith.mulf %scan3A_534#1, %mul3A_546 : vector<16xf32>
      %scatter3A_548 = arith.constant 0 : i32
      %scatter3A_549 = arith.constant 0 : i32
      %scatter3A_550 = arith.constant 0 : i32
      %scatter3A_551 = tpu.memref_slice %arg7[%scatter3A_548, %scatter3A_549, %scatter3A_550] : memref<2x64x12xf32, #tpu.memory_space<vmem>> -> memref<1x64x12xf32, #tpu.memory_space<vmem>>
      %scatter3A_552 = tpu.memref_squeeze %scatter3A_551 : memref<1x64x12xf32, #tpu.memory_space<vmem>> -> memref<64x12xf32, #tpu.memory_space<vmem>>
      tpu.vector_store_idx %scatter3A_552[%add3A_529, %broadcast_in_dim3A_545], %mul3A_547 : memref<64x12xf32, #tpu.memory_space<vmem>>[vector<16xi32>, vector<16xi32>], vector<16xf32>,
      %broadcast_in_dim3A_553 = arith.constant 2 : i32
      %broadcast_in_dim3A_554 = vector.broadcast %broadcast_in_dim3A_553 : i32 to vector<16xi32>
      %mul3A_555 = vector.broadcast %scan3A_67 : f32 to vector<16xf32>
      %mul3A_556 = arith.mulf %scan3A_534#2, %mul3A_555 : vector<16xf32>
      %scatter3A_557 = arith.constant 0 : i32
      %scatter3A_558 = arith.constant 0 : i32
      %scatter3A_559 = arith.constant 0 : i32
      %scatter3A_560 = tpu.memref_slice %arg7[%scatter3A_557, %scatter3A_558, %scatter3A_559] : memref<2x64x12xf32, #tpu.memory_space<vmem>> -> memref<1x64x12xf32, #tpu.memory_space<vmem>>
      %scatter3A_561 = tpu.memref_squeeze %scatter3A_560 : memref<1x64x12xf32, #tpu.memory_space<vmem>> -> memref<64x12xf32, #tpu.memory_space<vmem>>
      tpu.vector_store_idx %scatter3A_561[%add3A_529, %broadcast_in_dim3A_554], %mul3A_556 : memref<64x12xf32, #tpu.memory_space<vmem>>[vector<16xi32>, vector<16xi32>], vector<16xf32>,
      %broadcast_in_dim3A_562 = arith.constant 3 : i32
      %broadcast_in_dim3A_563 = vector.broadcast %broadcast_in_dim3A_562 : i32 to vector<16xi32>
      %mul3A_564 = vector.broadcast %scan3A_67 : f32 to vector<16xf32>
      %mul3A_565 = arith.mulf %scan3A_534#3, %mul3A_564 : vector<16xf32>
      %scatter3A_566 = arith.constant 0 : i32
      %scatter3A_567 = arith.constant 0 : i32
      %scatter3A_568 = arith.constant 0 : i32
      %scatter3A_569 = tpu.memref_slice %arg7[%scatter3A_566, %scatter3A_567, %scatter3A_568] : memref<2x64x12xf32, #tpu.memory_space<vmem>> -> memref<1x64x12xf32, #tpu.memory_space<vmem>>
      %scatter3A_570 = tpu.memref_squeeze %scatter3A_569 : memref<1x64x12xf32, #tpu.memory_space<vmem>> -> memref<64x12xf32, #tpu.memory_space<vmem>>
      tpu.vector_store_idx %scatter3A_570[%add3A_529, %broadcast_in_dim3A_563], %mul3A_565 : memref<64x12xf32, #tpu.memory_space<vmem>>[vector<16xi32>, vector<16xi32>], vector<16xf32>,
      %broadcast_in_dim3A_571 = arith.constant 4 : i32
      %broadcast_in_dim3A_572 = vector.broadcast %broadcast_in_dim3A_571 : i32 to vector<16xi32>
      %mul3A_573 = vector.broadcast %scan3A_67 : f32 to vector<16xf32>
      %mul3A_574 = arith.mulf %scan3A_534#4, %mul3A_573 : vector<16xf32>
      %scatter3A_575 = arith.constant 0 : i32
      %scatter3A_576 = arith.constant 0 : i32
      %scatter3A_577 = arith.constant 0 : i32
      %scatter3A_578 = tpu.memref_slice %arg7[%scatter3A_575, %scatter3A_576, %scatter3A_577] : memref<2x64x12xf32, #tpu.memory_space<vmem>> -> memref<1x64x12xf32, #tpu.memory_space<vmem>>
      %scatter3A_579 = tpu.memref_squeeze %scatter3A_578 : memref<1x64x12xf32, #tpu.memory_space<vmem>> -> memref<64x12xf32, #tpu.memory_space<vmem>>
      tpu.vector_store_idx %scatter3A_579[%add3A_529, %broadcast_in_dim3A_572], %mul3A_574 : memref<64x12xf32, #tpu.memory_space<vmem>>[vector<16xi32>, vector<16xi32>], vector<16xf32>,
      %broadcast_in_dim3A_580 = arith.constant 5 : i32
      %broadcast_in_dim3A_581 = vector.broadcast %broadcast_in_dim3A_580 : i32 to vector<16xi32>
      %mul3A_582 = vector.broadcast %scan3A_67 : f32 to vector<16xf32>
      %mul3A_583 = arith.mulf %scan3A_534#5, %mul3A_582 : vector<16xf32>
      %scatter3A_584 = arith.constant 0 : i32
      %scatter3A_585 = arith.constant 0 : i32
      %scatter3A_586 = arith.constant 0 : i32
      %scatter3A_587 = tpu.memref_slice %arg7[%scatter3A_584, %scatter3A_585, %scatter3A_586] : memref<2x64x12xf32, #tpu.memory_space<vmem>> -> memref<1x64x12xf32, #tpu.memory_space<vmem>>
      %scatter3A_588 = tpu.memref_squeeze %scatter3A_587 : memref<1x64x12xf32, #tpu.memory_space<vmem>> -> memref<64x12xf32, #tpu.memory_space<vmem>>
      tpu.vector_store_idx %scatter3A_588[%add3A_529, %broadcast_in_dim3A_581], %mul3A_583 : memref<64x12xf32, #tpu.memory_space<vmem>>[vector<16xi32>, vector<16xi32>], vector<16xf32>,
      %broadcast_in_dim3A_589 = arith.constant 6 : i32
      %broadcast_in_dim3A_590 = vector.broadcast %broadcast_in_dim3A_589 : i32 to vector<16xi32>
      %mul3A_591 = vector.broadcast %scan3A_67 : f32 to vector<16xf32>
      %mul3A_592 = arith.mulf %scan3A_534#6, %mul3A_591 : vector<16xf32>
      %scatter3A_593 = arith.constant 0 : i32
      %scatter3A_594 = arith.constant 0 : i32
      %scatter3A_595 = arith.constant 0 : i32
      %scatter3A_596 = tpu.memref_slice %arg7[%scatter3A_593, %scatter3A_594, %scatter3A_595] : memref<2x64x12xf32, #tpu.memory_space<vmem>> -> memref<1x64x12xf32, #tpu.memory_space<vmem>>
      %scatter3A_597 = tpu.memref_squeeze %scatter3A_596 : memref<1x64x12xf32, #tpu.memory_space<vmem>> -> memref<64x12xf32, #tpu.memory_space<vmem>>
      tpu.vector_store_idx %scatter3A_597[%add3A_529, %broadcast_in_dim3A_590], %mul3A_592 : memref<64x12xf32, #tpu.memory_space<vmem>>[vector<16xi32>, vector<16xi32>], vector<16xf32>,
      %broadcast_in_dim3A_598 = arith.constant 7 : i32
      %broadcast_in_dim3A_599 = vector.broadcast %broadcast_in_dim3A_598 : i32 to vector<16xi32>
      %mul3A_600 = vector.broadcast %scan3A_67 : f32 to vector<16xf32>
      %mul3A_601 = arith.mulf %scan3A_534#7, %mul3A_600 : vector<16xf32>
      %scatter3A_602 = arith.constant 0 : i32
      %scatter3A_603 = arith.constant 0 : i32
      %scatter3A_604 = arith.constant 0 : i32
      %scatter3A_605 = tpu.memref_slice %arg7[%scatter3A_602, %scatter3A_603, %scatter3A_604] : memref<2x64x12xf32, #tpu.memory_space<vmem>> -> memref<1x64x12xf32, #tpu.memory_space<vmem>>
      %scatter3A_606 = tpu.memref_squeeze %scatter3A_605 : memref<1x64x12xf32, #tpu.memory_space<vmem>> -> memref<64x12xf32, #tpu.memory_space<vmem>>
      tpu.vector_store_idx %scatter3A_606[%add3A_529, %broadcast_in_dim3A_599], %mul3A_601 : memref<64x12xf32, #tpu.memory_space<vmem>>[vector<16xi32>, vector<16xi32>], vector<16xf32>,
      %broadcast_in_dim3A_607 = arith.constant 8 : i32
      %broadcast_in_dim3A_608 = vector.broadcast %broadcast_in_dim3A_607 : i32 to vector<16xi32>
      %mul3A_609 = vector.broadcast %scan3A_67 : f32 to vector<16xf32>
      %mul3A_610 = arith.mulf %scan3A_534#8, %mul3A_609 : vector<16xf32>
      %scatter3A_611 = arith.constant 0 : i32
      %scatter3A_612 = arith.constant 0 : i32
      %scatter3A_613 = arith.constant 0 : i32
      %scatter3A_614 = tpu.memref_slice %arg7[%scatter3A_611, %scatter3A_612, %scatter3A_613] : memref<2x64x12xf32, #tpu.memory_space<vmem>> -> memref<1x64x12xf32, #tpu.memory_space<vmem>>
      %scatter3A_615 = tpu.memref_squeeze %scatter3A_614 : memref<1x64x12xf32, #tpu.memory_space<vmem>> -> memref<64x12xf32, #tpu.memory_space<vmem>>
      tpu.vector_store_idx %scatter3A_615[%add3A_529, %broadcast_in_dim3A_608], %mul3A_610 : memref<64x12xf32, #tpu.memory_space<vmem>>[vector<16xi32>, vector<16xi32>], vector<16xf32>,
      %broadcast_in_dim3A_616 = arith.constant 9 : i32
      %broadcast_in_dim3A_617 = vector.broadcast %broadcast_in_dim3A_616 : i32 to vector<16xi32>
      %mul3A_618 = vector.broadcast %scan3A_67 : f32 to vector<16xf32>
      %mul3A_619 = arith.mulf %scan3A_534#9, %mul3A_618 : vector<16xf32>
      %scatter3A_620 = arith.constant 0 : i32
      %scatter3A_621 = arith.constant 0 : i32
      %scatter3A_622 = arith.constant 0 : i32
      %scatter3A_623 = tpu.memref_slice %arg7[%scatter3A_620, %scatter3A_621, %scatter3A_622] : memref<2x64x12xf32, #tpu.memory_space<vmem>> -> memref<1x64x12xf32, #tpu.memory_space<vmem>>
      %scatter3A_624 = tpu.memref_squeeze %scatter3A_623 : memref<1x64x12xf32, #tpu.memory_space<vmem>> -> memref<64x12xf32, #tpu.memory_space<vmem>>
      tpu.vector_store_idx %scatter3A_624[%add3A_529, %broadcast_in_dim3A_617], %mul3A_619 : memref<64x12xf32, #tpu.memory_space<vmem>>[vector<16xi32>, vector<16xi32>], vector<16xf32>,
      %broadcast_in_dim3A_625 = arith.constant 10 : i32
      %broadcast_in_dim3A_626 = vector.broadcast %broadcast_in_dim3A_625 : i32 to vector<16xi32>
      %mul3A_627 = vector.broadcast %scan3A_67 : f32 to vector<16xf32>
      %mul3A_628 = arith.mulf %scan3A_534#10, %mul3A_627 : vector<16xf32>
      %scatter3A_629 = arith.constant 0 : i32
      %scatter3A_630 = arith.constant 0 : i32
      %scatter3A_631 = arith.constant 0 : i32
      %scatter3A_632 = tpu.memref_slice %arg7[%scatter3A_629, %scatter3A_630, %scatter3A_631] : memref<2x64x12xf32, #tpu.memory_space<vmem>> -> memref<1x64x12xf32, #tpu.memory_space<vmem>>
      %scatter3A_633 = tpu.memref_squeeze %scatter3A_632 : memref<1x64x12xf32, #tpu.memory_space<vmem>> -> memref<64x12xf32, #tpu.memory_space<vmem>>
      tpu.vector_store_idx %scatter3A_633[%add3A_529, %broadcast_in_dim3A_626], %mul3A_628 : memref<64x12xf32, #tpu.memory_space<vmem>>[vector<16xi32>, vector<16xi32>], vector<16xf32>,
      %broadcast_in_dim3A_634 = arith.constant 11 : i32
      %broadcast_in_dim3A_635 = vector.broadcast %broadcast_in_dim3A_634 : i32 to vector<16xi32>
      %mul3A_636 = vector.broadcast %scan3A_67 : f32 to vector<16xf32>
      %mul3A_637 = arith.mulf %scan3A_534#11, %mul3A_636 : vector<16xf32>
      %scatter3A_638 = arith.constant 0 : i32
      %scatter3A_639 = arith.constant 0 : i32
      %scatter3A_640 = arith.constant 0 : i32
      %scatter3A_641 = tpu.memref_slice %arg7[%scatter3A_638, %scatter3A_639, %scatter3A_640] : memref<2x64x12xf32, #tpu.memory_space<vmem>> -> memref<1x64x12xf32, #tpu.memory_space<vmem>>
      %scatter3A_642 = tpu.memref_squeeze %scatter3A_641 : memref<1x64x12xf32, #tpu.memory_space<vmem>> -> memref<64x12xf32, #tpu.memory_space<vmem>>
      tpu.vector_store_idx %scatter3A_642[%add3A_529, %broadcast_in_dim3A_635], %mul3A_637 : memref<64x12xf32, #tpu.memory_space<vmem>>[vector<16xi32>, vector<16xi32>], vector<16xf32>,
    }
    %scan3A_72 = arith.constant 4 : i32
    %dma_start3A_73 = arith.constant 0 : i32
    %dma_start3A_74 = arith.constant 0 : i32
    %dma_start3A_75 = arith.constant 0 : i32
    %dma_start3A_76 = tpu.memref_slice %arg7[%dma_start3A_73, %dma_start3A_74, %dma_start3A_75] : memref<2x64x12xf32, #tpu.memory_space<vmem>> -> memref<1x64x12xf32, #tpu.memory_space<vmem>>
    %dma_start3A_77 = tpu.memref_squeeze %dma_start3A_76 : memref<1x64x12xf32, #tpu.memory_space<vmem>> -> memref<64x12xf32, #tpu.memory_space<vmem>>
    %dma_start3A_78 = arith.constant 0 : i32
    %dma_start3A_79 = tpu.memref_slice %arg4[%add3A_39, %dma_start3A_78] : memref<16384x12xf32, #tpu.memory_space<hbm>> -> memref<64x12xf32, #tpu.memory_space<hbm>>
    %dma_start3A_80 = arith.constant 0 : i32
    %dma_start3A_81 = tpu.memref_slice %arg4[%add3A_39, %dma_start3A_80] : memref<16384x12xf32, #tpu.memory_space<hbm>> -> memref<64x12xf32, #tpu.memory_space<hbm>>
    %dma_start3A_82 = arith.constant 0 : i32
    %dma_start3A_83 = arith.constant 0 : i32
    %dma_start3A_84 = tpu.memref_slice %arg7[%dma_start3A_73, %dma_start3A_82, %dma_start3A_83] : memref<2x64x12xf32, #tpu.memory_space<vmem>> -> memref<1x64x12xf32, #tpu.memory_space<vmem>>
    %dma_start3A_85 = tpu.memref_squeeze %dma_start3A_84 : memref<1x64x12xf32, #tpu.memory_space<vmem>> -> memref<64x12xf32, #tpu.memory_space<vmem>>
    tpu.enqueue_dma source(%dma_start3A_85 : memref<64x12xf32, #tpu.memory_space<vmem>>) target(%dma_start3A_81 : memref<64x12xf32, #tpu.memory_space<hbm>>) target_semaphore(%arg10 : memref<!tpu.dma_semaphore, #tpu.memory_space<semaphore_mem>>)
    %add3A_86 = arith.constant 64 : i32
    %add3A_87 = arith.addi %mul3A_2, %add3A_86 : i32
    %add3A_88 = arith.constant 64 : i32
    %add3A_89 = arith.addi %add3A_87, %add3A_88 : i32
    %dma_start3A_90 = arith.constant 0 : i32
    %dma_start3A_91 = arith.constant 0 : i32
    %dma_start3A_92 = arith.constant 0 : i32
    %dma_start3A_93 = tpu.memref_slice %arg6[%dma_start3A_90, %dma_start3A_91, %dma_start3A_92] : memref<2x64x200xi32, #tpu.memory_space<vmem>> -> memref<1x64x200xi32, #tpu.memory_space<vmem>>
    %dma_start3A_94 = tpu.memref_squeeze %dma_start3A_93 : memref<1x64x200xi32, #tpu.memory_space<vmem>> -> memref<64x200xi32, #tpu.memory_space<vmem>>
    %dma_start3A_95 = arith.constant 0 : i32
    %dma_start3A_96 = tpu.memref_slice %arg2[%add3A_89, %dma_start3A_95] : memref<16384x200xi32, #tpu.memory_space<hbm>> -> memref<64x200xi32, #tpu.memory_space<hbm>>
    %dma_start3A_97 = arith.constant 0 : i32
    %dma_start3A_98 = arith.constant 0 : i32
    %dma_start3A_99 = tpu.memref_slice %arg6[%dma_start3A_90, %dma_start3A_97, %dma_start3A_98] : memref<2x64x200xi32, #tpu.memory_space<vmem>> -> memref<1x64x200xi32, #tpu.memory_space<vmem>>
    %dma_start3A_100 = tpu.memref_squeeze %dma_start3A_99 : memref<1x64x200xi32, #tpu.memory_space<vmem>> -> memref<64x200xi32, #tpu.memory_space<vmem>>
    %dma_start3A_101 = arith.constant 0 : i32
    %dma_start3A_102 = tpu.memref_slice %arg2[%add3A_89, %dma_start3A_101] : memref<16384x200xi32, #tpu.memory_space<hbm>> -> memref<64x200xi32, #tpu.memory_space<hbm>>
    tpu.enqueue_dma source(%dma_start3A_102 : memref<64x200xi32, #tpu.memory_space<hbm>>) target(%dma_start3A_100 : memref<64x200xi32, #tpu.memory_space<vmem>>) target_semaphore(%arg8 : memref<!tpu.dma_semaphore, #tpu.memory_space<semaphore_mem>>)
    %dma_wait3A_103 = arith.constant 1 : i32
    %dma_wait3A_104 = arith.constant 0 : i32
    %dma_wait3A_105 = arith.constant 0 : i32
    %dma_wait3A_106 = tpu.memref_slice %arg6[%dma_wait3A_103, %dma_wait3A_104, %dma_wait3A_105] : memref<2x64x200xi32, #tpu.memory_space<vmem>> -> memref<1x64x200xi32, #tpu.memory_space<vmem>>
    %dma_wait3A_107 = tpu.memref_squeeze %dma_wait3A_106 : memref<1x64x200xi32, #tpu.memory_space<vmem>> -> memref<64x200xi32, #tpu.memory_space<vmem>>
    %dma_wait3A_108 = arith.constant 0 : i32
    %dma_wait3A_109 = tpu.memref_slice %arg2[%add3A_41, %dma_wait3A_108] : memref<16384x200xi32, #tpu.memory_space<hbm>> -> memref<64x200xi32, #tpu.memory_space<hbm>>
    %dma_wait3A_110 = arith.constant 0 : i32
    %dma_wait3A_111 = arith.constant 0 : i32
    %dma_wait3A_112 = tpu.memref_slice %arg6[%dma_wait3A_103, %dma_wait3A_110, %dma_wait3A_111] : memref<2x64x200xi32, #tpu.memory_space<vmem>> -> memref<1x64x200xi32, #tpu.memory_space<vmem>>
    %dma_wait3A_113 = tpu.memref_squeeze %dma_wait3A_112 : memref<1x64x200xi32, #tpu.memory_space<vmem>> -> memref<64x200xi32, #tpu.memory_space<vmem>>
    %dma_wait3A_114 = arith.constant 0 : i32
    %dma_wait3A_115 = tpu.memref_slice %arg2[%add3A_41, %dma_wait3A_114] : memref<16384x200xi32, #tpu.memory_space<hbm>> -> memref<64x200xi32, #tpu.memory_space<hbm>>
    tpu.wait_dma2 semaphore(%arg9 : memref<!tpu.dma_semaphore, #tpu.memory_space<semaphore_mem>>) src(%dma_wait3A_115 : memref<64x200xi32, #tpu.memory_space<hbm>>) dst(%dma_wait3A_113 : memref<64x200xi32, #tpu.memory_space<vmem>>)
    %scan3A_116 = arith.constant 0 : i32
    %scan3A_117 = arith.constant 5.000000e-03 : f32
    %scan3A_118 = arith.constant 0 : i32
    %scan3A_119 = arith.constant 4 : i32
    %scan3A_120 = arith.addi %scan3A_118, %scan3A_119 : i32
    %scan3A_121 = arith.constant 1 : i32
    scf.for %scan3A_525 = %scan3A_118 to %scan3A_120 step %scan3A_121  : i32 {
      %mul3A_526 = arith.constant 16 : i32
      %mul3A_527 = arith.muli %scan3A_525, %mul3A_526 : i32
      %add3A_528 = vector.broadcast %mul3A_527 : i32 to vector<16xi32>
      %add3A_529 = arith.addi %add3A_528, %iota3A : vector<16xi32>
      %scan3A_530 = arith.constant 0 : i32
      %scan3A_531 = arith.constant 200 : i32
      %scan3A_532 = arith.addi %scan3A_530, %scan3A_531 : i32
      %scan3A_533 = arith.constant 2 : i32
      %scan3A_534:12 = scf.for %scan3A_643 = %scan3A_530 to %scan3A_532 step %scan3A_533 iter_args(%scan3A_644 = %broadcast_in_dim3A_15, %scan3A_645 = %broadcast_in_dim3A_17, %scan3A_646 = %broadcast_in_dim3A_19, %scan3A_647 = %broadcast_in_dim3A_21, %scan3A_648 = %broadcast_in_dim3A_23, %scan3A_649 = %broadcast_in_dim3A_25, %scan3A_650 = %broadcast_in_dim3A_27, %scan3A_651 = %broadcast_in_dim3A_29, %scan3A_652 = %broadcast_in_dim3A_31, %scan3A_653 = %broadcast_in_dim3A_33, %scan3A_654 = %broadcast_in_dim3A_35, %scan3A_655 = %broadcast_in_dim3A_37) -> (vector<16xf32>, vector<16xf32>, vector<16xf32>, vector<16xf32>, vector<16xf32>, vector<16xf32>, vector<16xf32>, vector<16xf32>, vector<16xf32>, vector<16xf32>, vector<16xf32>, vector<16xf32>)  : i32 {
        %broadcast_in_dim3A_656 = vector.broadcast %scan3A_643 : i32 to vector<16xi32>
        %gather3A = arith.constant 1 : i32
        %gather3A_657 = arith.constant 0 : i32
        %gather3A_658 = arith.constant 0 : i32
        %gather3A_659 = tpu.memref_slice %arg6[%gather3A, %gather3A_657, %gather3A_658] : memref<2x64x200xi32, #tpu.memory_space<vmem>> -> memref<1x64x200xi32, #tpu.memory_space<vmem>>
        %gather3A_660 = tpu.memref_squeeze %gather3A_659 : memref<1x64x200xi32, #tpu.memory_space<vmem>> -> memref<64x200xi32, #tpu.memory_space<vmem>>
        %gather3A_661 = tpu.vector_load_idx %gather3A_660[%add3A_529, %broadcast_in_dim3A_656] : memref<64x200xi32, #tpu.memory_space<vmem>>[vector<16xi32>, vector<16xi32>], vector<16xi32>,
        %mul3A_662 = arith.constant 12 : i32
        %mul3A_663 = vector.broadcast %mul3A_662 : i32 to vector<16xi32>
        %mul3A_664 = arith.muli %gather3A_661, %mul3A_663 : vector<16xi32>
        %add3A_665 = arith.constant 0 : i32
        %add3A_666 = vector.broadcast %add3A_665 : i32 to vector<16xi32>
        %add3A_667 = arith.addi %mul3A_664, %add3A_666 : vector<16xi32>
        %gather3A_668 = tpu.vector_load_idx %arg5[%add3A_667] : memref<12000xf32, #tpu.memory_space<vmem>>[vector<16xi32>], vector<16xf32>,
        %add3A_669 = arith.addf %scan3A_644, %gather3A_668 : vector<16xf32>
        %add3A_670 = arith.constant 1 : i32
        %add3A_671 = vector.broadcast %add3A_670 : i32 to vector<16xi32>
        %add3A_672 = arith.addi %mul3A_664, %add3A_671 : vector<16xi32>
        %gather3A_673 = tpu.vector_load_idx %arg5[%add3A_672] : memref<12000xf32, #tpu.memory_space<vmem>>[vector<16xi32>], vector<16xf32>,
        %add3A_674 = arith.addf %scan3A_645, %gather3A_673 : vector<16xf32>
        %add3A_675 = arith.constant 2 : i32
        %add3A_676 = vector.broadcast %add3A_675 : i32 to vector<16xi32>
        %add3A_677 = arith.addi %mul3A_664, %add3A_676 : vector<16xi32>
        %gather3A_678 = tpu.vector_load_idx %arg5[%add3A_677] : memref<12000xf32, #tpu.memory_space<vmem>>[vector<16xi32>], vector<16xf32>,
        %add3A_679 = arith.addf %scan3A_646, %gather3A_678 : vector<16xf32>
        %add3A_680 = arith.constant 3 : i32
        %add3A_681 = vector.broadcast %add3A_680 : i32 to vector<16xi32>
        %add3A_682 = arith.addi %mul3A_664, %add3A_681 : vector<16xi32>
        %gather3A_683 = tpu.vector_load_idx %arg5[%add3A_682] : memref<12000xf32, #tpu.memory_space<vmem>>[vector<16xi32>], vector<16xf32>,
        %add3A_684 = arith.addf %scan3A_647, %gather3A_683 : vector<16xf32>
        %add3A_685 = arith.constant 4 : i32
        %add3A_686 = vector.broadcast %add3A_685 : i32 to vector<16xi32>
        %add3A_687 = arith.addi %mul3A_664, %add3A_686 : vector<16xi32>
        %gather3A_688 = tpu.vector_load_idx %arg5[%add3A_687] : memref<12000xf32, #tpu.memory_space<vmem>>[vector<16xi32>], vector<16xf32>,
        %add3A_689 = arith.addf %scan3A_648, %gather3A_688 : vector<16xf32>
        %add3A_690 = arith.constant 5 : i32
        %add3A_691 = vector.broadcast %add3A_690 : i32 to vector<16xi32>
        %add3A_692 = arith.addi %mul3A_664, %add3A_691 : vector<16xi32>
        %gather3A_693 = tpu.vector_load_idx %arg5[%add3A_692] : memref<12000xf32, #tpu.memory_space<vmem>>[vector<16xi32>], vector<16xf32>,
        %add3A_694 = arith.addf %scan3A_649, %gather3A_693 : vector<16xf32>
        %add3A_695 = arith.constant 6 : i32
        %add3A_696 = vector.broadcast %add3A_695 : i32 to vector<16xi32>
        %add3A_697 = arith.addi %mul3A_664, %add3A_696 : vector<16xi32>
        %gather3A_698 = tpu.vector_load_idx %arg5[%add3A_697] : memref<12000xf32, #tpu.memory_space<vmem>>[vector<16xi32>], vector<16xf32>,
        %add3A_699 = arith.addf %scan3A_650, %gather3A_698 : vector<16xf32>
        %add3A_700 = arith.constant 7 : i32
        %add3A_701 = vector.broadcast %add3A_700 : i32 to vector<16xi32>
        %add3A_702 = arith.addi %mul3A_664, %add3A_701 : vector<16xi32>
        %gather3A_703 = tpu.vector_load_idx %arg5[%add3A_702] : memref<12000xf32, #tpu.memory_space<vmem>>[vector<16xi32>], vector<16xf32>,
        %add3A_704 = arith.addf %scan3A_651, %gather3A_703 : vector<16xf32>
        %add3A_705 = arith.constant 8 : i32
        %add3A_706 = vector.broadcast %add3A_705 : i32 to vector<16xi32>
        %add3A_707 = arith.addi %mul3A_664, %add3A_706 : vector<16xi32>
        %gather3A_708 = tpu.vector_load_idx %arg5[%add3A_707] : memref<12000xf32, #tpu.memory_space<vmem>>[vector<16xi32>], vector<16xf32>,
        %add3A_709 = arith.addf %scan3A_652, %gather3A_708 : vector<16xf32>
        %add3A_710 = arith.constant 9 : i32
        %add3A_711 = vector.broadcast %add3A_710 : i32 to vector<16xi32>
        %add3A_712 = arith.addi %mul3A_664, %add3A_711 : vector<16xi32>
        %gather3A_713 = tpu.vector_load_idx %arg5[%add3A_712] : memref<12000xf32, #tpu.memory_space<vmem>>[vector<16xi32>], vector<16xf32>,
        %add3A_714 = arith.addf %scan3A_653, %gather3A_713 : vector<16xf32>
        %add3A_715 = arith.constant 10 : i32
        %add3A_716 = vector.broadcast %add3A_715 : i32 to vector<16xi32>
        %add3A_717 = arith.addi %mul3A_664, %add3A_716 : vector<16xi32>
        %gather3A_718 = tpu.vector_load_idx %arg5[%add3A_717] : memref<12000xf32, #tpu.memory_space<vmem>>[vector<16xi32>], vector<16xf32>,
        %add3A_719 = arith.addf %scan3A_654, %gather3A_718 : vector<16xf32>
        %add3A_720 = arith.constant 11 : i32
        %add3A_721 = vector.broadcast %add3A_720 : i32 to vector<16xi32>
        %add3A_722 = arith.addi %mul3A_664, %add3A_721 : vector<16xi32>
        %gather3A_723 = tpu.vector_load_idx %arg5[%add3A_722] : memref<12000xf32, #tpu.memory_space<vmem>>[vector<16xi32>], vector<16xf32>,
        %add3A_724 = arith.addf %scan3A_655, %gather3A_723 : vector<16xf32>
        %scan3A_725 = arith.constant 1 : i32
        %scan3A_726 = arith.addi %scan3A_643, %scan3A_725 : i32
        %broadcast_in_dim3A_727 = vector.broadcast %scan3A_726 : i32 to vector<16xi32>
        %gather3A_728 = arith.constant 1 : i32
        %gather3A_729 = arith.constant 0 : i32
        %gather3A_730 = arith.constant 0 : i32
        %gather3A_731 = tpu.memref_slice %arg6[%gather3A_728, %gather3A_729, %gather3A_730] : memref<2x64x200xi32, #tpu.memory_space<vmem>> -> memref<1x64x200xi32, #tpu.memory_space<vmem>>
        %gather3A_732 = tpu.memref_squeeze %gather3A_731 : memref<1x64x200xi32, #tpu.memory_space<vmem>> -> memref<64x200xi32, #tpu.memory_space<vmem>>
        %gather3A_733 = tpu.vector_load_idx %gather3A_732[%add3A_529, %broadcast_in_dim3A_727] : memref<64x200xi32, #tpu.memory_space<vmem>>[vector<16xi32>, vector<16xi32>], vector<16xi32>,
        %mul3A_734 = arith.constant 12 : i32
        %mul3A_735 = vector.broadcast %mul3A_734 : i32 to vector<16xi32>
        %mul3A_736 = arith.muli %gather3A_733, %mul3A_735 : vector<16xi32>
        %add3A_737 = arith.constant 0 : i32
        %add3A_738 = vector.broadcast %add3A_737 : i32 to vector<16xi32>
        %add3A_739 = arith.addi %mul3A_736, %add3A_738 : vector<16xi32>
        %gather3A_740 = tpu.vector_load_idx %arg5[%add3A_739] : memref<12000xf32, #tpu.memory_space<vmem>>[vector<16xi32>], vector<16xf32>,
        %add3A_741 = arith.addf %add3A_669, %gather3A_740 : vector<16xf32>
        %add3A_742 = arith.constant 1 : i32
        %add3A_743 = vector.broadcast %add3A_742 : i32 to vector<16xi32>
        %add3A_744 = arith.addi %mul3A_736, %add3A_743 : vector<16xi32>
        %gather3A_745 = tpu.vector_load_idx %arg5[%add3A_744] : memref<12000xf32, #tpu.memory_space<vmem>>[vector<16xi32>], vector<16xf32>,
        %add3A_746 = arith.addf %add3A_674, %gather3A_745 : vector<16xf32>
        %add3A_747 = arith.constant 2 : i32
        %add3A_748 = vector.broadcast %add3A_747 : i32 to vector<16xi32>
        %add3A_749 = arith.addi %mul3A_736, %add3A_748 : vector<16xi32>
        %gather3A_750 = tpu.vector_load_idx %arg5[%add3A_749] : memref<12000xf32, #tpu.memory_space<vmem>>[vector<16xi32>], vector<16xf32>,
        %add3A_751 = arith.addf %add3A_679, %gather3A_750 : vector<16xf32>
        %add3A_752 = arith.constant 3 : i32
        %add3A_753 = vector.broadcast %add3A_752 : i32 to vector<16xi32>
        %add3A_754 = arith.addi %mul3A_736, %add3A_753 : vector<16xi32>
        %gather3A_755 = tpu.vector_load_idx %arg5[%add3A_754] : memref<12000xf32, #tpu.memory_space<vmem>>[vector<16xi32>], vector<16xf32>,
        %add3A_756 = arith.addf %add3A_684, %gather3A_755 : vector<16xf32>
        %add3A_757 = arith.constant 4 : i32
        %add3A_758 = vector.broadcast %add3A_757 : i32 to vector<16xi32>
        %add3A_759 = arith.addi %mul3A_736, %add3A_758 : vector<16xi32>
        %gather3A_760 = tpu.vector_load_idx %arg5[%add3A_759] : memref<12000xf32, #tpu.memory_space<vmem>>[vector<16xi32>], vector<16xf32>,
        %add3A_761 = arith.addf %add3A_689, %gather3A_760 : vector<16xf32>
        %add3A_762 = arith.constant 5 : i32
        %add3A_763 = vector.broadcast %add3A_762 : i32 to vector<16xi32>
        %add3A_764 = arith.addi %mul3A_736, %add3A_763 : vector<16xi32>
        %gather3A_765 = tpu.vector_load_idx %arg5[%add3A_764] : memref<12000xf32, #tpu.memory_space<vmem>>[vector<16xi32>], vector<16xf32>,
        %add3A_766 = arith.addf %add3A_694, %gather3A_765 : vector<16xf32>
        %add3A_767 = arith.constant 6 : i32
        %add3A_768 = vector.broadcast %add3A_767 : i32 to vector<16xi32>
        %add3A_769 = arith.addi %mul3A_736, %add3A_768 : vector<16xi32>
        %gather3A_770 = tpu.vector_load_idx %arg5[%add3A_769] : memref<12000xf32, #tpu.memory_space<vmem>>[vector<16xi32>], vector<16xf32>,
        %add3A_771 = arith.addf %add3A_699, %gather3A_770 : vector<16xf32>
        %add3A_772 = arith.constant 7 : i32
        %add3A_773 = vector.broadcast %add3A_772 : i32 to vector<16xi32>
        %add3A_774 = arith.addi %mul3A_736, %add3A_773 : vector<16xi32>
        %gather3A_775 = tpu.vector_load_idx %arg5[%add3A_774] : memref<12000xf32, #tpu.memory_space<vmem>>[vector<16xi32>], vector<16xf32>,
        %add3A_776 = arith.addf %add3A_704, %gather3A_775 : vector<16xf32>
        %add3A_777 = arith.constant 8 : i32
        %add3A_778 = vector.broadcast %add3A_777 : i32 to vector<16xi32>
        %add3A_779 = arith.addi %mul3A_736, %add3A_778 : vector<16xi32>
        %gather3A_780 = tpu.vector_load_idx %arg5[%add3A_779] : memref<12000xf32, #tpu.memory_space<vmem>>[vector<16xi32>], vector<16xf32>,
        %add3A_781 = arith.addf %add3A_709, %gather3A_780 : vector<16xf32>
        %add3A_782 = arith.constant 9 : i32
        %add3A_783 = vector.broadcast %add3A_782 : i32 to vector<16xi32>
        %add3A_784 = arith.addi %mul3A_736, %add3A_783 : vector<16xi32>
        %gather3A_785 = tpu.vector_load_idx %arg5[%add3A_784] : memref<12000xf32, #tpu.memory_space<vmem>>[vector<16xi32>], vector<16xf32>,
        %add3A_786 = arith.addf %add3A_714, %gather3A_785 : vector<16xf32>
        %add3A_787 = arith.constant 10 : i32
        %add3A_788 = vector.broadcast %add3A_787 : i32 to vector<16xi32>
        %add3A_789 = arith.addi %mul3A_736, %add3A_788 : vector<16xi32>
        %gather3A_790 = tpu.vector_load_idx %arg5[%add3A_789] : memref<12000xf32, #tpu.memory_space<vmem>>[vector<16xi32>], vector<16xf32>,
        %add3A_791 = arith.addf %add3A_719, %gather3A_790 : vector<16xf32>
        %add3A_792 = arith.constant 11 : i32
        %add3A_793 = vector.broadcast %add3A_792 : i32 to vector<16xi32>
        %add3A_794 = arith.addi %mul3A_736, %add3A_793 : vector<16xi32>
        %gather3A_795 = tpu.vector_load_idx %arg5[%add3A_794] : memref<12000xf32, #tpu.memory_space<vmem>>[vector<16xi32>], vector<16xf32>,
        %add3A_796 = arith.addf %add3A_724, %gather3A_795 : vector<16xf32>
        scf.yield %add3A_741, %add3A_746, %add3A_751, %add3A_756, %add3A_761, %add3A_766, %add3A_771, %add3A_776, %add3A_781, %add3A_786, %add3A_791, %add3A_796 : vector<16xf32>, vector<16xf32>, vector<16xf32>, vector<16xf32>, vector<16xf32>, vector<16xf32>, vector<16xf32>, vector<16xf32>, vector<16xf32>, vector<16xf32>, vector<16xf32>, vector<16xf32>
      }
      %scan3A_535 = arith.constant 200 : i32
      %broadcast_in_dim3A_536 = arith.constant 0 : i32
      %broadcast_in_dim3A_537 = vector.broadcast %broadcast_in_dim3A_536 : i32 to vector<16xi32>
      %mul3A_538 = vector.broadcast %scan3A_117 : f32 to vector<16xf32>
      %mul3A_539 = arith.mulf %scan3A_534#0, %mul3A_538 : vector<16xf32>
      %scatter3A = arith.constant 1 : i32
      %scatter3A_540 = arith.constant 0 : i32
      %scatter3A_541 = arith.constant 0 : i32
      %scatter3A_542 = tpu.memref_slice %arg7[%scatter3A, %scatter3A_540, %scatter3A_541] : memref<2x64x12xf32, #tpu.memory_space<vmem>> -> memref<1x64x12xf32, #tpu.memory_space<vmem>>
      %scatter3A_543 = tpu.memref_squeeze %scatter3A_542 : memref<1x64x12xf32, #tpu.memory_space<vmem>> -> memref<64x12xf32, #tpu.memory_space<vmem>>
      tpu.vector_store_idx %scatter3A_543[%add3A_529, %broadcast_in_dim3A_537], %mul3A_539 : memref<64x12xf32, #tpu.memory_space<vmem>>[vector<16xi32>, vector<16xi32>], vector<16xf32>,
      %broadcast_in_dim3A_544 = arith.constant 1 : i32
      %broadcast_in_dim3A_545 = vector.broadcast %broadcast_in_dim3A_544 : i32 to vector<16xi32>
      %mul3A_546 = vector.broadcast %scan3A_117 : f32 to vector<16xf32>
      %mul3A_547 = arith.mulf %scan3A_534#1, %mul3A_546 : vector<16xf32>
      %scatter3A_548 = arith.constant 1 : i32
      %scatter3A_549 = arith.constant 0 : i32
      %scatter3A_550 = arith.constant 0 : i32
      %scatter3A_551 = tpu.memref_slice %arg7[%scatter3A_548, %scatter3A_549, %scatter3A_550] : memref<2x64x12xf32, #tpu.memory_space<vmem>> -> memref<1x64x12xf32, #tpu.memory_space<vmem>>
      %scatter3A_552 = tpu.memref_squeeze %scatter3A_551 : memref<1x64x12xf32, #tpu.memory_space<vmem>> -> memref<64x12xf32, #tpu.memory_space<vmem>>
      tpu.vector_store_idx %scatter3A_552[%add3A_529, %broadcast_in_dim3A_545], %mul3A_547 : memref<64x12xf32, #tpu.memory_space<vmem>>[vector<16xi32>, vector<16xi32>], vector<16xf32>,
      %broadcast_in_dim3A_553 = arith.constant 2 : i32
      %broadcast_in_dim3A_554 = vector.broadcast %broadcast_in_dim3A_553 : i32 to vector<16xi32>
      %mul3A_555 = vector.broadcast %scan3A_117 : f32 to vector<16xf32>
      %mul3A_556 = arith.mulf %scan3A_534#2, %mul3A_555 : vector<16xf32>
      %scatter3A_557 = arith.constant 1 : i32
      %scatter3A_558 = arith.constant 0 : i32
      %scatter3A_559 = arith.constant 0 : i32
      %scatter3A_560 = tpu.memref_slice %arg7[%scatter3A_557, %scatter3A_558, %scatter3A_559] : memref<2x64x12xf32, #tpu.memory_space<vmem>> -> memref<1x64x12xf32, #tpu.memory_space<vmem>>
      %scatter3A_561 = tpu.memref_squeeze %scatter3A_560 : memref<1x64x12xf32, #tpu.memory_space<vmem>> -> memref<64x12xf32, #tpu.memory_space<vmem>>
      tpu.vector_store_idx %scatter3A_561[%add3A_529, %broadcast_in_dim3A_554], %mul3A_556 : memref<64x12xf32, #tpu.memory_space<vmem>>[vector<16xi32>, vector<16xi32>], vector<16xf32>,
      %broadcast_in_dim3A_562 = arith.constant 3 : i32
      %broadcast_in_dim3A_563 = vector.broadcast %broadcast_in_dim3A_562 : i32 to vector<16xi32>
      %mul3A_564 = vector.broadcast %scan3A_117 : f32 to vector<16xf32>
      %mul3A_565 = arith.mulf %scan3A_534#3, %mul3A_564 : vector<16xf32>
      %scatter3A_566 = arith.constant 1 : i32
      %scatter3A_567 = arith.constant 0 : i32
      %scatter3A_568 = arith.constant 0 : i32
      %scatter3A_569 = tpu.memref_slice %arg7[%scatter3A_566, %scatter3A_567, %scatter3A_568] : memref<2x64x12xf32, #tpu.memory_space<vmem>> -> memref<1x64x12xf32, #tpu.memory_space<vmem>>
      %scatter3A_570 = tpu.memref_squeeze %scatter3A_569 : memref<1x64x12xf32, #tpu.memory_space<vmem>> -> memref<64x12xf32, #tpu.memory_space<vmem>>
      tpu.vector_store_idx %scatter3A_570[%add3A_529, %broadcast_in_dim3A_563], %mul3A_565 : memref<64x12xf32, #tpu.memory_space<vmem>>[vector<16xi32>, vector<16xi32>], vector<16xf32>,
      %broadcast_in_dim3A_571 = arith.constant 4 : i32
      %broadcast_in_dim3A_572 = vector.broadcast %broadcast_in_dim3A_571 : i32 to vector<16xi32>
      %mul3A_573 = vector.broadcast %scan3A_117 : f32 to vector<16xf32>
      %mul3A_574 = arith.mulf %scan3A_534#4, %mul3A_573 : vector<16xf32>
      %scatter3A_575 = arith.constant 1 : i32
      %scatter3A_576 = arith.constant 0 : i32
      %scatter3A_577 = arith.constant 0 : i32
      %scatter3A_578 = tpu.memref_slice %arg7[%scatter3A_575, %scatter3A_576, %scatter3A_577] : memref<2x64x12xf32, #tpu.memory_space<vmem>> -> memref<1x64x12xf32, #tpu.memory_space<vmem>>
      %scatter3A_579 = tpu.memref_squeeze %scatter3A_578 : memref<1x64x12xf32, #tpu.memory_space<vmem>> -> memref<64x12xf32, #tpu.memory_space<vmem>>
      tpu.vector_store_idx %scatter3A_579[%add3A_529, %broadcast_in_dim3A_572], %mul3A_574 : memref<64x12xf32, #tpu.memory_space<vmem>>[vector<16xi32>, vector<16xi32>], vector<16xf32>,
      %broadcast_in_dim3A_580 = arith.constant 5 : i32
      %broadcast_in_dim3A_581 = vector.broadcast %broadcast_in_dim3A_580 : i32 to vector<16xi32>
      %mul3A_582 = vector.broadcast %scan3A_117 : f32 to vector<16xf32>
      %mul3A_583 = arith.mulf %scan3A_534#5, %mul3A_582 : vector<16xf32>
      %scatter3A_584 = arith.constant 1 : i32
      %scatter3A_585 = arith.constant 0 : i32
      %scatter3A_586 = arith.constant 0 : i32
      %scatter3A_587 = tpu.memref_slice %arg7[%scatter3A_584, %scatter3A_585, %scatter3A_586] : memref<2x64x12xf32, #tpu.memory_space<vmem>> -> memref<1x64x12xf32, #tpu.memory_space<vmem>>
      %scatter3A_588 = tpu.memref_squeeze %scatter3A_587 : memref<1x64x12xf32, #tpu.memory_space<vmem>> -> memref<64x12xf32, #tpu.memory_space<vmem>>
      tpu.vector_store_idx %scatter3A_588[%add3A_529, %broadcast_in_dim3A_581], %mul3A_583 : memref<64x12xf32, #tpu.memory_space<vmem>>[vector<16xi32>, vector<16xi32>], vector<16xf32>,
      %broadcast_in_dim3A_589 = arith.constant 6 : i32
      %broadcast_in_dim3A_590 = vector.broadcast %broadcast_in_dim3A_589 : i32 to vector<16xi32>
      %mul3A_591 = vector.broadcast %scan3A_117 : f32 to vector<16xf32>
      %mul3A_592 = arith.mulf %scan3A_534#6, %mul3A_591 : vector<16xf32>
      %scatter3A_593 = arith.constant 1 : i32
      %scatter3A_594 = arith.constant 0 : i32
      %scatter3A_595 = arith.constant 0 : i32
      %scatter3A_596 = tpu.memref_slice %arg7[%scatter3A_593, %scatter3A_594, %scatter3A_595] : memref<2x64x12xf32, #tpu.memory_space<vmem>> -> memref<1x64x12xf32, #tpu.memory_space<vmem>>
      %scatter3A_597 = tpu.memref_squeeze %scatter3A_596 : memref<1x64x12xf32, #tpu.memory_space<vmem>> -> memref<64x12xf32, #tpu.memory_space<vmem>>
      tpu.vector_store_idx %scatter3A_597[%add3A_529, %broadcast_in_dim3A_590], %mul3A_592 : memref<64x12xf32, #tpu.memory_space<vmem>>[vector<16xi32>, vector<16xi32>], vector<16xf32>,
      %broadcast_in_dim3A_598 = arith.constant 7 : i32
      %broadcast_in_dim3A_599 = vector.broadcast %broadcast_in_dim3A_598 : i32 to vector<16xi32>
      %mul3A_600 = vector.broadcast %scan3A_117 : f32 to vector<16xf32>
      %mul3A_601 = arith.mulf %scan3A_534#7, %mul3A_600 : vector<16xf32>
      %scatter3A_602 = arith.constant 1 : i32
      %scatter3A_603 = arith.constant 0 : i32
      %scatter3A_604 = arith.constant 0 : i32
      %scatter3A_605 = tpu.memref_slice %arg7[%scatter3A_602, %scatter3A_603, %scatter3A_604] : memref<2x64x12xf32, #tpu.memory_space<vmem>> -> memref<1x64x12xf32, #tpu.memory_space<vmem>>
      %scatter3A_606 = tpu.memref_squeeze %scatter3A_605 : memref<1x64x12xf32, #tpu.memory_space<vmem>> -> memref<64x12xf32, #tpu.memory_space<vmem>>
      tpu.vector_store_idx %scatter3A_606[%add3A_529, %broadcast_in_dim3A_599], %mul3A_601 : memref<64x12xf32, #tpu.memory_space<vmem>>[vector<16xi32>, vector<16xi32>], vector<16xf32>,
      %broadcast_in_dim3A_607 = arith.constant 8 : i32
      %broadcast_in_dim3A_608 = vector.broadcast %broadcast_in_dim3A_607 : i32 to vector<16xi32>
      %mul3A_609 = vector.broadcast %scan3A_117 : f32 to vector<16xf32>
      %mul3A_610 = arith.mulf %scan3A_534#8, %mul3A_609 : vector<16xf32>
      %scatter3A_611 = arith.constant 1 : i32
      %scatter3A_612 = arith.constant 0 : i32
      %scatter3A_613 = arith.constant 0 : i32
      %scatter3A_614 = tpu.memref_slice %arg7[%scatter3A_611, %scatter3A_612, %scatter3A_613] : memref<2x64x12xf32, #tpu.memory_space<vmem>> -> memref<1x64x12xf32, #tpu.memory_space<vmem>>
      %scatter3A_615 = tpu.memref_squeeze %scatter3A_614 : memref<1x64x12xf32, #tpu.memory_space<vmem>> -> memref<64x12xf32, #tpu.memory_space<vmem>>
      tpu.vector_store_idx %scatter3A_615[%add3A_529, %broadcast_in_dim3A_608], %mul3A_610 : memref<64x12xf32, #tpu.memory_space<vmem>>[vector<16xi32>, vector<16xi32>], vector<16xf32>,
      %broadcast_in_dim3A_616 = arith.constant 9 : i32
      %broadcast_in_dim3A_617 = vector.broadcast %broadcast_in_dim3A_616 : i32 to vector<16xi32>
      %mul3A_618 = vector.broadcast %scan3A_117 : f32 to vector<16xf32>
      %mul3A_619 = arith.mulf %scan3A_534#9, %mul3A_618 : vector<16xf32>
      %scatter3A_620 = arith.constant 1 : i32
      %scatter3A_621 = arith.constant 0 : i32
      %scatter3A_622 = arith.constant 0 : i32
      %scatter3A_623 = tpu.memref_slice %arg7[%scatter3A_620, %scatter3A_621, %scatter3A_622] : memref<2x64x12xf32, #tpu.memory_space<vmem>> -> memref<1x64x12xf32, #tpu.memory_space<vmem>>
      %scatter3A_624 = tpu.memref_squeeze %scatter3A_623 : memref<1x64x12xf32, #tpu.memory_space<vmem>> -> memref<64x12xf32, #tpu.memory_space<vmem>>
      tpu.vector_store_idx %scatter3A_624[%add3A_529, %broadcast_in_dim3A_617], %mul3A_619 : memref<64x12xf32, #tpu.memory_space<vmem>>[vector<16xi32>, vector<16xi32>], vector<16xf32>,
      %broadcast_in_dim3A_625 = arith.constant 10 : i32
      %broadcast_in_dim3A_626 = vector.broadcast %broadcast_in_dim3A_625 : i32 to vector<16xi32>
      %mul3A_627 = vector.broadcast %scan3A_117 : f32 to vector<16xf32>
      %mul3A_628 = arith.mulf %scan3A_534#10, %mul3A_627 : vector<16xf32>
      %scatter3A_629 = arith.constant 1 : i32
      %scatter3A_630 = arith.constant 0 : i32
      %scatter3A_631 = arith.constant 0 : i32
      %scatter3A_632 = tpu.memref_slice %arg7[%scatter3A_629, %scatter3A_630, %scatter3A_631] : memref<2x64x12xf32, #tpu.memory_space<vmem>> -> memref<1x64x12xf32, #tpu.memory_space<vmem>>
      %scatter3A_633 = tpu.memref_squeeze %scatter3A_632 : memref<1x64x12xf32, #tpu.memory_space<vmem>> -> memref<64x12xf32, #tpu.memory_space<vmem>>
      tpu.vector_store_idx %scatter3A_633[%add3A_529, %broadcast_in_dim3A_626], %mul3A_628 : memref<64x12xf32, #tpu.memory_space<vmem>>[vector<16xi32>, vector<16xi32>], vector<16xf32>,
      %broadcast_in_dim3A_634 = arith.constant 11 : i32
      %broadcast_in_dim3A_635 = vector.broadcast %broadcast_in_dim3A_634 : i32 to vector<16xi32>
      %mul3A_636 = vector.broadcast %scan3A_117 : f32 to vector<16xf32>
      %mul3A_637 = arith.mulf %scan3A_534#11, %mul3A_636 : vector<16xf32>
      %scatter3A_638 = arith.constant 1 : i32
      %scatter3A_639 = arith.constant 0 : i32
      %scatter3A_640 = arith.constant 0 : i32
      %scatter3A_641 = tpu.memref_slice %arg7[%scatter3A_638, %scatter3A_639, %scatter3A_640] : memref<2x64x12xf32, #tpu.memory_space<vmem>> -> memref<1x64x12xf32, #tpu.memory_space<vmem>>
      %scatter3A_642 = tpu.memref_squeeze %scatter3A_641 : memref<1x64x12xf32, #tpu.memory_space<vmem>> -> memref<64x12xf32, #tpu.memory_space<vmem>>
      tpu.vector_store_idx %scatter3A_642[%add3A_529, %broadcast_in_dim3A_635], %mul3A_637 : memref<64x12xf32, #tpu.memory_space<vmem>>[vector<16xi32>, vector<16xi32>], vector<16xf32>,
    }
    %scan3A_122 = arith.constant 4 : i32
    %dma_start3A_123 = arith.constant 1 : i32
    %dma_start3A_124 = arith.constant 0 : i32
    %dma_start3A_125 = arith.constant 0 : i32
    %dma_start3A_126 = tpu.memref_slice %arg7[%dma_start3A_123, %dma_start3A_124, %dma_start3A_125] : memref<2x64x12xf32, #tpu.memory_space<vmem>> -> memref<1x64x12xf32, #tpu.memory_space<vmem>>
    %dma_start3A_127 = tpu.memref_squeeze %dma_start3A_126 : memref<1x64x12xf32, #tpu.memory_space<vmem>> -> memref<64x12xf32, #tpu.memory_space<vmem>>
    %dma_start3A_128 = arith.constant 0 : i32
    %dma_start3A_129 = tpu.memref_slice %arg4[%add3A_87, %dma_start3A_128] : memref<16384x12xf32, #tpu.memory_space<hbm>> -> memref<64x12xf32, #tpu.memory_space<hbm>>
    %dma_start3A_130 = arith.constant 0 : i32
    %dma_start3A_131 = tpu.memref_slice %arg4[%add3A_87, %dma_start3A_130] : memref<16384x12xf32, #tpu.memory_space<hbm>> -> memref<64x12xf32, #tpu.memory_space<hbm>>
    %dma_start3A_132 = arith.constant 0 : i32
    %dma_start3A_133 = arith.constant 0 : i32
    %dma_start3A_134 = tpu.memref_slice %arg7[%dma_start3A_123, %dma_start3A_132, %dma_start3A_133] : memref<2x64x12xf32, #tpu.memory_space<vmem>> -> memref<1x64x12xf32, #tpu.memory_space<vmem>>
    %dma_start3A_135 = tpu.memref_squeeze %dma_start3A_134 : memref<1x64x12xf32, #tpu.memory_space<vmem>> -> memref<64x12xf32, #tpu.memory_space<vmem>>
    tpu.enqueue_dma source(%dma_start3A_135 : memref<64x12xf32, #tpu.memory_space<vmem>>) target(%dma_start3A_131 : memref<64x12xf32, #tpu.memory_space<hbm>>) target_semaphore(%arg11 : memref<!tpu.dma_semaphore, #tpu.memory_space<semaphore_mem>>)
    %add3A_136 = arith.constant 128 : i32
    %add3A_137 = arith.addi %mul3A_2, %add3A_136 : i32
    %add3A_138 = arith.constant 64 : i32
    %add3A_139 = arith.addi %add3A_137, %add3A_138 : i32
    %dma_start3A_140 = arith.constant 1 : i32
    %dma_start3A_141 = arith.constant 0 : i32
    %dma_start3A_142 = arith.constant 0 : i32
    %dma_start3A_143 = tpu.memref_slice %arg6[%dma_start3A_140, %dma_start3A_141, %dma_start3A_142] : memref<2x64x200xi32, #tpu.memory_space<vmem>> -> memref<1x64x200xi32, #tpu.memory_space<vmem>>
    %dma_start3A_144 = tpu.memref_squeeze %dma_start3A_143 : memref<1x64x200xi32, #tpu.memory_space<vmem>> -> memref<64x200xi32, #tpu.memory_space<vmem>>
    %dma_start3A_145 = arith.constant 0 : i32
    %dma_start3A_146 = tpu.memref_slice %arg2[%add3A_139, %dma_start3A_145] : memref<16384x200xi32, #tpu.memory_space<hbm>> -> memref<64x200xi32, #tpu.memory_space<hbm>>
    %dma_start3A_147 = arith.constant 0 : i32
    %dma_start3A_148 = arith.constant 0 : i32
    %dma_start3A_149 = tpu.memref_slice %arg6[%dma_start3A_140, %dma_start3A_147, %dma_start3A_148] : memref<2x64x200xi32, #tpu.memory_space<vmem>> -> memref<1x64x200xi32, #tpu.memory_space<vmem>>
    %dma_start3A_150 = tpu.memref_squeeze %dma_start3A_149 : memref<1x64x200xi32, #tpu.memory_space<vmem>> -> memref<64x200xi32, #tpu.memory_space<vmem>>
    %dma_start3A_151 = arith.constant 0 : i32
    %dma_start3A_152 = tpu.memref_slice %arg2[%add3A_139, %dma_start3A_151] : memref<16384x200xi32, #tpu.memory_space<hbm>> -> memref<64x200xi32, #tpu.memory_space<hbm>>
    tpu.enqueue_dma source(%dma_start3A_152 : memref<64x200xi32, #tpu.memory_space<hbm>>) target(%dma_start3A_150 : memref<64x200xi32, #tpu.memory_space<vmem>>) target_semaphore(%arg9 : memref<!tpu.dma_semaphore, #tpu.memory_space<semaphore_mem>>)
    %dma_wait3A_153 = arith.constant 0 : i32
    %dma_wait3A_154 = arith.constant 0 : i32
    %dma_wait3A_155 = arith.constant 0 : i32
    %dma_wait3A_156 = tpu.memref_slice %arg6[%dma_wait3A_153, %dma_wait3A_154, %dma_wait3A_155] : memref<2x64x200xi32, #tpu.memory_space<vmem>> -> memref<1x64x200xi32, #tpu.memory_space<vmem>>
    %dma_wait3A_157 = tpu.memref_squeeze %dma_wait3A_156 : memref<1x64x200xi32, #tpu.memory_space<vmem>> -> memref<64x200xi32, #tpu.memory_space<vmem>>
    %dma_wait3A_158 = arith.constant 0 : i32
    %dma_wait3A_159 = tpu.memref_slice %arg2[%add3A_89, %dma_wait3A_158] : memref<16384x200xi32, #tpu.memory_space<hbm>> -> memref<64x200xi32, #tpu.memory_space<hbm>>
    %dma_wait3A_160 = arith.constant 0 : i32
    %dma_wait3A_161 = arith.constant 0 : i32
    %dma_wait3A_162 = tpu.memref_slice %arg6[%dma_wait3A_153, %dma_wait3A_160, %dma_wait3A_161] : memref<2x64x200xi32, #tpu.memory_space<vmem>> -> memref<1x64x200xi32, #tpu.memory_space<vmem>>
    %dma_wait3A_163 = tpu.memref_squeeze %dma_wait3A_162 : memref<1x64x200xi32, #tpu.memory_space<vmem>> -> memref<64x200xi32, #tpu.memory_space<vmem>>
    %dma_wait3A_164 = arith.constant 0 : i32
    %dma_wait3A_165 = tpu.memref_slice %arg2[%add3A_89, %dma_wait3A_164] : memref<16384x200xi32, #tpu.memory_space<hbm>> -> memref<64x200xi32, #tpu.memory_space<hbm>>
    tpu.wait_dma2 semaphore(%arg8 : memref<!tpu.dma_semaphore, #tpu.memory_space<semaphore_mem>>) src(%dma_wait3A_165 : memref<64x200xi32, #tpu.memory_space<hbm>>) dst(%dma_wait3A_163 : memref<64x200xi32, #tpu.memory_space<vmem>>)
    %dma_wait3A_166 = arith.constant 0 : i32
    %dma_wait3A_167 = arith.constant 0 : i32
    %dma_wait3A_168 = arith.constant 0 : i32
    %dma_wait3A_169 = tpu.memref_slice %arg7[%dma_wait3A_166, %dma_wait3A_167, %dma_wait3A_168] : memref<2x64x12xf32, #tpu.memory_space<vmem>> -> memref<1x64x12xf32, #tpu.memory_space<vmem>>
    %dma_wait3A_170 = tpu.memref_squeeze %dma_wait3A_169 : memref<1x64x12xf32, #tpu.memory_space<vmem>> -> memref<64x12xf32, #tpu.memory_space<vmem>>
    %dma_wait3A_171 = arith.constant 0 : i32
    %dma_wait3A_172 = tpu.memref_slice %arg4[%add3A_39, %dma_wait3A_171] : memref<16384x12xf32, #tpu.memory_space<hbm>> -> memref<64x12xf32, #tpu.memory_space<hbm>>
    %dma_wait3A_173 = arith.constant 0 : i32
    %dma_wait3A_174 = tpu.memref_slice %arg4[%add3A_39, %dma_wait3A_173] : memref<16384x12xf32, #tpu.memory_space<hbm>> -> memref<64x12xf32, #tpu.memory_space<hbm>>
    %dma_wait3A_175 = arith.constant 0 : i32
    %dma_wait3A_176 = arith.constant 0 : i32
    %dma_wait3A_177 = tpu.memref_slice %arg7[%dma_wait3A_166, %dma_wait3A_175, %dma_wait3A_176] : memref<2x64x12xf32, #tpu.memory_space<vmem>> -> memref<1x64x12xf32, #tpu.memory_space<vmem>>
    %dma_wait3A_178 = tpu.memref_squeeze %dma_wait3A_177 : memref<1x64x12xf32, #tpu.memory_space<vmem>> -> memref<64x12xf32, #tpu.memory_space<vmem>>
    tpu.wait_dma2 semaphore(%arg10 : memref<!tpu.dma_semaphore, #tpu.memory_space<semaphore_mem>>) src(%dma_wait3A_178 : memref<64x12xf32, #tpu.memory_space<vmem>>) dst(%dma_wait3A_174 : memref<64x12xf32, #tpu.memory_space<hbm>>)
    %scan3A_179 = arith.constant 0 : i32
    %scan3A_180 = arith.constant 5.000000e-03 : f32
    %scan3A_181 = arith.constant 0 : i32
    %scan3A_182 = arith.constant 4 : i32
    %scan3A_183 = arith.addi %scan3A_181, %scan3A_182 : i32
    %scan3A_184 = arith.constant 1 : i32
    scf.for %scan3A_525 = %scan3A_181 to %scan3A_183 step %scan3A_184  : i32 {
      %mul3A_526 = arith.constant 16 : i32
      %mul3A_527 = arith.muli %scan3A_525, %mul3A_526 : i32
      %add3A_528 = vector.broadcast %mul3A_527 : i32 to vector<16xi32>
      %add3A_529 = arith.addi %add3A_528, %iota3A : vector<16xi32>
      %scan3A_530 = arith.constant 0 : i32
      %scan3A_531 = arith.constant 200 : i32
      %scan3A_532 = arith.addi %scan3A_530, %scan3A_531 : i32
      %scan3A_533 = arith.constant 2 : i32
      %scan3A_534:12 = scf.for %scan3A_643 = %scan3A_530 to %scan3A_532 step %scan3A_533 iter_args(%scan3A_644 = %broadcast_in_dim3A_15, %scan3A_645 = %broadcast_in_dim3A_17, %scan3A_646 = %broadcast_in_dim3A_19, %scan3A_647 = %broadcast_in_dim3A_21, %scan3A_648 = %broadcast_in_dim3A_23, %scan3A_649 = %broadcast_in_dim3A_25, %scan3A_650 = %broadcast_in_dim3A_27, %scan3A_651 = %broadcast_in_dim3A_29, %scan3A_652 = %broadcast_in_dim3A_31, %scan3A_653 = %broadcast_in_dim3A_33, %scan3A_654 = %broadcast_in_dim3A_35, %scan3A_655 = %broadcast_in_dim3A_37) -> (vector<16xf32>, vector<16xf32>, vector<16xf32>, vector<16xf32>, vector<16xf32>, vector<16xf32>, vector<16xf32>, vector<16xf32>, vector<16xf32>, vector<16xf32>, vector<16xf32>, vector<16xf32>)  : i32 {
        %broadcast_in_dim3A_656 = vector.broadcast %scan3A_643 : i32 to vector<16xi32>
        %gather3A = arith.constant 0 : i32
        %gather3A_657 = arith.constant 0 : i32
        %gather3A_658 = arith.constant 0 : i32
        %gather3A_659 = tpu.memref_slice %arg6[%gather3A, %gather3A_657, %gather3A_658] : memref<2x64x200xi32, #tpu.memory_space<vmem>> -> memref<1x64x200xi32, #tpu.memory_space<vmem>>
        %gather3A_660 = tpu.memref_squeeze %gather3A_659 : memref<1x64x200xi32, #tpu.memory_space<vmem>> -> memref<64x200xi32, #tpu.memory_space<vmem>>
        %gather3A_661 = tpu.vector_load_idx %gather3A_660[%add3A_529, %broadcast_in_dim3A_656] : memref<64x200xi32, #tpu.memory_space<vmem>>[vector<16xi32>, vector<16xi32>], vector<16xi32>,
        %mul3A_662 = arith.constant 12 : i32
        %mul3A_663 = vector.broadcast %mul3A_662 : i32 to vector<16xi32>
        %mul3A_664 = arith.muli %gather3A_661, %mul3A_663 : vector<16xi32>
        %add3A_665 = arith.constant 0 : i32
        %add3A_666 = vector.broadcast %add3A_665 : i32 to vector<16xi32>
        %add3A_667 = arith.addi %mul3A_664, %add3A_666 : vector<16xi32>
        %gather3A_668 = tpu.vector_load_idx %arg5[%add3A_667] : memref<12000xf32, #tpu.memory_space<vmem>>[vector<16xi32>], vector<16xf32>,
        %add3A_669 = arith.addf %scan3A_644, %gather3A_668 : vector<16xf32>
        %add3A_670 = arith.constant 1 : i32
        %add3A_671 = vector.broadcast %add3A_670 : i32 to vector<16xi32>
        %add3A_672 = arith.addi %mul3A_664, %add3A_671 : vector<16xi32>
        %gather3A_673 = tpu.vector_load_idx %arg5[%add3A_672] : memref<12000xf32, #tpu.memory_space<vmem>>[vector<16xi32>], vector<16xf32>,
        %add3A_674 = arith.addf %scan3A_645, %gather3A_673 : vector<16xf32>
        %add3A_675 = arith.constant 2 : i32
        %add3A_676 = vector.broadcast %add3A_675 : i32 to vector<16xi32>
        %add3A_677 = arith.addi %mul3A_664, %add3A_676 : vector<16xi32>
        %gather3A_678 = tpu.vector_load_idx %arg5[%add3A_677] : memref<12000xf32, #tpu.memory_space<vmem>>[vector<16xi32>], vector<16xf32>,
        %add3A_679 = arith.addf %scan3A_646, %gather3A_678 : vector<16xf32>
        %add3A_680 = arith.constant 3 : i32
        %add3A_681 = vector.broadcast %add3A_680 : i32 to vector<16xi32>
        %add3A_682 = arith.addi %mul3A_664, %add3A_681 : vector<16xi32>
        %gather3A_683 = tpu.vector_load_idx %arg5[%add3A_682] : memref<12000xf32, #tpu.memory_space<vmem>>[vector<16xi32>], vector<16xf32>,
        %add3A_684 = arith.addf %scan3A_647, %gather3A_683 : vector<16xf32>
        %add3A_685 = arith.constant 4 : i32
        %add3A_686 = vector.broadcast %add3A_685 : i32 to vector<16xi32>
        %add3A_687 = arith.addi %mul3A_664, %add3A_686 : vector<16xi32>
        %gather3A_688 = tpu.vector_load_idx %arg5[%add3A_687] : memref<12000xf32, #tpu.memory_space<vmem>>[vector<16xi32>], vector<16xf32>,
        %add3A_689 = arith.addf %scan3A_648, %gather3A_688 : vector<16xf32>
        %add3A_690 = arith.constant 5 : i32
        %add3A_691 = vector.broadcast %add3A_690 : i32 to vector<16xi32>
        %add3A_692 = arith.addi %mul3A_664, %add3A_691 : vector<16xi32>
        %gather3A_693 = tpu.vector_load_idx %arg5[%add3A_692] : memref<12000xf32, #tpu.memory_space<vmem>>[vector<16xi32>], vector<16xf32>,
        %add3A_694 = arith.addf %scan3A_649, %gather3A_693 : vector<16xf32>
        %add3A_695 = arith.constant 6 : i32
        %add3A_696 = vector.broadcast %add3A_695 : i32 to vector<16xi32>
        %add3A_697 = arith.addi %mul3A_664, %add3A_696 : vector<16xi32>
        %gather3A_698 = tpu.vector_load_idx %arg5[%add3A_697] : memref<12000xf32, #tpu.memory_space<vmem>>[vector<16xi32>], vector<16xf32>,
        %add3A_699 = arith.addf %scan3A_650, %gather3A_698 : vector<16xf32>
        %add3A_700 = arith.constant 7 : i32
        %add3A_701 = vector.broadcast %add3A_700 : i32 to vector<16xi32>
        %add3A_702 = arith.addi %mul3A_664, %add3A_701 : vector<16xi32>
        %gather3A_703 = tpu.vector_load_idx %arg5[%add3A_702] : memref<12000xf32, #tpu.memory_space<vmem>>[vector<16xi32>], vector<16xf32>,
        %add3A_704 = arith.addf %scan3A_651, %gather3A_703 : vector<16xf32>
        %add3A_705 = arith.constant 8 : i32
        %add3A_706 = vector.broadcast %add3A_705 : i32 to vector<16xi32>
        %add3A_707 = arith.addi %mul3A_664, %add3A_706 : vector<16xi32>
        %gather3A_708 = tpu.vector_load_idx %arg5[%add3A_707] : memref<12000xf32, #tpu.memory_space<vmem>>[vector<16xi32>], vector<16xf32>,
        %add3A_709 = arith.addf %scan3A_652, %gather3A_708 : vector<16xf32>
        %add3A_710 = arith.constant 9 : i32
        %add3A_711 = vector.broadcast %add3A_710 : i32 to vector<16xi32>
        %add3A_712 = arith.addi %mul3A_664, %add3A_711 : vector<16xi32>
        %gather3A_713 = tpu.vector_load_idx %arg5[%add3A_712] : memref<12000xf32, #tpu.memory_space<vmem>>[vector<16xi32>], vector<16xf32>,
        %add3A_714 = arith.addf %scan3A_653, %gather3A_713 : vector<16xf32>
        %add3A_715 = arith.constant 10 : i32
        %add3A_716 = vector.broadcast %add3A_715 : i32 to vector<16xi32>
        %add3A_717 = arith.addi %mul3A_664, %add3A_716 : vector<16xi32>
        %gather3A_718 = tpu.vector_load_idx %arg5[%add3A_717] : memref<12000xf32, #tpu.memory_space<vmem>>[vector<16xi32>], vector<16xf32>,
        %add3A_719 = arith.addf %scan3A_654, %gather3A_718 : vector<16xf32>
        %add3A_720 = arith.constant 11 : i32
        %add3A_721 = vector.broadcast %add3A_720 : i32 to vector<16xi32>
        %add3A_722 = arith.addi %mul3A_664, %add3A_721 : vector<16xi32>
        %gather3A_723 = tpu.vector_load_idx %arg5[%add3A_722] : memref<12000xf32, #tpu.memory_space<vmem>>[vector<16xi32>], vector<16xf32>,
        %add3A_724 = arith.addf %scan3A_655, %gather3A_723 : vector<16xf32>
        %scan3A_725 = arith.constant 1 : i32
        %scan3A_726 = arith.addi %scan3A_643, %scan3A_725 : i32
        %broadcast_in_dim3A_727 = vector.broadcast %scan3A_726 : i32 to vector<16xi32>
        %gather3A_728 = arith.constant 0 : i32
        %gather3A_729 = arith.constant 0 : i32
        %gather3A_730 = arith.constant 0 : i32
        %gather3A_731 = tpu.memref_slice %arg6[%gather3A_728, %gather3A_729, %gather3A_730] : memref<2x64x200xi32, #tpu.memory_space<vmem>> -> memref<1x64x200xi32, #tpu.memory_space<vmem>>
        %gather3A_732 = tpu.memref_squeeze %gather3A_731 : memref<1x64x200xi32, #tpu.memory_space<vmem>> -> memref<64x200xi32, #tpu.memory_space<vmem>>
        %gather3A_733 = tpu.vector_load_idx %gather3A_732[%add3A_529, %broadcast_in_dim3A_727] : memref<64x200xi32, #tpu.memory_space<vmem>>[vector<16xi32>, vector<16xi32>], vector<16xi32>,
        %mul3A_734 = arith.constant 12 : i32
        %mul3A_735 = vector.broadcast %mul3A_734 : i32 to vector<16xi32>
        %mul3A_736 = arith.muli %gather3A_733, %mul3A_735 : vector<16xi32>
        %add3A_737 = arith.constant 0 : i32
        %add3A_738 = vector.broadcast %add3A_737 : i32 to vector<16xi32>
        %add3A_739 = arith.addi %mul3A_736, %add3A_738 : vector<16xi32>
        %gather3A_740 = tpu.vector_load_idx %arg5[%add3A_739] : memref<12000xf32, #tpu.memory_space<vmem>>[vector<16xi32>], vector<16xf32>,
        %add3A_741 = arith.addf %add3A_669, %gather3A_740 : vector<16xf32>
        %add3A_742 = arith.constant 1 : i32
        %add3A_743 = vector.broadcast %add3A_742 : i32 to vector<16xi32>
        %add3A_744 = arith.addi %mul3A_736, %add3A_743 : vector<16xi32>
        %gather3A_745 = tpu.vector_load_idx %arg5[%add3A_744] : memref<12000xf32, #tpu.memory_space<vmem>>[vector<16xi32>], vector<16xf32>,
        %add3A_746 = arith.addf %add3A_674, %gather3A_745 : vector<16xf32>
        %add3A_747 = arith.constant 2 : i32
        %add3A_748 = vector.broadcast %add3A_747 : i32 to vector<16xi32>
        %add3A_749 = arith.addi %mul3A_736, %add3A_748 : vector<16xi32>
        %gather3A_750 = tpu.vector_load_idx %arg5[%add3A_749] : memref<12000xf32, #tpu.memory_space<vmem>>[vector<16xi32>], vector<16xf32>,
        %add3A_751 = arith.addf %add3A_679, %gather3A_750 : vector<16xf32>
        %add3A_752 = arith.constant 3 : i32
        %add3A_753 = vector.broadcast %add3A_752 : i32 to vector<16xi32>
        %add3A_754 = arith.addi %mul3A_736, %add3A_753 : vector<16xi32>
        %gather3A_755 = tpu.vector_load_idx %arg5[%add3A_754] : memref<12000xf32, #tpu.memory_space<vmem>>[vector<16xi32>], vector<16xf32>,
        %add3A_756 = arith.addf %add3A_684, %gather3A_755 : vector<16xf32>
        %add3A_757 = arith.constant 4 : i32
        %add3A_758 = vector.broadcast %add3A_757 : i32 to vector<16xi32>
        %add3A_759 = arith.addi %mul3A_736, %add3A_758 : vector<16xi32>
        %gather3A_760 = tpu.vector_load_idx %arg5[%add3A_759] : memref<12000xf32, #tpu.memory_space<vmem>>[vector<16xi32>], vector<16xf32>,
        %add3A_761 = arith.addf %add3A_689, %gather3A_760 : vector<16xf32>
        %add3A_762 = arith.constant 5 : i32
        %add3A_763 = vector.broadcast %add3A_762 : i32 to vector<16xi32>
        %add3A_764 = arith.addi %mul3A_736, %add3A_763 : vector<16xi32>
        %gather3A_765 = tpu.vector_load_idx %arg5[%add3A_764] : memref<12000xf32, #tpu.memory_space<vmem>>[vector<16xi32>], vector<16xf32>,
        %add3A_766 = arith.addf %add3A_694, %gather3A_765 : vector<16xf32>
        %add3A_767 = arith.constant 6 : i32
        %add3A_768 = vector.broadcast %add3A_767 : i32 to vector<16xi32>
        %add3A_769 = arith.addi %mul3A_736, %add3A_768 : vector<16xi32>
        %gather3A_770 = tpu.vector_load_idx %arg5[%add3A_769] : memref<12000xf32, #tpu.memory_space<vmem>>[vector<16xi32>], vector<16xf32>,
        %add3A_771 = arith.addf %add3A_699, %gather3A_770 : vector<16xf32>
        %add3A_772 = arith.constant 7 : i32
        %add3A_773 = vector.broadcast %add3A_772 : i32 to vector<16xi32>
        %add3A_774 = arith.addi %mul3A_736, %add3A_773 : vector<16xi32>
        %gather3A_775 = tpu.vector_load_idx %arg5[%add3A_774] : memref<12000xf32, #tpu.memory_space<vmem>>[vector<16xi32>], vector<16xf32>,
        %add3A_776 = arith.addf %add3A_704, %gather3A_775 : vector<16xf32>
        %add3A_777 = arith.constant 8 : i32
        %add3A_778 = vector.broadcast %add3A_777 : i32 to vector<16xi32>
        %add3A_779 = arith.addi %mul3A_736, %add3A_778 : vector<16xi32>
        %gather3A_780 = tpu.vector_load_idx %arg5[%add3A_779] : memref<12000xf32, #tpu.memory_space<vmem>>[vector<16xi32>], vector<16xf32>,
        %add3A_781 = arith.addf %add3A_709, %gather3A_780 : vector<16xf32>
        %add3A_782 = arith.constant 9 : i32
        %add3A_783 = vector.broadcast %add3A_782 : i32 to vector<16xi32>
        %add3A_784 = arith.addi %mul3A_736, %add3A_783 : vector<16xi32>
        %gather3A_785 = tpu.vector_load_idx %arg5[%add3A_784] : memref<12000xf32, #tpu.memory_space<vmem>>[vector<16xi32>], vector<16xf32>,
        %add3A_786 = arith.addf %add3A_714, %gather3A_785 : vector<16xf32>
        %add3A_787 = arith.constant 10 : i32
        %add3A_788 = vector.broadcast %add3A_787 : i32 to vector<16xi32>
        %add3A_789 = arith.addi %mul3A_736, %add3A_788 : vector<16xi32>
        %gather3A_790 = tpu.vector_load_idx %arg5[%add3A_789] : memref<12000xf32, #tpu.memory_space<vmem>>[vector<16xi32>], vector<16xf32>,
        %add3A_791 = arith.addf %add3A_719, %gather3A_790 : vector<16xf32>
        %add3A_792 = arith.constant 11 : i32
        %add3A_793 = vector.broadcast %add3A_792 : i32 to vector<16xi32>
        %add3A_794 = arith.addi %mul3A_736, %add3A_793 : vector<16xi32>
        %gather3A_795 = tpu.vector_load_idx %arg5[%add3A_794] : memref<12000xf32, #tpu.memory_space<vmem>>[vector<16xi32>], vector<16xf32>,
        %add3A_796 = arith.addf %add3A_724, %gather3A_795 : vector<16xf32>
        scf.yield %add3A_741, %add3A_746, %add3A_751, %add3A_756, %add3A_761, %add3A_766, %add3A_771, %add3A_776, %add3A_781, %add3A_786, %add3A_791, %add3A_796 : vector<16xf32>, vector<16xf32>, vector<16xf32>, vector<16xf32>, vector<16xf32>, vector<16xf32>, vector<16xf32>, vector<16xf32>, vector<16xf32>, vector<16xf32>, vector<16xf32>, vector<16xf32>
      }
      %scan3A_535 = arith.constant 200 : i32
      %broadcast_in_dim3A_536 = arith.constant 0 : i32
      %broadcast_in_dim3A_537 = vector.broadcast %broadcast_in_dim3A_536 : i32 to vector<16xi32>
      %mul3A_538 = vector.broadcast %scan3A_180 : f32 to vector<16xf32>
      %mul3A_539 = arith.mulf %scan3A_534#0, %mul3A_538 : vector<16xf32>
      %scatter3A = arith.constant 0 : i32
      %scatter3A_540 = arith.constant 0 : i32
      %scatter3A_541 = arith.constant 0 : i32
      %scatter3A_542 = tpu.memref_slice %arg7[%scatter3A, %scatter3A_540, %scatter3A_541] : memref<2x64x12xf32, #tpu.memory_space<vmem>> -> memref<1x64x12xf32, #tpu.memory_space<vmem>>
      %scatter3A_543 = tpu.memref_squeeze %scatter3A_542 : memref<1x64x12xf32, #tpu.memory_space<vmem>> -> memref<64x12xf32, #tpu.memory_space<vmem>>
      tpu.vector_store_idx %scatter3A_543[%add3A_529, %broadcast_in_dim3A_537], %mul3A_539 : memref<64x12xf32, #tpu.memory_space<vmem>>[vector<16xi32>, vector<16xi32>], vector<16xf32>,
      %broadcast_in_dim3A_544 = arith.constant 1 : i32
      %broadcast_in_dim3A_545 = vector.broadcast %broadcast_in_dim3A_544 : i32 to vector<16xi32>
      %mul3A_546 = vector.broadcast %scan3A_180 : f32 to vector<16xf32>
      %mul3A_547 = arith.mulf %scan3A_534#1, %mul3A_546 : vector<16xf32>
      %scatter3A_548 = arith.constant 0 : i32
      %scatter3A_549 = arith.constant 0 : i32
      %scatter3A_550 = arith.constant 0 : i32
      %scatter3A_551 = tpu.memref_slice %arg7[%scatter3A_548, %scatter3A_549, %scatter3A_550] : memref<2x64x12xf32, #tpu.memory_space<vmem>> -> memref<1x64x12xf32, #tpu.memory_space<vmem>>
      %scatter3A_552 = tpu.memref_squeeze %scatter3A_551 : memref<1x64x12xf32, #tpu.memory_space<vmem>> -> memref<64x12xf32, #tpu.memory_space<vmem>>
      tpu.vector_store_idx %scatter3A_552[%add3A_529, %broadcast_in_dim3A_545], %mul3A_547 : memref<64x12xf32, #tpu.memory_space<vmem>>[vector<16xi32>, vector<16xi32>], vector<16xf32>,
      %broadcast_in_dim3A_553 = arith.constant 2 : i32
      %broadcast_in_dim3A_554 = vector.broadcast %broadcast_in_dim3A_553 : i32 to vector<16xi32>
      %mul3A_555 = vector.broadcast %scan3A_180 : f32 to vector<16xf32>
      %mul3A_556 = arith.mulf %scan3A_534#2, %mul3A_555 : vector<16xf32>
      %scatter3A_557 = arith.constant 0 : i32
      %scatter3A_558 = arith.constant 0 : i32
      %scatter3A_559 = arith.constant 0 : i32
      %scatter3A_560 = tpu.memref_slice %arg7[%scatter3A_557, %scatter3A_558, %scatter3A_559] : memref<2x64x12xf32, #tpu.memory_space<vmem>> -> memref<1x64x12xf32, #tpu.memory_space<vmem>>
      %scatter3A_561 = tpu.memref_squeeze %scatter3A_560 : memref<1x64x12xf32, #tpu.memory_space<vmem>> -> memref<64x12xf32, #tpu.memory_space<vmem>>
      tpu.vector_store_idx %scatter3A_561[%add3A_529, %broadcast_in_dim3A_554], %mul3A_556 : memref<64x12xf32, #tpu.memory_space<vmem>>[vector<16xi32>, vector<16xi32>], vector<16xf32>,
      %broadcast_in_dim3A_562 = arith.constant 3 : i32
      %broadcast_in_dim3A_563 = vector.broadcast %broadcast_in_dim3A_562 : i32 to vector<16xi32>
      %mul3A_564 = vector.broadcast %scan3A_180 : f32 to vector<16xf32>
      %mul3A_565 = arith.mulf %scan3A_534#3, %mul3A_564 : vector<16xf32>
      %scatter3A_566 = arith.constant 0 : i32
      %scatter3A_567 = arith.constant 0 : i32
      %scatter3A_568 = arith.constant 0 : i32
      %scatter3A_569 = tpu.memref_slice %arg7[%scatter3A_566, %scatter3A_567, %scatter3A_568] : memref<2x64x12xf32, #tpu.memory_space<vmem>> -> memref<1x64x12xf32, #tpu.memory_space<vmem>>
      %scatter3A_570 = tpu.memref_squeeze %scatter3A_569 : memref<1x64x12xf32, #tpu.memory_space<vmem>> -> memref<64x12xf32, #tpu.memory_space<vmem>>
      tpu.vector_store_idx %scatter3A_570[%add3A_529, %broadcast_in_dim3A_563], %mul3A_565 : memref<64x12xf32, #tpu.memory_space<vmem>>[vector<16xi32>, vector<16xi32>], vector<16xf32>,
      %broadcast_in_dim3A_571 = arith.constant 4 : i32
      %broadcast_in_dim3A_572 = vector.broadcast %broadcast_in_dim3A_571 : i32 to vector<16xi32>
      %mul3A_573 = vector.broadcast %scan3A_180 : f32 to vector<16xf32>
      %mul3A_574 = arith.mulf %scan3A_534#4, %mul3A_573 : vector<16xf32>
      %scatter3A_575 = arith.constant 0 : i32
      %scatter3A_576 = arith.constant 0 : i32
      %scatter3A_577 = arith.constant 0 : i32
      %scatter3A_578 = tpu.memref_slice %arg7[%scatter3A_575, %scatter3A_576, %scatter3A_577] : memref<2x64x12xf32, #tpu.memory_space<vmem>> -> memref<1x64x12xf32, #tpu.memory_space<vmem>>
      %scatter3A_579 = tpu.memref_squeeze %scatter3A_578 : memref<1x64x12xf32, #tpu.memory_space<vmem>> -> memref<64x12xf32, #tpu.memory_space<vmem>>
      tpu.vector_store_idx %scatter3A_579[%add3A_529, %broadcast_in_dim3A_572], %mul3A_574 : memref<64x12xf32, #tpu.memory_space<vmem>>[vector<16xi32>, vector<16xi32>], vector<16xf32>,
      %broadcast_in_dim3A_580 = arith.constant 5 : i32
      %broadcast_in_dim3A_581 = vector.broadcast %broadcast_in_dim3A_580 : i32 to vector<16xi32>
      %mul3A_582 = vector.broadcast %scan3A_180 : f32 to vector<16xf32>
      %mul3A_583 = arith.mulf %scan3A_534#5, %mul3A_582 : vector<16xf32>
      %scatter3A_584 = arith.constant 0 : i32
      %scatter3A_585 = arith.constant 0 : i32
      %scatter3A_586 = arith.constant 0 : i32
      %scatter3A_587 = tpu.memref_slice %arg7[%scatter3A_584, %scatter3A_585, %scatter3A_586] : memref<2x64x12xf32, #tpu.memory_space<vmem>> -> memref<1x64x12xf32, #tpu.memory_space<vmem>>
      %scatter3A_588 = tpu.memref_squeeze %scatter3A_587 : memref<1x64x12xf32, #tpu.memory_space<vmem>> -> memref<64x12xf32, #tpu.memory_space<vmem>>
      tpu.vector_store_idx %scatter3A_588[%add3A_529, %broadcast_in_dim3A_581], %mul3A_583 : memref<64x12xf32, #tpu.memory_space<vmem>>[vector<16xi32>, vector<16xi32>], vector<16xf32>,
      %broadcast_in_dim3A_589 = arith.constant 6 : i32
      %broadcast_in_dim3A_590 = vector.broadcast %broadcast_in_dim3A_589 : i32 to vector<16xi32>
      %mul3A_591 = vector.broadcast %scan3A_180 : f32 to vector<16xf32>
      %mul3A_592 = arith.mulf %scan3A_534#6, %mul3A_591 : vector<16xf32>
      %scatter3A_593 = arith.constant 0 : i32
      %scatter3A_594 = arith.constant 0 : i32
      %scatter3A_595 = arith.constant 0 : i32
      %scatter3A_596 = tpu.memref_slice %arg7[%scatter3A_593, %scatter3A_594, %scatter3A_595] : memref<2x64x12xf32, #tpu.memory_space<vmem>> -> memref<1x64x12xf32, #tpu.memory_space<vmem>>
      %scatter3A_597 = tpu.memref_squeeze %scatter3A_596 : memref<1x64x12xf32, #tpu.memory_space<vmem>> -> memref<64x12xf32, #tpu.memory_space<vmem>>
      tpu.vector_store_idx %scatter3A_597[%add3A_529, %broadcast_in_dim3A_590], %mul3A_592 : memref<64x12xf32, #tpu.memory_space<vmem>>[vector<16xi32>, vector<16xi32>], vector<16xf32>,
      %broadcast_in_dim3A_598 = arith.constant 7 : i32
      %broadcast_in_dim3A_599 = vector.broadcast %broadcast_in_dim3A_598 : i32 to vector<16xi32>
      %mul3A_600 = vector.broadcast %scan3A_180 : f32 to vector<16xf32>
      %mul3A_601 = arith.mulf %scan3A_534#7, %mul3A_600 : vector<16xf32>
      %scatter3A_602 = arith.constant 0 : i32
      %scatter3A_603 = arith.constant 0 : i32
      %scatter3A_604 = arith.constant 0 : i32
      %scatter3A_605 = tpu.memref_slice %arg7[%scatter3A_602, %scatter3A_603, %scatter3A_604] : memref<2x64x12xf32, #tpu.memory_space<vmem>> -> memref<1x64x12xf32, #tpu.memory_space<vmem>>
      %scatter3A_606 = tpu.memref_squeeze %scatter3A_605 : memref<1x64x12xf32, #tpu.memory_space<vmem>> -> memref<64x12xf32, #tpu.memory_space<vmem>>
      tpu.vector_store_idx %scatter3A_606[%add3A_529, %broadcast_in_dim3A_599], %mul3A_601 : memref<64x12xf32, #tpu.memory_space<vmem>>[vector<16xi32>, vector<16xi32>], vector<16xf32>,
      %broadcast_in_dim3A_607 = arith.constant 8 : i32
      %broadcast_in_dim3A_608 = vector.broadcast %broadcast_in_dim3A_607 : i32 to vector<16xi32>
      %mul3A_609 = vector.broadcast %scan3A_180 : f32 to vector<16xf32>
      %mul3A_610 = arith.mulf %scan3A_534#8, %mul3A_609 : vector<16xf32>
      %scatter3A_611 = arith.constant 0 : i32
      %scatter3A_612 = arith.constant 0 : i32
      %scatter3A_613 = arith.constant 0 : i32
      %scatter3A_614 = tpu.memref_slice %arg7[%scatter3A_611, %scatter3A_612, %scatter3A_613] : memref<2x64x12xf32, #tpu.memory_space<vmem>> -> memref<1x64x12xf32, #tpu.memory_space<vmem>>
      %scatter3A_615 = tpu.memref_squeeze %scatter3A_614 : memref<1x64x12xf32, #tpu.memory_space<vmem>> -> memref<64x12xf32, #tpu.memory_space<vmem>>
      tpu.vector_store_idx %scatter3A_615[%add3A_529, %broadcast_in_dim3A_608], %mul3A_610 : memref<64x12xf32, #tpu.memory_space<vmem>>[vector<16xi32>, vector<16xi32>], vector<16xf32>,
      %broadcast_in_dim3A_616 = arith.constant 9 : i32
      %broadcast_in_dim3A_617 = vector.broadcast %broadcast_in_dim3A_616 : i32 to vector<16xi32>
      %mul3A_618 = vector.broadcast %scan3A_180 : f32 to vector<16xf32>
      %mul3A_619 = arith.mulf %scan3A_534#9, %mul3A_618 : vector<16xf32>
      %scatter3A_620 = arith.constant 0 : i32
      %scatter3A_621 = arith.constant 0 : i32
      %scatter3A_622 = arith.constant 0 : i32
      %scatter3A_623 = tpu.memref_slice %arg7[%scatter3A_620, %scatter3A_621, %scatter3A_622] : memref<2x64x12xf32, #tpu.memory_space<vmem>> -> memref<1x64x12xf32, #tpu.memory_space<vmem>>
      %scatter3A_624 = tpu.memref_squeeze %scatter3A_623 : memref<1x64x12xf32, #tpu.memory_space<vmem>> -> memref<64x12xf32, #tpu.memory_space<vmem>>
      tpu.vector_store_idx %scatter3A_624[%add3A_529, %broadcast_in_dim3A_617], %mul3A_619 : memref<64x12xf32, #tpu.memory_space<vmem>>[vector<16xi32>, vector<16xi32>], vector<16xf32>,
      %broadcast_in_dim3A_625 = arith.constant 10 : i32
      %broadcast_in_dim3A_626 = vector.broadcast %broadcast_in_dim3A_625 : i32 to vector<16xi32>
      %mul3A_627 = vector.broadcast %scan3A_180 : f32 to vector<16xf32>
      %mul3A_628 = arith.mulf %scan3A_534#10, %mul3A_627 : vector<16xf32>
      %scatter3A_629 = arith.constant 0 : i32
      %scatter3A_630 = arith.constant 0 : i32
      %scatter3A_631 = arith.constant 0 : i32
      %scatter3A_632 = tpu.memref_slice %arg7[%scatter3A_629, %scatter3A_630, %scatter3A_631] : memref<2x64x12xf32, #tpu.memory_space<vmem>> -> memref<1x64x12xf32, #tpu.memory_space<vmem>>
      %scatter3A_633 = tpu.memref_squeeze %scatter3A_632 : memref<1x64x12xf32, #tpu.memory_space<vmem>> -> memref<64x12xf32, #tpu.memory_space<vmem>>
      tpu.vector_store_idx %scatter3A_633[%add3A_529, %broadcast_in_dim3A_626], %mul3A_628 : memref<64x12xf32, #tpu.memory_space<vmem>>[vector<16xi32>, vector<16xi32>], vector<16xf32>,
      %broadcast_in_dim3A_634 = arith.constant 11 : i32
      %broadcast_in_dim3A_635 = vector.broadcast %broadcast_in_dim3A_634 : i32 to vector<16xi32>
      %mul3A_636 = vector.broadcast %scan3A_180 : f32 to vector<16xf32>
      %mul3A_637 = arith.mulf %scan3A_534#11, %mul3A_636 : vector<16xf32>
      %scatter3A_638 = arith.constant 0 : i32
      %scatter3A_639 = arith.constant 0 : i32
      %scatter3A_640 = arith.constant 0 : i32
      %scatter3A_641 = tpu.memref_slice %arg7[%scatter3A_638, %scatter3A_639, %scatter3A_640] : memref<2x64x12xf32, #tpu.memory_space<vmem>> -> memref<1x64x12xf32, #tpu.memory_space<vmem>>
      %scatter3A_642 = tpu.memref_squeeze %scatter3A_641 : memref<1x64x12xf32, #tpu.memory_space<vmem>> -> memref<64x12xf32, #tpu.memory_space<vmem>>
      tpu.vector_store_idx %scatter3A_642[%add3A_529, %broadcast_in_dim3A_635], %mul3A_637 : memref<64x12xf32, #tpu.memory_space<vmem>>[vector<16xi32>, vector<16xi32>], vector<16xf32>,
    }
    %scan3A_185 = arith.constant 4 : i32
    %dma_start3A_186 = arith.constant 0 : i32
    %dma_start3A_187 = arith.constant 0 : i32
    %dma_start3A_188 = arith.constant 0 : i32
    %dma_start3A_189 = tpu.memref_slice %arg7[%dma_start3A_186, %dma_start3A_187, %dma_start3A_188] : memref<2x64x12xf32, #tpu.memory_space<vmem>> -> memref<1x64x12xf32, #tpu.memory_space<vmem>>
    %dma_start3A_190 = tpu.memref_squeeze %dma_start3A_189 : memref<1x64x12xf32, #tpu.memory_space<vmem>> -> memref<64x12xf32, #tpu.memory_space<vmem>>
    %dma_start3A_191 = arith.constant 0 : i32
    %dma_start3A_192 = tpu.memref_slice %arg4[%add3A_137, %dma_start3A_191] : memref<16384x12xf32, #tpu.memory_space<hbm>> -> memref<64x12xf32, #tpu.memory_space<hbm>>
    %dma_start3A_193 = arith.constant 0 : i32
    %dma_start3A_194 = tpu.memref_slice %arg4[%add3A_137, %dma_start3A_193] : memref<16384x12xf32, #tpu.memory_space<hbm>> -> memref<64x12xf32, #tpu.memory_space<hbm>>
    %dma_start3A_195 = arith.constant 0 : i32
    %dma_start3A_196 = arith.constant 0 : i32
    %dma_start3A_197 = tpu.memref_slice %arg7[%dma_start3A_186, %dma_start3A_195, %dma_start3A_196] : memref<2x64x12xf32, #tpu.memory_space<vmem>> -> memref<1x64x12xf32, #tpu.memory_space<vmem>>
    %dma_start3A_198 = tpu.memref_squeeze %dma_start3A_197 : memref<1x64x12xf32, #tpu.memory_space<vmem>> -> memref<64x12xf32, #tpu.memory_space<vmem>>
    tpu.enqueue_dma source(%dma_start3A_198 : memref<64x12xf32, #tpu.memory_space<vmem>>) target(%dma_start3A_194 : memref<64x12xf32, #tpu.memory_space<hbm>>) target_semaphore(%arg10 : memref<!tpu.dma_semaphore, #tpu.memory_space<semaphore_mem>>)
    %add3A_199 = arith.constant 192 : i32
    %add3A_200 = arith.addi %mul3A_2, %add3A_199 : i32
    %add3A_201 = arith.constant 64 : i32
    %add3A_202 = arith.addi %add3A_200, %add3A_201 : i32
    %dma_start3A_203 = arith.constant 0 : i32
    %dma_start3A_204 = arith.constant 0 : i32
    %dma_start3A_205 = arith.constant 0 : i32
    %dma_start3A_206 = tpu.memref_slice %arg6[%dma_start3A_203, %dma_start3A_204, %dma_start3A_205] : memref<2x64x200xi32, #tpu.memory_space<vmem>> -> memref<1x64x200xi32, #tpu.memory_space<vmem>>
    %dma_start3A_207 = tpu.memref_squeeze %dma_start3A_206 : memref<1x64x200xi32, #tpu.memory_space<vmem>> -> memref<64x200xi32, #tpu.memory_space<vmem>>
    %dma_start3A_208 = arith.constant 0 : i32
    %dma_start3A_209 = tpu.memref_slice %arg2[%add3A_202, %dma_start3A_208] : memref<16384x200xi32, #tpu.memory_space<hbm>> -> memref<64x200xi32, #tpu.memory_space<hbm>>
    %dma_start3A_210 = arith.constant 0 : i32
    %dma_start3A_211 = arith.constant 0 : i32
    %dma_start3A_212 = tpu.memref_slice %arg6[%dma_start3A_203, %dma_start3A_210, %dma_start3A_211] : memref<2x64x200xi32, #tpu.memory_space<vmem>> -> memref<1x64x200xi32, #tpu.memory_space<vmem>>
    %dma_start3A_213 = tpu.memref_squeeze %dma_start3A_212 : memref<1x64x200xi32, #tpu.memory_space<vmem>> -> memref<64x200xi32, #tpu.memory_space<vmem>>
    %dma_start3A_214 = arith.constant 0 : i32
    %dma_start3A_215 = tpu.memref_slice %arg2[%add3A_202, %dma_start3A_214] : memref<16384x200xi32, #tpu.memory_space<hbm>> -> memref<64x200xi32, #tpu.memory_space<hbm>>
    tpu.enqueue_dma source(%dma_start3A_215 : memref<64x200xi32, #tpu.memory_space<hbm>>) target(%dma_start3A_213 : memref<64x200xi32, #tpu.memory_space<vmem>>) target_semaphore(%arg8 : memref<!tpu.dma_semaphore, #tpu.memory_space<semaphore_mem>>)
    %dma_wait3A_216 = arith.constant 1 : i32
    %dma_wait3A_217 = arith.constant 0 : i32
    %dma_wait3A_218 = arith.constant 0 : i32
    %dma_wait3A_219 = tpu.memref_slice %arg6[%dma_wait3A_216, %dma_wait3A_217, %dma_wait3A_218] : memref<2x64x200xi32, #tpu.memory_space<vmem>> -> memref<1x64x200xi32, #tpu.memory_space<vmem>>
    %dma_wait3A_220 = tpu.memref_squeeze %dma_wait3A_219 : memref<1x64x200xi32, #tpu.memory_space<vmem>> -> memref<64x200xi32, #tpu.memory_space<vmem>>
    %dma_wait3A_221 = arith.constant 0 : i32
    %dma_wait3A_222 = tpu.memref_slice %arg2[%add3A_139, %dma_wait3A_221] : memref<16384x200xi32, #tpu.memory_space<hbm>> -> memref<64x200xi32, #tpu.memory_space<hbm>>
    %dma_wait3A_223 = arith.constant 0 : i32
    %dma_wait3A_224 = arith.constant 0 : i32
    %dma_wait3A_225 = tpu.memref_slice %arg6[%dma_wait3A_216, %dma_wait3A_223, %dma_wait3A_224] : memref<2x64x200xi32, #tpu.memory_space<vmem>> -> memref<1x64x200xi32, #tpu.memory_space<vmem>>
    %dma_wait3A_226 = tpu.memref_squeeze %dma_wait3A_225 : memref<1x64x200xi32, #tpu.memory_space<vmem>> -> memref<64x200xi32, #tpu.memory_space<vmem>>
    %dma_wait3A_227 = arith.constant 0 : i32
    %dma_wait3A_228 = tpu.memref_slice %arg2[%add3A_139, %dma_wait3A_227] : memref<16384x200xi32, #tpu.memory_space<hbm>> -> memref<64x200xi32, #tpu.memory_space<hbm>>
    tpu.wait_dma2 semaphore(%arg9 : memref<!tpu.dma_semaphore, #tpu.memory_space<semaphore_mem>>) src(%dma_wait3A_228 : memref<64x200xi32, #tpu.memory_space<hbm>>) dst(%dma_wait3A_226 : memref<64x200xi32, #tpu.memory_space<vmem>>)
    %dma_wait3A_229 = arith.constant 1 : i32
    %dma_wait3A_230 = arith.constant 0 : i32
    %dma_wait3A_231 = arith.constant 0 : i32
    %dma_wait3A_232 = tpu.memref_slice %arg7[%dma_wait3A_229, %dma_wait3A_230, %dma_wait3A_231] : memref<2x64x12xf32, #tpu.memory_space<vmem>> -> memref<1x64x12xf32, #tpu.memory_space<vmem>>
    %dma_wait3A_233 = tpu.memref_squeeze %dma_wait3A_232 : memref<1x64x12xf32, #tpu.memory_space<vmem>> -> memref<64x12xf32, #tpu.memory_space<vmem>>
    %dma_wait3A_234 = arith.constant 0 : i32
    %dma_wait3A_235 = tpu.memref_slice %arg4[%add3A_87, %dma_wait3A_234] : memref<16384x12xf32, #tpu.memory_space<hbm>> -> memref<64x12xf32, #tpu.memory_space<hbm>>
    %dma_wait3A_236 = arith.constant 0 : i32
    %dma_wait3A_237 = tpu.memref_slice %arg4[%add3A_87, %dma_wait3A_236] : memref<16384x12xf32, #tpu.memory_space<hbm>> -> memref<64x12xf32, #tpu.memory_space<hbm>>
    %dma_wait3A_238 = arith.constant 0 : i32
    %dma_wait3A_239 = arith.constant 0 : i32
    %dma_wait3A_240 = tpu.memref_slice %arg7[%dma_wait3A_229, %dma_wait3A_238, %dma_wait3A_239] : memref<2x64x12xf32, #tpu.memory_space<vmem>> -> memref<1x64x12xf32, #tpu.memory_space<vmem>>
    %dma_wait3A_241 = tpu.memref_squeeze %dma_wait3A_240 : memref<1x64x12xf32, #tpu.memory_space<vmem>> -> memref<64x12xf32, #tpu.memory_space<vmem>>
    tpu.wait_dma2 semaphore(%arg11 : memref<!tpu.dma_semaphore, #tpu.memory_space<semaphore_mem>>) src(%dma_wait3A_241 : memref<64x12xf32, #tpu.memory_space<vmem>>) dst(%dma_wait3A_237 : memref<64x12xf32, #tpu.memory_space<hbm>>)
    %scan3A_242 = arith.constant 0 : i32
    %scan3A_243 = arith.constant 5.000000e-03 : f32
    %scan3A_244 = arith.constant 0 : i32
    %scan3A_245 = arith.constant 4 : i32
    %scan3A_246 = arith.addi %scan3A_244, %scan3A_245 : i32
    %scan3A_247 = arith.constant 1 : i32
    scf.for %scan3A_525 = %scan3A_244 to %scan3A_246 step %scan3A_247  : i32 {
      %mul3A_526 = arith.constant 16 : i32
      %mul3A_527 = arith.muli %scan3A_525, %mul3A_526 : i32
      %add3A_528 = vector.broadcast %mul3A_527 : i32 to vector<16xi32>
      %add3A_529 = arith.addi %add3A_528, %iota3A : vector<16xi32>
      %scan3A_530 = arith.constant 0 : i32
      %scan3A_531 = arith.constant 200 : i32
      %scan3A_532 = arith.addi %scan3A_530, %scan3A_531 : i32
      %scan3A_533 = arith.constant 2 : i32
      %scan3A_534:12 = scf.for %scan3A_643 = %scan3A_530 to %scan3A_532 step %scan3A_533 iter_args(%scan3A_644 = %broadcast_in_dim3A_15, %scan3A_645 = %broadcast_in_dim3A_17, %scan3A_646 = %broadcast_in_dim3A_19, %scan3A_647 = %broadcast_in_dim3A_21, %scan3A_648 = %broadcast_in_dim3A_23, %scan3A_649 = %broadcast_in_dim3A_25, %scan3A_650 = %broadcast_in_dim3A_27, %scan3A_651 = %broadcast_in_dim3A_29, %scan3A_652 = %broadcast_in_dim3A_31, %scan3A_653 = %broadcast_in_dim3A_33, %scan3A_654 = %broadcast_in_dim3A_35, %scan3A_655 = %broadcast_in_dim3A_37) -> (vector<16xf32>, vector<16xf32>, vector<16xf32>, vector<16xf32>, vector<16xf32>, vector<16xf32>, vector<16xf32>, vector<16xf32>, vector<16xf32>, vector<16xf32>, vector<16xf32>, vector<16xf32>)  : i32 {
        %broadcast_in_dim3A_656 = vector.broadcast %scan3A_643 : i32 to vector<16xi32>
        %gather3A = arith.constant 1 : i32
        %gather3A_657 = arith.constant 0 : i32
        %gather3A_658 = arith.constant 0 : i32
        %gather3A_659 = tpu.memref_slice %arg6[%gather3A, %gather3A_657, %gather3A_658] : memref<2x64x200xi32, #tpu.memory_space<vmem>> -> memref<1x64x200xi32, #tpu.memory_space<vmem>>
        %gather3A_660 = tpu.memref_squeeze %gather3A_659 : memref<1x64x200xi32, #tpu.memory_space<vmem>> -> memref<64x200xi32, #tpu.memory_space<vmem>>
        %gather3A_661 = tpu.vector_load_idx %gather3A_660[%add3A_529, %broadcast_in_dim3A_656] : memref<64x200xi32, #tpu.memory_space<vmem>>[vector<16xi32>, vector<16xi32>], vector<16xi32>,
        %mul3A_662 = arith.constant 12 : i32
        %mul3A_663 = vector.broadcast %mul3A_662 : i32 to vector<16xi32>
        %mul3A_664 = arith.muli %gather3A_661, %mul3A_663 : vector<16xi32>
        %add3A_665 = arith.constant 0 : i32
        %add3A_666 = vector.broadcast %add3A_665 : i32 to vector<16xi32>
        %add3A_667 = arith.addi %mul3A_664, %add3A_666 : vector<16xi32>
        %gather3A_668 = tpu.vector_load_idx %arg5[%add3A_667] : memref<12000xf32, #tpu.memory_space<vmem>>[vector<16xi32>], vector<16xf32>,
        %add3A_669 = arith.addf %scan3A_644, %gather3A_668 : vector<16xf32>
        %add3A_670 = arith.constant 1 : i32
        %add3A_671 = vector.broadcast %add3A_670 : i32 to vector<16xi32>
        %add3A_672 = arith.addi %mul3A_664, %add3A_671 : vector<16xi32>
        %gather3A_673 = tpu.vector_load_idx %arg5[%add3A_672] : memref<12000xf32, #tpu.memory_space<vmem>>[vector<16xi32>], vector<16xf32>,
        %add3A_674 = arith.addf %scan3A_645, %gather3A_673 : vector<16xf32>
        %add3A_675 = arith.constant 2 : i32
        %add3A_676 = vector.broadcast %add3A_675 : i32 to vector<16xi32>
        %add3A_677 = arith.addi %mul3A_664, %add3A_676 : vector<16xi32>
        %gather3A_678 = tpu.vector_load_idx %arg5[%add3A_677] : memref<12000xf32, #tpu.memory_space<vmem>>[vector<16xi32>], vector<16xf32>,
        %add3A_679 = arith.addf %scan3A_646, %gather3A_678 : vector<16xf32>
        %add3A_680 = arith.constant 3 : i32
        %add3A_681 = vector.broadcast %add3A_680 : i32 to vector<16xi32>
        %add3A_682 = arith.addi %mul3A_664, %add3A_681 : vector<16xi32>
        %gather3A_683 = tpu.vector_load_idx %arg5[%add3A_682] : memref<12000xf32, #tpu.memory_space<vmem>>[vector<16xi32>], vector<16xf32>,
        %add3A_684 = arith.addf %scan3A_647, %gather3A_683 : vector<16xf32>
        %add3A_685 = arith.constant 4 : i32
        %add3A_686 = vector.broadcast %add3A_685 : i32 to vector<16xi32>
        %add3A_687 = arith.addi %mul3A_664, %add3A_686 : vector<16xi32>
        %gather3A_688 = tpu.vector_load_idx %arg5[%add3A_687] : memref<12000xf32, #tpu.memory_space<vmem>>[vector<16xi32>], vector<16xf32>,
        %add3A_689 = arith.addf %scan3A_648, %gather3A_688 : vector<16xf32>
        %add3A_690 = arith.constant 5 : i32
        %add3A_691 = vector.broadcast %add3A_690 : i32 to vector<16xi32>
        %add3A_692 = arith.addi %mul3A_664, %add3A_691 : vector<16xi32>
        %gather3A_693 = tpu.vector_load_idx %arg5[%add3A_692] : memref<12000xf32, #tpu.memory_space<vmem>>[vector<16xi32>], vector<16xf32>,
        %add3A_694 = arith.addf %scan3A_649, %gather3A_693 : vector<16xf32>
        %add3A_695 = arith.constant 6 : i32
        %add3A_696 = vector.broadcast %add3A_695 : i32 to vector<16xi32>
        %add3A_697 = arith.addi %mul3A_664, %add3A_696 : vector<16xi32>
        %gather3A_698 = tpu.vector_load_idx %arg5[%add3A_697] : memref<12000xf32, #tpu.memory_space<vmem>>[vector<16xi32>], vector<16xf32>,
        %add3A_699 = arith.addf %scan3A_650, %gather3A_698 : vector<16xf32>
        %add3A_700 = arith.constant 7 : i32
        %add3A_701 = vector.broadcast %add3A_700 : i32 to vector<16xi32>
        %add3A_702 = arith.addi %mul3A_664, %add3A_701 : vector<16xi32>
        %gather3A_703 = tpu.vector_load_idx %arg5[%add3A_702] : memref<12000xf32, #tpu.memory_space<vmem>>[vector<16xi32>], vector<16xf32>,
        %add3A_704 = arith.addf %scan3A_651, %gather3A_703 : vector<16xf32>
        %add3A_705 = arith.constant 8 : i32
        %add3A_706 = vector.broadcast %add3A_705 : i32 to vector<16xi32>
        %add3A_707 = arith.addi %mul3A_664, %add3A_706 : vector<16xi32>
        %gather3A_708 = tpu.vector_load_idx %arg5[%add3A_707] : memref<12000xf32, #tpu.memory_space<vmem>>[vector<16xi32>], vector<16xf32>,
        %add3A_709 = arith.addf %scan3A_652, %gather3A_708 : vector<16xf32>
        %add3A_710 = arith.constant 9 : i32
        %add3A_711 = vector.broadcast %add3A_710 : i32 to vector<16xi32>
        %add3A_712 = arith.addi %mul3A_664, %add3A_711 : vector<16xi32>
        %gather3A_713 = tpu.vector_load_idx %arg5[%add3A_712] : memref<12000xf32, #tpu.memory_space<vmem>>[vector<16xi32>], vector<16xf32>,
        %add3A_714 = arith.addf %scan3A_653, %gather3A_713 : vector<16xf32>
        %add3A_715 = arith.constant 10 : i32
        %add3A_716 = vector.broadcast %add3A_715 : i32 to vector<16xi32>
        %add3A_717 = arith.addi %mul3A_664, %add3A_716 : vector<16xi32>
        %gather3A_718 = tpu.vector_load_idx %arg5[%add3A_717] : memref<12000xf32, #tpu.memory_space<vmem>>[vector<16xi32>], vector<16xf32>,
        %add3A_719 = arith.addf %scan3A_654, %gather3A_718 : vector<16xf32>
        %add3A_720 = arith.constant 11 : i32
        %add3A_721 = vector.broadcast %add3A_720 : i32 to vector<16xi32>
        %add3A_722 = arith.addi %mul3A_664, %add3A_721 : vector<16xi32>
        %gather3A_723 = tpu.vector_load_idx %arg5[%add3A_722] : memref<12000xf32, #tpu.memory_space<vmem>>[vector<16xi32>], vector<16xf32>,
        %add3A_724 = arith.addf %scan3A_655, %gather3A_723 : vector<16xf32>
        %scan3A_725 = arith.constant 1 : i32
        %scan3A_726 = arith.addi %scan3A_643, %scan3A_725 : i32
        %broadcast_in_dim3A_727 = vector.broadcast %scan3A_726 : i32 to vector<16xi32>
        %gather3A_728 = arith.constant 1 : i32
        %gather3A_729 = arith.constant 0 : i32
        %gather3A_730 = arith.constant 0 : i32
        %gather3A_731 = tpu.memref_slice %arg6[%gather3A_728, %gather3A_729, %gather3A_730] : memref<2x64x200xi32, #tpu.memory_space<vmem>> -> memref<1x64x200xi32, #tpu.memory_space<vmem>>
        %gather3A_732 = tpu.memref_squeeze %gather3A_731 : memref<1x64x200xi32, #tpu.memory_space<vmem>> -> memref<64x200xi32, #tpu.memory_space<vmem>>
        %gather3A_733 = tpu.vector_load_idx %gather3A_732[%add3A_529, %broadcast_in_dim3A_727] : memref<64x200xi32, #tpu.memory_space<vmem>>[vector<16xi32>, vector<16xi32>], vector<16xi32>,
        %mul3A_734 = arith.constant 12 : i32
        %mul3A_735 = vector.broadcast %mul3A_734 : i32 to vector<16xi32>
        %mul3A_736 = arith.muli %gather3A_733, %mul3A_735 : vector<16xi32>
        %add3A_737 = arith.constant 0 : i32
        %add3A_738 = vector.broadcast %add3A_737 : i32 to vector<16xi32>
        %add3A_739 = arith.addi %mul3A_736, %add3A_738 : vector<16xi32>
        %gather3A_740 = tpu.vector_load_idx %arg5[%add3A_739] : memref<12000xf32, #tpu.memory_space<vmem>>[vector<16xi32>], vector<16xf32>,
        %add3A_741 = arith.addf %add3A_669, %gather3A_740 : vector<16xf32>
        %add3A_742 = arith.constant 1 : i32
        %add3A_743 = vector.broadcast %add3A_742 : i32 to vector<16xi32>
        %add3A_744 = arith.addi %mul3A_736, %add3A_743 : vector<16xi32>
        %gather3A_745 = tpu.vector_load_idx %arg5[%add3A_744] : memref<12000xf32, #tpu.memory_space<vmem>>[vector<16xi32>], vector<16xf32>,
        %add3A_746 = arith.addf %add3A_674, %gather3A_745 : vector<16xf32>
        %add3A_747 = arith.constant 2 : i32
        %add3A_748 = vector.broadcast %add3A_747 : i32 to vector<16xi32>
        %add3A_749 = arith.addi %mul3A_736, %add3A_748 : vector<16xi32>
        %gather3A_750 = tpu.vector_load_idx %arg5[%add3A_749] : memref<12000xf32, #tpu.memory_space<vmem>>[vector<16xi32>], vector<16xf32>,
        %add3A_751 = arith.addf %add3A_679, %gather3A_750 : vector<16xf32>
        %add3A_752 = arith.constant 3 : i32
        %add3A_753 = vector.broadcast %add3A_752 : i32 to vector<16xi32>
        %add3A_754 = arith.addi %mul3A_736, %add3A_753 : vector<16xi32>
        %gather3A_755 = tpu.vector_load_idx %arg5[%add3A_754] : memref<12000xf32, #tpu.memory_space<vmem>>[vector<16xi32>], vector<16xf32>,
        %add3A_756 = arith.addf %add3A_684, %gather3A_755 : vector<16xf32>
        %add3A_757 = arith.constant 4 : i32
        %add3A_758 = vector.broadcast %add3A_757 : i32 to vector<16xi32>
        %add3A_759 = arith.addi %mul3A_736, %add3A_758 : vector<16xi32>
        %gather3A_760 = tpu.vector_load_idx %arg5[%add3A_759] : memref<12000xf32, #tpu.memory_space<vmem>>[vector<16xi32>], vector<16xf32>,
        %add3A_761 = arith.addf %add3A_689, %gather3A_760 : vector<16xf32>
        %add3A_762 = arith.constant 5 : i32
        %add3A_763 = vector.broadcast %add3A_762 : i32 to vector<16xi32>
        %add3A_764 = arith.addi %mul3A_736, %add3A_763 : vector<16xi32>
        %gather3A_765 = tpu.vector_load_idx %arg5[%add3A_764] : memref<12000xf32, #tpu.memory_space<vmem>>[vector<16xi32>], vector<16xf32>,
        %add3A_766 = arith.addf %add3A_694, %gather3A_765 : vector<16xf32>
        %add3A_767 = arith.constant 6 : i32
        %add3A_768 = vector.broadcast %add3A_767 : i32 to vector<16xi32>
        %add3A_769 = arith.addi %mul3A_736, %add3A_768 : vector<16xi32>
        %gather3A_770 = tpu.vector_load_idx %arg5[%add3A_769] : memref<12000xf32, #tpu.memory_space<vmem>>[vector<16xi32>], vector<16xf32>,
        %add3A_771 = arith.addf %add3A_699, %gather3A_770 : vector<16xf32>
        %add3A_772 = arith.constant 7 : i32
        %add3A_773 = vector.broadcast %add3A_772 : i32 to vector<16xi32>
        %add3A_774 = arith.addi %mul3A_736, %add3A_773 : vector<16xi32>
        %gather3A_775 = tpu.vector_load_idx %arg5[%add3A_774] : memref<12000xf32, #tpu.memory_space<vmem>>[vector<16xi32>], vector<16xf32>,
        %add3A_776 = arith.addf %add3A_704, %gather3A_775 : vector<16xf32>
        %add3A_777 = arith.constant 8 : i32
        %add3A_778 = vector.broadcast %add3A_777 : i32 to vector<16xi32>
        %add3A_779 = arith.addi %mul3A_736, %add3A_778 : vector<16xi32>
        %gather3A_780 = tpu.vector_load_idx %arg5[%add3A_779] : memref<12000xf32, #tpu.memory_space<vmem>>[vector<16xi32>], vector<16xf32>,
        %add3A_781 = arith.addf %add3A_709, %gather3A_780 : vector<16xf32>
        %add3A_782 = arith.constant 9 : i32
        %add3A_783 = vector.broadcast %add3A_782 : i32 to vector<16xi32>
        %add3A_784 = arith.addi %mul3A_736, %add3A_783 : vector<16xi32>
        %gather3A_785 = tpu.vector_load_idx %arg5[%add3A_784] : memref<12000xf32, #tpu.memory_space<vmem>>[vector<16xi32>], vector<16xf32>,
        %add3A_786 = arith.addf %add3A_714, %gather3A_785 : vector<16xf32>
        %add3A_787 = arith.constant 10 : i32
        %add3A_788 = vector.broadcast %add3A_787 : i32 to vector<16xi32>
        %add3A_789 = arith.addi %mul3A_736, %add3A_788 : vector<16xi32>
        %gather3A_790 = tpu.vector_load_idx %arg5[%add3A_789] : memref<12000xf32, #tpu.memory_space<vmem>>[vector<16xi32>], vector<16xf32>,
        %add3A_791 = arith.addf %add3A_719, %gather3A_790 : vector<16xf32>
        %add3A_792 = arith.constant 11 : i32
        %add3A_793 = vector.broadcast %add3A_792 : i32 to vector<16xi32>
        %add3A_794 = arith.addi %mul3A_736, %add3A_793 : vector<16xi32>
        %gather3A_795 = tpu.vector_load_idx %arg5[%add3A_794] : memref<12000xf32, #tpu.memory_space<vmem>>[vector<16xi32>], vector<16xf32>,
        %add3A_796 = arith.addf %add3A_724, %gather3A_795 : vector<16xf32>
        scf.yield %add3A_741, %add3A_746, %add3A_751, %add3A_756, %add3A_761, %add3A_766, %add3A_771, %add3A_776, %add3A_781, %add3A_786, %add3A_791, %add3A_796 : vector<16xf32>, vector<16xf32>, vector<16xf32>, vector<16xf32>, vector<16xf32>, vector<16xf32>, vector<16xf32>, vector<16xf32>, vector<16xf32>, vector<16xf32>, vector<16xf32>, vector<16xf32>
      }
      %scan3A_535 = arith.constant 200 : i32
      %broadcast_in_dim3A_536 = arith.constant 0 : i32
      %broadcast_in_dim3A_537 = vector.broadcast %broadcast_in_dim3A_536 : i32 to vector<16xi32>
      %mul3A_538 = vector.broadcast %scan3A_243 : f32 to vector<16xf32>
      %mul3A_539 = arith.mulf %scan3A_534#0, %mul3A_538 : vector<16xf32>
      %scatter3A = arith.constant 1 : i32
      %scatter3A_540 = arith.constant 0 : i32
      %scatter3A_541 = arith.constant 0 : i32
      %scatter3A_542 = tpu.memref_slice %arg7[%scatter3A, %scatter3A_540, %scatter3A_541] : memref<2x64x12xf32, #tpu.memory_space<vmem>> -> memref<1x64x12xf32, #tpu.memory_space<vmem>>
      %scatter3A_543 = tpu.memref_squeeze %scatter3A_542 : memref<1x64x12xf32, #tpu.memory_space<vmem>> -> memref<64x12xf32, #tpu.memory_space<vmem>>
      tpu.vector_store_idx %scatter3A_543[%add3A_529, %broadcast_in_dim3A_537], %mul3A_539 : memref<64x12xf32, #tpu.memory_space<vmem>>[vector<16xi32>, vector<16xi32>], vector<16xf32>,
      %broadcast_in_dim3A_544 = arith.constant 1 : i32
      %broadcast_in_dim3A_545 = vector.broadcast %broadcast_in_dim3A_544 : i32 to vector<16xi32>
      %mul3A_546 = vector.broadcast %scan3A_243 : f32 to vector<16xf32>
      %mul3A_547 = arith.mulf %scan3A_534#1, %mul3A_546 : vector<16xf32>
      %scatter3A_548 = arith.constant 1 : i32
      %scatter3A_549 = arith.constant 0 : i32
      %scatter3A_550 = arith.constant 0 : i32
      %scatter3A_551 = tpu.memref_slice %arg7[%scatter3A_548, %scatter3A_549, %scatter3A_550] : memref<2x64x12xf32, #tpu.memory_space<vmem>> -> memref<1x64x12xf32, #tpu.memory_space<vmem>>
      %scatter3A_552 = tpu.memref_squeeze %scatter3A_551 : memref<1x64x12xf32, #tpu.memory_space<vmem>> -> memref<64x12xf32, #tpu.memory_space<vmem>>
      tpu.vector_store_idx %scatter3A_552[%add3A_529, %broadcast_in_dim3A_545], %mul3A_547 : memref<64x12xf32, #tpu.memory_space<vmem>>[vector<16xi32>, vector<16xi32>], vector<16xf32>,
      %broadcast_in_dim3A_553 = arith.constant 2 : i32
      %broadcast_in_dim3A_554 = vector.broadcast %broadcast_in_dim3A_553 : i32 to vector<16xi32>
      %mul3A_555 = vector.broadcast %scan3A_243 : f32 to vector<16xf32>
      %mul3A_556 = arith.mulf %scan3A_534#2, %mul3A_555 : vector<16xf32>
      %scatter3A_557 = arith.constant 1 : i32
      %scatter3A_558 = arith.constant 0 : i32
      %scatter3A_559 = arith.constant 0 : i32
      %scatter3A_560 = tpu.memref_slice %arg7[%scatter3A_557, %scatter3A_558, %scatter3A_559] : memref<2x64x12xf32, #tpu.memory_space<vmem>> -> memref<1x64x12xf32, #tpu.memory_space<vmem>>
      %scatter3A_561 = tpu.memref_squeeze %scatter3A_560 : memref<1x64x12xf32, #tpu.memory_space<vmem>> -> memref<64x12xf32, #tpu.memory_space<vmem>>
      tpu.vector_store_idx %scatter3A_561[%add3A_529, %broadcast_in_dim3A_554], %mul3A_556 : memref<64x12xf32, #tpu.memory_space<vmem>>[vector<16xi32>, vector<16xi32>], vector<16xf32>,
      %broadcast_in_dim3A_562 = arith.constant 3 : i32
      %broadcast_in_dim3A_563 = vector.broadcast %broadcast_in_dim3A_562 : i32 to vector<16xi32>
      %mul3A_564 = vector.broadcast %scan3A_243 : f32 to vector<16xf32>
      %mul3A_565 = arith.mulf %scan3A_534#3, %mul3A_564 : vector<16xf32>
      %scatter3A_566 = arith.constant 1 : i32
      %scatter3A_567 = arith.constant 0 : i32
      %scatter3A_568 = arith.constant 0 : i32
      %scatter3A_569 = tpu.memref_slice %arg7[%scatter3A_566, %scatter3A_567, %scatter3A_568] : memref<2x64x12xf32, #tpu.memory_space<vmem>> -> memref<1x64x12xf32, #tpu.memory_space<vmem>>
      %scatter3A_570 = tpu.memref_squeeze %scatter3A_569 : memref<1x64x12xf32, #tpu.memory_space<vmem>> -> memref<64x12xf32, #tpu.memory_space<vmem>>
      tpu.vector_store_idx %scatter3A_570[%add3A_529, %broadcast_in_dim3A_563], %mul3A_565 : memref<64x12xf32, #tpu.memory_space<vmem>>[vector<16xi32>, vector<16xi32>], vector<16xf32>,
      %broadcast_in_dim3A_571 = arith.constant 4 : i32
      %broadcast_in_dim3A_572 = vector.broadcast %broadcast_in_dim3A_571 : i32 to vector<16xi32>
      %mul3A_573 = vector.broadcast %scan3A_243 : f32 to vector<16xf32>
      %mul3A_574 = arith.mulf %scan3A_534#4, %mul3A_573 : vector<16xf32>
      %scatter3A_575 = arith.constant 1 : i32
      %scatter3A_576 = arith.constant 0 : i32
      %scatter3A_577 = arith.constant 0 : i32
      %scatter3A_578 = tpu.memref_slice %arg7[%scatter3A_575, %scatter3A_576, %scatter3A_577] : memref<2x64x12xf32, #tpu.memory_space<vmem>> -> memref<1x64x12xf32, #tpu.memory_space<vmem>>
      %scatter3A_579 = tpu.memref_squeeze %scatter3A_578 : memref<1x64x12xf32, #tpu.memory_space<vmem>> -> memref<64x12xf32, #tpu.memory_space<vmem>>
      tpu.vector_store_idx %scatter3A_579[%add3A_529, %broadcast_in_dim3A_572], %mul3A_574 : memref<64x12xf32, #tpu.memory_space<vmem>>[vector<16xi32>, vector<16xi32>], vector<16xf32>,
      %broadcast_in_dim3A_580 = arith.constant 5 : i32
      %broadcast_in_dim3A_581 = vector.broadcast %broadcast_in_dim3A_580 : i32 to vector<16xi32>
      %mul3A_582 = vector.broadcast %scan3A_243 : f32 to vector<16xf32>
      %mul3A_583 = arith.mulf %scan3A_534#5, %mul3A_582 : vector<16xf32>
      %scatter3A_584 = arith.constant 1 : i32
      %scatter3A_585 = arith.constant 0 : i32
      %scatter3A_586 = arith.constant 0 : i32
      %scatter3A_587 = tpu.memref_slice %arg7[%scatter3A_584, %scatter3A_585, %scatter3A_586] : memref<2x64x12xf32, #tpu.memory_space<vmem>> -> memref<1x64x12xf32, #tpu.memory_space<vmem>>
      %scatter3A_588 = tpu.memref_squeeze %scatter3A_587 : memref<1x64x12xf32, #tpu.memory_space<vmem>> -> memref<64x12xf32, #tpu.memory_space<vmem>>
      tpu.vector_store_idx %scatter3A_588[%add3A_529, %broadcast_in_dim3A_581], %mul3A_583 : memref<64x12xf32, #tpu.memory_space<vmem>>[vector<16xi32>, vector<16xi32>], vector<16xf32>,
      %broadcast_in_dim3A_589 = arith.constant 6 : i32
      %broadcast_in_dim3A_590 = vector.broadcast %broadcast_in_dim3A_589 : i32 to vector<16xi32>
      %mul3A_591 = vector.broadcast %scan3A_243 : f32 to vector<16xf32>
      %mul3A_592 = arith.mulf %scan3A_534#6, %mul3A_591 : vector<16xf32>
      %scatter3A_593 = arith.constant 1 : i32
      %scatter3A_594 = arith.constant 0 : i32
      %scatter3A_595 = arith.constant 0 : i32
      %scatter3A_596 = tpu.memref_slice %arg7[%scatter3A_593, %scatter3A_594, %scatter3A_595] : memref<2x64x12xf32, #tpu.memory_space<vmem>> -> memref<1x64x12xf32, #tpu.memory_space<vmem>>
      %scatter3A_597 = tpu.memref_squeeze %scatter3A_596 : memref<1x64x12xf32, #tpu.memory_space<vmem>> -> memref<64x12xf32, #tpu.memory_space<vmem>>
      tpu.vector_store_idx %scatter3A_597[%add3A_529, %broadcast_in_dim3A_590], %mul3A_592 : memref<64x12xf32, #tpu.memory_space<vmem>>[vector<16xi32>, vector<16xi32>], vector<16xf32>,
      %broadcast_in_dim3A_598 = arith.constant 7 : i32
      %broadcast_in_dim3A_599 = vector.broadcast %broadcast_in_dim3A_598 : i32 to vector<16xi32>
      %mul3A_600 = vector.broadcast %scan3A_243 : f32 to vector<16xf32>
      %mul3A_601 = arith.mulf %scan3A_534#7, %mul3A_600 : vector<16xf32>
      %scatter3A_602 = arith.constant 1 : i32
      %scatter3A_603 = arith.constant 0 : i32
      %scatter3A_604 = arith.constant 0 : i32
      %scatter3A_605 = tpu.memref_slice %arg7[%scatter3A_602, %scatter3A_603, %scatter3A_604] : memref<2x64x12xf32, #tpu.memory_space<vmem>> -> memref<1x64x12xf32, #tpu.memory_space<vmem>>
      %scatter3A_606 = tpu.memref_squeeze %scatter3A_605 : memref<1x64x12xf32, #tpu.memory_space<vmem>> -> memref<64x12xf32, #tpu.memory_space<vmem>>
      tpu.vector_store_idx %scatter3A_606[%add3A_529, %broadcast_in_dim3A_599], %mul3A_601 : memref<64x12xf32, #tpu.memory_space<vmem>>[vector<16xi32>, vector<16xi32>], vector<16xf32>,
      %broadcast_in_dim3A_607 = arith.constant 8 : i32
      %broadcast_in_dim3A_608 = vector.broadcast %broadcast_in_dim3A_607 : i32 to vector<16xi32>
      %mul3A_609 = vector.broadcast %scan3A_243 : f32 to vector<16xf32>
      %mul3A_610 = arith.mulf %scan3A_534#8, %mul3A_609 : vector<16xf32>
      %scatter3A_611 = arith.constant 1 : i32
      %scatter3A_612 = arith.constant 0 : i32
      %scatter3A_613 = arith.constant 0 : i32
      %scatter3A_614 = tpu.memref_slice %arg7[%scatter3A_611, %scatter3A_612, %scatter3A_613] : memref<2x64x12xf32, #tpu.memory_space<vmem>> -> memref<1x64x12xf32, #tpu.memory_space<vmem>>
      %scatter3A_615 = tpu.memref_squeeze %scatter3A_614 : memref<1x64x12xf32, #tpu.memory_space<vmem>> -> memref<64x12xf32, #tpu.memory_space<vmem>>
      tpu.vector_store_idx %scatter3A_615[%add3A_529, %broadcast_in_dim3A_608], %mul3A_610 : memref<64x12xf32, #tpu.memory_space<vmem>>[vector<16xi32>, vector<16xi32>], vector<16xf32>,
      %broadcast_in_dim3A_616 = arith.constant 9 : i32
      %broadcast_in_dim3A_617 = vector.broadcast %broadcast_in_dim3A_616 : i32 to vector<16xi32>
      %mul3A_618 = vector.broadcast %scan3A_243 : f32 to vector<16xf32>
      %mul3A_619 = arith.mulf %scan3A_534#9, %mul3A_618 : vector<16xf32>
      %scatter3A_620 = arith.constant 1 : i32
      %scatter3A_621 = arith.constant 0 : i32
      %scatter3A_622 = arith.constant 0 : i32
      %scatter3A_623 = tpu.memref_slice %arg7[%scatter3A_620, %scatter3A_621, %scatter3A_622] : memref<2x64x12xf32, #tpu.memory_space<vmem>> -> memref<1x64x12xf32, #tpu.memory_space<vmem>>
      %scatter3A_624 = tpu.memref_squeeze %scatter3A_623 : memref<1x64x12xf32, #tpu.memory_space<vmem>> -> memref<64x12xf32, #tpu.memory_space<vmem>>
      tpu.vector_store_idx %scatter3A_624[%add3A_529, %broadcast_in_dim3A_617], %mul3A_619 : memref<64x12xf32, #tpu.memory_space<vmem>>[vector<16xi32>, vector<16xi32>], vector<16xf32>,
      %broadcast_in_dim3A_625 = arith.constant 10 : i32
      %broadcast_in_dim3A_626 = vector.broadcast %broadcast_in_dim3A_625 : i32 to vector<16xi32>
      %mul3A_627 = vector.broadcast %scan3A_243 : f32 to vector<16xf32>
      %mul3A_628 = arith.mulf %scan3A_534#10, %mul3A_627 : vector<16xf32>
      %scatter3A_629 = arith.constant 1 : i32
      %scatter3A_630 = arith.constant 0 : i32
      %scatter3A_631 = arith.constant 0 : i32
      %scatter3A_632 = tpu.memref_slice %arg7[%scatter3A_629, %scatter3A_630, %scatter3A_631] : memref<2x64x12xf32, #tpu.memory_space<vmem>> -> memref<1x64x12xf32, #tpu.memory_space<vmem>>
      %scatter3A_633 = tpu.memref_squeeze %scatter3A_632 : memref<1x64x12xf32, #tpu.memory_space<vmem>> -> memref<64x12xf32, #tpu.memory_space<vmem>>
      tpu.vector_store_idx %scatter3A_633[%add3A_529, %broadcast_in_dim3A_626], %mul3A_628 : memref<64x12xf32, #tpu.memory_space<vmem>>[vector<16xi32>, vector<16xi32>], vector<16xf32>,
      %broadcast_in_dim3A_634 = arith.constant 11 : i32
      %broadcast_in_dim3A_635 = vector.broadcast %broadcast_in_dim3A_634 : i32 to vector<16xi32>
      %mul3A_636 = vector.broadcast %scan3A_243 : f32 to vector<16xf32>
      %mul3A_637 = arith.mulf %scan3A_534#11, %mul3A_636 : vector<16xf32>
      %scatter3A_638 = arith.constant 1 : i32
      %scatter3A_639 = arith.constant 0 : i32
      %scatter3A_640 = arith.constant 0 : i32
      %scatter3A_641 = tpu.memref_slice %arg7[%scatter3A_638, %scatter3A_639, %scatter3A_640] : memref<2x64x12xf32, #tpu.memory_space<vmem>> -> memref<1x64x12xf32, #tpu.memory_space<vmem>>
      %scatter3A_642 = tpu.memref_squeeze %scatter3A_641 : memref<1x64x12xf32, #tpu.memory_space<vmem>> -> memref<64x12xf32, #tpu.memory_space<vmem>>
      tpu.vector_store_idx %scatter3A_642[%add3A_529, %broadcast_in_dim3A_635], %mul3A_637 : memref<64x12xf32, #tpu.memory_space<vmem>>[vector<16xi32>, vector<16xi32>], vector<16xf32>,
    }
    %scan3A_248 = arith.constant 4 : i32
    %dma_start3A_249 = arith.constant 1 : i32
    %dma_start3A_250 = arith.constant 0 : i32
    %dma_start3A_251 = arith.constant 0 : i32
    %dma_start3A_252 = tpu.memref_slice %arg7[%dma_start3A_249, %dma_start3A_250, %dma_start3A_251] : memref<2x64x12xf32, #tpu.memory_space<vmem>> -> memref<1x64x12xf32, #tpu.memory_space<vmem>>
    %dma_start3A_253 = tpu.memref_squeeze %dma_start3A_252 : memref<1x64x12xf32, #tpu.memory_space<vmem>> -> memref<64x12xf32, #tpu.memory_space<vmem>>
    %dma_start3A_254 = arith.constant 0 : i32
    %dma_start3A_255 = tpu.memref_slice %arg4[%add3A_200, %dma_start3A_254] : memref<16384x12xf32, #tpu.memory_space<hbm>> -> memref<64x12xf32, #tpu.memory_space<hbm>>
    %dma_start3A_256 = arith.constant 0 : i32
    %dma_start3A_257 = tpu.memref_slice %arg4[%add3A_200, %dma_start3A_256] : memref<16384x12xf32, #tpu.memory_space<hbm>> -> memref<64x12xf32, #tpu.memory_space<hbm>>
    %dma_start3A_258 = arith.constant 0 : i32
    %dma_start3A_259 = arith.constant 0 : i32
    %dma_start3A_260 = tpu.memref_slice %arg7[%dma_start3A_249, %dma_start3A_258, %dma_start3A_259] : memref<2x64x12xf32, #tpu.memory_space<vmem>> -> memref<1x64x12xf32, #tpu.memory_space<vmem>>
    %dma_start3A_261 = tpu.memref_squeeze %dma_start3A_260 : memref<1x64x12xf32, #tpu.memory_space<vmem>> -> memref<64x12xf32, #tpu.memory_space<vmem>>
    tpu.enqueue_dma source(%dma_start3A_261 : memref<64x12xf32, #tpu.memory_space<vmem>>) target(%dma_start3A_257 : memref<64x12xf32, #tpu.memory_space<hbm>>) target_semaphore(%arg11 : memref<!tpu.dma_semaphore, #tpu.memory_space<semaphore_mem>>)
    %add3A_262 = arith.constant 256 : i32
    %add3A_263 = arith.addi %mul3A_2, %add3A_262 : i32
    %add3A_264 = arith.constant 64 : i32
    %add3A_265 = arith.addi %add3A_263, %add3A_264 : i32
    %dma_start3A_266 = arith.constant 1 : i32
    %dma_start3A_267 = arith.constant 0 : i32
    %dma_start3A_268 = arith.constant 0 : i32
    %dma_start3A_269 = tpu.memref_slice %arg6[%dma_start3A_266, %dma_start3A_267, %dma_start3A_268] : memref<2x64x200xi32, #tpu.memory_space<vmem>> -> memref<1x64x200xi32, #tpu.memory_space<vmem>>
    %dma_start3A_270 = tpu.memref_squeeze %dma_start3A_269 : memref<1x64x200xi32, #tpu.memory_space<vmem>> -> memref<64x200xi32, #tpu.memory_space<vmem>>
    %dma_start3A_271 = arith.constant 0 : i32
    %dma_start3A_272 = tpu.memref_slice %arg2[%add3A_265, %dma_start3A_271] : memref<16384x200xi32, #tpu.memory_space<hbm>> -> memref<64x200xi32, #tpu.memory_space<hbm>>
    %dma_start3A_273 = arith.constant 0 : i32
    %dma_start3A_274 = arith.constant 0 : i32
    %dma_start3A_275 = tpu.memref_slice %arg6[%dma_start3A_266, %dma_start3A_273, %dma_start3A_274] : memref<2x64x200xi32, #tpu.memory_space<vmem>> -> memref<1x64x200xi32, #tpu.memory_space<vmem>>
    %dma_start3A_276 = tpu.memref_squeeze %dma_start3A_275 : memref<1x64x200xi32, #tpu.memory_space<vmem>> -> memref<64x200xi32, #tpu.memory_space<vmem>>
    %dma_start3A_277 = arith.constant 0 : i32
    %dma_start3A_278 = tpu.memref_slice %arg2[%add3A_265, %dma_start3A_277] : memref<16384x200xi32, #tpu.memory_space<hbm>> -> memref<64x200xi32, #tpu.memory_space<hbm>>
    tpu.enqueue_dma source(%dma_start3A_278 : memref<64x200xi32, #tpu.memory_space<hbm>>) target(%dma_start3A_276 : memref<64x200xi32, #tpu.memory_space<vmem>>) target_semaphore(%arg9 : memref<!tpu.dma_semaphore, #tpu.memory_space<semaphore_mem>>)
    %dma_wait3A_279 = arith.constant 0 : i32
    %dma_wait3A_280 = arith.constant 0 : i32
    %dma_wait3A_281 = arith.constant 0 : i32
    %dma_wait3A_282 = tpu.memref_slice %arg6[%dma_wait3A_279, %dma_wait3A_280, %dma_wait3A_281] : memref<2x64x200xi32, #tpu.memory_space<vmem>> -> memref<1x64x200xi32, #tpu.memory_space<vmem>>
    %dma_wait3A_283 = tpu.memref_squeeze %dma_wait3A_282 : memref<1x64x200xi32, #tpu.memory_space<vmem>> -> memref<64x200xi32, #tpu.memory_space<vmem>>
    %dma_wait3A_284 = arith.constant 0 : i32
    %dma_wait3A_285 = tpu.memref_slice %arg2[%add3A_202, %dma_wait3A_284] : memref<16384x200xi32, #tpu.memory_space<hbm>> -> memref<64x200xi32, #tpu.memory_space<hbm>>
    %dma_wait3A_286 = arith.constant 0 : i32
    %dma_wait3A_287 = arith.constant 0 : i32
    %dma_wait3A_288 = tpu.memref_slice %arg6[%dma_wait3A_279, %dma_wait3A_286, %dma_wait3A_287] : memref<2x64x200xi32, #tpu.memory_space<vmem>> -> memref<1x64x200xi32, #tpu.memory_space<vmem>>
    %dma_wait3A_289 = tpu.memref_squeeze %dma_wait3A_288 : memref<1x64x200xi32, #tpu.memory_space<vmem>> -> memref<64x200xi32, #tpu.memory_space<vmem>>
    %dma_wait3A_290 = arith.constant 0 : i32
    %dma_wait3A_291 = tpu.memref_slice %arg2[%add3A_202, %dma_wait3A_290] : memref<16384x200xi32, #tpu.memory_space<hbm>> -> memref<64x200xi32, #tpu.memory_space<hbm>>
    tpu.wait_dma2 semaphore(%arg8 : memref<!tpu.dma_semaphore, #tpu.memory_space<semaphore_mem>>) src(%dma_wait3A_291 : memref<64x200xi32, #tpu.memory_space<hbm>>) dst(%dma_wait3A_289 : memref<64x200xi32, #tpu.memory_space<vmem>>)
    %dma_wait3A_292 = arith.constant 0 : i32
    %dma_wait3A_293 = arith.constant 0 : i32
    %dma_wait3A_294 = arith.constant 0 : i32
    %dma_wait3A_295 = tpu.memref_slice %arg7[%dma_wait3A_292, %dma_wait3A_293, %dma_wait3A_294] : memref<2x64x12xf32, #tpu.memory_space<vmem>> -> memref<1x64x12xf32, #tpu.memory_space<vmem>>
    %dma_wait3A_296 = tpu.memref_squeeze %dma_wait3A_295 : memref<1x64x12xf32, #tpu.memory_space<vmem>> -> memref<64x12xf32, #tpu.memory_space<vmem>>
    %dma_wait3A_297 = arith.constant 0 : i32
    %dma_wait3A_298 = tpu.memref_slice %arg4[%add3A_137, %dma_wait3A_297] : memref<16384x12xf32, #tpu.memory_space<hbm>> -> memref<64x12xf32, #tpu.memory_space<hbm>>
    %dma_wait3A_299 = arith.constant 0 : i32
    %dma_wait3A_300 = tpu.memref_slice %arg4[%add3A_137, %dma_wait3A_299] : memref<16384x12xf32, #tpu.memory_space<hbm>> -> memref<64x12xf32, #tpu.memory_space<hbm>>
    %dma_wait3A_301 = arith.constant 0 : i32
    %dma_wait3A_302 = arith.constant 0 : i32
    %dma_wait3A_303 = tpu.memref_slice %arg7[%dma_wait3A_292, %dma_wait3A_301, %dma_wait3A_302] : memref<2x64x12xf32, #tpu.memory_space<vmem>> -> memref<1x64x12xf32, #tpu.memory_space<vmem>>
    %dma_wait3A_304 = tpu.memref_squeeze %dma_wait3A_303 : memref<1x64x12xf32, #tpu.memory_space<vmem>> -> memref<64x12xf32, #tpu.memory_space<vmem>>
    tpu.wait_dma2 semaphore(%arg10 : memref<!tpu.dma_semaphore, #tpu.memory_space<semaphore_mem>>) src(%dma_wait3A_304 : memref<64x12xf32, #tpu.memory_space<vmem>>) dst(%dma_wait3A_300 : memref<64x12xf32, #tpu.memory_space<hbm>>)
    %scan3A_305 = arith.constant 0 : i32
    %scan3A_306 = arith.constant 5.000000e-03 : f32
    %scan3A_307 = arith.constant 0 : i32
    %scan3A_308 = arith.constant 4 : i32
    %scan3A_309 = arith.addi %scan3A_307, %scan3A_308 : i32
    %scan3A_310 = arith.constant 1 : i32
    scf.for %scan3A_525 = %scan3A_307 to %scan3A_309 step %scan3A_310  : i32 {
      %mul3A_526 = arith.constant 16 : i32
      %mul3A_527 = arith.muli %scan3A_525, %mul3A_526 : i32
      %add3A_528 = vector.broadcast %mul3A_527 : i32 to vector<16xi32>
      %add3A_529 = arith.addi %add3A_528, %iota3A : vector<16xi32>
      %scan3A_530 = arith.constant 0 : i32
      %scan3A_531 = arith.constant 200 : i32
      %scan3A_532 = arith.addi %scan3A_530, %scan3A_531 : i32
      %scan3A_533 = arith.constant 2 : i32
      %scan3A_534:12 = scf.for %scan3A_643 = %scan3A_530 to %scan3A_532 step %scan3A_533 iter_args(%scan3A_644 = %broadcast_in_dim3A_15, %scan3A_645 = %broadcast_in_dim3A_17, %scan3A_646 = %broadcast_in_dim3A_19, %scan3A_647 = %broadcast_in_dim3A_21, %scan3A_648 = %broadcast_in_dim3A_23, %scan3A_649 = %broadcast_in_dim3A_25, %scan3A_650 = %broadcast_in_dim3A_27, %scan3A_651 = %broadcast_in_dim3A_29, %scan3A_652 = %broadcast_in_dim3A_31, %scan3A_653 = %broadcast_in_dim3A_33, %scan3A_654 = %broadcast_in_dim3A_35, %scan3A_655 = %broadcast_in_dim3A_37) -> (vector<16xf32>, vector<16xf32>, vector<16xf32>, vector<16xf32>, vector<16xf32>, vector<16xf32>, vector<16xf32>, vector<16xf32>, vector<16xf32>, vector<16xf32>, vector<16xf32>, vector<16xf32>)  : i32 {
        %broadcast_in_dim3A_656 = vector.broadcast %scan3A_643 : i32 to vector<16xi32>
        %gather3A = arith.constant 0 : i32
        %gather3A_657 = arith.constant 0 : i32
        %gather3A_658 = arith.constant 0 : i32
        %gather3A_659 = tpu.memref_slice %arg6[%gather3A, %gather3A_657, %gather3A_658] : memref<2x64x200xi32, #tpu.memory_space<vmem>> -> memref<1x64x200xi32, #tpu.memory_space<vmem>>
        %gather3A_660 = tpu.memref_squeeze %gather3A_659 : memref<1x64x200xi32, #tpu.memory_space<vmem>> -> memref<64x200xi32, #tpu.memory_space<vmem>>
        %gather3A_661 = tpu.vector_load_idx %gather3A_660[%add3A_529, %broadcast_in_dim3A_656] : memref<64x200xi32, #tpu.memory_space<vmem>>[vector<16xi32>, vector<16xi32>], vector<16xi32>,
        %mul3A_662 = arith.constant 12 : i32
        %mul3A_663 = vector.broadcast %mul3A_662 : i32 to vector<16xi32>
        %mul3A_664 = arith.muli %gather3A_661, %mul3A_663 : vector<16xi32>
        %add3A_665 = arith.constant 0 : i32
        %add3A_666 = vector.broadcast %add3A_665 : i32 to vector<16xi32>
        %add3A_667 = arith.addi %mul3A_664, %add3A_666 : vector<16xi32>
        %gather3A_668 = tpu.vector_load_idx %arg5[%add3A_667] : memref<12000xf32, #tpu.memory_space<vmem>>[vector<16xi32>], vector<16xf32>,
        %add3A_669 = arith.addf %scan3A_644, %gather3A_668 : vector<16xf32>
        %add3A_670 = arith.constant 1 : i32
        %add3A_671 = vector.broadcast %add3A_670 : i32 to vector<16xi32>
        %add3A_672 = arith.addi %mul3A_664, %add3A_671 : vector<16xi32>
        %gather3A_673 = tpu.vector_load_idx %arg5[%add3A_672] : memref<12000xf32, #tpu.memory_space<vmem>>[vector<16xi32>], vector<16xf32>,
        %add3A_674 = arith.addf %scan3A_645, %gather3A_673 : vector<16xf32>
        %add3A_675 = arith.constant 2 : i32
        %add3A_676 = vector.broadcast %add3A_675 : i32 to vector<16xi32>
        %add3A_677 = arith.addi %mul3A_664, %add3A_676 : vector<16xi32>
        %gather3A_678 = tpu.vector_load_idx %arg5[%add3A_677] : memref<12000xf32, #tpu.memory_space<vmem>>[vector<16xi32>], vector<16xf32>,
        %add3A_679 = arith.addf %scan3A_646, %gather3A_678 : vector<16xf32>
        %add3A_680 = arith.constant 3 : i32
        %add3A_681 = vector.broadcast %add3A_680 : i32 to vector<16xi32>
        %add3A_682 = arith.addi %mul3A_664, %add3A_681 : vector<16xi32>
        %gather3A_683 = tpu.vector_load_idx %arg5[%add3A_682] : memref<12000xf32, #tpu.memory_space<vmem>>[vector<16xi32>], vector<16xf32>,
        %add3A_684 = arith.addf %scan3A_647, %gather3A_683 : vector<16xf32>
        %add3A_685 = arith.constant 4 : i32
        %add3A_686 = vector.broadcast %add3A_685 : i32 to vector<16xi32>
        %add3A_687 = arith.addi %mul3A_664, %add3A_686 : vector<16xi32>
        %gather3A_688 = tpu.vector_load_idx %arg5[%add3A_687] : memref<12000xf32, #tpu.memory_space<vmem>>[vector<16xi32>], vector<16xf32>,
        %add3A_689 = arith.addf %scan3A_648, %gather3A_688 : vector<16xf32>
        %add3A_690 = arith.constant 5 : i32
        %add3A_691 = vector.broadcast %add3A_690 : i32 to vector<16xi32>
        %add3A_692 = arith.addi %mul3A_664, %add3A_691 : vector<16xi32>
        %gather3A_693 = tpu.vector_load_idx %arg5[%add3A_692] : memref<12000xf32, #tpu.memory_space<vmem>>[vector<16xi32>], vector<16xf32>,
        %add3A_694 = arith.addf %scan3A_649, %gather3A_693 : vector<16xf32>
        %add3A_695 = arith.constant 6 : i32
        %add3A_696 = vector.broadcast %add3A_695 : i32 to vector<16xi32>
        %add3A_697 = arith.addi %mul3A_664, %add3A_696 : vector<16xi32>
        %gather3A_698 = tpu.vector_load_idx %arg5[%add3A_697] : memref<12000xf32, #tpu.memory_space<vmem>>[vector<16xi32>], vector<16xf32>,
        %add3A_699 = arith.addf %scan3A_650, %gather3A_698 : vector<16xf32>
        %add3A_700 = arith.constant 7 : i32
        %add3A_701 = vector.broadcast %add3A_700 : i32 to vector<16xi32>
        %add3A_702 = arith.addi %mul3A_664, %add3A_701 : vector<16xi32>
        %gather3A_703 = tpu.vector_load_idx %arg5[%add3A_702] : memref<12000xf32, #tpu.memory_space<vmem>>[vector<16xi32>], vector<16xf32>,
        %add3A_704 = arith.addf %scan3A_651, %gather3A_703 : vector<16xf32>
        %add3A_705 = arith.constant 8 : i32
        %add3A_706 = vector.broadcast %add3A_705 : i32 to vector<16xi32>
        %add3A_707 = arith.addi %mul3A_664, %add3A_706 : vector<16xi32>
        %gather3A_708 = tpu.vector_load_idx %arg5[%add3A_707] : memref<12000xf32, #tpu.memory_space<vmem>>[vector<16xi32>], vector<16xf32>,
        %add3A_709 = arith.addf %scan3A_652, %gather3A_708 : vector<16xf32>
        %add3A_710 = arith.constant 9 : i32
        %add3A_711 = vector.broadcast %add3A_710 : i32 to vector<16xi32>
        %add3A_712 = arith.addi %mul3A_664, %add3A_711 : vector<16xi32>
        %gather3A_713 = tpu.vector_load_idx %arg5[%add3A_712] : memref<12000xf32, #tpu.memory_space<vmem>>[vector<16xi32>], vector<16xf32>,
        %add3A_714 = arith.addf %scan3A_653, %gather3A_713 : vector<16xf32>
        %add3A_715 = arith.constant 10 : i32
        %add3A_716 = vector.broadcast %add3A_715 : i32 to vector<16xi32>
        %add3A_717 = arith.addi %mul3A_664, %add3A_716 : vector<16xi32>
        %gather3A_718 = tpu.vector_load_idx %arg5[%add3A_717] : memref<12000xf32, #tpu.memory_space<vmem>>[vector<16xi32>], vector<16xf32>,
        %add3A_719 = arith.addf %scan3A_654, %gather3A_718 : vector<16xf32>
        %add3A_720 = arith.constant 11 : i32
        %add3A_721 = vector.broadcast %add3A_720 : i32 to vector<16xi32>
        %add3A_722 = arith.addi %mul3A_664, %add3A_721 : vector<16xi32>
        %gather3A_723 = tpu.vector_load_idx %arg5[%add3A_722] : memref<12000xf32, #tpu.memory_space<vmem>>[vector<16xi32>], vector<16xf32>,
        %add3A_724 = arith.addf %scan3A_655, %gather3A_723 : vector<16xf32>
        %scan3A_725 = arith.constant 1 : i32
        %scan3A_726 = arith.addi %scan3A_643, %scan3A_725 : i32
        %broadcast_in_dim3A_727 = vector.broadcast %scan3A_726 : i32 to vector<16xi32>
        %gather3A_728 = arith.constant 0 : i32
        %gather3A_729 = arith.constant 0 : i32
        %gather3A_730 = arith.constant 0 : i32
        %gather3A_731 = tpu.memref_slice %arg6[%gather3A_728, %gather3A_729, %gather3A_730] : memref<2x64x200xi32, #tpu.memory_space<vmem>> -> memref<1x64x200xi32, #tpu.memory_space<vmem>>
        %gather3A_732 = tpu.memref_squeeze %gather3A_731 : memref<1x64x200xi32, #tpu.memory_space<vmem>> -> memref<64x200xi32, #tpu.memory_space<vmem>>
        %gather3A_733 = tpu.vector_load_idx %gather3A_732[%add3A_529, %broadcast_in_dim3A_727] : memref<64x200xi32, #tpu.memory_space<vmem>>[vector<16xi32>, vector<16xi32>], vector<16xi32>,
        %mul3A_734 = arith.constant 12 : i32
        %mul3A_735 = vector.broadcast %mul3A_734 : i32 to vector<16xi32>
        %mul3A_736 = arith.muli %gather3A_733, %mul3A_735 : vector<16xi32>
        %add3A_737 = arith.constant 0 : i32
        %add3A_738 = vector.broadcast %add3A_737 : i32 to vector<16xi32>
        %add3A_739 = arith.addi %mul3A_736, %add3A_738 : vector<16xi32>
        %gather3A_740 = tpu.vector_load_idx %arg5[%add3A_739] : memref<12000xf32, #tpu.memory_space<vmem>>[vector<16xi32>], vector<16xf32>,
        %add3A_741 = arith.addf %add3A_669, %gather3A_740 : vector<16xf32>
        %add3A_742 = arith.constant 1 : i32
        %add3A_743 = vector.broadcast %add3A_742 : i32 to vector<16xi32>
        %add3A_744 = arith.addi %mul3A_736, %add3A_743 : vector<16xi32>
        %gather3A_745 = tpu.vector_load_idx %arg5[%add3A_744] : memref<12000xf32, #tpu.memory_space<vmem>>[vector<16xi32>], vector<16xf32>,
        %add3A_746 = arith.addf %add3A_674, %gather3A_745 : vector<16xf32>
        %add3A_747 = arith.constant 2 : i32
        %add3A_748 = vector.broadcast %add3A_747 : i32 to vector<16xi32>
        %add3A_749 = arith.addi %mul3A_736, %add3A_748 : vector<16xi32>
        %gather3A_750 = tpu.vector_load_idx %arg5[%add3A_749] : memref<12000xf32, #tpu.memory_space<vmem>>[vector<16xi32>], vector<16xf32>,
        %add3A_751 = arith.addf %add3A_679, %gather3A_750 : vector<16xf32>
        %add3A_752 = arith.constant 3 : i32
        %add3A_753 = vector.broadcast %add3A_752 : i32 to vector<16xi32>
        %add3A_754 = arith.addi %mul3A_736, %add3A_753 : vector<16xi32>
        %gather3A_755 = tpu.vector_load_idx %arg5[%add3A_754] : memref<12000xf32, #tpu.memory_space<vmem>>[vector<16xi32>], vector<16xf32>,
        %add3A_756 = arith.addf %add3A_684, %gather3A_755 : vector<16xf32>
        %add3A_757 = arith.constant 4 : i32
        %add3A_758 = vector.broadcast %add3A_757 : i32 to vector<16xi32>
        %add3A_759 = arith.addi %mul3A_736, %add3A_758 : vector<16xi32>
        %gather3A_760 = tpu.vector_load_idx %arg5[%add3A_759] : memref<12000xf32, #tpu.memory_space<vmem>>[vector<16xi32>], vector<16xf32>,
        %add3A_761 = arith.addf %add3A_689, %gather3A_760 : vector<16xf32>
        %add3A_762 = arith.constant 5 : i32
        %add3A_763 = vector.broadcast %add3A_762 : i32 to vector<16xi32>
        %add3A_764 = arith.addi %mul3A_736, %add3A_763 : vector<16xi32>
        %gather3A_765 = tpu.vector_load_idx %arg5[%add3A_764] : memref<12000xf32, #tpu.memory_space<vmem>>[vector<16xi32>], vector<16xf32>,
        %add3A_766 = arith.addf %add3A_694, %gather3A_765 : vector<16xf32>
        %add3A_767 = arith.constant 6 : i32
        %add3A_768 = vector.broadcast %add3A_767 : i32 to vector<16xi32>
        %add3A_769 = arith.addi %mul3A_736, %add3A_768 : vector<16xi32>
        %gather3A_770 = tpu.vector_load_idx %arg5[%add3A_769] : memref<12000xf32, #tpu.memory_space<vmem>>[vector<16xi32>], vector<16xf32>,
        %add3A_771 = arith.addf %add3A_699, %gather3A_770 : vector<16xf32>
        %add3A_772 = arith.constant 7 : i32
        %add3A_773 = vector.broadcast %add3A_772 : i32 to vector<16xi32>
        %add3A_774 = arith.addi %mul3A_736, %add3A_773 : vector<16xi32>
        %gather3A_775 = tpu.vector_load_idx %arg5[%add3A_774] : memref<12000xf32, #tpu.memory_space<vmem>>[vector<16xi32>], vector<16xf32>,
        %add3A_776 = arith.addf %add3A_704, %gather3A_775 : vector<16xf32>
        %add3A_777 = arith.constant 8 : i32
        %add3A_778 = vector.broadcast %add3A_777 : i32 to vector<16xi32>
        %add3A_779 = arith.addi %mul3A_736, %add3A_778 : vector<16xi32>
        %gather3A_780 = tpu.vector_load_idx %arg5[%add3A_779] : memref<12000xf32, #tpu.memory_space<vmem>>[vector<16xi32>], vector<16xf32>,
        %add3A_781 = arith.addf %add3A_709, %gather3A_780 : vector<16xf32>
        %add3A_782 = arith.constant 9 : i32
        %add3A_783 = vector.broadcast %add3A_782 : i32 to vector<16xi32>
        %add3A_784 = arith.addi %mul3A_736, %add3A_783 : vector<16xi32>
        %gather3A_785 = tpu.vector_load_idx %arg5[%add3A_784] : memref<12000xf32, #tpu.memory_space<vmem>>[vector<16xi32>], vector<16xf32>,
        %add3A_786 = arith.addf %add3A_714, %gather3A_785 : vector<16xf32>
        %add3A_787 = arith.constant 10 : i32
        %add3A_788 = vector.broadcast %add3A_787 : i32 to vector<16xi32>
        %add3A_789 = arith.addi %mul3A_736, %add3A_788 : vector<16xi32>
        %gather3A_790 = tpu.vector_load_idx %arg5[%add3A_789] : memref<12000xf32, #tpu.memory_space<vmem>>[vector<16xi32>], vector<16xf32>,
        %add3A_791 = arith.addf %add3A_719, %gather3A_790 : vector<16xf32>
        %add3A_792 = arith.constant 11 : i32
        %add3A_793 = vector.broadcast %add3A_792 : i32 to vector<16xi32>
        %add3A_794 = arith.addi %mul3A_736, %add3A_793 : vector<16xi32>
        %gather3A_795 = tpu.vector_load_idx %arg5[%add3A_794] : memref<12000xf32, #tpu.memory_space<vmem>>[vector<16xi32>], vector<16xf32>,
        %add3A_796 = arith.addf %add3A_724, %gather3A_795 : vector<16xf32>
        scf.yield %add3A_741, %add3A_746, %add3A_751, %add3A_756, %add3A_761, %add3A_766, %add3A_771, %add3A_776, %add3A_781, %add3A_786, %add3A_791, %add3A_796 : vector<16xf32>, vector<16xf32>, vector<16xf32>, vector<16xf32>, vector<16xf32>, vector<16xf32>, vector<16xf32>, vector<16xf32>, vector<16xf32>, vector<16xf32>, vector<16xf32>, vector<16xf32>
      }
      %scan3A_535 = arith.constant 200 : i32
      %broadcast_in_dim3A_536 = arith.constant 0 : i32
      %broadcast_in_dim3A_537 = vector.broadcast %broadcast_in_dim3A_536 : i32 to vector<16xi32>
      %mul3A_538 = vector.broadcast %scan3A_306 : f32 to vector<16xf32>
      %mul3A_539 = arith.mulf %scan3A_534#0, %mul3A_538 : vector<16xf32>
      %scatter3A = arith.constant 0 : i32
      %scatter3A_540 = arith.constant 0 : i32
      %scatter3A_541 = arith.constant 0 : i32
      %scatter3A_542 = tpu.memref_slice %arg7[%scatter3A, %scatter3A_540, %scatter3A_541] : memref<2x64x12xf32, #tpu.memory_space<vmem>> -> memref<1x64x12xf32, #tpu.memory_space<vmem>>
      %scatter3A_543 = tpu.memref_squeeze %scatter3A_542 : memref<1x64x12xf32, #tpu.memory_space<vmem>> -> memref<64x12xf32, #tpu.memory_space<vmem>>
      tpu.vector_store_idx %scatter3A_543[%add3A_529, %broadcast_in_dim3A_537], %mul3A_539 : memref<64x12xf32, #tpu.memory_space<vmem>>[vector<16xi32>, vector<16xi32>], vector<16xf32>,
      %broadcast_in_dim3A_544 = arith.constant 1 : i32
      %broadcast_in_dim3A_545 = vector.broadcast %broadcast_in_dim3A_544 : i32 to vector<16xi32>
      %mul3A_546 = vector.broadcast %scan3A_306 : f32 to vector<16xf32>
      %mul3A_547 = arith.mulf %scan3A_534#1, %mul3A_546 : vector<16xf32>
      %scatter3A_548 = arith.constant 0 : i32
      %scatter3A_549 = arith.constant 0 : i32
      %scatter3A_550 = arith.constant 0 : i32
      %scatter3A_551 = tpu.memref_slice %arg7[%scatter3A_548, %scatter3A_549, %scatter3A_550] : memref<2x64x12xf32, #tpu.memory_space<vmem>> -> memref<1x64x12xf32, #tpu.memory_space<vmem>>
      %scatter3A_552 = tpu.memref_squeeze %scatter3A_551 : memref<1x64x12xf32, #tpu.memory_space<vmem>> -> memref<64x12xf32, #tpu.memory_space<vmem>>
      tpu.vector_store_idx %scatter3A_552[%add3A_529, %broadcast_in_dim3A_545], %mul3A_547 : memref<64x12xf32, #tpu.memory_space<vmem>>[vector<16xi32>, vector<16xi32>], vector<16xf32>,
      %broadcast_in_dim3A_553 = arith.constant 2 : i32
      %broadcast_in_dim3A_554 = vector.broadcast %broadcast_in_dim3A_553 : i32 to vector<16xi32>
      %mul3A_555 = vector.broadcast %scan3A_306 : f32 to vector<16xf32>
      %mul3A_556 = arith.mulf %scan3A_534#2, %mul3A_555 : vector<16xf32>
      %scatter3A_557 = arith.constant 0 : i32
      %scatter3A_558 = arith.constant 0 : i32
      %scatter3A_559 = arith.constant 0 : i32
      %scatter3A_560 = tpu.memref_slice %arg7[%scatter3A_557, %scatter3A_558, %scatter3A_559] : memref<2x64x12xf32, #tpu.memory_space<vmem>> -> memref<1x64x12xf32, #tpu.memory_space<vmem>>
      %scatter3A_561 = tpu.memref_squeeze %scatter3A_560 : memref<1x64x12xf32, #tpu.memory_space<vmem>> -> memref<64x12xf32, #tpu.memory_space<vmem>>
      tpu.vector_store_idx %scatter3A_561[%add3A_529, %broadcast_in_dim3A_554], %mul3A_556 : memref<64x12xf32, #tpu.memory_space<vmem>>[vector<16xi32>, vector<16xi32>], vector<16xf32>,
      %broadcast_in_dim3A_562 = arith.constant 3 : i32
      %broadcast_in_dim3A_563 = vector.broadcast %broadcast_in_dim3A_562 : i32 to vector<16xi32>
      %mul3A_564 = vector.broadcast %scan3A_306 : f32 to vector<16xf32>
      %mul3A_565 = arith.mulf %scan3A_534#3, %mul3A_564 : vector<16xf32>
      %scatter3A_566 = arith.constant 0 : i32
      %scatter3A_567 = arith.constant 0 : i32
      %scatter3A_568 = arith.constant 0 : i32
      %scatter3A_569 = tpu.memref_slice %arg7[%scatter3A_566, %scatter3A_567, %scatter3A_568] : memref<2x64x12xf32, #tpu.memory_space<vmem>> -> memref<1x64x12xf32, #tpu.memory_space<vmem>>
      %scatter3A_570 = tpu.memref_squeeze %scatter3A_569 : memref<1x64x12xf32, #tpu.memory_space<vmem>> -> memref<64x12xf32, #tpu.memory_space<vmem>>
      tpu.vector_store_idx %scatter3A_570[%add3A_529, %broadcast_in_dim3A_563], %mul3A_565 : memref<64x12xf32, #tpu.memory_space<vmem>>[vector<16xi32>, vector<16xi32>], vector<16xf32>,
      %broadcast_in_dim3A_571 = arith.constant 4 : i32
      %broadcast_in_dim3A_572 = vector.broadcast %broadcast_in_dim3A_571 : i32 to vector<16xi32>
      %mul3A_573 = vector.broadcast %scan3A_306 : f32 to vector<16xf32>
      %mul3A_574 = arith.mulf %scan3A_534#4, %mul3A_573 : vector<16xf32>
      %scatter3A_575 = arith.constant 0 : i32
      %scatter3A_576 = arith.constant 0 : i32
      %scatter3A_577 = arith.constant 0 : i32
      %scatter3A_578 = tpu.memref_slice %arg7[%scatter3A_575, %scatter3A_576, %scatter3A_577] : memref<2x64x12xf32, #tpu.memory_space<vmem>> -> memref<1x64x12xf32, #tpu.memory_space<vmem>>
      %scatter3A_579 = tpu.memref_squeeze %scatter3A_578 : memref<1x64x12xf32, #tpu.memory_space<vmem>> -> memref<64x12xf32, #tpu.memory_space<vmem>>
      tpu.vector_store_idx %scatter3A_579[%add3A_529, %broadcast_in_dim3A_572], %mul3A_574 : memref<64x12xf32, #tpu.memory_space<vmem>>[vector<16xi32>, vector<16xi32>], vector<16xf32>,
      %broadcast_in_dim3A_580 = arith.constant 5 : i32
      %broadcast_in_dim3A_581 = vector.broadcast %broadcast_in_dim3A_580 : i32 to vector<16xi32>
      %mul3A_582 = vector.broadcast %scan3A_306 : f32 to vector<16xf32>
      %mul3A_583 = arith.mulf %scan3A_534#5, %mul3A_582 : vector<16xf32>
      %scatter3A_584 = arith.constant 0 : i32
      %scatter3A_585 = arith.constant 0 : i32
      %scatter3A_586 = arith.constant 0 : i32
      %scatter3A_587 = tpu.memref_slice %arg7[%scatter3A_584, %scatter3A_585, %scatter3A_586] : memref<2x64x12xf32, #tpu.memory_space<vmem>> -> memref<1x64x12xf32, #tpu.memory_space<vmem>>
      %scatter3A_588 = tpu.memref_squeeze %scatter3A_587 : memref<1x64x12xf32, #tpu.memory_space<vmem>> -> memref<64x12xf32, #tpu.memory_space<vmem>>
      tpu.vector_store_idx %scatter3A_588[%add3A_529, %broadcast_in_dim3A_581], %mul3A_583 : memref<64x12xf32, #tpu.memory_space<vmem>>[vector<16xi32>, vector<16xi32>], vector<16xf32>,
      %broadcast_in_dim3A_589 = arith.constant 6 : i32
      %broadcast_in_dim3A_590 = vector.broadcast %broadcast_in_dim3A_589 : i32 to vector<16xi32>
      %mul3A_591 = vector.broadcast %scan3A_306 : f32 to vector<16xf32>
      %mul3A_592 = arith.mulf %scan3A_534#6, %mul3A_591 : vector<16xf32>
      %scatter3A_593 = arith.constant 0 : i32
      %scatter3A_594 = arith.constant 0 : i32
      %scatter3A_595 = arith.constant 0 : i32
      %scatter3A_596 = tpu.memref_slice %arg7[%scatter3A_593, %scatter3A_594, %scatter3A_595] : memref<2x64x12xf32, #tpu.memory_space<vmem>> -> memref<1x64x12xf32, #tpu.memory_space<vmem>>
      %scatter3A_597 = tpu.memref_squeeze %scatter3A_596 : memref<1x64x12xf32, #tpu.memory_space<vmem>> -> memref<64x12xf32, #tpu.memory_space<vmem>>
      tpu.vector_store_idx %scatter3A_597[%add3A_529, %broadcast_in_dim3A_590], %mul3A_592 : memref<64x12xf32, #tpu.memory_space<vmem>>[vector<16xi32>, vector<16xi32>], vector<16xf32>,
      %broadcast_in_dim3A_598 = arith.constant 7 : i32
      %broadcast_in_dim3A_599 = vector.broadcast %broadcast_in_dim3A_598 : i32 to vector<16xi32>
      %mul3A_600 = vector.broadcast %scan3A_306 : f32 to vector<16xf32>
      %mul3A_601 = arith.mulf %scan3A_534#7, %mul3A_600 : vector<16xf32>
      %scatter3A_602 = arith.constant 0 : i32
      %scatter3A_603 = arith.constant 0 : i32
      %scatter3A_604 = arith.constant 0 : i32
      %scatter3A_605 = tpu.memref_slice %arg7[%scatter3A_602, %scatter3A_603, %scatter3A_604] : memref<2x64x12xf32, #tpu.memory_space<vmem>> -> memref<1x64x12xf32, #tpu.memory_space<vmem>>
      %scatter3A_606 = tpu.memref_squeeze %scatter3A_605 : memref<1x64x12xf32, #tpu.memory_space<vmem>> -> memref<64x12xf32, #tpu.memory_space<vmem>>
      tpu.vector_store_idx %scatter3A_606[%add3A_529, %broadcast_in_dim3A_599], %mul3A_601 : memref<64x12xf32, #tpu.memory_space<vmem>>[vector<16xi32>, vector<16xi32>], vector<16xf32>,
      %broadcast_in_dim3A_607 = arith.constant 8 : i32
      %broadcast_in_dim3A_608 = vector.broadcast %broadcast_in_dim3A_607 : i32 to vector<16xi32>
      %mul3A_609 = vector.broadcast %scan3A_306 : f32 to vector<16xf32>
      %mul3A_610 = arith.mulf %scan3A_534#8, %mul3A_609 : vector<16xf32>
      %scatter3A_611 = arith.constant 0 : i32
      %scatter3A_612 = arith.constant 0 : i32
      %scatter3A_613 = arith.constant 0 : i32
      %scatter3A_614 = tpu.memref_slice %arg7[%scatter3A_611, %scatter3A_612, %scatter3A_613] : memref<2x64x12xf32, #tpu.memory_space<vmem>> -> memref<1x64x12xf32, #tpu.memory_space<vmem>>
      %scatter3A_615 = tpu.memref_squeeze %scatter3A_614 : memref<1x64x12xf32, #tpu.memory_space<vmem>> -> memref<64x12xf32, #tpu.memory_space<vmem>>
      tpu.vector_store_idx %scatter3A_615[%add3A_529, %broadcast_in_dim3A_608], %mul3A_610 : memref<64x12xf32, #tpu.memory_space<vmem>>[vector<16xi32>, vector<16xi32>], vector<16xf32>,
      %broadcast_in_dim3A_616 = arith.constant 9 : i32
      %broadcast_in_dim3A_617 = vector.broadcast %broadcast_in_dim3A_616 : i32 to vector<16xi32>
      %mul3A_618 = vector.broadcast %scan3A_306 : f32 to vector<16xf32>
      %mul3A_619 = arith.mulf %scan3A_534#9, %mul3A_618 : vector<16xf32>
      %scatter3A_620 = arith.constant 0 : i32
      %scatter3A_621 = arith.constant 0 : i32
      %scatter3A_622 = arith.constant 0 : i32
      %scatter3A_623 = tpu.memref_slice %arg7[%scatter3A_620, %scatter3A_621, %scatter3A_622] : memref<2x64x12xf32, #tpu.memory_space<vmem>> -> memref<1x64x12xf32, #tpu.memory_space<vmem>>
      %scatter3A_624 = tpu.memref_squeeze %scatter3A_623 : memref<1x64x12xf32, #tpu.memory_space<vmem>> -> memref<64x12xf32, #tpu.memory_space<vmem>>
      tpu.vector_store_idx %scatter3A_624[%add3A_529, %broadcast_in_dim3A_617], %mul3A_619 : memref<64x12xf32, #tpu.memory_space<vmem>>[vector<16xi32>, vector<16xi32>], vector<16xf32>,
      %broadcast_in_dim3A_625 = arith.constant 10 : i32
      %broadcast_in_dim3A_626 = vector.broadcast %broadcast_in_dim3A_625 : i32 to vector<16xi32>
      %mul3A_627 = vector.broadcast %scan3A_306 : f32 to vector<16xf32>
      %mul3A_628 = arith.mulf %scan3A_534#10, %mul3A_627 : vector<16xf32>
      %scatter3A_629 = arith.constant 0 : i32
      %scatter3A_630 = arith.constant 0 : i32
      %scatter3A_631 = arith.constant 0 : i32
      %scatter3A_632 = tpu.memref_slice %arg7[%scatter3A_629, %scatter3A_630, %scatter3A_631] : memref<2x64x12xf32, #tpu.memory_space<vmem>> -> memref<1x64x12xf32, #tpu.memory_space<vmem>>
      %scatter3A_633 = tpu.memref_squeeze %scatter3A_632 : memref<1x64x12xf32, #tpu.memory_space<vmem>> -> memref<64x12xf32, #tpu.memory_space<vmem>>
      tpu.vector_store_idx %scatter3A_633[%add3A_529, %broadcast_in_dim3A_626], %mul3A_628 : memref<64x12xf32, #tpu.memory_space<vmem>>[vector<16xi32>, vector<16xi32>], vector<16xf32>,
      %broadcast_in_dim3A_634 = arith.constant 11 : i32
      %broadcast_in_dim3A_635 = vector.broadcast %broadcast_in_dim3A_634 : i32 to vector<16xi32>
      %mul3A_636 = vector.broadcast %scan3A_306 : f32 to vector<16xf32>
      %mul3A_637 = arith.mulf %scan3A_534#11, %mul3A_636 : vector<16xf32>
      %scatter3A_638 = arith.constant 0 : i32
      %scatter3A_639 = arith.constant 0 : i32
      %scatter3A_640 = arith.constant 0 : i32
      %scatter3A_641 = tpu.memref_slice %arg7[%scatter3A_638, %scatter3A_639, %scatter3A_640] : memref<2x64x12xf32, #tpu.memory_space<vmem>> -> memref<1x64x12xf32, #tpu.memory_space<vmem>>
      %scatter3A_642 = tpu.memref_squeeze %scatter3A_641 : memref<1x64x12xf32, #tpu.memory_space<vmem>> -> memref<64x12xf32, #tpu.memory_space<vmem>>
      tpu.vector_store_idx %scatter3A_642[%add3A_529, %broadcast_in_dim3A_635], %mul3A_637 : memref<64x12xf32, #tpu.memory_space<vmem>>[vector<16xi32>, vector<16xi32>], vector<16xf32>,
    }
    %scan3A_311 = arith.constant 4 : i32
    %dma_start3A_312 = arith.constant 0 : i32
    %dma_start3A_313 = arith.constant 0 : i32
    %dma_start3A_314 = arith.constant 0 : i32
    %dma_start3A_315 = tpu.memref_slice %arg7[%dma_start3A_312, %dma_start3A_313, %dma_start3A_314] : memref<2x64x12xf32, #tpu.memory_space<vmem>> -> memref<1x64x12xf32, #tpu.memory_space<vmem>>
    %dma_start3A_316 = tpu.memref_squeeze %dma_start3A_315 : memref<1x64x12xf32, #tpu.memory_space<vmem>> -> memref<64x12xf32, #tpu.memory_space<vmem>>
    %dma_start3A_317 = arith.constant 0 : i32
    %dma_start3A_318 = tpu.memref_slice %arg4[%add3A_263, %dma_start3A_317] : memref<16384x12xf32, #tpu.memory_space<hbm>> -> memref<64x12xf32, #tpu.memory_space<hbm>>
    %dma_start3A_319 = arith.constant 0 : i32
    %dma_start3A_320 = tpu.memref_slice %arg4[%add3A_263, %dma_start3A_319] : memref<16384x12xf32, #tpu.memory_space<hbm>> -> memref<64x12xf32, #tpu.memory_space<hbm>>
    %dma_start3A_321 = arith.constant 0 : i32
    %dma_start3A_322 = arith.constant 0 : i32
    %dma_start3A_323 = tpu.memref_slice %arg7[%dma_start3A_312, %dma_start3A_321, %dma_start3A_322] : memref<2x64x12xf32, #tpu.memory_space<vmem>> -> memref<1x64x12xf32, #tpu.memory_space<vmem>>
    %dma_start3A_324 = tpu.memref_squeeze %dma_start3A_323 : memref<1x64x12xf32, #tpu.memory_space<vmem>> -> memref<64x12xf32, #tpu.memory_space<vmem>>
    tpu.enqueue_dma source(%dma_start3A_324 : memref<64x12xf32, #tpu.memory_space<vmem>>) target(%dma_start3A_320 : memref<64x12xf32, #tpu.memory_space<hbm>>) target_semaphore(%arg10 : memref<!tpu.dma_semaphore, #tpu.memory_space<semaphore_mem>>)
    %add3A_325 = arith.constant 320 : i32
    %add3A_326 = arith.addi %mul3A_2, %add3A_325 : i32
    %add3A_327 = arith.constant 64 : i32
    %add3A_328 = arith.addi %add3A_326, %add3A_327 : i32
    %dma_start3A_329 = arith.constant 0 : i32
    %dma_start3A_330 = arith.constant 0 : i32
    %dma_start3A_331 = arith.constant 0 : i32
    %dma_start3A_332 = tpu.memref_slice %arg6[%dma_start3A_329, %dma_start3A_330, %dma_start3A_331] : memref<2x64x200xi32, #tpu.memory_space<vmem>> -> memref<1x64x200xi32, #tpu.memory_space<vmem>>
    %dma_start3A_333 = tpu.memref_squeeze %dma_start3A_332 : memref<1x64x200xi32, #tpu.memory_space<vmem>> -> memref<64x200xi32, #tpu.memory_space<vmem>>
    %dma_start3A_334 = arith.constant 0 : i32
    %dma_start3A_335 = tpu.memref_slice %arg2[%add3A_328, %dma_start3A_334] : memref<16384x200xi32, #tpu.memory_space<hbm>> -> memref<64x200xi32, #tpu.memory_space<hbm>>
    %dma_start3A_336 = arith.constant 0 : i32
    %dma_start3A_337 = arith.constant 0 : i32
    %dma_start3A_338 = tpu.memref_slice %arg6[%dma_start3A_329, %dma_start3A_336, %dma_start3A_337] : memref<2x64x200xi32, #tpu.memory_space<vmem>> -> memref<1x64x200xi32, #tpu.memory_space<vmem>>
    %dma_start3A_339 = tpu.memref_squeeze %dma_start3A_338 : memref<1x64x200xi32, #tpu.memory_space<vmem>> -> memref<64x200xi32, #tpu.memory_space<vmem>>
    %dma_start3A_340 = arith.constant 0 : i32
    %dma_start3A_341 = tpu.memref_slice %arg2[%add3A_328, %dma_start3A_340] : memref<16384x200xi32, #tpu.memory_space<hbm>> -> memref<64x200xi32, #tpu.memory_space<hbm>>
    tpu.enqueue_dma source(%dma_start3A_341 : memref<64x200xi32, #tpu.memory_space<hbm>>) target(%dma_start3A_339 : memref<64x200xi32, #tpu.memory_space<vmem>>) target_semaphore(%arg8 : memref<!tpu.dma_semaphore, #tpu.memory_space<semaphore_mem>>)
    %dma_wait3A_342 = arith.constant 1 : i32
    %dma_wait3A_343 = arith.constant 0 : i32
    %dma_wait3A_344 = arith.constant 0 : i32
    %dma_wait3A_345 = tpu.memref_slice %arg6[%dma_wait3A_342, %dma_wait3A_343, %dma_wait3A_344] : memref<2x64x200xi32, #tpu.memory_space<vmem>> -> memref<1x64x200xi32, #tpu.memory_space<vmem>>
    %dma_wait3A_346 = tpu.memref_squeeze %dma_wait3A_345 : memref<1x64x200xi32, #tpu.memory_space<vmem>> -> memref<64x200xi32, #tpu.memory_space<vmem>>
    %dma_wait3A_347 = arith.constant 0 : i32
    %dma_wait3A_348 = tpu.memref_slice %arg2[%add3A_265, %dma_wait3A_347] : memref<16384x200xi32, #tpu.memory_space<hbm>> -> memref<64x200xi32, #tpu.memory_space<hbm>>
    %dma_wait3A_349 = arith.constant 0 : i32
    %dma_wait3A_350 = arith.constant 0 : i32
    %dma_wait3A_351 = tpu.memref_slice %arg6[%dma_wait3A_342, %dma_wait3A_349, %dma_wait3A_350] : memref<2x64x200xi32, #tpu.memory_space<vmem>> -> memref<1x64x200xi32, #tpu.memory_space<vmem>>
    %dma_wait3A_352 = tpu.memref_squeeze %dma_wait3A_351 : memref<1x64x200xi32, #tpu.memory_space<vmem>> -> memref<64x200xi32, #tpu.memory_space<vmem>>
    %dma_wait3A_353 = arith.constant 0 : i32
    %dma_wait3A_354 = tpu.memref_slice %arg2[%add3A_265, %dma_wait3A_353] : memref<16384x200xi32, #tpu.memory_space<hbm>> -> memref<64x200xi32, #tpu.memory_space<hbm>>
    tpu.wait_dma2 semaphore(%arg9 : memref<!tpu.dma_semaphore, #tpu.memory_space<semaphore_mem>>) src(%dma_wait3A_354 : memref<64x200xi32, #tpu.memory_space<hbm>>) dst(%dma_wait3A_352 : memref<64x200xi32, #tpu.memory_space<vmem>>)
    %dma_wait3A_355 = arith.constant 1 : i32
    %dma_wait3A_356 = arith.constant 0 : i32
    %dma_wait3A_357 = arith.constant 0 : i32
    %dma_wait3A_358 = tpu.memref_slice %arg7[%dma_wait3A_355, %dma_wait3A_356, %dma_wait3A_357] : memref<2x64x12xf32, #tpu.memory_space<vmem>> -> memref<1x64x12xf32, #tpu.memory_space<vmem>>
    %dma_wait3A_359 = tpu.memref_squeeze %dma_wait3A_358 : memref<1x64x12xf32, #tpu.memory_space<vmem>> -> memref<64x12xf32, #tpu.memory_space<vmem>>
    %dma_wait3A_360 = arith.constant 0 : i32
    %dma_wait3A_361 = tpu.memref_slice %arg4[%add3A_200, %dma_wait3A_360] : memref<16384x12xf32, #tpu.memory_space<hbm>> -> memref<64x12xf32, #tpu.memory_space<hbm>>
    %dma_wait3A_362 = arith.constant 0 : i32
    %dma_wait3A_363 = tpu.memref_slice %arg4[%add3A_200, %dma_wait3A_362] : memref<16384x12xf32, #tpu.memory_space<hbm>> -> memref<64x12xf32, #tpu.memory_space<hbm>>
    %dma_wait3A_364 = arith.constant 0 : i32
    %dma_wait3A_365 = arith.constant 0 : i32
    %dma_wait3A_366 = tpu.memref_slice %arg7[%dma_wait3A_355, %dma_wait3A_364, %dma_wait3A_365] : memref<2x64x12xf32, #tpu.memory_space<vmem>> -> memref<1x64x12xf32, #tpu.memory_space<vmem>>
    %dma_wait3A_367 = tpu.memref_squeeze %dma_wait3A_366 : memref<1x64x12xf32, #tpu.memory_space<vmem>> -> memref<64x12xf32, #tpu.memory_space<vmem>>
    tpu.wait_dma2 semaphore(%arg11 : memref<!tpu.dma_semaphore, #tpu.memory_space<semaphore_mem>>) src(%dma_wait3A_367 : memref<64x12xf32, #tpu.memory_space<vmem>>) dst(%dma_wait3A_363 : memref<64x12xf32, #tpu.memory_space<hbm>>)
    %scan3A_368 = arith.constant 0 : i32
    %scan3A_369 = arith.constant 5.000000e-03 : f32
    %scan3A_370 = arith.constant 0 : i32
    %scan3A_371 = arith.constant 4 : i32
    %scan3A_372 = arith.addi %scan3A_370, %scan3A_371 : i32
    %scan3A_373 = arith.constant 1 : i32
    scf.for %scan3A_525 = %scan3A_370 to %scan3A_372 step %scan3A_373  : i32 {
      %mul3A_526 = arith.constant 16 : i32
      %mul3A_527 = arith.muli %scan3A_525, %mul3A_526 : i32
      %add3A_528 = vector.broadcast %mul3A_527 : i32 to vector<16xi32>
      %add3A_529 = arith.addi %add3A_528, %iota3A : vector<16xi32>
      %scan3A_530 = arith.constant 0 : i32
      %scan3A_531 = arith.constant 200 : i32
      %scan3A_532 = arith.addi %scan3A_530, %scan3A_531 : i32
      %scan3A_533 = arith.constant 2 : i32
      %scan3A_534:12 = scf.for %scan3A_643 = %scan3A_530 to %scan3A_532 step %scan3A_533 iter_args(%scan3A_644 = %broadcast_in_dim3A_15, %scan3A_645 = %broadcast_in_dim3A_17, %scan3A_646 = %broadcast_in_dim3A_19, %scan3A_647 = %broadcast_in_dim3A_21, %scan3A_648 = %broadcast_in_dim3A_23, %scan3A_649 = %broadcast_in_dim3A_25, %scan3A_650 = %broadcast_in_dim3A_27, %scan3A_651 = %broadcast_in_dim3A_29, %scan3A_652 = %broadcast_in_dim3A_31, %scan3A_653 = %broadcast_in_dim3A_33, %scan3A_654 = %broadcast_in_dim3A_35, %scan3A_655 = %broadcast_in_dim3A_37) -> (vector<16xf32>, vector<16xf32>, vector<16xf32>, vector<16xf32>, vector<16xf32>, vector<16xf32>, vector<16xf32>, vector<16xf32>, vector<16xf32>, vector<16xf32>, vector<16xf32>, vector<16xf32>)  : i32 {
        %broadcast_in_dim3A_656 = vector.broadcast %scan3A_643 : i32 to vector<16xi32>
        %gather3A = arith.constant 1 : i32
        %gather3A_657 = arith.constant 0 : i32
        %gather3A_658 = arith.constant 0 : i32
        %gather3A_659 = tpu.memref_slice %arg6[%gather3A, %gather3A_657, %gather3A_658] : memref<2x64x200xi32, #tpu.memory_space<vmem>> -> memref<1x64x200xi32, #tpu.memory_space<vmem>>
        %gather3A_660 = tpu.memref_squeeze %gather3A_659 : memref<1x64x200xi32, #tpu.memory_space<vmem>> -> memref<64x200xi32, #tpu.memory_space<vmem>>
        %gather3A_661 = tpu.vector_load_idx %gather3A_660[%add3A_529, %broadcast_in_dim3A_656] : memref<64x200xi32, #tpu.memory_space<vmem>>[vector<16xi32>, vector<16xi32>], vector<16xi32>,
        %mul3A_662 = arith.constant 12 : i32
        %mul3A_663 = vector.broadcast %mul3A_662 : i32 to vector<16xi32>
        %mul3A_664 = arith.muli %gather3A_661, %mul3A_663 : vector<16xi32>
        %add3A_665 = arith.constant 0 : i32
        %add3A_666 = vector.broadcast %add3A_665 : i32 to vector<16xi32>
        %add3A_667 = arith.addi %mul3A_664, %add3A_666 : vector<16xi32>
        %gather3A_668 = tpu.vector_load_idx %arg5[%add3A_667] : memref<12000xf32, #tpu.memory_space<vmem>>[vector<16xi32>], vector<16xf32>,
        %add3A_669 = arith.addf %scan3A_644, %gather3A_668 : vector<16xf32>
        %add3A_670 = arith.constant 1 : i32
        %add3A_671 = vector.broadcast %add3A_670 : i32 to vector<16xi32>
        %add3A_672 = arith.addi %mul3A_664, %add3A_671 : vector<16xi32>
        %gather3A_673 = tpu.vector_load_idx %arg5[%add3A_672] : memref<12000xf32, #tpu.memory_space<vmem>>[vector<16xi32>], vector<16xf32>,
        %add3A_674 = arith.addf %scan3A_645, %gather3A_673 : vector<16xf32>
        %add3A_675 = arith.constant 2 : i32
        %add3A_676 = vector.broadcast %add3A_675 : i32 to vector<16xi32>
        %add3A_677 = arith.addi %mul3A_664, %add3A_676 : vector<16xi32>
        %gather3A_678 = tpu.vector_load_idx %arg5[%add3A_677] : memref<12000xf32, #tpu.memory_space<vmem>>[vector<16xi32>], vector<16xf32>,
        %add3A_679 = arith.addf %scan3A_646, %gather3A_678 : vector<16xf32>
        %add3A_680 = arith.constant 3 : i32
        %add3A_681 = vector.broadcast %add3A_680 : i32 to vector<16xi32>
        %add3A_682 = arith.addi %mul3A_664, %add3A_681 : vector<16xi32>
        %gather3A_683 = tpu.vector_load_idx %arg5[%add3A_682] : memref<12000xf32, #tpu.memory_space<vmem>>[vector<16xi32>], vector<16xf32>,
        %add3A_684 = arith.addf %scan3A_647, %gather3A_683 : vector<16xf32>
        %add3A_685 = arith.constant 4 : i32
        %add3A_686 = vector.broadcast %add3A_685 : i32 to vector<16xi32>
        %add3A_687 = arith.addi %mul3A_664, %add3A_686 : vector<16xi32>
        %gather3A_688 = tpu.vector_load_idx %arg5[%add3A_687] : memref<12000xf32, #tpu.memory_space<vmem>>[vector<16xi32>], vector<16xf32>,
        %add3A_689 = arith.addf %scan3A_648, %gather3A_688 : vector<16xf32>
        %add3A_690 = arith.constant 5 : i32
        %add3A_691 = vector.broadcast %add3A_690 : i32 to vector<16xi32>
        %add3A_692 = arith.addi %mul3A_664, %add3A_691 : vector<16xi32>
        %gather3A_693 = tpu.vector_load_idx %arg5[%add3A_692] : memref<12000xf32, #tpu.memory_space<vmem>>[vector<16xi32>], vector<16xf32>,
        %add3A_694 = arith.addf %scan3A_649, %gather3A_693 : vector<16xf32>
        %add3A_695 = arith.constant 6 : i32
        %add3A_696 = vector.broadcast %add3A_695 : i32 to vector<16xi32>
        %add3A_697 = arith.addi %mul3A_664, %add3A_696 : vector<16xi32>
        %gather3A_698 = tpu.vector_load_idx %arg5[%add3A_697] : memref<12000xf32, #tpu.memory_space<vmem>>[vector<16xi32>], vector<16xf32>,
        %add3A_699 = arith.addf %scan3A_650, %gather3A_698 : vector<16xf32>
        %add3A_700 = arith.constant 7 : i32
        %add3A_701 = vector.broadcast %add3A_700 : i32 to vector<16xi32>
        %add3A_702 = arith.addi %mul3A_664, %add3A_701 : vector<16xi32>
        %gather3A_703 = tpu.vector_load_idx %arg5[%add3A_702] : memref<12000xf32, #tpu.memory_space<vmem>>[vector<16xi32>], vector<16xf32>,
        %add3A_704 = arith.addf %scan3A_651, %gather3A_703 : vector<16xf32>
        %add3A_705 = arith.constant 8 : i32
        %add3A_706 = vector.broadcast %add3A_705 : i32 to vector<16xi32>
        %add3A_707 = arith.addi %mul3A_664, %add3A_706 : vector<16xi32>
        %gather3A_708 = tpu.vector_load_idx %arg5[%add3A_707] : memref<12000xf32, #tpu.memory_space<vmem>>[vector<16xi32>], vector<16xf32>,
        %add3A_709 = arith.addf %scan3A_652, %gather3A_708 : vector<16xf32>
        %add3A_710 = arith.constant 9 : i32
        %add3A_711 = vector.broadcast %add3A_710 : i32 to vector<16xi32>
        %add3A_712 = arith.addi %mul3A_664, %add3A_711 : vector<16xi32>
        %gather3A_713 = tpu.vector_load_idx %arg5[%add3A_712] : memref<12000xf32, #tpu.memory_space<vmem>>[vector<16xi32>], vector<16xf32>,
        %add3A_714 = arith.addf %scan3A_653, %gather3A_713 : vector<16xf32>
        %add3A_715 = arith.constant 10 : i32
        %add3A_716 = vector.broadcast %add3A_715 : i32 to vector<16xi32>
        %add3A_717 = arith.addi %mul3A_664, %add3A_716 : vector<16xi32>
        %gather3A_718 = tpu.vector_load_idx %arg5[%add3A_717] : memref<12000xf32, #tpu.memory_space<vmem>>[vector<16xi32>], vector<16xf32>,
        %add3A_719 = arith.addf %scan3A_654, %gather3A_718 : vector<16xf32>
        %add3A_720 = arith.constant 11 : i32
        %add3A_721 = vector.broadcast %add3A_720 : i32 to vector<16xi32>
        %add3A_722 = arith.addi %mul3A_664, %add3A_721 : vector<16xi32>
        %gather3A_723 = tpu.vector_load_idx %arg5[%add3A_722] : memref<12000xf32, #tpu.memory_space<vmem>>[vector<16xi32>], vector<16xf32>,
        %add3A_724 = arith.addf %scan3A_655, %gather3A_723 : vector<16xf32>
        %scan3A_725 = arith.constant 1 : i32
        %scan3A_726 = arith.addi %scan3A_643, %scan3A_725 : i32
        %broadcast_in_dim3A_727 = vector.broadcast %scan3A_726 : i32 to vector<16xi32>
        %gather3A_728 = arith.constant 1 : i32
        %gather3A_729 = arith.constant 0 : i32
        %gather3A_730 = arith.constant 0 : i32
        %gather3A_731 = tpu.memref_slice %arg6[%gather3A_728, %gather3A_729, %gather3A_730] : memref<2x64x200xi32, #tpu.memory_space<vmem>> -> memref<1x64x200xi32, #tpu.memory_space<vmem>>
        %gather3A_732 = tpu.memref_squeeze %gather3A_731 : memref<1x64x200xi32, #tpu.memory_space<vmem>> -> memref<64x200xi32, #tpu.memory_space<vmem>>
        %gather3A_733 = tpu.vector_load_idx %gather3A_732[%add3A_529, %broadcast_in_dim3A_727] : memref<64x200xi32, #tpu.memory_space<vmem>>[vector<16xi32>, vector<16xi32>], vector<16xi32>,
        %mul3A_734 = arith.constant 12 : i32
        %mul3A_735 = vector.broadcast %mul3A_734 : i32 to vector<16xi32>
        %mul3A_736 = arith.muli %gather3A_733, %mul3A_735 : vector<16xi32>
        %add3A_737 = arith.constant 0 : i32
        %add3A_738 = vector.broadcast %add3A_737 : i32 to vector<16xi32>
        %add3A_739 = arith.addi %mul3A_736, %add3A_738 : vector<16xi32>
        %gather3A_740 = tpu.vector_load_idx %arg5[%add3A_739] : memref<12000xf32, #tpu.memory_space<vmem>>[vector<16xi32>], vector<16xf32>,
        %add3A_741 = arith.addf %add3A_669, %gather3A_740 : vector<16xf32>
        %add3A_742 = arith.constant 1 : i32
        %add3A_743 = vector.broadcast %add3A_742 : i32 to vector<16xi32>
        %add3A_744 = arith.addi %mul3A_736, %add3A_743 : vector<16xi32>
        %gather3A_745 = tpu.vector_load_idx %arg5[%add3A_744] : memref<12000xf32, #tpu.memory_space<vmem>>[vector<16xi32>], vector<16xf32>,
        %add3A_746 = arith.addf %add3A_674, %gather3A_745 : vector<16xf32>
        %add3A_747 = arith.constant 2 : i32
        %add3A_748 = vector.broadcast %add3A_747 : i32 to vector<16xi32>
        %add3A_749 = arith.addi %mul3A_736, %add3A_748 : vector<16xi32>
        %gather3A_750 = tpu.vector_load_idx %arg5[%add3A_749] : memref<12000xf32, #tpu.memory_space<vmem>>[vector<16xi32>], vector<16xf32>,
        %add3A_751 = arith.addf %add3A_679, %gather3A_750 : vector<16xf32>
        %add3A_752 = arith.constant 3 : i32
        %add3A_753 = vector.broadcast %add3A_752 : i32 to vector<16xi32>
        %add3A_754 = arith.addi %mul3A_736, %add3A_753 : vector<16xi32>
        %gather3A_755 = tpu.vector_load_idx %arg5[%add3A_754] : memref<12000xf32, #tpu.memory_space<vmem>>[vector<16xi32>], vector<16xf32>,
        %add3A_756 = arith.addf %add3A_684, %gather3A_755 : vector<16xf32>
        %add3A_757 = arith.constant 4 : i32
        %add3A_758 = vector.broadcast %add3A_757 : i32 to vector<16xi32>
        %add3A_759 = arith.addi %mul3A_736, %add3A_758 : vector<16xi32>
        %gather3A_760 = tpu.vector_load_idx %arg5[%add3A_759] : memref<12000xf32, #tpu.memory_space<vmem>>[vector<16xi32>], vector<16xf32>,
        %add3A_761 = arith.addf %add3A_689, %gather3A_760 : vector<16xf32>
        %add3A_762 = arith.constant 5 : i32
        %add3A_763 = vector.broadcast %add3A_762 : i32 to vector<16xi32>
        %add3A_764 = arith.addi %mul3A_736, %add3A_763 : vector<16xi32>
        %gather3A_765 = tpu.vector_load_idx %arg5[%add3A_764] : memref<12000xf32, #tpu.memory_space<vmem>>[vector<16xi32>], vector<16xf32>,
        %add3A_766 = arith.addf %add3A_694, %gather3A_765 : vector<16xf32>
        %add3A_767 = arith.constant 6 : i32
        %add3A_768 = vector.broadcast %add3A_767 : i32 to vector<16xi32>
        %add3A_769 = arith.addi %mul3A_736, %add3A_768 : vector<16xi32>
        %gather3A_770 = tpu.vector_load_idx %arg5[%add3A_769] : memref<12000xf32, #tpu.memory_space<vmem>>[vector<16xi32>], vector<16xf32>,
        %add3A_771 = arith.addf %add3A_699, %gather3A_770 : vector<16xf32>
        %add3A_772 = arith.constant 7 : i32
        %add3A_773 = vector.broadcast %add3A_772 : i32 to vector<16xi32>
        %add3A_774 = arith.addi %mul3A_736, %add3A_773 : vector<16xi32>
        %gather3A_775 = tpu.vector_load_idx %arg5[%add3A_774] : memref<12000xf32, #tpu.memory_space<vmem>>[vector<16xi32>], vector<16xf32>,
        %add3A_776 = arith.addf %add3A_704, %gather3A_775 : vector<16xf32>
        %add3A_777 = arith.constant 8 : i32
        %add3A_778 = vector.broadcast %add3A_777 : i32 to vector<16xi32>
        %add3A_779 = arith.addi %mul3A_736, %add3A_778 : vector<16xi32>
        %gather3A_780 = tpu.vector_load_idx %arg5[%add3A_779] : memref<12000xf32, #tpu.memory_space<vmem>>[vector<16xi32>], vector<16xf32>,
        %add3A_781 = arith.addf %add3A_709, %gather3A_780 : vector<16xf32>
        %add3A_782 = arith.constant 9 : i32
        %add3A_783 = vector.broadcast %add3A_782 : i32 to vector<16xi32>
        %add3A_784 = arith.addi %mul3A_736, %add3A_783 : vector<16xi32>
        %gather3A_785 = tpu.vector_load_idx %arg5[%add3A_784] : memref<12000xf32, #tpu.memory_space<vmem>>[vector<16xi32>], vector<16xf32>,
        %add3A_786 = arith.addf %add3A_714, %gather3A_785 : vector<16xf32>
        %add3A_787 = arith.constant 10 : i32
        %add3A_788 = vector.broadcast %add3A_787 : i32 to vector<16xi32>
        %add3A_789 = arith.addi %mul3A_736, %add3A_788 : vector<16xi32>
        %gather3A_790 = tpu.vector_load_idx %arg5[%add3A_789] : memref<12000xf32, #tpu.memory_space<vmem>>[vector<16xi32>], vector<16xf32>,
        %add3A_791 = arith.addf %add3A_719, %gather3A_790 : vector<16xf32>
        %add3A_792 = arith.constant 11 : i32
        %add3A_793 = vector.broadcast %add3A_792 : i32 to vector<16xi32>
        %add3A_794 = arith.addi %mul3A_736, %add3A_793 : vector<16xi32>
        %gather3A_795 = tpu.vector_load_idx %arg5[%add3A_794] : memref<12000xf32, #tpu.memory_space<vmem>>[vector<16xi32>], vector<16xf32>,
        %add3A_796 = arith.addf %add3A_724, %gather3A_795 : vector<16xf32>
        scf.yield %add3A_741, %add3A_746, %add3A_751, %add3A_756, %add3A_761, %add3A_766, %add3A_771, %add3A_776, %add3A_781, %add3A_786, %add3A_791, %add3A_796 : vector<16xf32>, vector<16xf32>, vector<16xf32>, vector<16xf32>, vector<16xf32>, vector<16xf32>, vector<16xf32>, vector<16xf32>, vector<16xf32>, vector<16xf32>, vector<16xf32>, vector<16xf32>
      }
      %scan3A_535 = arith.constant 200 : i32
      %broadcast_in_dim3A_536 = arith.constant 0 : i32
      %broadcast_in_dim3A_537 = vector.broadcast %broadcast_in_dim3A_536 : i32 to vector<16xi32>
      %mul3A_538 = vector.broadcast %scan3A_369 : f32 to vector<16xf32>
      %mul3A_539 = arith.mulf %scan3A_534#0, %mul3A_538 : vector<16xf32>
      %scatter3A = arith.constant 1 : i32
      %scatter3A_540 = arith.constant 0 : i32
      %scatter3A_541 = arith.constant 0 : i32
      %scatter3A_542 = tpu.memref_slice %arg7[%scatter3A, %scatter3A_540, %scatter3A_541] : memref<2x64x12xf32, #tpu.memory_space<vmem>> -> memref<1x64x12xf32, #tpu.memory_space<vmem>>
      %scatter3A_543 = tpu.memref_squeeze %scatter3A_542 : memref<1x64x12xf32, #tpu.memory_space<vmem>> -> memref<64x12xf32, #tpu.memory_space<vmem>>
      tpu.vector_store_idx %scatter3A_543[%add3A_529, %broadcast_in_dim3A_537], %mul3A_539 : memref<64x12xf32, #tpu.memory_space<vmem>>[vector<16xi32>, vector<16xi32>], vector<16xf32>,
      %broadcast_in_dim3A_544 = arith.constant 1 : i32
      %broadcast_in_dim3A_545 = vector.broadcast %broadcast_in_dim3A_544 : i32 to vector<16xi32>
      %mul3A_546 = vector.broadcast %scan3A_369 : f32 to vector<16xf32>
      %mul3A_547 = arith.mulf %scan3A_534#1, %mul3A_546 : vector<16xf32>
      %scatter3A_548 = arith.constant 1 : i32
      %scatter3A_549 = arith.constant 0 : i32
      %scatter3A_550 = arith.constant 0 : i32
      %scatter3A_551 = tpu.memref_slice %arg7[%scatter3A_548, %scatter3A_549, %scatter3A_550] : memref<2x64x12xf32, #tpu.memory_space<vmem>> -> memref<1x64x12xf32, #tpu.memory_space<vmem>>
      %scatter3A_552 = tpu.memref_squeeze %scatter3A_551 : memref<1x64x12xf32, #tpu.memory_space<vmem>> -> memref<64x12xf32, #tpu.memory_space<vmem>>
      tpu.vector_store_idx %scatter3A_552[%add3A_529, %broadcast_in_dim3A_545], %mul3A_547 : memref<64x12xf32, #tpu.memory_space<vmem>>[vector<16xi32>, vector<16xi32>], vector<16xf32>,
      %broadcast_in_dim3A_553 = arith.constant 2 : i32
      %broadcast_in_dim3A_554 = vector.broadcast %broadcast_in_dim3A_553 : i32 to vector<16xi32>
      %mul3A_555 = vector.broadcast %scan3A_369 : f32 to vector<16xf32>
      %mul3A_556 = arith.mulf %scan3A_534#2, %mul3A_555 : vector<16xf32>
      %scatter3A_557 = arith.constant 1 : i32
      %scatter3A_558 = arith.constant 0 : i32
      %scatter3A_559 = arith.constant 0 : i32
      %scatter3A_560 = tpu.memref_slice %arg7[%scatter3A_557, %scatter3A_558, %scatter3A_559] : memref<2x64x12xf32, #tpu.memory_space<vmem>> -> memref<1x64x12xf32, #tpu.memory_space<vmem>>
      %scatter3A_561 = tpu.memref_squeeze %scatter3A_560 : memref<1x64x12xf32, #tpu.memory_space<vmem>> -> memref<64x12xf32, #tpu.memory_space<vmem>>
      tpu.vector_store_idx %scatter3A_561[%add3A_529, %broadcast_in_dim3A_554], %mul3A_556 : memref<64x12xf32, #tpu.memory_space<vmem>>[vector<16xi32>, vector<16xi32>], vector<16xf32>,
      %broadcast_in_dim3A_562 = arith.constant 3 : i32
      %broadcast_in_dim3A_563 = vector.broadcast %broadcast_in_dim3A_562 : i32 to vector<16xi32>
      %mul3A_564 = vector.broadcast %scan3A_369 : f32 to vector<16xf32>
      %mul3A_565 = arith.mulf %scan3A_534#3, %mul3A_564 : vector<16xf32>
      %scatter3A_566 = arith.constant 1 : i32
      %scatter3A_567 = arith.constant 0 : i32
      %scatter3A_568 = arith.constant 0 : i32
      %scatter3A_569 = tpu.memref_slice %arg7[%scatter3A_566, %scatter3A_567, %scatter3A_568] : memref<2x64x12xf32, #tpu.memory_space<vmem>> -> memref<1x64x12xf32, #tpu.memory_space<vmem>>
      %scatter3A_570 = tpu.memref_squeeze %scatter3A_569 : memref<1x64x12xf32, #tpu.memory_space<vmem>> -> memref<64x12xf32, #tpu.memory_space<vmem>>
      tpu.vector_store_idx %scatter3A_570[%add3A_529, %broadcast_in_dim3A_563], %mul3A_565 : memref<64x12xf32, #tpu.memory_space<vmem>>[vector<16xi32>, vector<16xi32>], vector<16xf32>,
      %broadcast_in_dim3A_571 = arith.constant 4 : i32
      %broadcast_in_dim3A_572 = vector.broadcast %broadcast_in_dim3A_571 : i32 to vector<16xi32>
      %mul3A_573 = vector.broadcast %scan3A_369 : f32 to vector<16xf32>
      %mul3A_574 = arith.mulf %scan3A_534#4, %mul3A_573 : vector<16xf32>
      %scatter3A_575 = arith.constant 1 : i32
      %scatter3A_576 = arith.constant 0 : i32
      %scatter3A_577 = arith.constant 0 : i32
      %scatter3A_578 = tpu.memref_slice %arg7[%scatter3A_575, %scatter3A_576, %scatter3A_577] : memref<2x64x12xf32, #tpu.memory_space<vmem>> -> memref<1x64x12xf32, #tpu.memory_space<vmem>>
      %scatter3A_579 = tpu.memref_squeeze %scatter3A_578 : memref<1x64x12xf32, #tpu.memory_space<vmem>> -> memref<64x12xf32, #tpu.memory_space<vmem>>
      tpu.vector_store_idx %scatter3A_579[%add3A_529, %broadcast_in_dim3A_572], %mul3A_574 : memref<64x12xf32, #tpu.memory_space<vmem>>[vector<16xi32>, vector<16xi32>], vector<16xf32>,
      %broadcast_in_dim3A_580 = arith.constant 5 : i32
      %broadcast_in_dim3A_581 = vector.broadcast %broadcast_in_dim3A_580 : i32 to vector<16xi32>
      %mul3A_582 = vector.broadcast %scan3A_369 : f32 to vector<16xf32>
      %mul3A_583 = arith.mulf %scan3A_534#5, %mul3A_582 : vector<16xf32>
      %scatter3A_584 = arith.constant 1 : i32
      %scatter3A_585 = arith.constant 0 : i32
      %scatter3A_586 = arith.constant 0 : i32
      %scatter3A_587 = tpu.memref_slice %arg7[%scatter3A_584, %scatter3A_585, %scatter3A_586] : memref<2x64x12xf32, #tpu.memory_space<vmem>> -> memref<1x64x12xf32, #tpu.memory_space<vmem>>
      %scatter3A_588 = tpu.memref_squeeze %scatter3A_587 : memref<1x64x12xf32, #tpu.memory_space<vmem>> -> memref<64x12xf32, #tpu.memory_space<vmem>>
      tpu.vector_store_idx %scatter3A_588[%add3A_529, %broadcast_in_dim3A_581], %mul3A_583 : memref<64x12xf32, #tpu.memory_space<vmem>>[vector<16xi32>, vector<16xi32>], vector<16xf32>,
      %broadcast_in_dim3A_589 = arith.constant 6 : i32
      %broadcast_in_dim3A_590 = vector.broadcast %broadcast_in_dim3A_589 : i32 to vector<16xi32>
      %mul3A_591 = vector.broadcast %scan3A_369 : f32 to vector<16xf32>
      %mul3A_592 = arith.mulf %scan3A_534#6, %mul3A_591 : vector<16xf32>
      %scatter3A_593 = arith.constant 1 : i32
      %scatter3A_594 = arith.constant 0 : i32
      %scatter3A_595 = arith.constant 0 : i32
      %scatter3A_596 = tpu.memref_slice %arg7[%scatter3A_593, %scatter3A_594, %scatter3A_595] : memref<2x64x12xf32, #tpu.memory_space<vmem>> -> memref<1x64x12xf32, #tpu.memory_space<vmem>>
      %scatter3A_597 = tpu.memref_squeeze %scatter3A_596 : memref<1x64x12xf32, #tpu.memory_space<vmem>> -> memref<64x12xf32, #tpu.memory_space<vmem>>
      tpu.vector_store_idx %scatter3A_597[%add3A_529, %broadcast_in_dim3A_590], %mul3A_592 : memref<64x12xf32, #tpu.memory_space<vmem>>[vector<16xi32>, vector<16xi32>], vector<16xf32>,
      %broadcast_in_dim3A_598 = arith.constant 7 : i32
      %broadcast_in_dim3A_599 = vector.broadcast %broadcast_in_dim3A_598 : i32 to vector<16xi32>
      %mul3A_600 = vector.broadcast %scan3A_369 : f32 to vector<16xf32>
      %mul3A_601 = arith.mulf %scan3A_534#7, %mul3A_600 : vector<16xf32>
      %scatter3A_602 = arith.constant 1 : i32
      %scatter3A_603 = arith.constant 0 : i32
      %scatter3A_604 = arith.constant 0 : i32
      %scatter3A_605 = tpu.memref_slice %arg7[%scatter3A_602, %scatter3A_603, %scatter3A_604] : memref<2x64x12xf32, #tpu.memory_space<vmem>> -> memref<1x64x12xf32, #tpu.memory_space<vmem>>
      %scatter3A_606 = tpu.memref_squeeze %scatter3A_605 : memref<1x64x12xf32, #tpu.memory_space<vmem>> -> memref<64x12xf32, #tpu.memory_space<vmem>>
      tpu.vector_store_idx %scatter3A_606[%add3A_529, %broadcast_in_dim3A_599], %mul3A_601 : memref<64x12xf32, #tpu.memory_space<vmem>>[vector<16xi32>, vector<16xi32>], vector<16xf32>,
      %broadcast_in_dim3A_607 = arith.constant 8 : i32
      %broadcast_in_dim3A_608 = vector.broadcast %broadcast_in_dim3A_607 : i32 to vector<16xi32>
      %mul3A_609 = vector.broadcast %scan3A_369 : f32 to vector<16xf32>
      %mul3A_610 = arith.mulf %scan3A_534#8, %mul3A_609 : vector<16xf32>
      %scatter3A_611 = arith.constant 1 : i32
      %scatter3A_612 = arith.constant 0 : i32
      %scatter3A_613 = arith.constant 0 : i32
      %scatter3A_614 = tpu.memref_slice %arg7[%scatter3A_611, %scatter3A_612, %scatter3A_613] : memref<2x64x12xf32, #tpu.memory_space<vmem>> -> memref<1x64x12xf32, #tpu.memory_space<vmem>>
      %scatter3A_615 = tpu.memref_squeeze %scatter3A_614 : memref<1x64x12xf32, #tpu.memory_space<vmem>> -> memref<64x12xf32, #tpu.memory_space<vmem>>
      tpu.vector_store_idx %scatter3A_615[%add3A_529, %broadcast_in_dim3A_608], %mul3A_610 : memref<64x12xf32, #tpu.memory_space<vmem>>[vector<16xi32>, vector<16xi32>], vector<16xf32>,
      %broadcast_in_dim3A_616 = arith.constant 9 : i32
      %broadcast_in_dim3A_617 = vector.broadcast %broadcast_in_dim3A_616 : i32 to vector<16xi32>
      %mul3A_618 = vector.broadcast %scan3A_369 : f32 to vector<16xf32>
      %mul3A_619 = arith.mulf %scan3A_534#9, %mul3A_618 : vector<16xf32>
      %scatter3A_620 = arith.constant 1 : i32
      %scatter3A_621 = arith.constant 0 : i32
      %scatter3A_622 = arith.constant 0 : i32
      %scatter3A_623 = tpu.memref_slice %arg7[%scatter3A_620, %scatter3A_621, %scatter3A_622] : memref<2x64x12xf32, #tpu.memory_space<vmem>> -> memref<1x64x12xf32, #tpu.memory_space<vmem>>
      %scatter3A_624 = tpu.memref_squeeze %scatter3A_623 : memref<1x64x12xf32, #tpu.memory_space<vmem>> -> memref<64x12xf32, #tpu.memory_space<vmem>>
      tpu.vector_store_idx %scatter3A_624[%add3A_529, %broadcast_in_dim3A_617], %mul3A_619 : memref<64x12xf32, #tpu.memory_space<vmem>>[vector<16xi32>, vector<16xi32>], vector<16xf32>,
      %broadcast_in_dim3A_625 = arith.constant 10 : i32
      %broadcast_in_dim3A_626 = vector.broadcast %broadcast_in_dim3A_625 : i32 to vector<16xi32>
      %mul3A_627 = vector.broadcast %scan3A_369 : f32 to vector<16xf32>
      %mul3A_628 = arith.mulf %scan3A_534#10, %mul3A_627 : vector<16xf32>
      %scatter3A_629 = arith.constant 1 : i32
      %scatter3A_630 = arith.constant 0 : i32
      %scatter3A_631 = arith.constant 0 : i32
      %scatter3A_632 = tpu.memref_slice %arg7[%scatter3A_629, %scatter3A_630, %scatter3A_631] : memref<2x64x12xf32, #tpu.memory_space<vmem>> -> memref<1x64x12xf32, #tpu.memory_space<vmem>>
      %scatter3A_633 = tpu.memref_squeeze %scatter3A_632 : memref<1x64x12xf32, #tpu.memory_space<vmem>> -> memref<64x12xf32, #tpu.memory_space<vmem>>
      tpu.vector_store_idx %scatter3A_633[%add3A_529, %broadcast_in_dim3A_626], %mul3A_628 : memref<64x12xf32, #tpu.memory_space<vmem>>[vector<16xi32>, vector<16xi32>], vector<16xf32>,
      %broadcast_in_dim3A_634 = arith.constant 11 : i32
      %broadcast_in_dim3A_635 = vector.broadcast %broadcast_in_dim3A_634 : i32 to vector<16xi32>
      %mul3A_636 = vector.broadcast %scan3A_369 : f32 to vector<16xf32>
      %mul3A_637 = arith.mulf %scan3A_534#11, %mul3A_636 : vector<16xf32>
      %scatter3A_638 = arith.constant 1 : i32
      %scatter3A_639 = arith.constant 0 : i32
      %scatter3A_640 = arith.constant 0 : i32
      %scatter3A_641 = tpu.memref_slice %arg7[%scatter3A_638, %scatter3A_639, %scatter3A_640] : memref<2x64x12xf32, #tpu.memory_space<vmem>> -> memref<1x64x12xf32, #tpu.memory_space<vmem>>
      %scatter3A_642 = tpu.memref_squeeze %scatter3A_641 : memref<1x64x12xf32, #tpu.memory_space<vmem>> -> memref<64x12xf32, #tpu.memory_space<vmem>>
      tpu.vector_store_idx %scatter3A_642[%add3A_529, %broadcast_in_dim3A_635], %mul3A_637 : memref<64x12xf32, #tpu.memory_space<vmem>>[vector<16xi32>, vector<16xi32>], vector<16xf32>,
    }
    %scan3A_374 = arith.constant 4 : i32
    %dma_start3A_375 = arith.constant 1 : i32
    %dma_start3A_376 = arith.constant 0 : i32
    %dma_start3A_377 = arith.constant 0 : i32
    %dma_start3A_378 = tpu.memref_slice %arg7[%dma_start3A_375, %dma_start3A_376, %dma_start3A_377] : memref<2x64x12xf32, #tpu.memory_space<vmem>> -> memref<1x64x12xf32, #tpu.memory_space<vmem>>
    %dma_start3A_379 = tpu.memref_squeeze %dma_start3A_378 : memref<1x64x12xf32, #tpu.memory_space<vmem>> -> memref<64x12xf32, #tpu.memory_space<vmem>>
    %dma_start3A_380 = arith.constant 0 : i32
    %dma_start3A_381 = tpu.memref_slice %arg4[%add3A_326, %dma_start3A_380] : memref<16384x12xf32, #tpu.memory_space<hbm>> -> memref<64x12xf32, #tpu.memory_space<hbm>>
    %dma_start3A_382 = arith.constant 0 : i32
    %dma_start3A_383 = tpu.memref_slice %arg4[%add3A_326, %dma_start3A_382] : memref<16384x12xf32, #tpu.memory_space<hbm>> -> memref<64x12xf32, #tpu.memory_space<hbm>>
    %dma_start3A_384 = arith.constant 0 : i32
    %dma_start3A_385 = arith.constant 0 : i32
    %dma_start3A_386 = tpu.memref_slice %arg7[%dma_start3A_375, %dma_start3A_384, %dma_start3A_385] : memref<2x64x12xf32, #tpu.memory_space<vmem>> -> memref<1x64x12xf32, #tpu.memory_space<vmem>>
    %dma_start3A_387 = tpu.memref_squeeze %dma_start3A_386 : memref<1x64x12xf32, #tpu.memory_space<vmem>> -> memref<64x12xf32, #tpu.memory_space<vmem>>
    tpu.enqueue_dma source(%dma_start3A_387 : memref<64x12xf32, #tpu.memory_space<vmem>>) target(%dma_start3A_383 : memref<64x12xf32, #tpu.memory_space<hbm>>) target_semaphore(%arg11 : memref<!tpu.dma_semaphore, #tpu.memory_space<semaphore_mem>>)
    %add3A_388 = arith.constant 384 : i32
    %add3A_389 = arith.addi %mul3A_2, %add3A_388 : i32
    %add3A_390 = arith.constant 64 : i32
    %add3A_391 = arith.addi %add3A_389, %add3A_390 : i32
    %dma_start3A_392 = arith.constant 1 : i32
    %dma_start3A_393 = arith.constant 0 : i32
    %dma_start3A_394 = arith.constant 0 : i32
    %dma_start3A_395 = tpu.memref_slice %arg6[%dma_start3A_392, %dma_start3A_393, %dma_start3A_394] : memref<2x64x200xi32, #tpu.memory_space<vmem>> -> memref<1x64x200xi32, #tpu.memory_space<vmem>>
    %dma_start3A_396 = tpu.memref_squeeze %dma_start3A_395 : memref<1x64x200xi32, #tpu.memory_space<vmem>> -> memref<64x200xi32, #tpu.memory_space<vmem>>
    %dma_start3A_397 = arith.constant 0 : i32
    %dma_start3A_398 = tpu.memref_slice %arg2[%add3A_391, %dma_start3A_397] : memref<16384x200xi32, #tpu.memory_space<hbm>> -> memref<64x200xi32, #tpu.memory_space<hbm>>
    %dma_start3A_399 = arith.constant 0 : i32
    %dma_start3A_400 = arith.constant 0 : i32
    %dma_start3A_401 = tpu.memref_slice %arg6[%dma_start3A_392, %dma_start3A_399, %dma_start3A_400] : memref<2x64x200xi32, #tpu.memory_space<vmem>> -> memref<1x64x200xi32, #tpu.memory_space<vmem>>
    %dma_start3A_402 = tpu.memref_squeeze %dma_start3A_401 : memref<1x64x200xi32, #tpu.memory_space<vmem>> -> memref<64x200xi32, #tpu.memory_space<vmem>>
    %dma_start3A_403 = arith.constant 0 : i32
    %dma_start3A_404 = tpu.memref_slice %arg2[%add3A_391, %dma_start3A_403] : memref<16384x200xi32, #tpu.memory_space<hbm>> -> memref<64x200xi32, #tpu.memory_space<hbm>>
    tpu.enqueue_dma source(%dma_start3A_404 : memref<64x200xi32, #tpu.memory_space<hbm>>) target(%dma_start3A_402 : memref<64x200xi32, #tpu.memory_space<vmem>>) target_semaphore(%arg9 : memref<!tpu.dma_semaphore, #tpu.memory_space<semaphore_mem>>)
    %dma_wait3A_405 = arith.constant 0 : i32
    %dma_wait3A_406 = arith.constant 0 : i32
    %dma_wait3A_407 = arith.constant 0 : i32
    %dma_wait3A_408 = tpu.memref_slice %arg6[%dma_wait3A_405, %dma_wait3A_406, %dma_wait3A_407] : memref<2x64x200xi32, #tpu.memory_space<vmem>> -> memref<1x64x200xi32, #tpu.memory_space<vmem>>
    %dma_wait3A_409 = tpu.memref_squeeze %dma_wait3A_408 : memref<1x64x200xi32, #tpu.memory_space<vmem>> -> memref<64x200xi32, #tpu.memory_space<vmem>>
    %dma_wait3A_410 = arith.constant 0 : i32
    %dma_wait3A_411 = tpu.memref_slice %arg2[%add3A_328, %dma_wait3A_410] : memref<16384x200xi32, #tpu.memory_space<hbm>> -> memref<64x200xi32, #tpu.memory_space<hbm>>
    %dma_wait3A_412 = arith.constant 0 : i32
    %dma_wait3A_413 = arith.constant 0 : i32
    %dma_wait3A_414 = tpu.memref_slice %arg6[%dma_wait3A_405, %dma_wait3A_412, %dma_wait3A_413] : memref<2x64x200xi32, #tpu.memory_space<vmem>> -> memref<1x64x200xi32, #tpu.memory_space<vmem>>
    %dma_wait3A_415 = tpu.memref_squeeze %dma_wait3A_414 : memref<1x64x200xi32, #tpu.memory_space<vmem>> -> memref<64x200xi32, #tpu.memory_space<vmem>>
    %dma_wait3A_416 = arith.constant 0 : i32
    %dma_wait3A_417 = tpu.memref_slice %arg2[%add3A_328, %dma_wait3A_416] : memref<16384x200xi32, #tpu.memory_space<hbm>> -> memref<64x200xi32, #tpu.memory_space<hbm>>
    tpu.wait_dma2 semaphore(%arg8 : memref<!tpu.dma_semaphore, #tpu.memory_space<semaphore_mem>>) src(%dma_wait3A_417 : memref<64x200xi32, #tpu.memory_space<hbm>>) dst(%dma_wait3A_415 : memref<64x200xi32, #tpu.memory_space<vmem>>)
    %dma_wait3A_418 = arith.constant 0 : i32
    %dma_wait3A_419 = arith.constant 0 : i32
    %dma_wait3A_420 = arith.constant 0 : i32
    %dma_wait3A_421 = tpu.memref_slice %arg7[%dma_wait3A_418, %dma_wait3A_419, %dma_wait3A_420] : memref<2x64x12xf32, #tpu.memory_space<vmem>> -> memref<1x64x12xf32, #tpu.memory_space<vmem>>
    %dma_wait3A_422 = tpu.memref_squeeze %dma_wait3A_421 : memref<1x64x12xf32, #tpu.memory_space<vmem>> -> memref<64x12xf32, #tpu.memory_space<vmem>>
    %dma_wait3A_423 = arith.constant 0 : i32
    %dma_wait3A_424 = tpu.memref_slice %arg4[%add3A_263, %dma_wait3A_423] : memref<16384x12xf32, #tpu.memory_space<hbm>> -> memref<64x12xf32, #tpu.memory_space<hbm>>
    %dma_wait3A_425 = arith.constant 0 : i32
    %dma_wait3A_426 = tpu.memref_slice %arg4[%add3A_263, %dma_wait3A_425] : memref<16384x12xf32, #tpu.memory_space<hbm>> -> memref<64x12xf32, #tpu.memory_space<hbm>>
    %dma_wait3A_427 = arith.constant 0 : i32
    %dma_wait3A_428 = arith.constant 0 : i32
    %dma_wait3A_429 = tpu.memref_slice %arg7[%dma_wait3A_418, %dma_wait3A_427, %dma_wait3A_428] : memref<2x64x12xf32, #tpu.memory_space<vmem>> -> memref<1x64x12xf32, #tpu.memory_space<vmem>>
    %dma_wait3A_430 = tpu.memref_squeeze %dma_wait3A_429 : memref<1x64x12xf32, #tpu.memory_space<vmem>> -> memref<64x12xf32, #tpu.memory_space<vmem>>
    tpu.wait_dma2 semaphore(%arg10 : memref<!tpu.dma_semaphore, #tpu.memory_space<semaphore_mem>>) src(%dma_wait3A_430 : memref<64x12xf32, #tpu.memory_space<vmem>>) dst(%dma_wait3A_426 : memref<64x12xf32, #tpu.memory_space<hbm>>)
    %scan3A_431 = arith.constant 0 : i32
    %scan3A_432 = arith.constant 5.000000e-03 : f32
    %scan3A_433 = arith.constant 0 : i32
    %scan3A_434 = arith.constant 4 : i32
    %scan3A_435 = arith.addi %scan3A_433, %scan3A_434 : i32
    %scan3A_436 = arith.constant 1 : i32
    scf.for %scan3A_525 = %scan3A_433 to %scan3A_435 step %scan3A_436  : i32 {
      %mul3A_526 = arith.constant 16 : i32
      %mul3A_527 = arith.muli %scan3A_525, %mul3A_526 : i32
      %add3A_528 = vector.broadcast %mul3A_527 : i32 to vector<16xi32>
      %add3A_529 = arith.addi %add3A_528, %iota3A : vector<16xi32>
      %scan3A_530 = arith.constant 0 : i32
      %scan3A_531 = arith.constant 200 : i32
      %scan3A_532 = arith.addi %scan3A_530, %scan3A_531 : i32
      %scan3A_533 = arith.constant 2 : i32
      %scan3A_534:12 = scf.for %scan3A_643 = %scan3A_530 to %scan3A_532 step %scan3A_533 iter_args(%scan3A_644 = %broadcast_in_dim3A_15, %scan3A_645 = %broadcast_in_dim3A_17, %scan3A_646 = %broadcast_in_dim3A_19, %scan3A_647 = %broadcast_in_dim3A_21, %scan3A_648 = %broadcast_in_dim3A_23, %scan3A_649 = %broadcast_in_dim3A_25, %scan3A_650 = %broadcast_in_dim3A_27, %scan3A_651 = %broadcast_in_dim3A_29, %scan3A_652 = %broadcast_in_dim3A_31, %scan3A_653 = %broadcast_in_dim3A_33, %scan3A_654 = %broadcast_in_dim3A_35, %scan3A_655 = %broadcast_in_dim3A_37) -> (vector<16xf32>, vector<16xf32>, vector<16xf32>, vector<16xf32>, vector<16xf32>, vector<16xf32>, vector<16xf32>, vector<16xf32>, vector<16xf32>, vector<16xf32>, vector<16xf32>, vector<16xf32>)  : i32 {
        %broadcast_in_dim3A_656 = vector.broadcast %scan3A_643 : i32 to vector<16xi32>
        %gather3A = arith.constant 0 : i32
        %gather3A_657 = arith.constant 0 : i32
        %gather3A_658 = arith.constant 0 : i32
        %gather3A_659 = tpu.memref_slice %arg6[%gather3A, %gather3A_657, %gather3A_658] : memref<2x64x200xi32, #tpu.memory_space<vmem>> -> memref<1x64x200xi32, #tpu.memory_space<vmem>>
        %gather3A_660 = tpu.memref_squeeze %gather3A_659 : memref<1x64x200xi32, #tpu.memory_space<vmem>> -> memref<64x200xi32, #tpu.memory_space<vmem>>
        %gather3A_661 = tpu.vector_load_idx %gather3A_660[%add3A_529, %broadcast_in_dim3A_656] : memref<64x200xi32, #tpu.memory_space<vmem>>[vector<16xi32>, vector<16xi32>], vector<16xi32>,
        %mul3A_662 = arith.constant 12 : i32
        %mul3A_663 = vector.broadcast %mul3A_662 : i32 to vector<16xi32>
        %mul3A_664 = arith.muli %gather3A_661, %mul3A_663 : vector<16xi32>
        %add3A_665 = arith.constant 0 : i32
        %add3A_666 = vector.broadcast %add3A_665 : i32 to vector<16xi32>
        %add3A_667 = arith.addi %mul3A_664, %add3A_666 : vector<16xi32>
        %gather3A_668 = tpu.vector_load_idx %arg5[%add3A_667] : memref<12000xf32, #tpu.memory_space<vmem>>[vector<16xi32>], vector<16xf32>,
        %add3A_669 = arith.addf %scan3A_644, %gather3A_668 : vector<16xf32>
        %add3A_670 = arith.constant 1 : i32
        %add3A_671 = vector.broadcast %add3A_670 : i32 to vector<16xi32>
        %add3A_672 = arith.addi %mul3A_664, %add3A_671 : vector<16xi32>
        %gather3A_673 = tpu.vector_load_idx %arg5[%add3A_672] : memref<12000xf32, #tpu.memory_space<vmem>>[vector<16xi32>], vector<16xf32>,
        %add3A_674 = arith.addf %scan3A_645, %gather3A_673 : vector<16xf32>
        %add3A_675 = arith.constant 2 : i32
        %add3A_676 = vector.broadcast %add3A_675 : i32 to vector<16xi32>
        %add3A_677 = arith.addi %mul3A_664, %add3A_676 : vector<16xi32>
        %gather3A_678 = tpu.vector_load_idx %arg5[%add3A_677] : memref<12000xf32, #tpu.memory_space<vmem>>[vector<16xi32>], vector<16xf32>,
        %add3A_679 = arith.addf %scan3A_646, %gather3A_678 : vector<16xf32>
        %add3A_680 = arith.constant 3 : i32
        %add3A_681 = vector.broadcast %add3A_680 : i32 to vector<16xi32>
        %add3A_682 = arith.addi %mul3A_664, %add3A_681 : vector<16xi32>
        %gather3A_683 = tpu.vector_load_idx %arg5[%add3A_682] : memref<12000xf32, #tpu.memory_space<vmem>>[vector<16xi32>], vector<16xf32>,
        %add3A_684 = arith.addf %scan3A_647, %gather3A_683 : vector<16xf32>
        %add3A_685 = arith.constant 4 : i32
        %add3A_686 = vector.broadcast %add3A_685 : i32 to vector<16xi32>
        %add3A_687 = arith.addi %mul3A_664, %add3A_686 : vector<16xi32>
        %gather3A_688 = tpu.vector_load_idx %arg5[%add3A_687] : memref<12000xf32, #tpu.memory_space<vmem>>[vector<16xi32>], vector<16xf32>,
        %add3A_689 = arith.addf %scan3A_648, %gather3A_688 : vector<16xf32>
        %add3A_690 = arith.constant 5 : i32
        %add3A_691 = vector.broadcast %add3A_690 : i32 to vector<16xi32>
        %add3A_692 = arith.addi %mul3A_664, %add3A_691 : vector<16xi32>
        %gather3A_693 = tpu.vector_load_idx %arg5[%add3A_692] : memref<12000xf32, #tpu.memory_space<vmem>>[vector<16xi32>], vector<16xf32>,
        %add3A_694 = arith.addf %scan3A_649, %gather3A_693 : vector<16xf32>
        %add3A_695 = arith.constant 6 : i32
        %add3A_696 = vector.broadcast %add3A_695 : i32 to vector<16xi32>
        %add3A_697 = arith.addi %mul3A_664, %add3A_696 : vector<16xi32>
        %gather3A_698 = tpu.vector_load_idx %arg5[%add3A_697] : memref<12000xf32, #tpu.memory_space<vmem>>[vector<16xi32>], vector<16xf32>,
        %add3A_699 = arith.addf %scan3A_650, %gather3A_698 : vector<16xf32>
        %add3A_700 = arith.constant 7 : i32
        %add3A_701 = vector.broadcast %add3A_700 : i32 to vector<16xi32>
        %add3A_702 = arith.addi %mul3A_664, %add3A_701 : vector<16xi32>
        %gather3A_703 = tpu.vector_load_idx %arg5[%add3A_702] : memref<12000xf32, #tpu.memory_space<vmem>>[vector<16xi32>], vector<16xf32>,
        %add3A_704 = arith.addf %scan3A_651, %gather3A_703 : vector<16xf32>
        %add3A_705 = arith.constant 8 : i32
        %add3A_706 = vector.broadcast %add3A_705 : i32 to vector<16xi32>
        %add3A_707 = arith.addi %mul3A_664, %add3A_706 : vector<16xi32>
        %gather3A_708 = tpu.vector_load_idx %arg5[%add3A_707] : memref<12000xf32, #tpu.memory_space<vmem>>[vector<16xi32>], vector<16xf32>,
        %add3A_709 = arith.addf %scan3A_652, %gather3A_708 : vector<16xf32>
        %add3A_710 = arith.constant 9 : i32
        %add3A_711 = vector.broadcast %add3A_710 : i32 to vector<16xi32>
        %add3A_712 = arith.addi %mul3A_664, %add3A_711 : vector<16xi32>
        %gather3A_713 = tpu.vector_load_idx %arg5[%add3A_712] : memref<12000xf32, #tpu.memory_space<vmem>>[vector<16xi32>], vector<16xf32>,
        %add3A_714 = arith.addf %scan3A_653, %gather3A_713 : vector<16xf32>
        %add3A_715 = arith.constant 10 : i32
        %add3A_716 = vector.broadcast %add3A_715 : i32 to vector<16xi32>
        %add3A_717 = arith.addi %mul3A_664, %add3A_716 : vector<16xi32>
        %gather3A_718 = tpu.vector_load_idx %arg5[%add3A_717] : memref<12000xf32, #tpu.memory_space<vmem>>[vector<16xi32>], vector<16xf32>,
        %add3A_719 = arith.addf %scan3A_654, %gather3A_718 : vector<16xf32>
        %add3A_720 = arith.constant 11 : i32
        %add3A_721 = vector.broadcast %add3A_720 : i32 to vector<16xi32>
        %add3A_722 = arith.addi %mul3A_664, %add3A_721 : vector<16xi32>
        %gather3A_723 = tpu.vector_load_idx %arg5[%add3A_722] : memref<12000xf32, #tpu.memory_space<vmem>>[vector<16xi32>], vector<16xf32>,
        %add3A_724 = arith.addf %scan3A_655, %gather3A_723 : vector<16xf32>
        %scan3A_725 = arith.constant 1 : i32
        %scan3A_726 = arith.addi %scan3A_643, %scan3A_725 : i32
        %broadcast_in_dim3A_727 = vector.broadcast %scan3A_726 : i32 to vector<16xi32>
        %gather3A_728 = arith.constant 0 : i32
        %gather3A_729 = arith.constant 0 : i32
        %gather3A_730 = arith.constant 0 : i32
        %gather3A_731 = tpu.memref_slice %arg6[%gather3A_728, %gather3A_729, %gather3A_730] : memref<2x64x200xi32, #tpu.memory_space<vmem>> -> memref<1x64x200xi32, #tpu.memory_space<vmem>>
        %gather3A_732 = tpu.memref_squeeze %gather3A_731 : memref<1x64x200xi32, #tpu.memory_space<vmem>> -> memref<64x200xi32, #tpu.memory_space<vmem>>
        %gather3A_733 = tpu.vector_load_idx %gather3A_732[%add3A_529, %broadcast_in_dim3A_727] : memref<64x200xi32, #tpu.memory_space<vmem>>[vector<16xi32>, vector<16xi32>], vector<16xi32>,
        %mul3A_734 = arith.constant 12 : i32
        %mul3A_735 = vector.broadcast %mul3A_734 : i32 to vector<16xi32>
        %mul3A_736 = arith.muli %gather3A_733, %mul3A_735 : vector<16xi32>
        %add3A_737 = arith.constant 0 : i32
        %add3A_738 = vector.broadcast %add3A_737 : i32 to vector<16xi32>
        %add3A_739 = arith.addi %mul3A_736, %add3A_738 : vector<16xi32>
        %gather3A_740 = tpu.vector_load_idx %arg5[%add3A_739] : memref<12000xf32, #tpu.memory_space<vmem>>[vector<16xi32>], vector<16xf32>,
        %add3A_741 = arith.addf %add3A_669, %gather3A_740 : vector<16xf32>
        %add3A_742 = arith.constant 1 : i32
        %add3A_743 = vector.broadcast %add3A_742 : i32 to vector<16xi32>
        %add3A_744 = arith.addi %mul3A_736, %add3A_743 : vector<16xi32>
        %gather3A_745 = tpu.vector_load_idx %arg5[%add3A_744] : memref<12000xf32, #tpu.memory_space<vmem>>[vector<16xi32>], vector<16xf32>,
        %add3A_746 = arith.addf %add3A_674, %gather3A_745 : vector<16xf32>
        %add3A_747 = arith.constant 2 : i32
        %add3A_748 = vector.broadcast %add3A_747 : i32 to vector<16xi32>
        %add3A_749 = arith.addi %mul3A_736, %add3A_748 : vector<16xi32>
        %gather3A_750 = tpu.vector_load_idx %arg5[%add3A_749] : memref<12000xf32, #tpu.memory_space<vmem>>[vector<16xi32>], vector<16xf32>,
        %add3A_751 = arith.addf %add3A_679, %gather3A_750 : vector<16xf32>
        %add3A_752 = arith.constant 3 : i32
        %add3A_753 = vector.broadcast %add3A_752 : i32 to vector<16xi32>
        %add3A_754 = arith.addi %mul3A_736, %add3A_753 : vector<16xi32>
        %gather3A_755 = tpu.vector_load_idx %arg5[%add3A_754] : memref<12000xf32, #tpu.memory_space<vmem>>[vector<16xi32>], vector<16xf32>,
        %add3A_756 = arith.addf %add3A_684, %gather3A_755 : vector<16xf32>
        %add3A_757 = arith.constant 4 : i32
        %add3A_758 = vector.broadcast %add3A_757 : i32 to vector<16xi32>
        %add3A_759 = arith.addi %mul3A_736, %add3A_758 : vector<16xi32>
        %gather3A_760 = tpu.vector_load_idx %arg5[%add3A_759] : memref<12000xf32, #tpu.memory_space<vmem>>[vector<16xi32>], vector<16xf32>,
        %add3A_761 = arith.addf %add3A_689, %gather3A_760 : vector<16xf32>
        %add3A_762 = arith.constant 5 : i32
        %add3A_763 = vector.broadcast %add3A_762 : i32 to vector<16xi32>
        %add3A_764 = arith.addi %mul3A_736, %add3A_763 : vector<16xi32>
        %gather3A_765 = tpu.vector_load_idx %arg5[%add3A_764] : memref<12000xf32, #tpu.memory_space<vmem>>[vector<16xi32>], vector<16xf32>,
        %add3A_766 = arith.addf %add3A_694, %gather3A_765 : vector<16xf32>
        %add3A_767 = arith.constant 6 : i32
        %add3A_768 = vector.broadcast %add3A_767 : i32 to vector<16xi32>
        %add3A_769 = arith.addi %mul3A_736, %add3A_768 : vector<16xi32>
        %gather3A_770 = tpu.vector_load_idx %arg5[%add3A_769] : memref<12000xf32, #tpu.memory_space<vmem>>[vector<16xi32>], vector<16xf32>,
        %add3A_771 = arith.addf %add3A_699, %gather3A_770 : vector<16xf32>
        %add3A_772 = arith.constant 7 : i32
        %add3A_773 = vector.broadcast %add3A_772 : i32 to vector<16xi32>
        %add3A_774 = arith.addi %mul3A_736, %add3A_773 : vector<16xi32>
        %gather3A_775 = tpu.vector_load_idx %arg5[%add3A_774] : memref<12000xf32, #tpu.memory_space<vmem>>[vector<16xi32>], vector<16xf32>,
        %add3A_776 = arith.addf %add3A_704, %gather3A_775 : vector<16xf32>
        %add3A_777 = arith.constant 8 : i32
        %add3A_778 = vector.broadcast %add3A_777 : i32 to vector<16xi32>
        %add3A_779 = arith.addi %mul3A_736, %add3A_778 : vector<16xi32>
        %gather3A_780 = tpu.vector_load_idx %arg5[%add3A_779] : memref<12000xf32, #tpu.memory_space<vmem>>[vector<16xi32>], vector<16xf32>,
        %add3A_781 = arith.addf %add3A_709, %gather3A_780 : vector<16xf32>
        %add3A_782 = arith.constant 9 : i32
        %add3A_783 = vector.broadcast %add3A_782 : i32 to vector<16xi32>
        %add3A_784 = arith.addi %mul3A_736, %add3A_783 : vector<16xi32>
        %gather3A_785 = tpu.vector_load_idx %arg5[%add3A_784] : memref<12000xf32, #tpu.memory_space<vmem>>[vector<16xi32>], vector<16xf32>,
        %add3A_786 = arith.addf %add3A_714, %gather3A_785 : vector<16xf32>
        %add3A_787 = arith.constant 10 : i32
        %add3A_788 = vector.broadcast %add3A_787 : i32 to vector<16xi32>
        %add3A_789 = arith.addi %mul3A_736, %add3A_788 : vector<16xi32>
        %gather3A_790 = tpu.vector_load_idx %arg5[%add3A_789] : memref<12000xf32, #tpu.memory_space<vmem>>[vector<16xi32>], vector<16xf32>,
        %add3A_791 = arith.addf %add3A_719, %gather3A_790 : vector<16xf32>
        %add3A_792 = arith.constant 11 : i32
        %add3A_793 = vector.broadcast %add3A_792 : i32 to vector<16xi32>
        %add3A_794 = arith.addi %mul3A_736, %add3A_793 : vector<16xi32>
        %gather3A_795 = tpu.vector_load_idx %arg5[%add3A_794] : memref<12000xf32, #tpu.memory_space<vmem>>[vector<16xi32>], vector<16xf32>,
        %add3A_796 = arith.addf %add3A_724, %gather3A_795 : vector<16xf32>
        scf.yield %add3A_741, %add3A_746, %add3A_751, %add3A_756, %add3A_761, %add3A_766, %add3A_771, %add3A_776, %add3A_781, %add3A_786, %add3A_791, %add3A_796 : vector<16xf32>, vector<16xf32>, vector<16xf32>, vector<16xf32>, vector<16xf32>, vector<16xf32>, vector<16xf32>, vector<16xf32>, vector<16xf32>, vector<16xf32>, vector<16xf32>, vector<16xf32>
      }
      %scan3A_535 = arith.constant 200 : i32
      %broadcast_in_dim3A_536 = arith.constant 0 : i32
      %broadcast_in_dim3A_537 = vector.broadcast %broadcast_in_dim3A_536 : i32 to vector<16xi32>
      %mul3A_538 = vector.broadcast %scan3A_432 : f32 to vector<16xf32>
      %mul3A_539 = arith.mulf %scan3A_534#0, %mul3A_538 : vector<16xf32>
      %scatter3A = arith.constant 0 : i32
      %scatter3A_540 = arith.constant 0 : i32
      %scatter3A_541 = arith.constant 0 : i32
      %scatter3A_542 = tpu.memref_slice %arg7[%scatter3A, %scatter3A_540, %scatter3A_541] : memref<2x64x12xf32, #tpu.memory_space<vmem>> -> memref<1x64x12xf32, #tpu.memory_space<vmem>>
      %scatter3A_543 = tpu.memref_squeeze %scatter3A_542 : memref<1x64x12xf32, #tpu.memory_space<vmem>> -> memref<64x12xf32, #tpu.memory_space<vmem>>
      tpu.vector_store_idx %scatter3A_543[%add3A_529, %broadcast_in_dim3A_537], %mul3A_539 : memref<64x12xf32, #tpu.memory_space<vmem>>[vector<16xi32>, vector<16xi32>], vector<16xf32>,
      %broadcast_in_dim3A_544 = arith.constant 1 : i32
      %broadcast_in_dim3A_545 = vector.broadcast %broadcast_in_dim3A_544 : i32 to vector<16xi32>
      %mul3A_546 = vector.broadcast %scan3A_432 : f32 to vector<16xf32>
      %mul3A_547 = arith.mulf %scan3A_534#1, %mul3A_546 : vector<16xf32>
      %scatter3A_548 = arith.constant 0 : i32
      %scatter3A_549 = arith.constant 0 : i32
      %scatter3A_550 = arith.constant 0 : i32
      %scatter3A_551 = tpu.memref_slice %arg7[%scatter3A_548, %scatter3A_549, %scatter3A_550] : memref<2x64x12xf32, #tpu.memory_space<vmem>> -> memref<1x64x12xf32, #tpu.memory_space<vmem>>
      %scatter3A_552 = tpu.memref_squeeze %scatter3A_551 : memref<1x64x12xf32, #tpu.memory_space<vmem>> -> memref<64x12xf32, #tpu.memory_space<vmem>>
      tpu.vector_store_idx %scatter3A_552[%add3A_529, %broadcast_in_dim3A_545], %mul3A_547 : memref<64x12xf32, #tpu.memory_space<vmem>>[vector<16xi32>, vector<16xi32>], vector<16xf32>,
      %broadcast_in_dim3A_553 = arith.constant 2 : i32
      %broadcast_in_dim3A_554 = vector.broadcast %broadcast_in_dim3A_553 : i32 to vector<16xi32>
      %mul3A_555 = vector.broadcast %scan3A_432 : f32 to vector<16xf32>
      %mul3A_556 = arith.mulf %scan3A_534#2, %mul3A_555 : vector<16xf32>
      %scatter3A_557 = arith.constant 0 : i32
      %scatter3A_558 = arith.constant 0 : i32
      %scatter3A_559 = arith.constant 0 : i32
      %scatter3A_560 = tpu.memref_slice %arg7[%scatter3A_557, %scatter3A_558, %scatter3A_559] : memref<2x64x12xf32, #tpu.memory_space<vmem>> -> memref<1x64x12xf32, #tpu.memory_space<vmem>>
      %scatter3A_561 = tpu.memref_squeeze %scatter3A_560 : memref<1x64x12xf32, #tpu.memory_space<vmem>> -> memref<64x12xf32, #tpu.memory_space<vmem>>
      tpu.vector_store_idx %scatter3A_561[%add3A_529, %broadcast_in_dim3A_554], %mul3A_556 : memref<64x12xf32, #tpu.memory_space<vmem>>[vector<16xi32>, vector<16xi32>], vector<16xf32>,
      %broadcast_in_dim3A_562 = arith.constant 3 : i32
      %broadcast_in_dim3A_563 = vector.broadcast %broadcast_in_dim3A_562 : i32 to vector<16xi32>
      %mul3A_564 = vector.broadcast %scan3A_432 : f32 to vector<16xf32>
      %mul3A_565 = arith.mulf %scan3A_534#3, %mul3A_564 : vector<16xf32>
      %scatter3A_566 = arith.constant 0 : i32
      %scatter3A_567 = arith.constant 0 : i32
      %scatter3A_568 = arith.constant 0 : i32
      %scatter3A_569 = tpu.memref_slice %arg7[%scatter3A_566, %scatter3A_567, %scatter3A_568] : memref<2x64x12xf32, #tpu.memory_space<vmem>> -> memref<1x64x12xf32, #tpu.memory_space<vmem>>
      %scatter3A_570 = tpu.memref_squeeze %scatter3A_569 : memref<1x64x12xf32, #tpu.memory_space<vmem>> -> memref<64x12xf32, #tpu.memory_space<vmem>>
      tpu.vector_store_idx %scatter3A_570[%add3A_529, %broadcast_in_dim3A_563], %mul3A_565 : memref<64x12xf32, #tpu.memory_space<vmem>>[vector<16xi32>, vector<16xi32>], vector<16xf32>,
      %broadcast_in_dim3A_571 = arith.constant 4 : i32
      %broadcast_in_dim3A_572 = vector.broadcast %broadcast_in_dim3A_571 : i32 to vector<16xi32>
      %mul3A_573 = vector.broadcast %scan3A_432 : f32 to vector<16xf32>
      %mul3A_574 = arith.mulf %scan3A_534#4, %mul3A_573 : vector<16xf32>
      %scatter3A_575 = arith.constant 0 : i32
      %scatter3A_576 = arith.constant 0 : i32
      %scatter3A_577 = arith.constant 0 : i32
      %scatter3A_578 = tpu.memref_slice %arg7[%scatter3A_575, %scatter3A_576, %scatter3A_577] : memref<2x64x12xf32, #tpu.memory_space<vmem>> -> memref<1x64x12xf32, #tpu.memory_space<vmem>>
      %scatter3A_579 = tpu.memref_squeeze %scatter3A_578 : memref<1x64x12xf32, #tpu.memory_space<vmem>> -> memref<64x12xf32, #tpu.memory_space<vmem>>
      tpu.vector_store_idx %scatter3A_579[%add3A_529, %broadcast_in_dim3A_572], %mul3A_574 : memref<64x12xf32, #tpu.memory_space<vmem>>[vector<16xi32>, vector<16xi32>], vector<16xf32>,
      %broadcast_in_dim3A_580 = arith.constant 5 : i32
      %broadcast_in_dim3A_581 = vector.broadcast %broadcast_in_dim3A_580 : i32 to vector<16xi32>
      %mul3A_582 = vector.broadcast %scan3A_432 : f32 to vector<16xf32>
      %mul3A_583 = arith.mulf %scan3A_534#5, %mul3A_582 : vector<16xf32>
      %scatter3A_584 = arith.constant 0 : i32
      %scatter3A_585 = arith.constant 0 : i32
      %scatter3A_586 = arith.constant 0 : i32
      %scatter3A_587 = tpu.memref_slice %arg7[%scatter3A_584, %scatter3A_585, %scatter3A_586] : memref<2x64x12xf32, #tpu.memory_space<vmem>> -> memref<1x64x12xf32, #tpu.memory_space<vmem>>
      %scatter3A_588 = tpu.memref_squeeze %scatter3A_587 : memref<1x64x12xf32, #tpu.memory_space<vmem>> -> memref<64x12xf32, #tpu.memory_space<vmem>>
      tpu.vector_store_idx %scatter3A_588[%add3A_529, %broadcast_in_dim3A_581], %mul3A_583 : memref<64x12xf32, #tpu.memory_space<vmem>>[vector<16xi32>, vector<16xi32>], vector<16xf32>,
      %broadcast_in_dim3A_589 = arith.constant 6 : i32
      %broadcast_in_dim3A_590 = vector.broadcast %broadcast_in_dim3A_589 : i32 to vector<16xi32>
      %mul3A_591 = vector.broadcast %scan3A_432 : f32 to vector<16xf32>
      %mul3A_592 = arith.mulf %scan3A_534#6, %mul3A_591 : vector<16xf32>
      %scatter3A_593 = arith.constant 0 : i32
      %scatter3A_594 = arith.constant 0 : i32
      %scatter3A_595 = arith.constant 0 : i32
      %scatter3A_596 = tpu.memref_slice %arg7[%scatter3A_593, %scatter3A_594, %scatter3A_595] : memref<2x64x12xf32, #tpu.memory_space<vmem>> -> memref<1x64x12xf32, #tpu.memory_space<vmem>>
      %scatter3A_597 = tpu.memref_squeeze %scatter3A_596 : memref<1x64x12xf32, #tpu.memory_space<vmem>> -> memref<64x12xf32, #tpu.memory_space<vmem>>
      tpu.vector_store_idx %scatter3A_597[%add3A_529, %broadcast_in_dim3A_590], %mul3A_592 : memref<64x12xf32, #tpu.memory_space<vmem>>[vector<16xi32>, vector<16xi32>], vector<16xf32>,
      %broadcast_in_dim3A_598 = arith.constant 7 : i32
      %broadcast_in_dim3A_599 = vector.broadcast %broadcast_in_dim3A_598 : i32 to vector<16xi32>
      %mul3A_600 = vector.broadcast %scan3A_432 : f32 to vector<16xf32>
      %mul3A_601 = arith.mulf %scan3A_534#7, %mul3A_600 : vector<16xf32>
      %scatter3A_602 = arith.constant 0 : i32
      %scatter3A_603 = arith.constant 0 : i32
      %scatter3A_604 = arith.constant 0 : i32
      %scatter3A_605 = tpu.memref_slice %arg7[%scatter3A_602, %scatter3A_603, %scatter3A_604] : memref<2x64x12xf32, #tpu.memory_space<vmem>> -> memref<1x64x12xf32, #tpu.memory_space<vmem>>
      %scatter3A_606 = tpu.memref_squeeze %scatter3A_605 : memref<1x64x12xf32, #tpu.memory_space<vmem>> -> memref<64x12xf32, #tpu.memory_space<vmem>>
      tpu.vector_store_idx %scatter3A_606[%add3A_529, %broadcast_in_dim3A_599], %mul3A_601 : memref<64x12xf32, #tpu.memory_space<vmem>>[vector<16xi32>, vector<16xi32>], vector<16xf32>,
      %broadcast_in_dim3A_607 = arith.constant 8 : i32
      %broadcast_in_dim3A_608 = vector.broadcast %broadcast_in_dim3A_607 : i32 to vector<16xi32>
      %mul3A_609 = vector.broadcast %scan3A_432 : f32 to vector<16xf32>
      %mul3A_610 = arith.mulf %scan3A_534#8, %mul3A_609 : vector<16xf32>
      %scatter3A_611 = arith.constant 0 : i32
      %scatter3A_612 = arith.constant 0 : i32
      %scatter3A_613 = arith.constant 0 : i32
      %scatter3A_614 = tpu.memref_slice %arg7[%scatter3A_611, %scatter3A_612, %scatter3A_613] : memref<2x64x12xf32, #tpu.memory_space<vmem>> -> memref<1x64x12xf32, #tpu.memory_space<vmem>>
      %scatter3A_615 = tpu.memref_squeeze %scatter3A_614 : memref<1x64x12xf32, #tpu.memory_space<vmem>> -> memref<64x12xf32, #tpu.memory_space<vmem>>
      tpu.vector_store_idx %scatter3A_615[%add3A_529, %broadcast_in_dim3A_608], %mul3A_610 : memref<64x12xf32, #tpu.memory_space<vmem>>[vector<16xi32>, vector<16xi32>], vector<16xf32>,
      %broadcast_in_dim3A_616 = arith.constant 9 : i32
      %broadcast_in_dim3A_617 = vector.broadcast %broadcast_in_dim3A_616 : i32 to vector<16xi32>
      %mul3A_618 = vector.broadcast %scan3A_432 : f32 to vector<16xf32>
      %mul3A_619 = arith.mulf %scan3A_534#9, %mul3A_618 : vector<16xf32>
      %scatter3A_620 = arith.constant 0 : i32
      %scatter3A_621 = arith.constant 0 : i32
      %scatter3A_622 = arith.constant 0 : i32
      %scatter3A_623 = tpu.memref_slice %arg7[%scatter3A_620, %scatter3A_621, %scatter3A_622] : memref<2x64x12xf32, #tpu.memory_space<vmem>> -> memref<1x64x12xf32, #tpu.memory_space<vmem>>
      %scatter3A_624 = tpu.memref_squeeze %scatter3A_623 : memref<1x64x12xf32, #tpu.memory_space<vmem>> -> memref<64x12xf32, #tpu.memory_space<vmem>>
      tpu.vector_store_idx %scatter3A_624[%add3A_529, %broadcast_in_dim3A_617], %mul3A_619 : memref<64x12xf32, #tpu.memory_space<vmem>>[vector<16xi32>, vector<16xi32>], vector<16xf32>,
      %broadcast_in_dim3A_625 = arith.constant 10 : i32
      %broadcast_in_dim3A_626 = vector.broadcast %broadcast_in_dim3A_625 : i32 to vector<16xi32>
      %mul3A_627 = vector.broadcast %scan3A_432 : f32 to vector<16xf32>
      %mul3A_628 = arith.mulf %scan3A_534#10, %mul3A_627 : vector<16xf32>
      %scatter3A_629 = arith.constant 0 : i32
      %scatter3A_630 = arith.constant 0 : i32
      %scatter3A_631 = arith.constant 0 : i32
      %scatter3A_632 = tpu.memref_slice %arg7[%scatter3A_629, %scatter3A_630, %scatter3A_631] : memref<2x64x12xf32, #tpu.memory_space<vmem>> -> memref<1x64x12xf32, #tpu.memory_space<vmem>>
      %scatter3A_633 = tpu.memref_squeeze %scatter3A_632 : memref<1x64x12xf32, #tpu.memory_space<vmem>> -> memref<64x12xf32, #tpu.memory_space<vmem>>
      tpu.vector_store_idx %scatter3A_633[%add3A_529, %broadcast_in_dim3A_626], %mul3A_628 : memref<64x12xf32, #tpu.memory_space<vmem>>[vector<16xi32>, vector<16xi32>], vector<16xf32>,
      %broadcast_in_dim3A_634 = arith.constant 11 : i32
      %broadcast_in_dim3A_635 = vector.broadcast %broadcast_in_dim3A_634 : i32 to vector<16xi32>
      %mul3A_636 = vector.broadcast %scan3A_432 : f32 to vector<16xf32>
      %mul3A_637 = arith.mulf %scan3A_534#11, %mul3A_636 : vector<16xf32>
      %scatter3A_638 = arith.constant 0 : i32
      %scatter3A_639 = arith.constant 0 : i32
      %scatter3A_640 = arith.constant 0 : i32
      %scatter3A_641 = tpu.memref_slice %arg7[%scatter3A_638, %scatter3A_639, %scatter3A_640] : memref<2x64x12xf32, #tpu.memory_space<vmem>> -> memref<1x64x12xf32, #tpu.memory_space<vmem>>
      %scatter3A_642 = tpu.memref_squeeze %scatter3A_641 : memref<1x64x12xf32, #tpu.memory_space<vmem>> -> memref<64x12xf32, #tpu.memory_space<vmem>>
      tpu.vector_store_idx %scatter3A_642[%add3A_529, %broadcast_in_dim3A_635], %mul3A_637 : memref<64x12xf32, #tpu.memory_space<vmem>>[vector<16xi32>, vector<16xi32>], vector<16xf32>,
    }
    %scan3A_437 = arith.constant 4 : i32
    %dma_start3A_438 = arith.constant 0 : i32
    %dma_start3A_439 = arith.constant 0 : i32
    %dma_start3A_440 = arith.constant 0 : i32
    %dma_start3A_441 = tpu.memref_slice %arg7[%dma_start3A_438, %dma_start3A_439, %dma_start3A_440] : memref<2x64x12xf32, #tpu.memory_space<vmem>> -> memref<1x64x12xf32, #tpu.memory_space<vmem>>
    %dma_start3A_442 = tpu.memref_squeeze %dma_start3A_441 : memref<1x64x12xf32, #tpu.memory_space<vmem>> -> memref<64x12xf32, #tpu.memory_space<vmem>>
    %dma_start3A_443 = arith.constant 0 : i32
    %dma_start3A_444 = tpu.memref_slice %arg4[%add3A_389, %dma_start3A_443] : memref<16384x12xf32, #tpu.memory_space<hbm>> -> memref<64x12xf32, #tpu.memory_space<hbm>>
    %dma_start3A_445 = arith.constant 0 : i32
    %dma_start3A_446 = tpu.memref_slice %arg4[%add3A_389, %dma_start3A_445] : memref<16384x12xf32, #tpu.memory_space<hbm>> -> memref<64x12xf32, #tpu.memory_space<hbm>>
    %dma_start3A_447 = arith.constant 0 : i32
    %dma_start3A_448 = arith.constant 0 : i32
    %dma_start3A_449 = tpu.memref_slice %arg7[%dma_start3A_438, %dma_start3A_447, %dma_start3A_448] : memref<2x64x12xf32, #tpu.memory_space<vmem>> -> memref<1x64x12xf32, #tpu.memory_space<vmem>>
    %dma_start3A_450 = tpu.memref_squeeze %dma_start3A_449 : memref<1x64x12xf32, #tpu.memory_space<vmem>> -> memref<64x12xf32, #tpu.memory_space<vmem>>
    tpu.enqueue_dma source(%dma_start3A_450 : memref<64x12xf32, #tpu.memory_space<vmem>>) target(%dma_start3A_446 : memref<64x12xf32, #tpu.memory_space<hbm>>) target_semaphore(%arg10 : memref<!tpu.dma_semaphore, #tpu.memory_space<semaphore_mem>>)
    %add3A_451 = arith.constant 448 : i32
    %add3A_452 = arith.addi %mul3A_2, %add3A_451 : i32
    %dma_wait3A_453 = arith.constant 1 : i32
    %dma_wait3A_454 = arith.constant 0 : i32
    %dma_wait3A_455 = arith.constant 0 : i32
    %dma_wait3A_456 = tpu.memref_slice %arg6[%dma_wait3A_453, %dma_wait3A_454, %dma_wait3A_455] : memref<2x64x200xi32, #tpu.memory_space<vmem>> -> memref<1x64x200xi32, #tpu.memory_space<vmem>>
    %dma_wait3A_457 = tpu.memref_squeeze %dma_wait3A_456 : memref<1x64x200xi32, #tpu.memory_space<vmem>> -> memref<64x200xi32, #tpu.memory_space<vmem>>
    %dma_wait3A_458 = arith.constant 0 : i32
    %dma_wait3A_459 = tpu.memref_slice %arg2[%add3A_391, %dma_wait3A_458] : memref<16384x200xi32, #tpu.memory_space<hbm>> -> memref<64x200xi32, #tpu.memory_space<hbm>>
    %dma_wait3A_460 = arith.constant 0 : i32
    %dma_wait3A_461 = arith.constant 0 : i32
    %dma_wait3A_462 = tpu.memref_slice %arg6[%dma_wait3A_453, %dma_wait3A_460, %dma_wait3A_461] : memref<2x64x200xi32, #tpu.memory_space<vmem>> -> memref<1x64x200xi32, #tpu.memory_space<vmem>>
    %dma_wait3A_463 = tpu.memref_squeeze %dma_wait3A_462 : memref<1x64x200xi32, #tpu.memory_space<vmem>> -> memref<64x200xi32, #tpu.memory_space<vmem>>
    %dma_wait3A_464 = arith.constant 0 : i32
    %dma_wait3A_465 = tpu.memref_slice %arg2[%add3A_391, %dma_wait3A_464] : memref<16384x200xi32, #tpu.memory_space<hbm>> -> memref<64x200xi32, #tpu.memory_space<hbm>>
    tpu.wait_dma2 semaphore(%arg9 : memref<!tpu.dma_semaphore, #tpu.memory_space<semaphore_mem>>) src(%dma_wait3A_465 : memref<64x200xi32, #tpu.memory_space<hbm>>) dst(%dma_wait3A_463 : memref<64x200xi32, #tpu.memory_space<vmem>>)
    %dma_wait3A_466 = arith.constant 1 : i32
    %dma_wait3A_467 = arith.constant 0 : i32
    %dma_wait3A_468 = arith.constant 0 : i32
    %dma_wait3A_469 = tpu.memref_slice %arg7[%dma_wait3A_466, %dma_wait3A_467, %dma_wait3A_468] : memref<2x64x12xf32, #tpu.memory_space<vmem>> -> memref<1x64x12xf32, #tpu.memory_space<vmem>>
    %dma_wait3A_470 = tpu.memref_squeeze %dma_wait3A_469 : memref<1x64x12xf32, #tpu.memory_space<vmem>> -> memref<64x12xf32, #tpu.memory_space<vmem>>
    %dma_wait3A_471 = arith.constant 0 : i32
    %dma_wait3A_472 = tpu.memref_slice %arg4[%add3A_326, %dma_wait3A_471] : memref<16384x12xf32, #tpu.memory_space<hbm>> -> memref<64x12xf32, #tpu.memory_space<hbm>>
    %dma_wait3A_473 = arith.constant 0 : i32
    %dma_wait3A_474 = tpu.memref_slice %arg4[%add3A_326, %dma_wait3A_473] : memref<16384x12xf32, #tpu.memory_space<hbm>> -> memref<64x12xf32, #tpu.memory_space<hbm>>
    %dma_wait3A_475 = arith.constant 0 : i32
    %dma_wait3A_476 = arith.constant 0 : i32
    %dma_wait3A_477 = tpu.memref_slice %arg7[%dma_wait3A_466, %dma_wait3A_475, %dma_wait3A_476] : memref<2x64x12xf32, #tpu.memory_space<vmem>> -> memref<1x64x12xf32, #tpu.memory_space<vmem>>
    %dma_wait3A_478 = tpu.memref_squeeze %dma_wait3A_477 : memref<1x64x12xf32, #tpu.memory_space<vmem>> -> memref<64x12xf32, #tpu.memory_space<vmem>>
    tpu.wait_dma2 semaphore(%arg11 : memref<!tpu.dma_semaphore, #tpu.memory_space<semaphore_mem>>) src(%dma_wait3A_478 : memref<64x12xf32, #tpu.memory_space<vmem>>) dst(%dma_wait3A_474 : memref<64x12xf32, #tpu.memory_space<hbm>>)
    %scan3A_479 = arith.constant 0 : i32
    %scan3A_480 = arith.constant 5.000000e-03 : f32
    %scan3A_481 = arith.constant 0 : i32
    %scan3A_482 = arith.constant 4 : i32
    %scan3A_483 = arith.addi %scan3A_481, %scan3A_482 : i32
    %scan3A_484 = arith.constant 1 : i32
    scf.for %scan3A_525 = %scan3A_481 to %scan3A_483 step %scan3A_484  : i32 {
      %mul3A_526 = arith.constant 16 : i32
      %mul3A_527 = arith.muli %scan3A_525, %mul3A_526 : i32
      %add3A_528 = vector.broadcast %mul3A_527 : i32 to vector<16xi32>
      %add3A_529 = arith.addi %add3A_528, %iota3A : vector<16xi32>
      %scan3A_530 = arith.constant 0 : i32
      %scan3A_531 = arith.constant 200 : i32
      %scan3A_532 = arith.addi %scan3A_530, %scan3A_531 : i32
      %scan3A_533 = arith.constant 2 : i32
      %scan3A_534:12 = scf.for %scan3A_643 = %scan3A_530 to %scan3A_532 step %scan3A_533 iter_args(%scan3A_644 = %broadcast_in_dim3A_15, %scan3A_645 = %broadcast_in_dim3A_17, %scan3A_646 = %broadcast_in_dim3A_19, %scan3A_647 = %broadcast_in_dim3A_21, %scan3A_648 = %broadcast_in_dim3A_23, %scan3A_649 = %broadcast_in_dim3A_25, %scan3A_650 = %broadcast_in_dim3A_27, %scan3A_651 = %broadcast_in_dim3A_29, %scan3A_652 = %broadcast_in_dim3A_31, %scan3A_653 = %broadcast_in_dim3A_33, %scan3A_654 = %broadcast_in_dim3A_35, %scan3A_655 = %broadcast_in_dim3A_37) -> (vector<16xf32>, vector<16xf32>, vector<16xf32>, vector<16xf32>, vector<16xf32>, vector<16xf32>, vector<16xf32>, vector<16xf32>, vector<16xf32>, vector<16xf32>, vector<16xf32>, vector<16xf32>)  : i32 {
        %broadcast_in_dim3A_656 = vector.broadcast %scan3A_643 : i32 to vector<16xi32>
        %gather3A = arith.constant 1 : i32
        %gather3A_657 = arith.constant 0 : i32
        %gather3A_658 = arith.constant 0 : i32
        %gather3A_659 = tpu.memref_slice %arg6[%gather3A, %gather3A_657, %gather3A_658] : memref<2x64x200xi32, #tpu.memory_space<vmem>> -> memref<1x64x200xi32, #tpu.memory_space<vmem>>
        %gather3A_660 = tpu.memref_squeeze %gather3A_659 : memref<1x64x200xi32, #tpu.memory_space<vmem>> -> memref<64x200xi32, #tpu.memory_space<vmem>>
        %gather3A_661 = tpu.vector_load_idx %gather3A_660[%add3A_529, %broadcast_in_dim3A_656] : memref<64x200xi32, #tpu.memory_space<vmem>>[vector<16xi32>, vector<16xi32>], vector<16xi32>,
        %mul3A_662 = arith.constant 12 : i32
        %mul3A_663 = vector.broadcast %mul3A_662 : i32 to vector<16xi32>
        %mul3A_664 = arith.muli %gather3A_661, %mul3A_663 : vector<16xi32>
        %add3A_665 = arith.constant 0 : i32
        %add3A_666 = vector.broadcast %add3A_665 : i32 to vector<16xi32>
        %add3A_667 = arith.addi %mul3A_664, %add3A_666 : vector<16xi32>
        %gather3A_668 = tpu.vector_load_idx %arg5[%add3A_667] : memref<12000xf32, #tpu.memory_space<vmem>>[vector<16xi32>], vector<16xf32>,
        %add3A_669 = arith.addf %scan3A_644, %gather3A_668 : vector<16xf32>
        %add3A_670 = arith.constant 1 : i32
        %add3A_671 = vector.broadcast %add3A_670 : i32 to vector<16xi32>
        %add3A_672 = arith.addi %mul3A_664, %add3A_671 : vector<16xi32>
        %gather3A_673 = tpu.vector_load_idx %arg5[%add3A_672] : memref<12000xf32, #tpu.memory_space<vmem>>[vector<16xi32>], vector<16xf32>,
        %add3A_674 = arith.addf %scan3A_645, %gather3A_673 : vector<16xf32>
        %add3A_675 = arith.constant 2 : i32
        %add3A_676 = vector.broadcast %add3A_675 : i32 to vector<16xi32>
        %add3A_677 = arith.addi %mul3A_664, %add3A_676 : vector<16xi32>
        %gather3A_678 = tpu.vector_load_idx %arg5[%add3A_677] : memref<12000xf32, #tpu.memory_space<vmem>>[vector<16xi32>], vector<16xf32>,
        %add3A_679 = arith.addf %scan3A_646, %gather3A_678 : vector<16xf32>
        %add3A_680 = arith.constant 3 : i32
        %add3A_681 = vector.broadcast %add3A_680 : i32 to vector<16xi32>
        %add3A_682 = arith.addi %mul3A_664, %add3A_681 : vector<16xi32>
        %gather3A_683 = tpu.vector_load_idx %arg5[%add3A_682] : memref<12000xf32, #tpu.memory_space<vmem>>[vector<16xi32>], vector<16xf32>,
        %add3A_684 = arith.addf %scan3A_647, %gather3A_683 : vector<16xf32>
        %add3A_685 = arith.constant 4 : i32
        %add3A_686 = vector.broadcast %add3A_685 : i32 to vector<16xi32>
        %add3A_687 = arith.addi %mul3A_664, %add3A_686 : vector<16xi32>
        %gather3A_688 = tpu.vector_load_idx %arg5[%add3A_687] : memref<12000xf32, #tpu.memory_space<vmem>>[vector<16xi32>], vector<16xf32>,
        %add3A_689 = arith.addf %scan3A_648, %gather3A_688 : vector<16xf32>
        %add3A_690 = arith.constant 5 : i32
        %add3A_691 = vector.broadcast %add3A_690 : i32 to vector<16xi32>
        %add3A_692 = arith.addi %mul3A_664, %add3A_691 : vector<16xi32>
        %gather3A_693 = tpu.vector_load_idx %arg5[%add3A_692] : memref<12000xf32, #tpu.memory_space<vmem>>[vector<16xi32>], vector<16xf32>,
        %add3A_694 = arith.addf %scan3A_649, %gather3A_693 : vector<16xf32>
        %add3A_695 = arith.constant 6 : i32
        %add3A_696 = vector.broadcast %add3A_695 : i32 to vector<16xi32>
        %add3A_697 = arith.addi %mul3A_664, %add3A_696 : vector<16xi32>
        %gather3A_698 = tpu.vector_load_idx %arg5[%add3A_697] : memref<12000xf32, #tpu.memory_space<vmem>>[vector<16xi32>], vector<16xf32>,
        %add3A_699 = arith.addf %scan3A_650, %gather3A_698 : vector<16xf32>
        %add3A_700 = arith.constant 7 : i32
        %add3A_701 = vector.broadcast %add3A_700 : i32 to vector<16xi32>
        %add3A_702 = arith.addi %mul3A_664, %add3A_701 : vector<16xi32>
        %gather3A_703 = tpu.vector_load_idx %arg5[%add3A_702] : memref<12000xf32, #tpu.memory_space<vmem>>[vector<16xi32>], vector<16xf32>,
        %add3A_704 = arith.addf %scan3A_651, %gather3A_703 : vector<16xf32>
        %add3A_705 = arith.constant 8 : i32
        %add3A_706 = vector.broadcast %add3A_705 : i32 to vector<16xi32>
        %add3A_707 = arith.addi %mul3A_664, %add3A_706 : vector<16xi32>
        %gather3A_708 = tpu.vector_load_idx %arg5[%add3A_707] : memref<12000xf32, #tpu.memory_space<vmem>>[vector<16xi32>], vector<16xf32>,
        %add3A_709 = arith.addf %scan3A_652, %gather3A_708 : vector<16xf32>
        %add3A_710 = arith.constant 9 : i32
        %add3A_711 = vector.broadcast %add3A_710 : i32 to vector<16xi32>
        %add3A_712 = arith.addi %mul3A_664, %add3A_711 : vector<16xi32>
        %gather3A_713 = tpu.vector_load_idx %arg5[%add3A_712] : memref<12000xf32, #tpu.memory_space<vmem>>[vector<16xi32>], vector<16xf32>,
        %add3A_714 = arith.addf %scan3A_653, %gather3A_713 : vector<16xf32>
        %add3A_715 = arith.constant 10 : i32
        %add3A_716 = vector.broadcast %add3A_715 : i32 to vector<16xi32>
        %add3A_717 = arith.addi %mul3A_664, %add3A_716 : vector<16xi32>
        %gather3A_718 = tpu.vector_load_idx %arg5[%add3A_717] : memref<12000xf32, #tpu.memory_space<vmem>>[vector<16xi32>], vector<16xf32>,
        %add3A_719 = arith.addf %scan3A_654, %gather3A_718 : vector<16xf32>
        %add3A_720 = arith.constant 11 : i32
        %add3A_721 = vector.broadcast %add3A_720 : i32 to vector<16xi32>
        %add3A_722 = arith.addi %mul3A_664, %add3A_721 : vector<16xi32>
        %gather3A_723 = tpu.vector_load_idx %arg5[%add3A_722] : memref<12000xf32, #tpu.memory_space<vmem>>[vector<16xi32>], vector<16xf32>,
        %add3A_724 = arith.addf %scan3A_655, %gather3A_723 : vector<16xf32>
        %scan3A_725 = arith.constant 1 : i32
        %scan3A_726 = arith.addi %scan3A_643, %scan3A_725 : i32
        %broadcast_in_dim3A_727 = vector.broadcast %scan3A_726 : i32 to vector<16xi32>
        %gather3A_728 = arith.constant 1 : i32
        %gather3A_729 = arith.constant 0 : i32
        %gather3A_730 = arith.constant 0 : i32
        %gather3A_731 = tpu.memref_slice %arg6[%gather3A_728, %gather3A_729, %gather3A_730] : memref<2x64x200xi32, #tpu.memory_space<vmem>> -> memref<1x64x200xi32, #tpu.memory_space<vmem>>
        %gather3A_732 = tpu.memref_squeeze %gather3A_731 : memref<1x64x200xi32, #tpu.memory_space<vmem>> -> memref<64x200xi32, #tpu.memory_space<vmem>>
        %gather3A_733 = tpu.vector_load_idx %gather3A_732[%add3A_529, %broadcast_in_dim3A_727] : memref<64x200xi32, #tpu.memory_space<vmem>>[vector<16xi32>, vector<16xi32>], vector<16xi32>,
        %mul3A_734 = arith.constant 12 : i32
        %mul3A_735 = vector.broadcast %mul3A_734 : i32 to vector<16xi32>
        %mul3A_736 = arith.muli %gather3A_733, %mul3A_735 : vector<16xi32>
        %add3A_737 = arith.constant 0 : i32
        %add3A_738 = vector.broadcast %add3A_737 : i32 to vector<16xi32>
        %add3A_739 = arith.addi %mul3A_736, %add3A_738 : vector<16xi32>
        %gather3A_740 = tpu.vector_load_idx %arg5[%add3A_739] : memref<12000xf32, #tpu.memory_space<vmem>>[vector<16xi32>], vector<16xf32>,
        %add3A_741 = arith.addf %add3A_669, %gather3A_740 : vector<16xf32>
        %add3A_742 = arith.constant 1 : i32
        %add3A_743 = vector.broadcast %add3A_742 : i32 to vector<16xi32>
        %add3A_744 = arith.addi %mul3A_736, %add3A_743 : vector<16xi32>
        %gather3A_745 = tpu.vector_load_idx %arg5[%add3A_744] : memref<12000xf32, #tpu.memory_space<vmem>>[vector<16xi32>], vector<16xf32>,
        %add3A_746 = arith.addf %add3A_674, %gather3A_745 : vector<16xf32>
        %add3A_747 = arith.constant 2 : i32
        %add3A_748 = vector.broadcast %add3A_747 : i32 to vector<16xi32>
        %add3A_749 = arith.addi %mul3A_736, %add3A_748 : vector<16xi32>
        %gather3A_750 = tpu.vector_load_idx %arg5[%add3A_749] : memref<12000xf32, #tpu.memory_space<vmem>>[vector<16xi32>], vector<16xf32>,
        %add3A_751 = arith.addf %add3A_679, %gather3A_750 : vector<16xf32>
        %add3A_752 = arith.constant 3 : i32
        %add3A_753 = vector.broadcast %add3A_752 : i32 to vector<16xi32>
        %add3A_754 = arith.addi %mul3A_736, %add3A_753 : vector<16xi32>
        %gather3A_755 = tpu.vector_load_idx %arg5[%add3A_754] : memref<12000xf32, #tpu.memory_space<vmem>>[vector<16xi32>], vector<16xf32>,
        %add3A_756 = arith.addf %add3A_684, %gather3A_755 : vector<16xf32>
        %add3A_757 = arith.constant 4 : i32
        %add3A_758 = vector.broadcast %add3A_757 : i32 to vector<16xi32>
        %add3A_759 = arith.addi %mul3A_736, %add3A_758 : vector<16xi32>
        %gather3A_760 = tpu.vector_load_idx %arg5[%add3A_759] : memref<12000xf32, #tpu.memory_space<vmem>>[vector<16xi32>], vector<16xf32>,
        %add3A_761 = arith.addf %add3A_689, %gather3A_760 : vector<16xf32>
        %add3A_762 = arith.constant 5 : i32
        %add3A_763 = vector.broadcast %add3A_762 : i32 to vector<16xi32>
        %add3A_764 = arith.addi %mul3A_736, %add3A_763 : vector<16xi32>
        %gather3A_765 = tpu.vector_load_idx %arg5[%add3A_764] : memref<12000xf32, #tpu.memory_space<vmem>>[vector<16xi32>], vector<16xf32>,
        %add3A_766 = arith.addf %add3A_694, %gather3A_765 : vector<16xf32>
        %add3A_767 = arith.constant 6 : i32
        %add3A_768 = vector.broadcast %add3A_767 : i32 to vector<16xi32>
        %add3A_769 = arith.addi %mul3A_736, %add3A_768 : vector<16xi32>
        %gather3A_770 = tpu.vector_load_idx %arg5[%add3A_769] : memref<12000xf32, #tpu.memory_space<vmem>>[vector<16xi32>], vector<16xf32>,
        %add3A_771 = arith.addf %add3A_699, %gather3A_770 : vector<16xf32>
        %add3A_772 = arith.constant 7 : i32
        %add3A_773 = vector.broadcast %add3A_772 : i32 to vector<16xi32>
        %add3A_774 = arith.addi %mul3A_736, %add3A_773 : vector<16xi32>
        %gather3A_775 = tpu.vector_load_idx %arg5[%add3A_774] : memref<12000xf32, #tpu.memory_space<vmem>>[vector<16xi32>], vector<16xf32>,
        %add3A_776 = arith.addf %add3A_704, %gather3A_775 : vector<16xf32>
        %add3A_777 = arith.constant 8 : i32
        %add3A_778 = vector.broadcast %add3A_777 : i32 to vector<16xi32>
        %add3A_779 = arith.addi %mul3A_736, %add3A_778 : vector<16xi32>
        %gather3A_780 = tpu.vector_load_idx %arg5[%add3A_779] : memref<12000xf32, #tpu.memory_space<vmem>>[vector<16xi32>], vector<16xf32>,
        %add3A_781 = arith.addf %add3A_709, %gather3A_780 : vector<16xf32>
        %add3A_782 = arith.constant 9 : i32
        %add3A_783 = vector.broadcast %add3A_782 : i32 to vector<16xi32>
        %add3A_784 = arith.addi %mul3A_736, %add3A_783 : vector<16xi32>
        %gather3A_785 = tpu.vector_load_idx %arg5[%add3A_784] : memref<12000xf32, #tpu.memory_space<vmem>>[vector<16xi32>], vector<16xf32>,
        %add3A_786 = arith.addf %add3A_714, %gather3A_785 : vector<16xf32>
        %add3A_787 = arith.constant 10 : i32
        %add3A_788 = vector.broadcast %add3A_787 : i32 to vector<16xi32>
        %add3A_789 = arith.addi %mul3A_736, %add3A_788 : vector<16xi32>
        %gather3A_790 = tpu.vector_load_idx %arg5[%add3A_789] : memref<12000xf32, #tpu.memory_space<vmem>>[vector<16xi32>], vector<16xf32>,
        %add3A_791 = arith.addf %add3A_719, %gather3A_790 : vector<16xf32>
        %add3A_792 = arith.constant 11 : i32
        %add3A_793 = vector.broadcast %add3A_792 : i32 to vector<16xi32>
        %add3A_794 = arith.addi %mul3A_736, %add3A_793 : vector<16xi32>
        %gather3A_795 = tpu.vector_load_idx %arg5[%add3A_794] : memref<12000xf32, #tpu.memory_space<vmem>>[vector<16xi32>], vector<16xf32>,
        %add3A_796 = arith.addf %add3A_724, %gather3A_795 : vector<16xf32>
        scf.yield %add3A_741, %add3A_746, %add3A_751, %add3A_756, %add3A_761, %add3A_766, %add3A_771, %add3A_776, %add3A_781, %add3A_786, %add3A_791, %add3A_796 : vector<16xf32>, vector<16xf32>, vector<16xf32>, vector<16xf32>, vector<16xf32>, vector<16xf32>, vector<16xf32>, vector<16xf32>, vector<16xf32>, vector<16xf32>, vector<16xf32>, vector<16xf32>
      }
      %scan3A_535 = arith.constant 200 : i32
      %broadcast_in_dim3A_536 = arith.constant 0 : i32
      %broadcast_in_dim3A_537 = vector.broadcast %broadcast_in_dim3A_536 : i32 to vector<16xi32>
      %mul3A_538 = vector.broadcast %scan3A_480 : f32 to vector<16xf32>
      %mul3A_539 = arith.mulf %scan3A_534#0, %mul3A_538 : vector<16xf32>
      %scatter3A = arith.constant 1 : i32
      %scatter3A_540 = arith.constant 0 : i32
      %scatter3A_541 = arith.constant 0 : i32
      %scatter3A_542 = tpu.memref_slice %arg7[%scatter3A, %scatter3A_540, %scatter3A_541] : memref<2x64x12xf32, #tpu.memory_space<vmem>> -> memref<1x64x12xf32, #tpu.memory_space<vmem>>
      %scatter3A_543 = tpu.memref_squeeze %scatter3A_542 : memref<1x64x12xf32, #tpu.memory_space<vmem>> -> memref<64x12xf32, #tpu.memory_space<vmem>>
      tpu.vector_store_idx %scatter3A_543[%add3A_529, %broadcast_in_dim3A_537], %mul3A_539 : memref<64x12xf32, #tpu.memory_space<vmem>>[vector<16xi32>, vector<16xi32>], vector<16xf32>,
      %broadcast_in_dim3A_544 = arith.constant 1 : i32
      %broadcast_in_dim3A_545 = vector.broadcast %broadcast_in_dim3A_544 : i32 to vector<16xi32>
      %mul3A_546 = vector.broadcast %scan3A_480 : f32 to vector<16xf32>
      %mul3A_547 = arith.mulf %scan3A_534#1, %mul3A_546 : vector<16xf32>
      %scatter3A_548 = arith.constant 1 : i32
      %scatter3A_549 = arith.constant 0 : i32
      %scatter3A_550 = arith.constant 0 : i32
      %scatter3A_551 = tpu.memref_slice %arg7[%scatter3A_548, %scatter3A_549, %scatter3A_550] : memref<2x64x12xf32, #tpu.memory_space<vmem>> -> memref<1x64x12xf32, #tpu.memory_space<vmem>>
      %scatter3A_552 = tpu.memref_squeeze %scatter3A_551 : memref<1x64x12xf32, #tpu.memory_space<vmem>> -> memref<64x12xf32, #tpu.memory_space<vmem>>
      tpu.vector_store_idx %scatter3A_552[%add3A_529, %broadcast_in_dim3A_545], %mul3A_547 : memref<64x12xf32, #tpu.memory_space<vmem>>[vector<16xi32>, vector<16xi32>], vector<16xf32>,
      %broadcast_in_dim3A_553 = arith.constant 2 : i32
      %broadcast_in_dim3A_554 = vector.broadcast %broadcast_in_dim3A_553 : i32 to vector<16xi32>
      %mul3A_555 = vector.broadcast %scan3A_480 : f32 to vector<16xf32>
      %mul3A_556 = arith.mulf %scan3A_534#2, %mul3A_555 : vector<16xf32>
      %scatter3A_557 = arith.constant 1 : i32
      %scatter3A_558 = arith.constant 0 : i32
      %scatter3A_559 = arith.constant 0 : i32
      %scatter3A_560 = tpu.memref_slice %arg7[%scatter3A_557, %scatter3A_558, %scatter3A_559] : memref<2x64x12xf32, #tpu.memory_space<vmem>> -> memref<1x64x12xf32, #tpu.memory_space<vmem>>
      %scatter3A_561 = tpu.memref_squeeze %scatter3A_560 : memref<1x64x12xf32, #tpu.memory_space<vmem>> -> memref<64x12xf32, #tpu.memory_space<vmem>>
      tpu.vector_store_idx %scatter3A_561[%add3A_529, %broadcast_in_dim3A_554], %mul3A_556 : memref<64x12xf32, #tpu.memory_space<vmem>>[vector<16xi32>, vector<16xi32>], vector<16xf32>,
      %broadcast_in_dim3A_562 = arith.constant 3 : i32
      %broadcast_in_dim3A_563 = vector.broadcast %broadcast_in_dim3A_562 : i32 to vector<16xi32>
      %mul3A_564 = vector.broadcast %scan3A_480 : f32 to vector<16xf32>
      %mul3A_565 = arith.mulf %scan3A_534#3, %mul3A_564 : vector<16xf32>
      %scatter3A_566 = arith.constant 1 : i32
      %scatter3A_567 = arith.constant 0 : i32
      %scatter3A_568 = arith.constant 0 : i32
      %scatter3A_569 = tpu.memref_slice %arg7[%scatter3A_566, %scatter3A_567, %scatter3A_568] : memref<2x64x12xf32, #tpu.memory_space<vmem>> -> memref<1x64x12xf32, #tpu.memory_space<vmem>>
      %scatter3A_570 = tpu.memref_squeeze %scatter3A_569 : memref<1x64x12xf32, #tpu.memory_space<vmem>> -> memref<64x12xf32, #tpu.memory_space<vmem>>
      tpu.vector_store_idx %scatter3A_570[%add3A_529, %broadcast_in_dim3A_563], %mul3A_565 : memref<64x12xf32, #tpu.memory_space<vmem>>[vector<16xi32>, vector<16xi32>], vector<16xf32>,
      %broadcast_in_dim3A_571 = arith.constant 4 : i32
      %broadcast_in_dim3A_572 = vector.broadcast %broadcast_in_dim3A_571 : i32 to vector<16xi32>
      %mul3A_573 = vector.broadcast %scan3A_480 : f32 to vector<16xf32>
      %mul3A_574 = arith.mulf %scan3A_534#4, %mul3A_573 : vector<16xf32>
      %scatter3A_575 = arith.constant 1 : i32
      %scatter3A_576 = arith.constant 0 : i32
      %scatter3A_577 = arith.constant 0 : i32
      %scatter3A_578 = tpu.memref_slice %arg7[%scatter3A_575, %scatter3A_576, %scatter3A_577] : memref<2x64x12xf32, #tpu.memory_space<vmem>> -> memref<1x64x12xf32, #tpu.memory_space<vmem>>
      %scatter3A_579 = tpu.memref_squeeze %scatter3A_578 : memref<1x64x12xf32, #tpu.memory_space<vmem>> -> memref<64x12xf32, #tpu.memory_space<vmem>>
      tpu.vector_store_idx %scatter3A_579[%add3A_529, %broadcast_in_dim3A_572], %mul3A_574 : memref<64x12xf32, #tpu.memory_space<vmem>>[vector<16xi32>, vector<16xi32>], vector<16xf32>,
      %broadcast_in_dim3A_580 = arith.constant 5 : i32
      %broadcast_in_dim3A_581 = vector.broadcast %broadcast_in_dim3A_580 : i32 to vector<16xi32>
      %mul3A_582 = vector.broadcast %scan3A_480 : f32 to vector<16xf32>
      %mul3A_583 = arith.mulf %scan3A_534#5, %mul3A_582 : vector<16xf32>
      %scatter3A_584 = arith.constant 1 : i32
      %scatter3A_585 = arith.constant 0 : i32
      %scatter3A_586 = arith.constant 0 : i32
      %scatter3A_587 = tpu.memref_slice %arg7[%scatter3A_584, %scatter3A_585, %scatter3A_586] : memref<2x64x12xf32, #tpu.memory_space<vmem>> -> memref<1x64x12xf32, #tpu.memory_space<vmem>>
      %scatter3A_588 = tpu.memref_squeeze %scatter3A_587 : memref<1x64x12xf32, #tpu.memory_space<vmem>> -> memref<64x12xf32, #tpu.memory_space<vmem>>
      tpu.vector_store_idx %scatter3A_588[%add3A_529, %broadcast_in_dim3A_581], %mul3A_583 : memref<64x12xf32, #tpu.memory_space<vmem>>[vector<16xi32>, vector<16xi32>], vector<16xf32>,
      %broadcast_in_dim3A_589 = arith.constant 6 : i32
      %broadcast_in_dim3A_590 = vector.broadcast %broadcast_in_dim3A_589 : i32 to vector<16xi32>
      %mul3A_591 = vector.broadcast %scan3A_480 : f32 to vector<16xf32>
      %mul3A_592 = arith.mulf %scan3A_534#6, %mul3A_591 : vector<16xf32>
      %scatter3A_593 = arith.constant 1 : i32
      %scatter3A_594 = arith.constant 0 : i32
      %scatter3A_595 = arith.constant 0 : i32
      %scatter3A_596 = tpu.memref_slice %arg7[%scatter3A_593, %scatter3A_594, %scatter3A_595] : memref<2x64x12xf32, #tpu.memory_space<vmem>> -> memref<1x64x12xf32, #tpu.memory_space<vmem>>
      %scatter3A_597 = tpu.memref_squeeze %scatter3A_596 : memref<1x64x12xf32, #tpu.memory_space<vmem>> -> memref<64x12xf32, #tpu.memory_space<vmem>>
      tpu.vector_store_idx %scatter3A_597[%add3A_529, %broadcast_in_dim3A_590], %mul3A_592 : memref<64x12xf32, #tpu.memory_space<vmem>>[vector<16xi32>, vector<16xi32>], vector<16xf32>,
      %broadcast_in_dim3A_598 = arith.constant 7 : i32
      %broadcast_in_dim3A_599 = vector.broadcast %broadcast_in_dim3A_598 : i32 to vector<16xi32>
      %mul3A_600 = vector.broadcast %scan3A_480 : f32 to vector<16xf32>
      %mul3A_601 = arith.mulf %scan3A_534#7, %mul3A_600 : vector<16xf32>
      %scatter3A_602 = arith.constant 1 : i32
      %scatter3A_603 = arith.constant 0 : i32
      %scatter3A_604 = arith.constant 0 : i32
      %scatter3A_605 = tpu.memref_slice %arg7[%scatter3A_602, %scatter3A_603, %scatter3A_604] : memref<2x64x12xf32, #tpu.memory_space<vmem>> -> memref<1x64x12xf32, #tpu.memory_space<vmem>>
      %scatter3A_606 = tpu.memref_squeeze %scatter3A_605 : memref<1x64x12xf32, #tpu.memory_space<vmem>> -> memref<64x12xf32, #tpu.memory_space<vmem>>
      tpu.vector_store_idx %scatter3A_606[%add3A_529, %broadcast_in_dim3A_599], %mul3A_601 : memref<64x12xf32, #tpu.memory_space<vmem>>[vector<16xi32>, vector<16xi32>], vector<16xf32>,
      %broadcast_in_dim3A_607 = arith.constant 8 : i32
      %broadcast_in_dim3A_608 = vector.broadcast %broadcast_in_dim3A_607 : i32 to vector<16xi32>
      %mul3A_609 = vector.broadcast %scan3A_480 : f32 to vector<16xf32>
      %mul3A_610 = arith.mulf %scan3A_534#8, %mul3A_609 : vector<16xf32>
      %scatter3A_611 = arith.constant 1 : i32
      %scatter3A_612 = arith.constant 0 : i32
      %scatter3A_613 = arith.constant 0 : i32
      %scatter3A_614 = tpu.memref_slice %arg7[%scatter3A_611, %scatter3A_612, %scatter3A_613] : memref<2x64x12xf32, #tpu.memory_space<vmem>> -> memref<1x64x12xf32, #tpu.memory_space<vmem>>
      %scatter3A_615 = tpu.memref_squeeze %scatter3A_614 : memref<1x64x12xf32, #tpu.memory_space<vmem>> -> memref<64x12xf32, #tpu.memory_space<vmem>>
      tpu.vector_store_idx %scatter3A_615[%add3A_529, %broadcast_in_dim3A_608], %mul3A_610 : memref<64x12xf32, #tpu.memory_space<vmem>>[vector<16xi32>, vector<16xi32>], vector<16xf32>,
      %broadcast_in_dim3A_616 = arith.constant 9 : i32
      %broadcast_in_dim3A_617 = vector.broadcast %broadcast_in_dim3A_616 : i32 to vector<16xi32>
      %mul3A_618 = vector.broadcast %scan3A_480 : f32 to vector<16xf32>
      %mul3A_619 = arith.mulf %scan3A_534#9, %mul3A_618 : vector<16xf32>
      %scatter3A_620 = arith.constant 1 : i32
      %scatter3A_621 = arith.constant 0 : i32
      %scatter3A_622 = arith.constant 0 : i32
      %scatter3A_623 = tpu.memref_slice %arg7[%scatter3A_620, %scatter3A_621, %scatter3A_622] : memref<2x64x12xf32, #tpu.memory_space<vmem>> -> memref<1x64x12xf32, #tpu.memory_space<vmem>>
      %scatter3A_624 = tpu.memref_squeeze %scatter3A_623 : memref<1x64x12xf32, #tpu.memory_space<vmem>> -> memref<64x12xf32, #tpu.memory_space<vmem>>
      tpu.vector_store_idx %scatter3A_624[%add3A_529, %broadcast_in_dim3A_617], %mul3A_619 : memref<64x12xf32, #tpu.memory_space<vmem>>[vector<16xi32>, vector<16xi32>], vector<16xf32>,
      %broadcast_in_dim3A_625 = arith.constant 10 : i32
      %broadcast_in_dim3A_626 = vector.broadcast %broadcast_in_dim3A_625 : i32 to vector<16xi32>
      %mul3A_627 = vector.broadcast %scan3A_480 : f32 to vector<16xf32>
      %mul3A_628 = arith.mulf %scan3A_534#10, %mul3A_627 : vector<16xf32>
      %scatter3A_629 = arith.constant 1 : i32
      %scatter3A_630 = arith.constant 0 : i32
      %scatter3A_631 = arith.constant 0 : i32
      %scatter3A_632 = tpu.memref_slice %arg7[%scatter3A_629, %scatter3A_630, %scatter3A_631] : memref<2x64x12xf32, #tpu.memory_space<vmem>> -> memref<1x64x12xf32, #tpu.memory_space<vmem>>
      %scatter3A_633 = tpu.memref_squeeze %scatter3A_632 : memref<1x64x12xf32, #tpu.memory_space<vmem>> -> memref<64x12xf32, #tpu.memory_space<vmem>>
      tpu.vector_store_idx %scatter3A_633[%add3A_529, %broadcast_in_dim3A_626], %mul3A_628 : memref<64x12xf32, #tpu.memory_space<vmem>>[vector<16xi32>, vector<16xi32>], vector<16xf32>,
      %broadcast_in_dim3A_634 = arith.constant 11 : i32
      %broadcast_in_dim3A_635 = vector.broadcast %broadcast_in_dim3A_634 : i32 to vector<16xi32>
      %mul3A_636 = vector.broadcast %scan3A_480 : f32 to vector<16xf32>
      %mul3A_637 = arith.mulf %scan3A_534#11, %mul3A_636 : vector<16xf32>
      %scatter3A_638 = arith.constant 1 : i32
      %scatter3A_639 = arith.constant 0 : i32
      %scatter3A_640 = arith.constant 0 : i32
      %scatter3A_641 = tpu.memref_slice %arg7[%scatter3A_638, %scatter3A_639, %scatter3A_640] : memref<2x64x12xf32, #tpu.memory_space<vmem>> -> memref<1x64x12xf32, #tpu.memory_space<vmem>>
      %scatter3A_642 = tpu.memref_squeeze %scatter3A_641 : memref<1x64x12xf32, #tpu.memory_space<vmem>> -> memref<64x12xf32, #tpu.memory_space<vmem>>
      tpu.vector_store_idx %scatter3A_642[%add3A_529, %broadcast_in_dim3A_635], %mul3A_637 : memref<64x12xf32, #tpu.memory_space<vmem>>[vector<16xi32>, vector<16xi32>], vector<16xf32>,
    }
    %scan3A_485 = arith.constant 4 : i32
    %dma_start3A_486 = arith.constant 1 : i32
    %dma_start3A_487 = arith.constant 0 : i32
    %dma_start3A_488 = arith.constant 0 : i32
    %dma_start3A_489 = tpu.memref_slice %arg7[%dma_start3A_486, %dma_start3A_487, %dma_start3A_488] : memref<2x64x12xf32, #tpu.memory_space<vmem>> -> memref<1x64x12xf32, #tpu.memory_space<vmem>>
    %dma_start3A_490 = tpu.memref_squeeze %dma_start3A_489 : memref<1x64x12xf32, #tpu.memory_space<vmem>> -> memref<64x12xf32, #tpu.memory_space<vmem>>
    %dma_start3A_491 = arith.constant 0 : i32
    %dma_start3A_492 = tpu.memref_slice %arg4[%add3A_452, %dma_start3A_491] : memref<16384x12xf32, #tpu.memory_space<hbm>> -> memref<64x12xf32, #tpu.memory_space<hbm>>
    %dma_start3A_493 = arith.constant 0 : i32
    %dma_start3A_494 = tpu.memref_slice %arg4[%add3A_452, %dma_start3A_493] : memref<16384x12xf32, #tpu.memory_space<hbm>> -> memref<64x12xf32, #tpu.memory_space<hbm>>
    %dma_start3A_495 = arith.constant 0 : i32
    %dma_start3A_496 = arith.constant 0 : i32
    %dma_start3A_497 = tpu.memref_slice %arg7[%dma_start3A_486, %dma_start3A_495, %dma_start3A_496] : memref<2x64x12xf32, #tpu.memory_space<vmem>> -> memref<1x64x12xf32, #tpu.memory_space<vmem>>
    %dma_start3A_498 = tpu.memref_squeeze %dma_start3A_497 : memref<1x64x12xf32, #tpu.memory_space<vmem>> -> memref<64x12xf32, #tpu.memory_space<vmem>>
    tpu.enqueue_dma source(%dma_start3A_498 : memref<64x12xf32, #tpu.memory_space<vmem>>) target(%dma_start3A_494 : memref<64x12xf32, #tpu.memory_space<hbm>>) target_semaphore(%arg11 : memref<!tpu.dma_semaphore, #tpu.memory_space<semaphore_mem>>)
    %dma_wait3A_499 = arith.constant 0 : i32
    %dma_wait3A_500 = arith.constant 0 : i32
    %dma_wait3A_501 = arith.constant 0 : i32
    %dma_wait3A_502 = tpu.memref_slice %arg7[%dma_wait3A_499, %dma_wait3A_500, %dma_wait3A_501] : memref<2x64x12xf32, #tpu.memory_space<vmem>> -> memref<1x64x12xf32, #tpu.memory_space<vmem>>
    %dma_wait3A_503 = tpu.memref_squeeze %dma_wait3A_502 : memref<1x64x12xf32, #tpu.memory_space<vmem>> -> memref<64x12xf32, #tpu.memory_space<vmem>>
    %dma_wait3A_504 = arith.constant 0 : i32
    %dma_wait3A_505 = tpu.memref_slice %arg4[%add3A_389, %dma_wait3A_504] : memref<16384x12xf32, #tpu.memory_space<hbm>> -> memref<64x12xf32, #tpu.memory_space<hbm>>
    %dma_wait3A_506 = arith.constant 0 : i32
    %dma_wait3A_507 = tpu.memref_slice %arg4[%add3A_389, %dma_wait3A_506] : memref<16384x12xf32, #tpu.memory_space<hbm>> -> memref<64x12xf32, #tpu.memory_space<hbm>>
    %dma_wait3A_508 = arith.constant 0 : i32
    %dma_wait3A_509 = arith.constant 0 : i32
    %dma_wait3A_510 = tpu.memref_slice %arg7[%dma_wait3A_499, %dma_wait3A_508, %dma_wait3A_509] : memref<2x64x12xf32, #tpu.memory_space<vmem>> -> memref<1x64x12xf32, #tpu.memory_space<vmem>>
    %dma_wait3A_511 = tpu.memref_squeeze %dma_wait3A_510 : memref<1x64x12xf32, #tpu.memory_space<vmem>> -> memref<64x12xf32, #tpu.memory_space<vmem>>
    tpu.wait_dma2 semaphore(%arg10 : memref<!tpu.dma_semaphore, #tpu.memory_space<semaphore_mem>>) src(%dma_wait3A_511 : memref<64x12xf32, #tpu.memory_space<vmem>>) dst(%dma_wait3A_507 : memref<64x12xf32, #tpu.memory_space<hbm>>)
    %dma_wait3A_512 = arith.constant 1 : i32
    %dma_wait3A_513 = arith.constant 0 : i32
    %dma_wait3A_514 = arith.constant 0 : i32
    %dma_wait3A_515 = tpu.memref_slice %arg7[%dma_wait3A_512, %dma_wait3A_513, %dma_wait3A_514] : memref<2x64x12xf32, #tpu.memory_space<vmem>> -> memref<1x64x12xf32, #tpu.memory_space<vmem>>
    %dma_wait3A_516 = tpu.memref_squeeze %dma_wait3A_515 : memref<1x64x12xf32, #tpu.memory_space<vmem>> -> memref<64x12xf32, #tpu.memory_space<vmem>>
    %dma_wait3A_517 = arith.constant 0 : i32
    %dma_wait3A_518 = tpu.memref_slice %arg4[%add3A_452, %dma_wait3A_517] : memref<16384x12xf32, #tpu.memory_space<hbm>> -> memref<64x12xf32, #tpu.memory_space<hbm>>
    %dma_wait3A_519 = arith.constant 0 : i32
    %dma_wait3A_520 = tpu.memref_slice %arg4[%add3A_452, %dma_wait3A_519] : memref<16384x12xf32, #tpu.memory_space<hbm>> -> memref<64x12xf32, #tpu.memory_space<hbm>>
    %dma_wait3A_521 = arith.constant 0 : i32
    %dma_wait3A_522 = arith.constant 0 : i32
    %dma_wait3A_523 = tpu.memref_slice %arg7[%dma_wait3A_512, %dma_wait3A_521, %dma_wait3A_522] : memref<2x64x12xf32, #tpu.memory_space<vmem>> -> memref<1x64x12xf32, #tpu.memory_space<vmem>>
    %dma_wait3A_524 = tpu.memref_squeeze %dma_wait3A_523 : memref<1x64x12xf32, #tpu.memory_space<vmem>> -> memref<64x12xf32, #tpu.memory_space<vmem>>
    tpu.wait_dma2 semaphore(%arg11 : memref<!tpu.dma_semaphore, #tpu.memory_space<semaphore_mem>>) src(%dma_wait3A_524 : memref<64x12xf32, #tpu.memory_space<vmem>>) dst(%dma_wait3A_520 : memref<64x12xf32, #tpu.memory_space<hbm>>)
    return
  }
}

module attributes {stable_mosaic.version = 14 : i64} {
  func.func @_mlp_body(%arg0: i32, %arg1: memref<16384x12xf32, #tpu.memory_space<vmem>>, %arg2: memref<12x64xf32, #tpu.memory_space<vmem>>, %arg3: memref<1x64xf32, #tpu.memory_space<vmem>>, %arg4: memref<64x128xf32, #tpu.memory_space<vmem>>, %arg5: memref<1x128xf32, #tpu.memory_space<vmem>>, %arg6: memref<128x1xf32, #tpu.memory_space<vmem>>, %arg7: memref<1x1xf32, #tpu.memory_space<vmem>>, %arg8: memref<16384x1xf32, #tpu.memory_space<vmem>>) attributes {dimension_semantics = [#tpu.dimension_semantics<arbitrary>], iteration_bounds = array<i64: 1>, scalar_prefetch = 0 : i64, scratch_operands = 0 : i64, tpu.core_type = #tpu.core_type<tc>, window_params = [{transform_indices = @transform_0, window_bounds = array<i64: 16384, 12>}, {pipeline_mode = #tpu.pipeline_mode<synchronous>, transform_indices = @transform_1, window_bounds = array<i64: 12, 64>}, {pipeline_mode = #tpu.pipeline_mode<synchronous>, transform_indices = @transform_2, window_bounds = array<i64: 1, 64>}, {pipeline_mode = #tpu.pipeline_mode<synchronous>, transform_indices = @transform_3, window_bounds = array<i64: 64, 128>}, {pipeline_mode = #tpu.pipeline_mode<synchronous>, transform_indices = @transform_4, window_bounds = array<i64: 1, 128>}, {pipeline_mode = #tpu.pipeline_mode<synchronous>, transform_indices = @transform_5, window_bounds = array<i64: 128, 1>}, {pipeline_mode = #tpu.pipeline_mode<synchronous>, transform_indices = @transform_6, window_bounds = array<i64: 1, 1>}, {transform_indices = @transform_7, window_bounds = array<i64: 16384, 1>}]} {
    %get3A = arith.constant 0 : index
    %get3A_0 = arith.constant 0 : index
    %get3A_1 = vector.load %arg1[%get3A, %get3A_0] : memref<16384x12xf32, #tpu.memory_space<vmem>>, vector<16384x12xf32>
    %get3A_2 = arith.constant 0 : index
    %get3A_3 = arith.constant 0 : index
    %get3A_4 = vector.load %arg2[%get3A_2, %get3A_3] : memref<12x64xf32, #tpu.memory_space<vmem>>, vector<12x64xf32>
    %dot_general3A = arith.constant dense<0.000000e+00> : vector<16384x64xf32>
    %dot_general3A_5 = tpu.matmul %get3A_1, %get3A_4, %dot_general3A {dimension_numbers = #tpu.dot_dimension_numbers<[1], [0], [0], [1], [0, 0, 1, 1], [], []>, transpose_lhs_hint = false} : vector<16384x12xf32>, vector<12x64xf32>, vector<16384x64xf32> -> vector<16384x64xf32>
    %get3A_6 = arith.constant 0 : index
    %get3A_7 = arith.constant 0 : index
    %get3A_8 = vector.load %arg3[%get3A_6, %get3A_7] : memref<1x64xf32, #tpu.memory_space<vmem>>, vector<1x64xf32>
    %add3A = vector.broadcast %get3A_8 : vector<1x64xf32> to vector<16384x64xf32>
    %add3A_9 = arith.addf %dot_general3A_5, %add3A : vector<16384x64xf32>
    %max3A = arith.constant 0.000000e+00 : f32
    %max3A_10 = vector.broadcast %max3A : f32 to vector<16384x64xf32>
    %max3A_11 = arith.maximumf %add3A_9, %max3A_10 : vector<16384x64xf32>
    %get3A_12 = arith.constant 0 : index
    %get3A_13 = arith.constant 0 : index
    %get3A_14 = vector.load %arg4[%get3A_12, %get3A_13] : memref<64x128xf32, #tpu.memory_space<vmem>>, vector<64x128xf32>
    %dot_general3A_15 = arith.constant dense<0.000000e+00> : vector<16384x128xf32>
    %dot_general3A_16 = tpu.matmul %max3A_11, %get3A_14, %dot_general3A_15 {dimension_numbers = #tpu.dot_dimension_numbers<[1], [0], [0], [1], [0, 0, 1, 1], [], []>, transpose_lhs_hint = false} : vector<16384x64xf32>, vector<64x128xf32>, vector<16384x128xf32> -> vector<16384x128xf32>
    %get3A_17 = arith.constant 0 : index
    %get3A_18 = arith.constant 0 : index
    %get3A_19 = vector.load %arg5[%get3A_17, %get3A_18] : memref<1x128xf32, #tpu.memory_space<vmem>>, vector<1x128xf32>
    %add3A_20 = vector.broadcast %get3A_19 : vector<1x128xf32> to vector<16384x128xf32>
    %add3A_21 = arith.addf %dot_general3A_16, %add3A_20 : vector<16384x128xf32>
    %max3A_22 = arith.constant 0.000000e+00 : f32
    %max3A_23 = vector.broadcast %max3A_22 : f32 to vector<16384x128xf32>
    %max3A_24 = arith.maximumf %add3A_21, %max3A_23 : vector<16384x128xf32>
    %get3A_25 = arith.constant 0 : index
    %get3A_26 = arith.constant 0 : index
    %get3A_27 = vector.load %arg6[%get3A_25, %get3A_26] : memref<128x1xf32, #tpu.memory_space<vmem>>, vector<128x1xf32>
    %dot_general3A_28 = arith.constant dense<0.000000e+00> : vector<16384x1xf32>
    %dot_general3A_29 = tpu.matmul %max3A_24, %get3A_27, %dot_general3A_28 {dimension_numbers = #tpu.dot_dimension_numbers<[1], [0], [0], [1], [0, 0, 1, 1], [], []>, transpose_lhs_hint = false} : vector<16384x128xf32>, vector<128x1xf32>, vector<16384x1xf32> -> vector<16384x1xf32>
    %get3A_30 = arith.constant 0 : index
    %get3A_31 = arith.constant 0 : index
    %get3A_32 = vector.load %arg7[%get3A_30, %get3A_31] : memref<1x1xf32, #tpu.memory_space<vmem>>, vector<1x1xf32>
    %add3A_33 = vector.broadcast %get3A_32 : vector<1x1xf32> to vector<16384x1xf32>
    %add3A_34 = arith.addf %dot_general3A_29, %add3A_33 : vector<16384x1xf32>
    %logistic3A = arith.negf %add3A_34 : vector<16384x1xf32>
    %logistic3A_35 = math.exp %logistic3A : vector<16384x1xf32>
    %logistic3A_36 = arith.constant 1.000000e+00 : f32
    %logistic3A_37 = vector.broadcast %logistic3A_36 : f32 to vector<16384x1xf32>
    %logistic3A_38 = arith.addf %logistic3A_37, %logistic3A_35 : vector<16384x1xf32>
    %logistic3A_39 = arith.divf %logistic3A_37, %logistic3A_38 : vector<16384x1xf32>
    %swap3A = arith.constant 0 : index
    %swap3A_40 = arith.constant 0 : index
    %swap3A_41 = vector.load %arg8[%swap3A, %swap3A_40] : memref<16384x1xf32, #tpu.memory_space<vmem>>, vector<16384x1xf32>
    tpu.vector_store %arg8[%swap3A, %swap3A_40], %logistic3A_39 {strides = array<i32>} : memref<16384x1xf32, #tpu.memory_space<vmem>>, vector<16384x1xf32>,
    return
  }
  func.func @transform_0(%arg0: i32) -> (i32, i32) {
    %c0_i32 = arith.constant 0 : i32
    %c0_i32_0 = arith.constant 0 : i32
    return %arg0, %c0_i32 : i32, i32
  }
  func.func @transform_1(%arg0: i32) -> (i32, i32) {
    %c0_i32 = arith.constant 0 : i32
    %c0_i32_0 = arith.constant 0 : i32
    %c0_i32_1 = arith.constant 0 : i32
    return %c0_i32, %c0_i32_0 : i32, i32
  }
  func.func @transform_2(%arg0: i32) -> (i32, i32) {
    %c0_i32 = arith.constant 0 : i32
    %c0_i32_0 = arith.constant 0 : i32
    %c0_i32_1 = arith.constant 0 : i32
    return %c0_i32, %c0_i32_0 : i32, i32
  }
  func.func @transform_3(%arg0: i32) -> (i32, i32) {
    %c0_i32 = arith.constant 0 : i32
    %c0_i32_0 = arith.constant 0 : i32
    %c0_i32_1 = arith.constant 0 : i32
    return %c0_i32, %c0_i32_0 : i32, i32
  }
  func.func @transform_4(%arg0: i32) -> (i32, i32) {
    %c0_i32 = arith.constant 0 : i32
    %c0_i32_0 = arith.constant 0 : i32
    %c0_i32_1 = arith.constant 0 : i32
    return %c0_i32, %c0_i32_0 : i32, i32
  }
  func.func @transform_5(%arg0: i32) -> (i32, i32) {
    %c0_i32 = arith.constant 0 : i32
    %c0_i32_0 = arith.constant 0 : i32
    %c0_i32_1 = arith.constant 0 : i32
    return %c0_i32, %c0_i32_0 : i32, i32
  }
  func.func @transform_6(%arg0: i32) -> (i32, i32) {
    %c0_i32 = arith.constant 0 : i32
    %c0_i32_0 = arith.constant 0 : i32
    %c0_i32_1 = arith.constant 0 : i32
    return %c0_i32, %c0_i32_0 : i32, i32
  }
  func.func @transform_7(%arg0: i32) -> (i32, i32) {
    %c0_i32 = arith.constant 0 : i32
    %c0_i32_0 = arith.constant 0 : i32
    return %arg0, %c0_i32 : i32, i32
  }
}

</mosaic_0001>

<sc_bundles>
// kernel: kernel.4.cloned.1.call-start
scs
__scs_entry_jumppad:
0x0: {  	(pc) =	sbr.rel $0x88, $3  }
0x1: {  	(tag) =	ssettag $0x0;
	lr =	simm.s32 $0x1  }
0x2: {  	[smem:$0x3F99] =	sst lr;
	_ =	strace $0xD0000000  }
0x3: {  	_ = 	snop  }
0x4: {  	_ = 	snop  }
0x5: {  	_ = 	snop  }
0x6: {  	_ = 	snop  }
0x7: {  	_ = 	snop  }
__scs_overlays_trampoline_lowered:
0x8: {  	[smem:$0x3FA8] =	sst s0  }
0x9: {  	[smem:$0x3FA9] =	sst s1  }
0xa: {  	[smem:$0x3FAA] =	sst s2  }
0xb: {  	[smem:$0x3FAB] =	sst s3  }
0xc: {  	[smem:$0x3FAC] =	sst s4  }
0xd: {  	[smem:$0x3FAD] =	sst s5  }
0xe: {  	[smem:$0x3FAE] =	sst s6  }
0xf: {  	[smem:$0x3FAF] =	sst s7  }
0x10: {  	[smem:$0x3FB0] =	sst s8  }
0x11: {  	[smem:$0x3FB1] =	sst s9;
	s0 =	simm.s32 @!p0 $0x0  }
0x12: {  	s1 =	sld [smem:$0x3F97];
	s0 =	simm.s32 @p0 $0x1  }
0x13: {  	[smem:$0x3FB2] =	sst s0;
	s0 =	simm.s32 @!p1 $0x0  }
0x14: {  	s2 =	sld [smem:$0x3F96];
	s0 =	simm.s32 @p1 $0x1  }
0x15: {  	[smem:$0x3FB3] =	sst s0;
	s0 =	simm.s32 @!p2 $0x0  }
0x16: {  	s3 =	sld [smem:$0x3FDB];
	s0 =	simm.s32 @p2 $0x1  }
0x17: {  	s4 =	simm.s32 $0x1BF5;
	[smem:$0x3FB5] =	sst s0  }
0x18: {  	s0 =	sld [smem:$0x3F98];
	_ =	swait.ge [sflag:s4], $0x0  }
0x19: {  	s7 =	sld [smem:$0x3F99]  }
0x1a: {  	s8 =	sadd.s32 $0xFFFFE003, lr  }
0x1b: {  	s9 =	sadd.s32 $0xFFFFFEF7, lr;
	s5 =	simm.s32 $0xFFFFFFFF;
	p2 =	slt.u32 s8, $0xFFFFF086  }
0x1c: {  	p1 =	slt.u32 s9, $0xF7A;
	s5 =	simm.s32 @!p2 $0x0  }
0x1d: {  	s5 =	simm.s32 @p1 $0x1;
	p0 =	seq.s32 s7, s2  }
0x1e: {  	s7 =	smul.u32 @!p0 $0xF7A, s2;
	p2 =	seq.s32 @!p0 s5, $0x0  }
0x1f: {  	s9 =	smul.u32 $0xF7A, s1;
	s8 =	simm.s32 @!p0 $0x1BF5;
	p2 =	por !p2, p0  }
0x20: {  	[sflag:s8] =	ssyncset.s32 @!p0 $0xFFFFF086;
	s6 =	sadd.s32 @!p0 s3, s7;
	s7 =	simm.s32 @!p0 $0x108  }
0x21: {  	s3 =	sadd.s32 s3, s9;
	s6 =	sadd.s32 @!p0 $0x88, s6;
	s7 =	simm.s32 @p2 $0x1082  }
0x22: {  	[simem:s7], [sflag:s8] =	dma.local @!p0 [hbm:s6], $0xF7A  }
0x23: {  	s9 =	sor.u32 $0xD0000000, s2;
	s6 =	simm.s32 $0x108;
	_ =	swait.ge @!p0 [sflag:s8], $0x0  }
0x24: {  	s3 =	sadd.s32 $0x88, s3;
	s6 =	simm.s32 @!p1 $0x1082;
	[sflag:s4] =	ssyncset.s32 $0xFFFFF086  }
0x25: {  	[simem:s6], [sflag:s4] =	dma.local [hbm:s3], $0xF7A  }
0x26: {  	[smem:$0x3F99] =	sst s1;
	(tag) =	ssettag s2;
	_ =	strace s9  }
0x27: {  	s1 =	sld [smem:$0x3FA9]  }
0x28: {  	s2 =	sld [smem:$0x3FAA]  }
0x29: {  	s4 =	sld [smem:$0x3FAC]  }
0x2a: {  	p0 =	seq.s32 s5, $0x0;
	s5 =	sld [smem:$0x3FAD]  }
0x2b: {  	s6 =	sld [smem:$0x3FAE]  }
0x2c: {  	s7 =	sld [smem:$0x3FAF]  }
0x2d: {  	s3 =	simm.s32 $0x108;
	s8 =	sld [smem:$0x3FB0]  }
0x2e: {  	s3 =	simm.s32 @!p0 $0x1082;
	s9 =	sld [smem:$0x3FB1]  }
0x2f: {  	lr =	sadd.s32 s0, s3;
	s0 =	sld [smem:$0x3FA8]  }
0x30: {  	s3 =	sld [smem:$0x3FAB]  }
0x31: {  	[smem:$0x3FB4] =	sst s10  }
0x32: {  	s10 =	sld [smem:$0x3FB2];
	_ =	sdelay $0x3  }
0x33: {  	p0 =	seq.s32 s10, $0x1;
	s10 =	sld [smem:$0x3FB4];
	_ =	sdelay $0x3  }
0x34: {  	[smem:$0x3FB4] =	sst s10  }
0x35: {  	s10 =	sld [smem:$0x3FB3];
	_ =	sdelay $0x3  }
0x36: {  	p1 =	seq.s32 s10, $0x1;
	s10 =	sld [smem:$0x3FB4];
	_ =	sdelay $0x3  }
0x37: {  	[smem:$0x3FB4] =	sst s10  }
0x38: {  	s10 =	sld [smem:$0x3FB5]  }
0x39: {  	_ = 	snop;
	(pc) =	sbr.ind lr, $3  }
0x3a: {  	_ = 	snop  }
0x3b: {  	_ = 	snop  }
0x3c: {  	p2 =	seq.s32 s10, $0x1;
	s10 =	sld [smem:$0x3FB4]  }
0x3d: {  	_ =	shalt  }
0x3e: {  	_ =	shalt  }
0x3f: {  	_ =	shalt  }
0x40: {  	_ =	shalt  }
0x41: {  	_ =	shalt  }
0x42: {  	_ =	shalt  }
0x43: {  	_ =	shalt  }
0x44: {  	_ =	shalt  }
0x45: {  	_ =	shalt  }
0x46: {  	_ =	shalt  }
0x47: {  	_ =	shalt  }
0x48: {  	_ =	shalt  }
0x49: {  	_ =	shalt  }
0x4a: {  	_ =	shalt  }
0x4b: {  	_ =	shalt  }
0x4c: {  	_ =	shalt  }
0x4d: {  	_ =	shalt  }
0x4e: {  	_ =	shalt  }
0x4f: {  	_ =	shalt  }
0x50: {  	_ =	shalt  }
0x51: {  	_ =	shalt  }
0x52: {  	_ =	shalt  }
0x53: {  	_ =	shalt  }
0x54: {  	_ =	shalt  }
0x55: {  	_ =	shalt  }
0x56: {  	_ =	shalt  }
0x57: {  	_ =	shalt  }
0x58: {  	_ =	shalt  }
0x59: {  	_ =	shalt  }
0x5a: {  	_ =	shalt  }
0x5b: {  	_ =	shalt  }
0x5c: {  	_ =	shalt  }
0x5d: {  	_ =	shalt  }
0x5e: {  	_ =	shalt  }
0x5f: {  	_ =	shalt  }
0x60: {  	_ =	shalt  }
0x61: {  	_ =	shalt  }
0x62: {  	_ =	shalt  }
0x63: {  	_ =	shalt  }
0x64: {  	_ =	shalt  }
0x65: {  	_ =	shalt  }
0x66: {  	_ =	shalt  }
0x67: {  	_ =	shalt  }
0x68: {  	_ =	shalt  }
0x69: {  	_ =	shalt  }
0x6a: {  	_ =	shalt  }
0x6b: {  	_ =	shalt  }
0x6c: {  	_ =	shalt  }
0x6d: {  	_ =	shalt  }
0x6e: {  	_ =	shalt  }
0x6f: {  	_ =	shalt  }
0x70: {  	_ =	shalt  }
0x71: {  	_ =	shalt  }
0x72: {  	_ =	shalt  }
0x73: {  	_ =	shalt  }
0x74: {  	_ =	shalt  }
0x75: {  	_ =	shalt  }
0x76: {  	_ =	shalt  }
0x77: {  	_ =	shalt  }
0x78: {  	_ =	shalt  }
0x79: {  	_ =	shalt  }
0x7a: {  	_ =	shalt  }
0x7b: {  	_ =	shalt  }
0x7c: {  	_ =	shalt  }
0x7d: {  	_ =	shalt  }
0x7e: {  	_ =	shalt  }
0x7f: {  	_ =	shalt  }
0x80: {  	_ =	shalt  }
0x81: {  	_ =	shalt  }
0x82: {  	_ =	shalt  }
0x83: {  	_ =	shalt  }
0x84: {  	_ =	shalt  }
0x85: {  	_ =	shalt  }
0x86: {  	_ =	shalt  }
0x87: {  	_ =	shalt  }
.Lfunc_end0:
.L_simem_size_0:
called_computation_lowered:
.L_overlay_start_0:
0x88: {  	s2 =	sld [smem:$0x3FD9]  }
0x89: {  	s3 =	sld [smem:$0x3FFE];
	_ =	sdelay $0x1  }
0x8a: {  	s1 =	srdreg.scid  }
0x8b: {  	s0 =	sand.u32 $0x1, s1  }
0x8c: {  	s17 =	sshll.u32 s0, $0xA;
	s2 =	sadd.s32 s3, s2  }
0x8d: {  	s2 =	sadd.s32 s2, s17  }
0x8e: {  	[smem:$0x3FC0] =	sst s2  }
0x8f: {  	_ = 	snop  }
0x90: {  	s2 =	sld [smem:$0x3FD0];
	(tm) =	ssettm $0x1  }
0x91: {  	s18 =	sld [smem:$0x3FFB];
	_ =	sdelay $0x3  }
0x92: {  	_ =	strace s18  }
0x93: {  	s3 =	sld [smem:$0x3FFC];
	_ =	sdelay $0x3  }
0x94: {  	_ =	strace s3  }
0x95: {  	s3 =	sld [smem:$0x3FFD];
	_ =	sdelay $0x3  }
0x96: {  	_ =	strace s3  }
0x97: {  	_ =	strace $0x8FFFFFFF  }
0x98: {  	s19 =	sld [smem:$0x3FDB];
	_ =	sdelay $0x1  }
0x99: {  	s4 =	simm.s32 $_scs_section_size  }
0x9a: {  	s5 =	simm.s32 $_size__tile_overlayer_lowered;
	s6 =	simm.s32 $_tile_overlayer_lowered  }
0x9b: {  	s22 =	simm.s32 $0x1BFF;
	s21 =	sshll.u32 s6, $0x1;
	s3 =	sadd.s32 s4, s19  }
0x9c: {  	s7 =	simm.s32 $0x0;
	s20 =	sshll.u32 s5, $0x1;
	s5 =	sadd.s32 s21, s3  }
0x9d: {  	[timem:s7], [sflag:s22] =	dma.local [hbm:s5], s20  }
0x9e: {  	_ =	swait.ge [sflag:s22], s20  }
0x9f: {  	s4 =	ssub.s32 $0x0, s20;
	[sflag:s22] =	ssyncset.done $0x0  }
0xa0: {  	[sflag:s22] =	ssyncadd.s32 s4;
	_ =	sdelay $0x1  }
0xa1: {  	s23 =	simm.s32 $0x1B8B  }
0xa2: {  	_ =	swait.ge [sflag:s23], $0x1  }
0xa3: {  	[sflag:s23] =	ssyncset.done $0x0  }
0xa4: {  	s25 =	simm.s32 $0x1B8E;
	s24 =	sld [smem:$0x3FFE];
	[sflag:s23] =	ssyncadd.s32 $0xFFFFFFFF  }
0xa5: {  	s26 =	simm.s32 $execute0_lowered;
	[smem:$0x3FD2] =	sst s25  }
0xa6: {  	s5 =	sshll.u32 s26, $0x1;
	_ =	strace $0x80000046;
	[dreg:$0x1] =	wrdreg $0xFFFFFFFF  }
0xa7: {  	s28 =	simm.s32 $_size_execute0_lowered;
	s3 =	sadd.s32 s3, s5;
	[dreg:$0x0] =	wrdreg $0x0  }
0xa8: {  	s5 =	sshll.u32 s28, $0x1;
	[dreg:$0x2] =	wrdreg s3  }
0xa9: {  	[dreg:$0x3] =	wrdreg s5  }
0xaa: {  	[dreg:$0x4] =	wrdreg $0xC0  }
0xab: {  	_ =	task [dreg:s7], $0x5FFFF  }
0xac: {  	[dreg:$0x1] =	wrdreg $0xFFFFFFFF  }
0xad: {  	[dreg:$0x0] =	wrdreg $0x60  }
0xae: {  	[dreg:$0x2] =	wrdreg s24  }
0xaf: {  	[dreg:$0x3] =	wrdreg s2  }
0xb0: {  	[dreg:$0x4] =	wrdreg $0x9  }
0xb1: {  	_ =	task.clear_ibuf [dreg:s7], $0x5FFFF;
	_ =	strace $0x90000046  }
0xb2: {  	s29 =	simm.s32 $0x9;
	_ =	strace $0x80000048  }
0xb3: {  	_ =	swait.ge [sflag:s29], $0x1  }
0xb4: {  	[sflag:s29] =	ssyncadd.s32 $0xFFFFFFFF  }
0xb5: {  	_ =	strace $0x90000048  }
0xb6: {  	_ =	sfence  }
0xb7: {  	s30 =	sld [smem:$0x0];
	_ =	sdelay $0x2  }
0xb8: {  	s31 =	sshll.u32 s1, $0xD;
	s1 =	sshrl.u32 s1, $0x2  }
0xb9: {  	s3 =	sand.u32 $0x4000, s31;
	s1 =	sadd.s32 s1, s30  }
0xba: {  	s0 =	sor.u32 s3, s0;
	s1 =	sshll.u32 s1, $0x11  }
0xbb: {  	s0 =	sor.u32 s1, s0  }
0xbc: {  	s0 =	sadd.s32 $0x8F2B, s0  }
0xbd: {  	[sflag:s0] =	ssyncadd.remote.s32 $0x1  }
0xbe: {  	_ =	sfence.sel $0xFFFF  }
0xbf: {  	[dreg:$0x0] =	wrdreg $0xFFFFFFFF;
	(pc) =	sbr.abs _section_cstart, $3  }
0xc0: {  	[dreg:$0x1] =	wrdreg $0xFFFFFFFF  }
0xc1: {  	_ =	task.clear_ibuf [dreg:s7], $0x2FFFF;
	_ =	strace $0x9FFFFFFF  }
0xc2: {  	(tm) =	ssettm $0x7FFFFFFF  }
0xc3: {  	_ =	shalt  }
tec
execute0_lowered:
.L_overlay_start_1:
0x0: {  	(tag) =	ssettag $0x1  }
0x1: {  	s0 =	rddreg [dreg:$0x0]  }
0x2: {  	s3 =	simm.s32 $0x0;
	s1 =	srdreg.scid;
	s2 =	stileid.u32  }
0x3: {  	s28 =	simm.s32 $0xCF00;
	s29 =	simm.s32 $0x3;
	s30 =	simm.s32 $0x4  }
0x4: {  	s31 =	simm.s32 $0x0;
	[smem:$0x7FF] =	sst s3;
	s1 =	sand.u32 $0x1, s1  }
0x5: {  	s2 =	sshll.u32 s2, $0xA;
	s17 =	sadd.s32 $0x1200, s0;
	s4 =	sshll.u32 s1, $0x9  }
0x6: {  	s0 =	sadd.s32 $0x81200, s0;
	s1 =	ssub.s32 $0x2, s1;
	s2 =	sor.u32 s4, s2  }
0x7: {  	_ =	strace $0x80000047;
	s18 =	sshrl.u32 s1, $0x1;
	s16 =	sshrl.u32 s2, $0x3  }
0x8: {  	s1 =	ssub.s32 s1, s18;
	s19 =	sshll.u32 s2, $0x5;
	s2 =	sshll.u32 s2, $0x4  }
0x9: {  	s7 =	sor.u32 $0x8, s16;
	s4 =	sadd.s32 s17, s19;
	s6 =	sadd.s32 s0, s2  }
0xa: {  	s20 =	sor.u32 $0x10, s16;
	s11 =	sor.u32 $0x18, s16;
	s13 =	sor.u32 $0x20, s16  }
0xb: {  	s23 =	sor.u32 $0x28, s16;
	s18 =	sor.u32 $0x30, s16;
	s19 =	sor.u32 $0x38, s16  }
0xc: {  	[dreg:$0x3] =	wrdreg s4;
	s5 =	sshll.u32 s7, $0x8;
	s8 =	sshll.u32 s20, $0x8  }
0xd: {  	s9 =	sshll.u32 s7, $0x7;
	s21 =	sshll.u32 s11, $0x8;
	s2 =	sshll.u32 s20, $0x7  }
0xe: {  	s22 =	sshll.u32 s13, $0x8;
	s12 =	sshll.u32 s11, $0x7;
	s14 =	sshll.u32 s23, $0x8  }
0xf: {  	s15 =	sshll.u32 s13, $0x7;
	s24 =	sshll.u32 s18, $0x8;
	s25 =	sshll.u32 s19, $0x8  }
0x10: {  	s18 =	sshll.u32 s18, $0x7;
	s26 =	sshll.u32 s19, $0x7;
	s20 =	smax.u32 s1, $0x1  }
0x11: {  	s5 =	sadd.s32 s17, s5;
	s7 =	sadd.s32 s17, s8;
	s8 =	sadd.s32 s0, s9  }
0x12: {  	s9 =	sadd.s32 s17, s21;
	s10 =	sadd.s32 s0, s2;
	s11 =	sadd.s32 s17, s22  }
0x13: {  	s12 =	sadd.s32 s0, s12;
	s13 =	sadd.s32 s17, s14;
	s14 =	sadd.s32 s0, s15  }
0x14: {  	s15 =	sadd.s32 s17, s24;
	s2 =	sshll.u32 s23, $0x7;
	s17 =	sadd.s32 s17, s25  }
0x15: {  	v0 =	vlaneseq.u32;
	s18 =	sadd.s32 s0, s18;
	s19 =	sadd.s32 s0, s26;
	s21 =	simm.s32 $0x2F00  }
0x16: {  	v1 =	vand.u32 $0x7, v0;
	s22 =	simm.s32 $0x5;
	s23 =	simm.s32 $0x6F00;
	s24 =	simm.s32 $0x1  }
0x17: {  	v1 =	vmul.u32 $0x80, v1;
	s25 =	simm.s32 $0xAF00;
	s26 =	simm.s32 $0x2;
	s16 =	sadd.s32 s0, s2  }
.LBB2_1:
0x18: {  	s0 =	rddreg [dreg:$0x3]  }
0x19: {  	[tilespmem:s21], [sflag:$0x1] =	stream.linear.gather [hbm4b:s0+s3], $0x4000, $0x38;
	[tilespmem:$0xEF00] =	vst v63  }
0x1a: {  	s4 =	rddreg [dreg:$0x1]  }
0x1b: {  	[tilespmem:s3], [sflag:$0x5] =	stream.linear.gather [hbm4b:s4+s3], $0x2F00, $0x38;
	[tilespmem:$0xEF00] =	vst v63  }
0x1c: {  	_ =	swait.ge [sflag:s22], $0x2F00  }
0x1d: {  	[sflag:s22] =	ssyncset.done $0x0  }
0x1e: {  	[sflag:s22] =	ssyncadd.s32 $0xFFFFD100  }
0x1f: {  	[tilespmem:s23], [sflag:$0x2] =	stream.linear.gather [hbm4b:s5+s3], $0x4000, $0x38;
	[tilespmem:$0xEF00] =	vst v63  }
0x20: {  	_ =	swait.ge [sflag:s24], $0x4000  }
0x21: {  	[sflag:s24] =	ssyncset.done $0x0  }
0x22: {  	s0 =	simm.s32 $0x0;
	[sflag:s24] =	ssyncadd.s32 $0xFFFFC000  }
.LBB2_2:
0x23: {  	s1 =	sshll.u32 s0, $0x4;
	s2 =	simm.s32 $0x0  }
0x24: {  	v2 =	vor.u32 s1, v0;
	v3 =	vmov s2  }
0x25: {  	v4 =	vshll.u32 v2, $0x8;
	v5 =	vshll.u32 v3, $0x3  }
0x26: {  	v6 =	vand.u32 $0x7E, v3;
	v4 =	vand.u32 $0x3800, v4;
	v5 =	vand.u32 $0x400, v5  }
0x27: {  	v3 =	vor.u32 v1, v4;
	v4 =	vor.u32 v5, v6  }
0x28: {  	v4 =	vor.u32 v3, v4;
	_ =	sdelay $0x2  }
0x29: {  	s4 =	simm.s32 $0x1  }
0x2a: {  	v5 =	vmov s4  }
0x2b: {  	v6 =	vshll.u32 v5, $0x3;
	v4 =	vld.idx.msk [tilespmem:v4+s21+$0x0], $0xffff  }
0x2c: {  	v5 =	vand.u32 $0x7F, v5;
	v6 =	vand.u32 $0x400, v6  }
0x2d: {  	v5 =	vor.u32 v6, v5  }
0x2e: {  	v5 =	vor.u32 v3, v5;
	_ =	sdelay $0x1  }
0x2f: {  	v4 =	vmul.u32 $0xC, v4;
	_ =	sdelay $0x1  }
0x30: {  	v6 =	vor.u32 $0x1, v4  }
0x31: {  	v5 =	vld.idx.msk [tilespmem:v5+s21+$0x0], $0xffff;
	v7 =	vor.u32 $0x2, v4  }
0x32: {  	v8 =	vor.u32 $0x3, v4  }
0x33: {  	v9 =	vadd.s32 $0x4, v4  }
0x34: {  	v10 =	vadd.s32 $0x5, v4;
	v19 =	vld.idx.msk [tilespmem:v4+s3+$0x0], $0xffff  }
0x35: {  	v11 =	vadd.s32 $0x6, v4;
	v6 =	vld.idx.msk [tilespmem:v6+s3+$0x0], $0xffff  }
0x36: {  	v12 =	vadd.s32 $0x7, v4;
	v5 =	vmul.u32 $0xC, v5;
	v7 =	vld.idx.msk [tilespmem:v7+s3+$0x0], $0xffff  }
0x37: {  	v14 =	vadd.s32 $0xA, v4;
	v13 =	vld.idx.msk [tilespmem:v8+s3+$0x0], $0xffff  }
0x38: {  	v22 =	vor.u32 $0x1, v5;
	v9 =	vld.idx.msk [tilespmem:v9+s3+$0x0], $0xffff  }
0x39: {  	s2 =	simm.s32 $0x2;
	v8 =	vadd.s32 $0x8, v4;
	v10 =	vld.idx.msk [tilespmem:v10+s3+$0x0], $0xffff  }
0x3a: {  	v17 =	vmov s2;
	v15 =	vadd.s32 $0x9, v4;
	v4 =	vadd.s32 $0xB, v4;
	v11 =	vld.idx.msk [tilespmem:v11+s3+$0x0], $0xffff  }
0x3b: {  	v18 =	vand.u32 $0x7E, v17;
	v17 =	vshll.u32 v17, $0x3;
	s4 =	simm.s32 $0x3;
	v12 =	vld.idx.msk [tilespmem:v12+s3+$0x0], $0xffff  }
0x3c: {  	v17 =	vand.u32 $0x400, v17;
	v20 =	vmov s4;
	v16 =	vor.u32 $0x2, v5;
	v24 =	vld.idx.msk [tilespmem:v14+s3+$0x0], $0xffff  }
0x3d: {  	v17 =	vor.u32 v17, v18;
	v21 =	vshll.u32 v20, $0x3;
	v23 =	vadd.s32 $0x7, v5;
	v14 =	vld.idx.msk [tilespmem:v22+s3+$0x0], $0xffff  }
0x3e: {  	v18 =	vand.u32 $0x7F, v20;
	v20 =	vand.u32 $0x400, v21;
	v21 =	vld.idx.msk [tilespmem:v8+s3+$0x0], $0xffff;
	v8 =	vor.u32 v3, v17  }
0x3f: {  	v17 =	vor.u32 v20, v18;
	v28 =	vld.idx.msk [tilespmem:v4+s3+$0x0], $0xffff;
	v4 =	vor.u32 $0x3, v5  }
0x40: {  	v18 =	vld.idx.msk [tilespmem:v15+s3+$0x0], $0xffff;
	v15 =	vor.u32 v3, v17  }
0x41: {  	v16 =	vld.idx.msk [tilespmem:v16+s3+$0x0], $0xffff;
	v17 =	vadd.s32 $0x4, v5  }
0x42: {  	v26 =	vadd.s32 $0x8, v5;
	v32 =	vld.idx.msk [tilespmem:v23+s3+$0x0], $0xffff  }
0x43: {  	v22 =	vld.idx.msk [tilespmem:v8+s21+$0x0], $0xffff;
	v8 =	vadd.s32 $0x6, v5  }
0x44: {  	v20 =	vadd.s32 $0x5, v5;
	v25 =	vld.idx.msk [tilespmem:v4+s3+$0x0], $0xffff  }
0x45: {  	v29 =	vimm.f32 $0.0e+00;
	v27 =	vadd.s32 $0x9, v5;
	v15 =	vld.idx.msk [tilespmem:v15+s21+$0x0], $0xffff  }
0x46: {  	v30 =	vadd.s32 $0xA, v5;
	v4 =	vadd.f32 v6, v29;
	v6 =	vld.idx.msk [tilespmem:v17+s3+$0x0], $0xffff;
	v17 =	vadd.f32 v7, v29  }
0x47: {  	v31 =	vadd.s32 $0xB, v5;
	v33 =	vld.idx.msk [tilespmem:v26+s3+$0x0], $0xffff;
	v13 =	vadd.f32 v13, v29;
	v12 =	vadd.f32 v12, v29  }
0x48: {  	v7 =	vadd.f32 v14, v4;
	v14 =	vld.idx.msk [tilespmem:v8+s3+$0x0], $0xffff;
	v8 =	vadd.f32 v16, v17;
	v17 =	vmul.u32 $0xC, v22  }
0x49: {  	v10 =	vadd.f32 v10, v29;
	v24 =	vadd.f32 v24, v29;
	v20 =	vld.idx.msk [tilespmem:v20+s3+$0x0], $0xffff  }
0x4a: {  	v23 =	vld.idx.msk [tilespmem:v5+s3+$0x0], $0xffff;
	v12 =	vadd.f32 v32, v12;
	v5 =	vadd.f32 v18, v29;
	v26 =	vor.u32 $0x1, v17  }
0x4b: {  	v34 =	vld.idx.msk [tilespmem:v27+s3+$0x0], $0xffff;
	v4 =	vmul.u32 $0xC, v15;
	v15 =	vadd.f32 v9, v29;
	v27 =	vor.u32 $0x2, v17  }
0x4c: {  	v31 =	vld.idx.msk [tilespmem:v31+s3+$0x0], $0xffff;
	v63 =	vadd.f32 v28, v29;
	v9 =	vadd.f32 v25, v13;
	v35 =	vadd.s32 $0x4, v17  }
0x4d: {  	v13 =	vadd.f32 v11, v29;
	v11 =	vadd.f32 v6, v15;
	v6 =	vld.idx.msk [tilespmem:v30+s3+$0x0], $0xffff;
	v30 =	vor.u32 $0x3, v17  }
0x4e: {  	v25 =	vadd.s32 $0x5, v17;
	v15 =	vadd.f32 v20, v10;
	v10 =	vadd.f32 v21, v29;
	v22 =	vld.idx.msk [tilespmem:v17+s3+$0x0], $0xffff  }
0x4f: {  	v16 =	vadd.s32 $0xA, v17;
	v29 =	vadd.f32 v19, v29;
	v20 =	vld.idx.msk [tilespmem:v26+s3+$0x0], $0xffff;
	v26 =	vadd.s32 $0x6, v17  }
0x50: {  	v14 =	vadd.f32 v14, v13;
	v13 =	vadd.f32 v33, v10;
	v21 =	vld.idx.msk [tilespmem:v27+s3+$0x0], $0xffff;
	v27 =	vadd.s32 $0x7, v17  }
0x51: {  	v28 =	vadd.s32 $0x8, v17;
	v10 =	vadd.f32 v34, v5;
	v5 =	vadd.f32 v31, v63;
	v19 =	vld.idx.msk [tilespmem:v35+s3+$0x0], $0xffff  }
0x52: {  	s2 =	simm.s32 $0x4;
	v18 =	vld.idx.msk [tilespmem:v30+s3+$0x0], $0xffff;
	v6 =	vadd.f32 v6, v24;
	v30 =	vadd.s32 $0x9, v17;
	v24 =	vor.u32 $0x2, v4  }
.LBB2_3:
0x53: {  	v31 =	vmov s2;
	s1 =	sadd.s32 $0x1, s2;
	p0 =	slt.u32 s2, $0xC6;
	s2 =	sadd.s32 $0x2, s2;
	v25 =	vld.idx.msk [tilespmem:v25+s3+$0x0], $0xffff;
	v17 =	vadd.s32 $0xB, v17;
	v29 =	vadd.f32 v23, v29  }
0x54: {  	v33 =	vmovc v22;
	v23 =	vand.u32 $0x7E, v31;
	v31 =	vshll.u32 v31, $0x3;
	v32 =	vmov s1;
	v26 =	vld.idx.msk [tilespmem:v26+s3+$0x0], $0xffff  }
0x55: {  	v34 =	vor.u32 $0x1, v4;
	v22 =	vand.u32 $0x400, v31;
	v31 =	vshll.u32 v32, $0x3;
	v27 =	vld.idx.msk [tilespmem:v27+s3+$0x0], $0xffff  }
0x56: {  	v22 =	vor.u32 v22, v23;
	v23 =	vand.u32 $0x7F, v32;
	v31 =	vand.u32 $0x400, v31;
	v28 =	vld.idx.msk [tilespmem:v28+s3+$0x0], $0xffff  }
0x57: {  	v22 =	vor.u32 v3, v22;
	v23 =	vor.u32 v31, v23;
	v30 =	vld.idx.msk [tilespmem:v30+s3+$0x0], $0xffff  }
0x58: {  	v23 =	vor.u32 v3, v23;
	v31 =	vld.idx.msk [tilespmem:v16+s3+$0x0], $0xffff  }
0x59: {  	v16 =	vor.u32 $0x3, v4;
	v32 =	vld.idx.msk [tilespmem:v17+s3+$0x0], $0xffff  }
0x5a: {  	v17 =	vld.idx.msk [tilespmem:v34+s3+$0x0], $0xffff;
	v34 =	vadd.s32 $0x4, v4  }
0x5b: {  	v35 =	vadd.s32 $0x5, v4;
	v24 =	vld.idx.msk [tilespmem:v24+s3+$0x0], $0xffff  }
0x5c: {  	v36 =	vadd.s32 $0x6, v4;
	v22 =	vld.idx.msk [tilespmem:v22+s21+$0x0], $0xffff  }
0x5d: {  	v37 =	vadd.s32 $0x7, v4;
	v23 =	vld.idx.msk [tilespmem:v23+s21+$0x0], $0xffff  }
0x5e: {  	v7 =	vadd.f32 v20, v7;
	v20 =	vld.idx.msk [tilespmem:v16+s3+$0x0], $0xffff;
	v16 =	vadd.s32 $0x8, v4  }
0x5f: {  	v8 =	vadd.f32 v21, v8;
	v21 =	vld.idx.msk [tilespmem:v34+s3+$0x0], $0xffff;
	v34 =	vadd.s32 $0x9, v4  }
0x60: {  	v38 =	vadd.s32 $0xA, v4;
	v7 =	vadd.f32 v17, v7;
	v35 =	vld.idx.msk [tilespmem:v35+s3+$0x0], $0xffff  }
0x61: {  	v8 =	vadd.f32 v24, v8;
	v24 =	vld.idx.msk [tilespmem:v36+s3+$0x0], $0xffff;
	v36 =	vadd.s32 $0xB, v4  }
0x62: {  	v9 =	vadd.f32 v18, v9;
	v17 =	vmul.u32 $0xC, v22;
	v18 =	vld.idx.msk [tilespmem:v37+s3+$0x0], $0xffff  }
0x63: {  	v11 =	vadd.f32 v19, v11;
	v15 =	vadd.f32 v25, v15;
	v22 =	vmul.u32 $0xC, v23;
	v19 =	vld.idx.msk [tilespmem:v16+s3+$0x0], $0xffff  }
0x64: {  	v37 =	vor.u32 $0x1, v17;
	v16 =	vadd.s32 $0xA, v17;
	v9 =	vadd.f32 v20, v9;
	v34 =	vld.idx.msk [tilespmem:v34+s3+$0x0], $0xffff  }
0x65: {  	v14 =	vadd.f32 v26, v14;
	v39 =	vor.u32 $0x2, v17;
	v11 =	vadd.f32 v21, v11;
	v38 =	vld.idx.msk [tilespmem:v38+s3+$0x0], $0xffff  }
0x66: {  	v12 =	vadd.f32 v27, v12;
	v40 =	vor.u32 $0x3, v17;
	v15 =	vadd.f32 v35, v15;
	v35 =	vld.idx.msk [tilespmem:v36+s3+$0x0], $0xffff  }
0x67: {  	v13 =	vadd.f32 v28, v13;
	v36 =	vadd.s32 $0x4, v17;
	v14 =	vadd.f32 v24, v14;
	v23 =	vld.idx.msk [tilespmem:v4+s3+$0x0], $0xffff;
	v4 =	vmovc v22  }
.Ltmp0:
0x68: {  	v10 =	vadd.f32 v30, v10;
	v25 =	vadd.s32 $0x5, v17;
	v12 =	vadd.f32 v18, v12;
	v22 =	vld.idx.msk [tilespmem:v17+s3+$0x0], $0xffff;
	(pc) =	sbr.rel @p0 .LBB2_3-.Ltmp0, $4  }
0x69: {  	v6 =	vadd.f32 v31, v6;
	v26 =	vadd.s32 $0x6, v17;
	v13 =	vadd.f32 v19, v13;
	v20 =	vld.idx.msk [tilespmem:v37+s3+$0x0], $0xffff  }
0x6a: {  	v5 =	vadd.f32 v32, v5;
	v27 =	vadd.s32 $0x7, v17;
	v10 =	vadd.f32 v34, v10;
	v21 =	vld.idx.msk [tilespmem:v39+s3+$0x0], $0xffff  }
0x6b: {  	v29 =	vadd.f32 v33, v29;
	v28 =	vadd.s32 $0x8, v17;
	v6 =	vadd.f32 v38, v6;
	v18 =	vld.idx.msk [tilespmem:v40+s3+$0x0], $0xffff  }
0x6c: {  	v30 =	vadd.s32 $0x9, v17;
	v24 =	vor.u32 $0x2, v4;
	v5 =	vadd.f32 v35, v5;
	v19 =	vld.idx.msk [tilespmem:v36+s3+$0x0], $0xffff  }
0x6d: {  	_ =	sdelay $0x3  }
0x6e: {  	v3 =	vld.idx.msk [tilespmem:v25+s3+$0x0], $0xffff  }
0x6f: {  	v26 =	vld.idx.msk [tilespmem:v26+s3+$0x0], $0xffff  }
0x70: {  	v27 =	vld.idx.msk [tilespmem:v27+s3+$0x0], $0xffff  }
0x71: {  	v36 =	vor.u32 $0x1, v4;
	v28 =	vld.idx.msk [tilespmem:v28+s3+$0x0], $0xffff  }
0x72: {  	v31 =	vor.u32 $0x3, v4;
	v30 =	vld.idx.msk [tilespmem:v30+s3+$0x0], $0xffff  }
0x73: {  	v32 =	vadd.s32 $0x4, v4;
	v24 =	vld.idx.msk [tilespmem:v24+s3+$0x0], $0xffff  }
0x74: {  	v33 =	vadd.s32 $0x5, v4;
	v16 =	vld.idx.msk [tilespmem:v16+s3+$0x0], $0xffff  }
0x75: {  	v17 =	vadd.s32 $0xB, v17;
	v40 =	vld.idx.msk [tilespmem:v4+s3+$0x0], $0xffff  }
0x76: {  	v34 =	vadd.s32 $0x6, v4;
	v37 =	vadd.s32 $0x7, v4;
	v23 =	vadd.f32 v23, v29;
	v25 =	vld.idx.msk [tilespmem:v36+s3+$0x0], $0xffff  }
0x77: {  	v39 =	vadd.s32 $0x8, v4;
	v41 =	vadd.s32 $0x9, v4;
	v42 =	vadd.s32 $0xA, v4;
	v31 =	vld.idx.msk [tilespmem:v31+s3+$0x0], $0xffff  }
0x78: {  	v44 =	vadd.s32 $0xB, v4;
	v2 =	vshll.u32 v2, $0x7;
	v7 =	vadd.f32 v20, v7;
	v38 =	vld.idx.msk [tilespmem:v32+s3+$0x0], $0xffff  }
0x79: {  	v48 =	vor.u32 $0x1, v2;
	v50 =	vor.u32 $0x2, v2;
	v51 =	vor.u32 $0x3, v2;
	v33 =	vld.idx.msk [tilespmem:v33+s3+$0x0], $0xffff  }
0x7a: {  	v52 =	vor.u32 $0x4, v2;
	v53 =	vor.u32 $0x5, v2;
	v45 =	vadd.f32 v22, v23;
	v17 =	vld.idx.msk [tilespmem:v17+s3+$0x0], $0xffff  }
0x7b: {  	v55 =	vor.u32 $0x6, v2;
	v57 =	vor.u32 $0x7, v2;
	v8 =	vadd.f32 v21, v8;
	v43 =	vld.idx.msk [tilespmem:v34+s3+$0x0], $0xffff  }
0x7c: {  	v58 =	vor.u32 $0x8, v2;
	v3 =	vadd.f32 v3, v15;
	v46 =	vld.idx.msk [tilespmem:v37+s3+$0x0], $0xffff;
	v15 =	vadd.f32 v40, v45  }
0x7d: {  	v60 =	vor.u32 $0x9, v2;
	v9 =	vadd.f32 v18, v9;
	v47 =	vld.idx.msk [tilespmem:v39+s3+$0x0], $0xffff;
	v7 =	vadd.f32 v25, v7  }
0x7e: {  	v11 =	vadd.f32 v19, v11;
	v8 =	vadd.f32 v24, v8;
	v49 =	vld.idx.msk [tilespmem:v41+s3+$0x0], $0xffff;
	v15 =	vmul.f32 $4.999999890e-03, v15  }
0x7f: {  	v14 =	vadd.f32 v26, v14;
	v24 =	vld.idx.msk [tilespmem:v42+s3+$0x0], $0xffff;
	v9 =	vadd.f32 v31, v9;
	v7 =	vmul.f32 $4.999999890e-03, v7  }
0x80: {  	v61 =	vor.u32 $0xA, v2;
	v4 =	vld.idx.msk [tilespmem:v44+s3+$0x0], $0xffff;
	v8 =	vmul.f32 $4.999999890e-03, v8;
	[tilespmem:v2+s25+$0x0] =	vst.idx.msk $0xffff, v15;
	v11 =	vadd.f32 v38, v11  }
0x81: {  	v12 =	vadd.f32 v27, v12;
	v3 =	vadd.f32 v33, v3;
	v54 =	vmul.f32 $4.999999890e-03, v9;
	[tilespmem:v48+s25+$0x0] =	vst.idx.msk $0xffff, v7  }
0x82: {  	v13 =	vadd.f32 v28, v13;
	v14 =	vadd.f32 v43, v14;
	v56 =	vmul.f32 $4.999999890e-03, v11;
	[tilespmem:v50+s25+$0x0] =	vst.idx.msk $0xffff, v8  }
0x83: {  	v10 =	vadd.f32 v30, v10;
	v12 =	vadd.f32 v46, v12;
	v3 =	vmul.f32 $4.999999890e-03, v3;
	[tilespmem:v51+s25+$0x0] =	vst.idx.msk $0xffff, v54  }
0x84: {  	v6 =	vadd.f32 v16, v6;
	v13 =	vadd.f32 v47, v13;
	v59 =	vmul.f32 $4.999999890e-03, v14;
	[tilespmem:v52+s25+$0x0] =	vst.idx.msk $0xffff, v56  }
0x85: {  	s0 =	sadd.s32 $0x1, s0;
	v5 =	vadd.f32 v17, v5;
	v10 =	vadd.f32 v49, v10;
	[tilespmem:v53+s25+$0x0] =	vst.idx.msk $0xffff, v3;
	v3 =	vmul.f32 $4.999999890e-03, v12  }
0x86: {  	p0 =	sne.s32 s0, $0x4;
	v2 =	vor.u32 $0xB, v2;
	v6 =	vadd.f32 v24, v6;
	v62 =	vmul.f32 $4.999999890e-03, v13;
	[tilespmem:v55+s25+$0x0] =	vst.idx.msk $0xffff, v59  }
.Ltmp1:
0x87: {  	v4 =	vadd.f32 v4, v5;
	[tilespmem:v57+s25+$0x0] =	vst.idx.msk $0xffff, v3;
	v3 =	vmul.f32 $4.999999890e-03, v10;
	(pc) =	sbr.rel @p0 .LBB2_2-.Ltmp1, $4  }
0x88: {  	v63 =	vmul.f32 $4.999999890e-03, v6;
	[tilespmem:v58+s25+$0x0] =	vst.idx.msk $0xffff, v62  }
0x89: {  	[tilespmem:v60+s25+$0x0] =	vst.idx.msk $0xffff, v3;
	v3 =	vmul.f32 $4.999999890e-03, v4  }
0x8a: {  	[tilespmem:v61+s25+$0x0] =	vst.idx.msk $0xffff, v63  }
0x8b: {  	[tilespmem:v2+s25+$0x0] =	vst.idx.msk $0xffff, v3  }
0x8c: {  	s0 =	simm.s32 $0x0  }
0x8d: {  	[hbm4b:s6+s0] =	stream.linear.scatter [tilespmem:s25], [sflag:$0x3], $0x2000, $0x38;
	[tilespmem:$0xEF00] =	vst v63  }
0x8e: {  	_ = 	snop  }
0x8f: {  	[tilespmem:s21], [sflag:$0x1] =	stream.linear.gather [hbm4b:s7+s0], $0x4000, $0x38;
	[tilespmem:$0xEF00] =	vst v63  }
0x90: {  	_ =	swait.ge [sflag:s26], $0x4000  }
0x91: {  	[sflag:s26] =	ssyncset.done $0x0  }
0x92: {  	s2 =	simm.s32 $0x0;
	[sflag:s26] =	ssyncadd.s32 $0xFFFFC000  }
.LBB2_6:
0x93: {  	s1 =	sshll.u32 s2, $0x4  }
0x94: {  	v3 =	vmov s0;
	v2 =	vor.u32 s1, v0  }
0x95: {  	v5 =	vshll.u32 v3, $0x3;
	v4 =	vshll.u32 v2, $0x8  }
0x96: {  	v6 =	vand.u32 $0x7E, v3;
	v5 =	vand.u32 $0x400, v5;
	v4 =	vand.u32 $0x3800, v4  }
0x97: {  	v3 =	vor.u32 v1, v4;
	v4 =	vor.u32 v5, v6  }
0x98: {  	v4 =	vor.u32 v3, v4;
	_ =	sdelay $0x2  }
0x99: {  	s4 =	simm.s32 $0x1  }
0x9a: {  	v5 =	vmov s4  }
0x9b: {  	v6 =	vshll.u32 v5, $0x3;
	v4 =	vld.idx.msk [tilespmem:v4+s23+$0x0], $0xffff  }
0x9c: {  	v5 =	vand.u32 $0x7F, v5;
	v6 =	vand.u32 $0x400, v6  }
0x9d: {  	v5 =	vor.u32 v6, v5  }
0x9e: {  	v5 =	vor.u32 v3, v5;
	_ =	sdelay $0x1  }
0x9f: {  	v4 =	vmul.u32 $0xC, v4;
	_ =	sdelay $0x1  }
0xa0: {  	v6 =	vor.u32 $0x1, v4  }
0xa1: {  	v5 =	vld.idx.msk [tilespmem:v5+s23+$0x0], $0xffff;
	v7 =	vor.u32 $0x2, v4  }
0xa2: {  	v8 =	vor.u32 $0x3, v4  }
0xa3: {  	v9 =	vadd.s32 $0x4, v4  }
0xa4: {  	v10 =	vadd.s32 $0x5, v4;
	v19 =	vld.idx.msk [tilespmem:v4+s3+$0x0], $0xffff  }
0xa5: {  	v11 =	vadd.s32 $0x6, v4;
	v6 =	vld.idx.msk [tilespmem:v6+s3+$0x0], $0xffff  }
0xa6: {  	v12 =	vadd.s32 $0x7, v4;
	v5 =	vmul.u32 $0xC, v5;
	v7 =	vld.idx.msk [tilespmem:v7+s3+$0x0], $0xffff  }
0xa7: {  	v14 =	vadd.s32 $0xA, v4;
	v13 =	vld.idx.msk [tilespmem:v8+s3+$0x0], $0xffff  }
0xa8: {  	v22 =	vor.u32 $0x1, v5;
	v9 =	vld.idx.msk [tilespmem:v9+s3+$0x0], $0xffff  }
0xa9: {  	s4 =	simm.s32 $0x2;
	v8 =	vadd.s32 $0x8, v4;
	v10 =	vld.idx.msk [tilespmem:v10+s3+$0x0], $0xffff  }
0xaa: {  	v17 =	vmov s4;
	v15 =	vadd.s32 $0x9, v4;
	v4 =	vadd.s32 $0xB, v4;
	v11 =	vld.idx.msk [tilespmem:v11+s3+$0x0], $0xffff  }
0xab: {  	s4 =	simm.s32 $0x3;
	v18 =	vand.u32 $0x7E, v17;
	v17 =	vshll.u32 v17, $0x3;
	v12 =	vld.idx.msk [tilespmem:v12+s3+$0x0], $0xffff  }
0xac: {  	v20 =	vmov s4;
	v17 =	vand.u32 $0x400, v17;
	v16 =	vor.u32 $0x2, v5;
	v24 =	vld.idx.msk [tilespmem:v14+s3+$0x0], $0xffff  }
0xad: {  	v21 =	vshll.u32 v20, $0x3;
	v17 =	vor.u32 v17, v18;
	v23 =	vadd.s32 $0x7, v5;
	v14 =	vld.idx.msk [tilespmem:v22+s3+$0x0], $0xffff  }
0xae: {  	v18 =	vand.u32 $0x7F, v20;
	v20 =	vand.u32 $0x400, v21;
	v21 =	vld.idx.msk [tilespmem:v8+s3+$0x0], $0xffff;
	v8 =	vor.u32 v3, v17  }
0xaf: {  	v17 =	vor.u32 v20, v18;
	v28 =	vld.idx.msk [tilespmem:v4+s3+$0x0], $0xffff;
	v4 =	vor.u32 $0x3, v5  }
0xb0: {  	v18 =	vld.idx.msk [tilespmem:v15+s3+$0x0], $0xffff;
	v15 =	vor.u32 v3, v17  }
0xb1: {  	v16 =	vld.idx.msk [tilespmem:v16+s3+$0x0], $0xffff;
	v17 =	vadd.s32 $0x4, v5  }
0xb2: {  	v26 =	vadd.s32 $0x8, v5;
	v32 =	vld.idx.msk [tilespmem:v23+s3+$0x0], $0xffff  }
0xb3: {  	v22 =	vld.idx.msk [tilespmem:v8+s23+$0x0], $0xffff;
	v8 =	vadd.s32 $0x6, v5  }
0xb4: {  	v20 =	vadd.s32 $0x5, v5;
	v25 =	vld.idx.msk [tilespmem:v4+s3+$0x0], $0xffff  }
0xb5: {  	v29 =	vimm.f32 $0.0e+00;
	v27 =	vadd.s32 $0x9, v5;
	v15 =	vld.idx.msk [tilespmem:v15+s23+$0x0], $0xffff  }
0xb6: {  	v30 =	vadd.s32 $0xA, v5;
	v4 =	vadd.f32 v6, v29;
	v6 =	vld.idx.msk [tilespmem:v17+s3+$0x0], $0xffff;
	v17 =	vadd.f32 v7, v29  }
0xb7: {  	v31 =	vadd.s32 $0xB, v5;
	v33 =	vld.idx.msk [tilespmem:v26+s3+$0x0], $0xffff;
	v13 =	vadd.f32 v13, v29;
	v12 =	vadd.f32 v12, v29  }
0xb8: {  	v7 =	vadd.f32 v14, v4;
	v14 =	vld.idx.msk [tilespmem:v8+s3+$0x0], $0xffff;
	v8 =	vadd.f32 v16, v17;
	v17 =	vmul.u32 $0xC, v22  }
0xb9: {  	v10 =	vadd.f32 v10, v29;
	v24 =	vadd.f32 v24, v29;
	v20 =	vld.idx.msk [tilespmem:v20+s3+$0x0], $0xffff  }
0xba: {  	v23 =	vld.idx.msk [tilespmem:v5+s3+$0x0], $0xffff;
	v12 =	vadd.f32 v32, v12;
	v5 =	vadd.f32 v18, v29;
	v26 =	vor.u32 $0x1, v17  }
0xbb: {  	v34 =	vld.idx.msk [tilespmem:v27+s3+$0x0], $0xffff;
	v4 =	vmul.u32 $0xC, v15;
	v15 =	vadd.f32 v9, v29;
	v27 =	vor.u32 $0x2, v17  }
0xbc: {  	v31 =	vld.idx.msk [tilespmem:v31+s3+$0x0], $0xffff;
	v63 =	vadd.f32 v28, v29;
	v9 =	vadd.f32 v25, v13;
	v35 =	vadd.s32 $0x4, v17  }
0xbd: {  	v13 =	vadd.f32 v11, v29;
	v11 =	vadd.f32 v6, v15;
	v6 =	vld.idx.msk [tilespmem:v30+s3+$0x0], $0xffff;
	v30 =	vor.u32 $0x3, v17  }
0xbe: {  	v25 =	vadd.s32 $0x5, v17;
	v15 =	vadd.f32 v20, v10;
	v10 =	vadd.f32 v21, v29;
	v22 =	vld.idx.msk [tilespmem:v17+s3+$0x0], $0xffff  }
0xbf: {  	v16 =	vadd.s32 $0xA, v17;
	v29 =	vadd.f32 v19, v29;
	v20 =	vld.idx.msk [tilespmem:v26+s3+$0x0], $0xffff;
	v26 =	vadd.s32 $0x6, v17  }
0xc0: {  	v14 =	vadd.f32 v14, v13;
	v13 =	vadd.f32 v33, v10;
	v21 =	vld.idx.msk [tilespmem:v27+s3+$0x0], $0xffff;
	v27 =	vadd.s32 $0x7, v17  }
0xc1: {  	v28 =	vadd.s32 $0x8, v17;
	v10 =	vadd.f32 v34, v5;
	v5 =	vadd.f32 v31, v63;
	v19 =	vld.idx.msk [tilespmem:v35+s3+$0x0], $0xffff  }
0xc2: {  	s1 =	simm.s32 $0x4;
	v18 =	vld.idx.msk [tilespmem:v30+s3+$0x0], $0xffff;
	v6 =	vadd.f32 v6, v24;
	v30 =	vadd.s32 $0x9, v17;
	v24 =	vor.u32 $0x2, v4  }
.LBB2_7:
0xc3: {  	v31 =	vmov s1;
	s4 =	sadd.s32 $0x1, s1;
	p0 =	slt.u32 s1, $0xC6;
	s1 =	sadd.s32 $0x2, s1;
	v25 =	vld.idx.msk [tilespmem:v25+s3+$0x0], $0xffff;
	v17 =	vadd.s32 $0xB, v17;
	v29 =	vadd.f32 v23, v29  }
0xc4: {  	v33 =	vmovc v22;
	v23 =	vand.u32 $0x7E, v31;
	v31 =	vshll.u32 v31, $0x3;
	v32 =	vmov s4;
	v26 =	vld.idx.msk [tilespmem:v26+s3+$0x0], $0xffff  }
0xc5: {  	v34 =	vor.u32 $0x1, v4;
	v22 =	vand.u32 $0x400, v31;
	v31 =	vshll.u32 v32, $0x3;
	v27 =	vld.idx.msk [tilespmem:v27+s3+$0x0], $0xffff  }
0xc6: {  	v22 =	vor.u32 v22, v23;
	v23 =	vand.u32 $0x7F, v32;
	v31 =	vand.u32 $0x400, v31;
	v28 =	vld.idx.msk [tilespmem:v28+s3+$0x0], $0xffff  }
0xc7: {  	v22 =	vor.u32 v3, v22;
	v23 =	vor.u32 v31, v23;
	v30 =	vld.idx.msk [tilespmem:v30+s3+$0x0], $0xffff  }
0xc8: {  	v23 =	vor.u32 v3, v23;
	v31 =	vld.idx.msk [tilespmem:v16+s3+$0x0], $0xffff  }
0xc9: {  	v16 =	vor.u32 $0x3, v4;
	v32 =	vld.idx.msk [tilespmem:v17+s3+$0x0], $0xffff  }
0xca: {  	v17 =	vld.idx.msk [tilespmem:v34+s3+$0x0], $0xffff;
	v34 =	vadd.s32 $0x4, v4  }
0xcb: {  	v35 =	vadd.s32 $0x5, v4;
	v24 =	vld.idx.msk [tilespmem:v24+s3+$0x0], $0xffff  }
0xcc: {  	v36 =	vadd.s32 $0x6, v4;
	v22 =	vld.idx.msk [tilespmem:v22+s23+$0x0], $0xffff  }
0xcd: {  	v37 =	vadd.s32 $0x7, v4;
	v23 =	vld.idx.msk [tilespmem:v23+s23+$0x0], $0xffff  }
0xce: {  	v7 =	vadd.f32 v20, v7;
	v20 =	vld.idx.msk [tilespmem:v16+s3+$0x0], $0xffff;
	v16 =	vadd.s32 $0x8, v4  }
0xcf: {  	v8 =	vadd.f32 v21, v8;
	v21 =	vld.idx.msk [tilespmem:v34+s3+$0x0], $0xffff;
	v34 =	vadd.s32 $0x9, v4  }
0xd0: {  	v38 =	vadd.s32 $0xA, v4;
	v7 =	vadd.f32 v17, v7;
	v35 =	vld.idx.msk [tilespmem:v35+s3+$0x0], $0xffff  }
0xd1: {  	v8 =	vadd.f32 v24, v8;
	v24 =	vld.idx.msk [tilespmem:v36+s3+$0x0], $0xffff;
	v36 =	vadd.s32 $0xB, v4  }
0xd2: {  	v9 =	vadd.f32 v18, v9;
	v17 =	vmul.u32 $0xC, v22;
	v18 =	vld.idx.msk [tilespmem:v37+s3+$0x0], $0xffff  }
0xd3: {  	v11 =	vadd.f32 v19, v11;
	v15 =	vadd.f32 v25, v15;
	v22 =	vmul.u32 $0xC, v23;
	v19 =	vld.idx.msk [tilespmem:v16+s3+$0x0], $0xffff  }
0xd4: {  	v37 =	vor.u32 $0x1, v17;
	v16 =	vadd.s32 $0xA, v17;
	v9 =	vadd.f32 v20, v9;
	v34 =	vld.idx.msk [tilespmem:v34+s3+$0x0], $0xffff  }
0xd5: {  	v14 =	vadd.f32 v26, v14;
	v39 =	vor.u32 $0x2, v17;
	v11 =	vadd.f32 v21, v11;
	v38 =	vld.idx.msk [tilespmem:v38+s3+$0x0], $0xffff  }
0xd6: {  	v12 =	vadd.f32 v27, v12;
	v40 =	vor.u32 $0x3, v17;
	v15 =	vadd.f32 v35, v15;
	v35 =	vld.idx.msk [tilespmem:v36+s3+$0x0], $0xffff  }
0xd7: {  	v13 =	vadd.f32 v28, v13;
	v36 =	vadd.s32 $0x4, v17;
	v14 =	vadd.f32 v24, v14;
	v23 =	vld.idx.msk [tilespmem:v4+s3+$0x0], $0xffff;
	v4 =	vmovc v22  }
.Ltmp2:
0xd8: {  	v10 =	vadd.f32 v30, v10;
	v25 =	vadd.s32 $0x5, v17;
	v12 =	vadd.f32 v18, v12;
	v22 =	vld.idx.msk [tilespmem:v17+s3+$0x0], $0xffff;
	(pc) =	sbr.rel @p0 .LBB2_7-.Ltmp2, $4  }
0xd9: {  	v6 =	vadd.f32 v31, v6;
	v26 =	vadd.s32 $0x6, v17;
	v13 =	vadd.f32 v19, v13;
	v20 =	vld.idx.msk [tilespmem:v37+s3+$0x0], $0xffff  }
0xda: {  	v5 =	vadd.f32 v32, v5;
	v27 =	vadd.s32 $0x7, v17;
	v10 =	vadd.f32 v34, v10;
	v21 =	vld.idx.msk [tilespmem:v39+s3+$0x0], $0xffff  }
0xdb: {  	v29 =	vadd.f32 v33, v29;
	v28 =	vadd.s32 $0x8, v17;
	v6 =	vadd.f32 v38, v6;
	v18 =	vld.idx.msk [tilespmem:v40+s3+$0x0], $0xffff  }
0xdc: {  	v30 =	vadd.s32 $0x9, v17;
	v24 =	vor.u32 $0x2, v4;
	v5 =	vadd.f32 v35, v5;
	v19 =	vld.idx.msk [tilespmem:v36+s3+$0x0], $0xffff  }
0xdd: {  	_ =	sdelay $0x3  }
0xde: {  	v3 =	vld.idx.msk [tilespmem:v25+s3+$0x0], $0xffff  }
0xdf: {  	v26 =	vld.idx.msk [tilespmem:v26+s3+$0x0], $0xffff  }
0xe0: {  	v27 =	vld.idx.msk [tilespmem:v27+s3+$0x0], $0xffff  }
0xe1: {  	v36 =	vor.u32 $0x1, v4;
	v28 =	vld.idx.msk [tilespmem:v28+s3+$0x0], $0xffff  }
0xe2: {  	v31 =	vor.u32 $0x3, v4;
	v30 =	vld.idx.msk [tilespmem:v30+s3+$0x0], $0xffff  }
0xe3: {  	v32 =	vadd.s32 $0x4, v4;
	v24 =	vld.idx.msk [tilespmem:v24+s3+$0x0], $0xffff  }
0xe4: {  	v33 =	vadd.s32 $0x5, v4;
	v16 =	vld.idx.msk [tilespmem:v16+s3+$0x0], $0xffff  }
0xe5: {  	v17 =	vadd.s32 $0xB, v17;
	v40 =	vld.idx.msk [tilespmem:v4+s3+$0x0], $0xffff  }
0xe6: {  	v34 =	vadd.s32 $0x6, v4;
	v37 =	vadd.s32 $0x7, v4;
	v23 =	vadd.f32 v23, v29;
	v25 =	vld.idx.msk [tilespmem:v36+s3+$0x0], $0xffff  }
0xe7: {  	v39 =	vadd.s32 $0x8, v4;
	v41 =	vadd.s32 $0x9, v4;
	v42 =	vadd.s32 $0xA, v4;
	v31 =	vld.idx.msk [tilespmem:v31+s3+$0x0], $0xffff  }
0xe8: {  	v44 =	vadd.s32 $0xB, v4;
	v2 =	vshll.u32 v2, $0x7;
	v7 =	vadd.f32 v20, v7;
	v38 =	vld.idx.msk [tilespmem:v32+s3+$0x0], $0xffff  }
0xe9: {  	v48 =	vor.u32 $0x1, v2;
	v50 =	vor.u32 $0x2, v2;
	v51 =	vor.u32 $0x3, v2;
	v33 =	vld.idx.msk [tilespmem:v33+s3+$0x0], $0xffff  }
0xea: {  	v52 =	vor.u32 $0x4, v2;
	v53 =	vor.u32 $0x5, v2;
	v45 =	vadd.f32 v22, v23;
	v17 =	vld.idx.msk [tilespmem:v17+s3+$0x0], $0xffff  }
0xeb: {  	v55 =	vor.u32 $0x6, v2;
	v57 =	vor.u32 $0x7, v2;
	v8 =	vadd.f32 v21, v8;
	v43 =	vld.idx.msk [tilespmem:v34+s3+$0x0], $0xffff  }
0xec: {  	v58 =	vor.u32 $0x8, v2;
	v3 =	vadd.f32 v3, v15;
	v46 =	vld.idx.msk [tilespmem:v37+s3+$0x0], $0xffff;
	v15 =	vadd.f32 v40, v45  }
0xed: {  	v60 =	vor.u32 $0x9, v2;
	v9 =	vadd.f32 v18, v9;
	v47 =	vld.idx.msk [tilespmem:v39+s3+$0x0], $0xffff;
	v7 =	vadd.f32 v25, v7  }
0xee: {  	v11 =	vadd.f32 v19, v11;
	v8 =	vadd.f32 v24, v8;
	v49 =	vld.idx.msk [tilespmem:v41+s3+$0x0], $0xffff;
	v15 =	vmul.f32 $4.999999890e-03, v15  }
0xef: {  	v14 =	vadd.f32 v26, v14;
	v24 =	vld.idx.msk [tilespmem:v42+s3+$0x0], $0xffff;
	v9 =	vadd.f32 v31, v9;
	v7 =	vmul.f32 $4.999999890e-03, v7  }
0xf0: {  	v61 =	vor.u32 $0xA, v2;
	v4 =	vld.idx.msk [tilespmem:v44+s3+$0x0], $0xffff;
	v8 =	vmul.f32 $4.999999890e-03, v8;
	[tilespmem:v2+s28+$0x0] =	vst.idx.msk $0xffff, v15;
	v11 =	vadd.f32 v38, v11  }
0xf1: {  	v12 =	vadd.f32 v27, v12;
	v3 =	vadd.f32 v33, v3;
	v54 =	vmul.f32 $4.999999890e-03, v9;
	[tilespmem:v48+s28+$0x0] =	vst.idx.msk $0xffff, v7  }
0xf2: {  	v13 =	vadd.f32 v28, v13;
	v14 =	vadd.f32 v43, v14;
	v56 =	vmul.f32 $4.999999890e-03, v11;
	[tilespmem:v50+s28+$0x0] =	vst.idx.msk $0xffff, v8  }
0xf3: {  	v10 =	vadd.f32 v30, v10;
	v12 =	vadd.f32 v46, v12;
	v3 =	vmul.f32 $4.999999890e-03, v3;
	[tilespmem:v51+s28+$0x0] =	vst.idx.msk $0xffff, v54  }
0xf4: {  	v6 =	vadd.f32 v16, v6;
	v13 =	vadd.f32 v47, v13;
	v59 =	vmul.f32 $4.999999890e-03, v14;
	[tilespmem:v52+s28+$0x0] =	vst.idx.msk $0xffff, v56  }
0xf5: {  	s2 =	sadd.s32 $0x1, s2;
	v5 =	vadd.f32 v17, v5;
	v10 =	vadd.f32 v49, v10;
	[tilespmem:v53+s28+$0x0] =	vst.idx.msk $0xffff, v3;
	v3 =	vmul.f32 $4.999999890e-03, v12  }
0xf6: {  	p0 =	sne.s32 s2, $0x4;
	v2 =	vor.u32 $0xB, v2;
	v6 =	vadd.f32 v24, v6;
	v62 =	vmul.f32 $4.999999890e-03, v13;
	[tilespmem:v55+s28+$0x0] =	vst.idx.msk $0xffff, v59  }
.Ltmp3:
0xf7: {  	v4 =	vadd.f32 v4, v5;
	[tilespmem:v57+s28+$0x0] =	vst.idx.msk $0xffff, v3;
	v3 =	vmul.f32 $4.999999890e-03, v10;
	(pc) =	sbr.rel @p0 .LBB2_6-.Ltmp3, $4  }
0xf8: {  	v63 =	vmul.f32 $4.999999890e-03, v6;
	[tilespmem:v58+s28+$0x0] =	vst.idx.msk $0xffff, v62  }
0xf9: {  	[tilespmem:v60+s28+$0x0] =	vst.idx.msk $0xffff, v3;
	v3 =	vmul.f32 $4.999999890e-03, v4  }
0xfa: {  	[tilespmem:v61+s28+$0x0] =	vst.idx.msk $0xffff, v63  }
0xfb: {  	[tilespmem:v2+s28+$0x0] =	vst.idx.msk $0xffff, v3  }
0xfc: {  	s0 =	simm.s32 $0x0  }
0xfd: {  	[hbm4b:s8+s0] =	stream.linear.scatter [tilespmem:s28], [sflag:$0x4], $0x2000, $0x38;
	[tilespmem:$0xEF00] =	vst v63  }
0xfe: {  	_ = 	snop  }
0xff: {  	[tilespmem:s23], [sflag:$0x2] =	stream.linear.gather [hbm4b:s9+s0], $0x4000, $0x38;
	[tilespmem:$0xEF00] =	vst v63  }
0x100: {  	_ =	swait.ge [sflag:s24], $0x4000  }
0x101: {  	[sflag:s24] =	ssyncset.done $0x0  }
0x102: {  	[sflag:s24] =	ssyncadd.s32 $0xFFFFC000  }
0x103: {  	_ =	swait.ge [sflag:s29], $0x2000  }
0x104: {  	[sflag:s29] =	ssyncset.done $0x0  }
0x105: {  	s2 =	simm.s32 $0x0;
	[sflag:s29] =	ssyncadd.s32 $0xFFFFE000  }
.LBB2_10:
0x106: {  	s1 =	sshll.u32 s2, $0x4  }
0x107: {  	v3 =	vmov s0;
	v2 =	vor.u32 s1, v0  }
0x108: {  	v5 =	vshll.u32 v3, $0x3;
	v4 =	vshll.u32 v2, $0x8  }
0x109: {  	v6 =	vand.u32 $0x7E, v3;
	v5 =	vand.u32 $0x400, v5;
	v4 =	vand.u32 $0x3800, v4  }
0x10a: {  	v3 =	vor.u32 v1, v4;
	v4 =	vor.u32 v5, v6  }
0x10b: {  	v4 =	vor.u32 v3, v4;
	_ =	sdelay $0x2  }
0x10c: {  	s4 =	simm.s32 $0x1  }
0x10d: {  	v5 =	vmov s4  }
0x10e: {  	v6 =	vshll.u32 v5, $0x3;
	v4 =	vld.idx.msk [tilespmem:v4+s21+$0x0], $0xffff  }
0x10f: {  	v5 =	vand.u32 $0x7F, v5;
	v6 =	vand.u32 $0x400, v6  }
0x110: {  	v5 =	vor.u32 v6, v5  }
0x111: {  	v5 =	vor.u32 v3, v5;
	_ =	sdelay $0x1  }
0x112: {  	v4 =	vmul.u32 $0xC, v4;
	_ =	sdelay $0x1  }
0x113: {  	v6 =	vor.u32 $0x1, v4  }
0x114: {  	v5 =	vld.idx.msk [tilespmem:v5+s21+$0x0], $0xffff;
	v7 =	vor.u32 $0x2, v4  }
0x115: {  	v8 =	vor.u32 $0x3, v4  }
0x116: {  	v9 =	vadd.s32 $0x4, v4  }
0x117: {  	v10 =	vadd.s32 $0x5, v4;
	v19 =	vld.idx.msk [tilespmem:v4+s3+$0x0], $0xffff  }
0x118: {  	v11 =	vadd.s32 $0x6, v4;
	v6 =	vld.idx.msk [tilespmem:v6+s3+$0x0], $0xffff  }
0x119: {  	v12 =	vadd.s32 $0x7, v4;
	v5 =	vmul.u32 $0xC, v5;
	v7 =	vld.idx.msk [tilespmem:v7+s3+$0x0], $0xffff  }
0x11a: {  	v14 =	vadd.s32 $0xA, v4;
	v13 =	vld.idx.msk [tilespmem:v8+s3+$0x0], $0xffff  }
0x11b: {  	v22 =	vor.u32 $0x1, v5;
	v9 =	vld.idx.msk [tilespmem:v9+s3+$0x0], $0xffff  }
0x11c: {  	s4 =	simm.s32 $0x2;
	v8 =	vadd.s32 $0x8, v4;
	v10 =	vld.idx.msk [tilespmem:v10+s3+$0x0], $0xffff  }
0x11d: {  	v17 =	vmov s4;
	v15 =	vadd.s32 $0x9, v4;
	v4 =	vadd.s32 $0xB, v4;
	v11 =	vld.idx.msk [tilespmem:v11+s3+$0x0], $0xffff  }
0x11e: {  	s4 =	simm.s32 $0x3;
	v18 =	vand.u32 $0x7E, v17;
	v17 =	vshll.u32 v17, $0x3;
	v12 =	vld.idx.msk [tilespmem:v12+s3+$0x0], $0xffff  }
0x11f: {  	v20 =	vmov s4;
	v17 =	vand.u32 $0x400, v17;
	v16 =	vor.u32 $0x2, v5;
	v24 =	vld.idx.msk [tilespmem:v14+s3+$0x0], $0xffff  }
0x120: {  	v21 =	vshll.u32 v20, $0x3;
	v17 =	vor.u32 v17, v18;
	v23 =	vadd.s32 $0x7, v5;
	v14 =	vld.idx.msk [tilespmem:v22+s3+$0x0], $0xffff  }
0x121: {  	v18 =	vand.u32 $0x7F, v20;
	v20 =	vand.u32 $0x400, v21;
	v21 =	vld.idx.msk [tilespmem:v8+s3+$0x0], $0xffff;
	v8 =	vor.u32 v3, v17  }
0x122: {  	v17 =	vor.u32 v20, v18;
	v28 =	vld.idx.msk [tilespmem:v4+s3+$0x0], $0xffff;
	v4 =	vor.u32 $0x3, v5  }
0x123: {  	v18 =	vld.idx.msk [tilespmem:v15+s3+$0x0], $0xffff;
	v15 =	vor.u32 v3, v17  }
0x124: {  	v16 =	vld.idx.msk [tilespmem:v16+s3+$0x0], $0xffff;
	v17 =	vadd.s32 $0x4, v5  }
0x125: {  	v26 =	vadd.s32 $0x8, v5;
	v32 =	vld.idx.msk [tilespmem:v23+s3+$0x0], $0xffff  }
0x126: {  	v22 =	vld.idx.msk [tilespmem:v8+s21+$0x0], $0xffff;
	v8 =	vadd.s32 $0x6, v5  }
0x127: {  	v20 =	vadd.s32 $0x5, v5;
	v25 =	vld.idx.msk [tilespmem:v4+s3+$0x0], $0xffff  }
0x128: {  	v29 =	vimm.f32 $0.0e+00;
	v27 =	vadd.s32 $0x9, v5;
	v15 =	vld.idx.msk [tilespmem:v15+s21+$0x0], $0xffff  }
0x129: {  	v30 =	vadd.s32 $0xA, v5;
	v4 =	vadd.f32 v6, v29;
	v6 =	vld.idx.msk [tilespmem:v17+s3+$0x0], $0xffff;
	v17 =	vadd.f32 v7, v29  }
0x12a: {  	v31 =	vadd.s32 $0xB, v5;
	v33 =	vld.idx.msk [tilespmem:v26+s3+$0x0], $0xffff;
	v13 =	vadd.f32 v13, v29;
	v12 =	vadd.f32 v12, v29  }
0x12b: {  	v7 =	vadd.f32 v14, v4;
	v14 =	vld.idx.msk [tilespmem:v8+s3+$0x0], $0xffff;
	v8 =	vadd.f32 v16, v17;
	v17 =	vmul.u32 $0xC, v22  }
0x12c: {  	v10 =	vadd.f32 v10, v29;
	v24 =	vadd.f32 v24, v29;
	v20 =	vld.idx.msk [tilespmem:v20+s3+$0x0], $0xffff  }
0x12d: {  	v23 =	vld.idx.msk [tilespmem:v5+s3+$0x0], $0xffff;
	v12 =	vadd.f32 v32, v12;
	v5 =	vadd.f32 v18, v29;
	v26 =	vor.u32 $0x1, v17  }
0x12e: {  	v34 =	vld.idx.msk [tilespmem:v27+s3+$0x0], $0xffff;
	v4 =	vmul.u32 $0xC, v15;
	v15 =	vadd.f32 v9, v29;
	v27 =	vor.u32 $0x2, v17  }
0x12f: {  	v31 =	vld.idx.msk [tilespmem:v31+s3+$0x0], $0xffff;
	v63 =	vadd.f32 v28, v29;
	v9 =	vadd.f32 v25, v13;
	v35 =	vadd.s32 $0x4, v17  }
0x130: {  	v13 =	vadd.f32 v11, v29;
	v11 =	vadd.f32 v6, v15;
	v6 =	vld.idx.msk [tilespmem:v30+s3+$0x0], $0xffff;
	v30 =	vor.u32 $0x3, v17  }
0x131: {  	v25 =	vadd.s32 $0x5, v17;
	v15 =	vadd.f32 v20, v10;
	v10 =	vadd.f32 v21, v29;
	v22 =	vld.idx.msk [tilespmem:v17+s3+$0x0], $0xffff  }
0x132: {  	v16 =	vadd.s32 $0xA, v17;
	v29 =	vadd.f32 v19, v29;
	v20 =	vld.idx.msk [tilespmem:v26+s3+$0x0], $0xffff;
	v26 =	vadd.s32 $0x6, v17  }
0x133: {  	v14 =	vadd.f32 v14, v13;
	v13 =	vadd.f32 v33, v10;
	v21 =	vld.idx.msk [tilespmem:v27+s3+$0x0], $0xffff;
	v27 =	vadd.s32 $0x7, v17  }
0x134: {  	v28 =	vadd.s32 $0x8, v17;
	v10 =	vadd.f32 v34, v5;
	v5 =	vadd.f32 v31, v63;
	v19 =	vld.idx.msk [tilespmem:v35+s3+$0x0], $0xffff  }
0x135: {  	s1 =	simm.s32 $0x4;
	v18 =	vld.idx.msk [tilespmem:v30+s3+$0x0], $0xffff;
	v6 =	vadd.f32 v6, v24;
	v30 =	vadd.s32 $0x9, v17;
	v24 =	vor.u32 $0x2, v4  }
.LBB2_11:
0x136: {  	v31 =	vmov s1;
	s4 =	sadd.s32 $0x1, s1;
	p0 =	slt.u32 s1, $0xC6;
	s1 =	sadd.s32 $0x2, s1;
	v25 =	vld.idx.msk [tilespmem:v25+s3+$0x0], $0xffff;
	v17 =	vadd.s32 $0xB, v17;
	v29 =	vadd.f32 v23, v29  }
0x137: {  	v33 =	vmovc v22;
	v23 =	vand.u32 $0x7E, v31;
	v31 =	vshll.u32 v31, $0x3;
	v32 =	vmov s4;
	v26 =	vld.idx.msk [tilespmem:v26+s3+$0x0], $0xffff  }
0x138: {  	v34 =	vor.u32 $0x1, v4;
	v22 =	vand.u32 $0x400, v31;
	v31 =	vshll.u32 v32, $0x3;
	v27 =	vld.idx.msk [tilespmem:v27+s3+$0x0], $0xffff  }
0x139: {  	v22 =	vor.u32 v22, v23;
	v23 =	vand.u32 $0x7F, v32;
	v31 =	vand.u32 $0x400, v31;
	v28 =	vld.idx.msk [tilespmem:v28+s3+$0x0], $0xffff  }
0x13a: {  	v22 =	vor.u32 v3, v22;
	v23 =	vor.u32 v31, v23;
	v30 =	vld.idx.msk [tilespmem:v30+s3+$0x0], $0xffff  }
0x13b: {  	v23 =	vor.u32 v3, v23;
	v31 =	vld.idx.msk [tilespmem:v16+s3+$0x0], $0xffff  }
0x13c: {  	v16 =	vor.u32 $0x3, v4;
	v32 =	vld.idx.msk [tilespmem:v17+s3+$0x0], $0xffff  }
0x13d: {  	v17 =	vld.idx.msk [tilespmem:v34+s3+$0x0], $0xffff;
	v34 =	vadd.s32 $0x4, v4  }
0x13e: {  	v35 =	vadd.s32 $0x5, v4;
	v24 =	vld.idx.msk [tilespmem:v24+s3+$0x0], $0xffff  }
0x13f: {  	v36 =	vadd.s32 $0x6, v4;
	v22 =	vld.idx.msk [tilespmem:v22+s21+$0x0], $0xffff  }
0x140: {  	v37 =	vadd.s32 $0x7, v4;
	v23 =	vld.idx.msk [tilespmem:v23+s21+$0x0], $0xffff  }
0x141: {  	v7 =	vadd.f32 v20, v7;
	v20 =	vld.idx.msk [tilespmem:v16+s3+$0x0], $0xffff;
	v16 =	vadd.s32 $0x8, v4  }
0x142: {  	v8 =	vadd.f32 v21, v8;
	v21 =	vld.idx.msk [tilespmem:v34+s3+$0x0], $0xffff;
	v34 =	vadd.s32 $0x9, v4  }
0x143: {  	v38 =	vadd.s32 $0xA, v4;
	v7 =	vadd.f32 v17, v7;
	v35 =	vld.idx.msk [tilespmem:v35+s3+$0x0], $0xffff  }
0x144: {  	v8 =	vadd.f32 v24, v8;
	v24 =	vld.idx.msk [tilespmem:v36+s3+$0x0], $0xffff;
	v36 =	vadd.s32 $0xB, v4  }
0x145: {  	v9 =	vadd.f32 v18, v9;
	v17 =	vmul.u32 $0xC, v22;
	v18 =	vld.idx.msk [tilespmem:v37+s3+$0x0], $0xffff  }
0x146: {  	v11 =	vadd.f32 v19, v11;
	v15 =	vadd.f32 v25, v15;
	v22 =	vmul.u32 $0xC, v23;
	v19 =	vld.idx.msk [tilespmem:v16+s3+$0x0], $0xffff  }
0x147: {  	v37 =	vor.u32 $0x1, v17;
	v16 =	vadd.s32 $0xA, v17;
	v9 =	vadd.f32 v20, v9;
	v34 =	vld.idx.msk [tilespmem:v34+s3+$0x0], $0xffff  }
0x148: {  	v14 =	vadd.f32 v26, v14;
	v39 =	vor.u32 $0x2, v17;
	v11 =	vadd.f32 v21, v11;
	v38 =	vld.idx.msk [tilespmem:v38+s3+$0x0], $0xffff  }
0x149: {  	v12 =	vadd.f32 v27, v12;
	v40 =	vor.u32 $0x3, v17;
	v15 =	vadd.f32 v35, v15;
	v35 =	vld.idx.msk [tilespmem:v36+s3+$0x0], $0xffff  }
0x14a: {  	v13 =	vadd.f32 v28, v13;
	v36 =	vadd.s32 $0x4, v17;
	v14 =	vadd.f32 v24, v14;
	v23 =	vld.idx.msk [tilespmem:v4+s3+$0x0], $0xffff;
	v4 =	vmovc v22  }
.Ltmp4:
0x14b: {  	v10 =	vadd.f32 v30, v10;
	v25 =	vadd.s32 $0x5, v17;
	v12 =	vadd.f32 v18, v12;
	v22 =	vld.idx.msk [tilespmem:v17+s3+$0x0], $0xffff;
	(pc) =	sbr.rel @p0 .LBB2_11-.Ltmp4, $4  }
0x14c: {  	v6 =	vadd.f32 v31, v6;
	v26 =	vadd.s32 $0x6, v17;
	v13 =	vadd.f32 v19, v13;
	v20 =	vld.idx.msk [tilespmem:v37+s3+$0x0], $0xffff  }
0x14d: {  	v5 =	vadd.f32 v32, v5;
	v27 =	vadd.s32 $0x7, v17;
	v10 =	vadd.f32 v34, v10;
	v21 =	vld.idx.msk [tilespmem:v39+s3+$0x0], $0xffff  }
0x14e: {  	v29 =	vadd.f32 v33, v29;
	v28 =	vadd.s32 $0x8, v17;
	v6 =	vadd.f32 v38, v6;
	v18 =	vld.idx.msk [tilespmem:v40+s3+$0x0], $0xffff  }
0x14f: {  	v30 =	vadd.s32 $0x9, v17;
	v24 =	vor.u32 $0x2, v4;
	v5 =	vadd.f32 v35, v5;
	v19 =	vld.idx.msk [tilespmem:v36+s3+$0x0], $0xffff  }
0x150: {  	_ =	sdelay $0x3  }
0x151: {  	v3 =	vld.idx.msk [tilespmem:v25+s3+$0x0], $0xffff  }
0x152: {  	v26 =	vld.idx.msk [tilespmem:v26+s3+$0x0], $0xffff  }
0x153: {  	v27 =	vld.idx.msk [tilespmem:v27+s3+$0x0], $0xffff  }
0x154: {  	v36 =	vor.u32 $0x1, v4;
	v28 =	vld.idx.msk [tilespmem:v28+s3+$0x0], $0xffff  }
0x155: {  	v31 =	vor.u32 $0x3, v4;
	v30 =	vld.idx.msk [tilespmem:v30+s3+$0x0], $0xffff  }
0x156: {  	v32 =	vadd.s32 $0x4, v4;
	v24 =	vld.idx.msk [tilespmem:v24+s3+$0x0], $0xffff  }
0x157: {  	v33 =	vadd.s32 $0x5, v4;
	v16 =	vld.idx.msk [tilespmem:v16+s3+$0x0], $0xffff  }
0x158: {  	v17 =	vadd.s32 $0xB, v17;
	v40 =	vld.idx.msk [tilespmem:v4+s3+$0x0], $0xffff  }
0x159: {  	v34 =	vadd.s32 $0x6, v4;
	v37 =	vadd.s32 $0x7, v4;
	v23 =	vadd.f32 v23, v29;
	v25 =	vld.idx.msk [tilespmem:v36+s3+$0x0], $0xffff  }
0x15a: {  	v39 =	vadd.s32 $0x8, v4;
	v41 =	vadd.s32 $0x9, v4;
	v42 =	vadd.s32 $0xA, v4;
	v31 =	vld.idx.msk [tilespmem:v31+s3+$0x0], $0xffff  }
0x15b: {  	v44 =	vadd.s32 $0xB, v4;
	v2 =	vshll.u32 v2, $0x7;
	v7 =	vadd.f32 v20, v7;
	v38 =	vld.idx.msk [tilespmem:v32+s3+$0x0], $0xffff  }
0x15c: {  	v48 =	vor.u32 $0x1, v2;
	v50 =	vor.u32 $0x2, v2;
	v51 =	vor.u32 $0x3, v2;
	v33 =	vld.idx.msk [tilespmem:v33+s3+$0x0], $0xffff  }
0x15d: {  	v52 =	vor.u32 $0x4, v2;
	v53 =	vor.u32 $0x5, v2;
	v45 =	vadd.f32 v22, v23;
	v17 =	vld.idx.msk [tilespmem:v17+s3+$0x0], $0xffff  }
0x15e: {  	v55 =	vor.u32 $0x6, v2;
	v57 =	vor.u32 $0x7, v2;
	v8 =	vadd.f32 v21, v8;
	v43 =	vld.idx.msk [tilespmem:v34+s3+$0x0], $0xffff  }
0x15f: {  	v58 =	vor.u32 $0x8, v2;
	v3 =	vadd.f32 v3, v15;
	v46 =	vld.idx.msk [tilespmem:v37+s3+$0x0], $0xffff;
	v15 =	vadd.f32 v40, v45  }
0x160: {  	v60 =	vor.u32 $0x9, v2;
	v9 =	vadd.f32 v18, v9;
	v47 =	vld.idx.msk [tilespmem:v39+s3+$0x0], $0xffff;
	v7 =	vadd.f32 v25, v7  }
0x161: {  	v11 =	vadd.f32 v19, v11;
	v8 =	vadd.f32 v24, v8;
	v49 =	vld.idx.msk [tilespmem:v41+s3+$0x0], $0xffff;
	v15 =	vmul.f32 $4.999999890e-03, v15  }
0x162: {  	v14 =	vadd.f32 v26, v14;
	v24 =	vld.idx.msk [tilespmem:v42+s3+$0x0], $0xffff;
	v9 =	vadd.f32 v31, v9;
	v7 =	vmul.f32 $4.999999890e-03, v7  }
0x163: {  	v61 =	vor.u32 $0xA, v2;
	v4 =	vld.idx.msk [tilespmem:v44+s3+$0x0], $0xffff;
	v8 =	vmul.f32 $4.999999890e-03, v8;
	[tilespmem:v2+s25+$0x0] =	vst.idx.msk $0xffff, v15;
	v11 =	vadd.f32 v38, v11  }
0x164: {  	v12 =	vadd.f32 v27, v12;
	v3 =	vadd.f32 v33, v3;
	v54 =	vmul.f32 $4.999999890e-03, v9;
	[tilespmem:v48+s25+$0x0] =	vst.idx.msk $0xffff, v7  }
0x165: {  	v13 =	vadd.f32 v28, v13;
	v14 =	vadd.f32 v43, v14;
	v56 =	vmul.f32 $4.999999890e-03, v11;
	[tilespmem:v50+s25+$0x0] =	vst.idx.msk $0xffff, v8  }
0x166: {  	v10 =	vadd.f32 v30, v10;
	v12 =	vadd.f32 v46, v12;
	v3 =	vmul.f32 $4.999999890e-03, v3;
	[tilespmem:v51+s25+$0x0] =	vst.idx.msk $0xffff, v54  }
0x167: {  	v6 =	vadd.f32 v16, v6;
	v13 =	vadd.f32 v47, v13;
	v59 =	vmul.f32 $4.999999890e-03, v14;
	[tilespmem:v52+s25+$0x0] =	vst.idx.msk $0xffff, v56  }
0x168: {  	s2 =	sadd.s32 $0x1, s2;
	v5 =	vadd.f32 v17, v5;
	v10 =	vadd.f32 v49, v10;
	[tilespmem:v53+s25+$0x0] =	vst.idx.msk $0xffff, v3;
	v3 =	vmul.f32 $4.999999890e-03, v12  }
0x169: {  	p0 =	sne.s32 s2, $0x4;
	v2 =	vor.u32 $0xB, v2;
	v6 =	vadd.f32 v24, v6;
	v62 =	vmul.f32 $4.999999890e-03, v13;
	[tilespmem:v55+s25+$0x0] =	vst.idx.msk $0xffff, v59  }
.Ltmp5:
0x16a: {  	v4 =	vadd.f32 v4, v5;
	[tilespmem:v57+s25+$0x0] =	vst.idx.msk $0xffff, v3;
	v3 =	vmul.f32 $4.999999890e-03, v10;
	(pc) =	sbr.rel @p0 .LBB2_10-.Ltmp5, $4  }
0x16b: {  	v63 =	vmul.f32 $4.999999890e-03, v6;
	[tilespmem:v58+s25+$0x0] =	vst.idx.msk $0xffff, v62  }
0x16c: {  	[tilespmem:v60+s25+$0x0] =	vst.idx.msk $0xffff, v3;
	v3 =	vmul.f32 $4.999999890e-03, v4  }
0x16d: {  	[tilespmem:v61+s25+$0x0] =	vst.idx.msk $0xffff, v63  }
0x16e: {  	[tilespmem:v2+s25+$0x0] =	vst.idx.msk $0xffff, v3  }
0x16f: {  	s0 =	simm.s32 $0x0  }
0x170: {  	[hbm4b:s10+s0] =	stream.linear.scatter [tilespmem:s25], [sflag:$0x3], $0x2000, $0x38;
	[tilespmem:$0xEF00] =	vst v63  }
0x171: {  	_ = 	snop  }
0x172: {  	[tilespmem:s21], [sflag:$0x1] =	stream.linear.gather [hbm4b:s11+s0], $0x4000, $0x38;
	[tilespmem:$0xEF00] =	vst v63  }
0x173: {  	_ =	swait.ge [sflag:s26], $0x4000  }
0x174: {  	[sflag:s26] =	ssyncset.done $0x0  }
0x175: {  	[sflag:s26] =	ssyncadd.s32 $0xFFFFC000  }
0x176: {  	_ =	swait.ge [sflag:s30], $0x2000  }
0x177: {  	[sflag:s30] =	ssyncset.done $0x0  }
0x178: {  	s2 =	simm.s32 $0x0;
	[sflag:s30] =	ssyncadd.s32 $0xFFFFE000  }
.LBB2_14:
0x179: {  	s1 =	sshll.u32 s2, $0x4  }
0x17a: {  	v3 =	vmov s0;
	v2 =	vor.u32 s1, v0  }
0x17b: {  	v5 =	vshll.u32 v3, $0x3;
	v4 =	vshll.u32 v2, $0x8  }
0x17c: {  	v6 =	vand.u32 $0x7E, v3;
	v5 =	vand.u32 $0x400, v5;
	v4 =	vand.u32 $0x3800, v4  }
0x17d: {  	v3 =	vor.u32 v1, v4;
	v4 =	vor.u32 v5, v6  }
0x17e: {  	v4 =	vor.u32 v3, v4;
	_ =	sdelay $0x2  }
0x17f: {  	s4 =	simm.s32 $0x1  }
0x180: {  	v5 =	vmov s4  }
0x181: {  	v6 =	vshll.u32 v5, $0x3;
	v4 =	vld.idx.msk [tilespmem:v4+s23+$0x0], $0xffff  }
0x182: {  	v5 =	vand.u32 $0x7F, v5;
	v6 =	vand.u32 $0x400, v6  }
0x183: {  	v5 =	vor.u32 v6, v5  }
0x184: {  	v5 =	vor.u32 v3, v5;
	_ =	sdelay $0x1  }
0x185: {  	v4 =	vmul.u32 $0xC, v4;
	_ =	sdelay $0x1  }
0x186: {  	v6 =	vor.u32 $0x1, v4  }
0x187: {  	v5 =	vld.idx.msk [tilespmem:v5+s23+$0x0], $0xffff;
	v7 =	vor.u32 $0x2, v4  }
0x188: {  	v8 =	vor.u32 $0x3, v4  }
0x189: {  	v9 =	vadd.s32 $0x4, v4  }
0x18a: {  	v10 =	vadd.s32 $0x5, v4;
	v19 =	vld.idx.msk [tilespmem:v4+s3+$0x0], $0xffff  }
0x18b: {  	v11 =	vadd.s32 $0x6, v4;
	v6 =	vld.idx.msk [tilespmem:v6+s3+$0x0], $0xffff  }
0x18c: {  	v12 =	vadd.s32 $0x7, v4;
	v5 =	vmul.u32 $0xC, v5;
	v7 =	vld.idx.msk [tilespmem:v7+s3+$0x0], $0xffff  }
0x18d: {  	v14 =	vadd.s32 $0xA, v4;
	v13 =	vld.idx.msk [tilespmem:v8+s3+$0x0], $0xffff  }
0x18e: {  	v22 =	vor.u32 $0x1, v5;
	v9 =	vld.idx.msk [tilespmem:v9+s3+$0x0], $0xffff  }
0x18f: {  	s4 =	simm.s32 $0x2;
	v8 =	vadd.s32 $0x8, v4;
	v10 =	vld.idx.msk [tilespmem:v10+s3+$0x0], $0xffff  }
0x190: {  	v17 =	vmov s4;
	v15 =	vadd.s32 $0x9, v4;
	v4 =	vadd.s32 $0xB, v4;
	v11 =	vld.idx.msk [tilespmem:v11+s3+$0x0], $0xffff  }
0x191: {  	s4 =	simm.s32 $0x3;
	v18 =	vand.u32 $0x7E, v17;
	v17 =	vshll.u32 v17, $0x3;
	v12 =	vld.idx.msk [tilespmem:v12+s3+$0x0], $0xffff  }
0x192: {  	v20 =	vmov s4;
	v17 =	vand.u32 $0x400, v17;
	v16 =	vor.u32 $0x2, v5;
	v24 =	vld.idx.msk [tilespmem:v14+s3+$0x0], $0xffff  }
0x193: {  	v21 =	vshll.u32 v20, $0x3;
	v17 =	vor.u32 v17, v18;
	v23 =	vadd.s32 $0x7, v5;
	v14 =	vld.idx.msk [tilespmem:v22+s3+$0x0], $0xffff  }
0x194: {  	v18 =	vand.u32 $0x7F, v20;
	v20 =	vand.u32 $0x400, v21;
	v21 =	vld.idx.msk [tilespmem:v8+s3+$0x0], $0xffff;
	v8 =	vor.u32 v3, v17  }
0x195: {  	v17 =	vor.u32 v20, v18;
	v28 =	vld.idx.msk [tilespmem:v4+s3+$0x0], $0xffff;
	v4 =	vor.u32 $0x3, v5  }
0x196: {  	v18 =	vld.idx.msk [tilespmem:v15+s3+$0x0], $0xffff;
	v15 =	vor.u32 v3, v17  }
0x197: {  	v16 =	vld.idx.msk [tilespmem:v16+s3+$0x0], $0xffff;
	v17 =	vadd.s32 $0x4, v5  }
0x198: {  	v26 =	vadd.s32 $0x8, v5;
	v32 =	vld.idx.msk [tilespmem:v23+s3+$0x0], $0xffff  }
0x199: {  	v22 =	vld.idx.msk [tilespmem:v8+s23+$0x0], $0xffff;
	v8 =	vadd.s32 $0x6, v5  }
0x19a: {  	v20 =	vadd.s32 $0x5, v5;
	v25 =	vld.idx.msk [tilespmem:v4+s3+$0x0], $0xffff  }
0x19b: {  	v29 =	vimm.f32 $0.0e+00;
	v27 =	vadd.s32 $0x9, v5;
	v15 =	vld.idx.msk [tilespmem:v15+s23+$0x0], $0xffff  }
0x19c: {  	v30 =	vadd.s32 $0xA, v5;
	v4 =	vadd.f32 v6, v29;
	v6 =	vld.idx.msk [tilespmem:v17+s3+$0x0], $0xffff;
	v17 =	vadd.f32 v7, v29  }
0x19d: {  	v31 =	vadd.s32 $0xB, v5;
	v33 =	vld.idx.msk [tilespmem:v26+s3+$0x0], $0xffff;
	v13 =	vadd.f32 v13, v29;
	v12 =	vadd.f32 v12, v29  }
0x19e: {  	v7 =	vadd.f32 v14, v4;
	v14 =	vld.idx.msk [tilespmem:v8+s3+$0x0], $0xffff;
	v8 =	vadd.f32 v16, v17;
	v17 =	vmul.u32 $0xC, v22  }
0x19f: {  	v10 =	vadd.f32 v10, v29;
	v24 =	vadd.f32 v24, v29;
	v20 =	vld.idx.msk [tilespmem:v20+s3+$0x0], $0xffff  }
0x1a0: {  	v23 =	vld.idx.msk [tilespmem:v5+s3+$0x0], $0xffff;
	v12 =	vadd.f32 v32, v12;
	v5 =	vadd.f32 v18, v29;
	v26 =	vor.u32 $0x1, v17  }
0x1a1: {  	v34 =	vld.idx.msk [tilespmem:v27+s3+$0x0], $0xffff;
	v4 =	vmul.u32 $0xC, v15;
	v15 =	vadd.f32 v9, v29;
	v27 =	vor.u32 $0x2, v17  }
0x1a2: {  	v31 =	vld.idx.msk [tilespmem:v31+s3+$0x0], $0xffff;
	v63 =	vadd.f32 v28, v29;
	v9 =	vadd.f32 v25, v13;
	v35 =	vadd.s32 $0x4, v17  }
0x1a3: {  	v13 =	vadd.f32 v11, v29;
	v11 =	vadd.f32 v6, v15;
	v6 =	vld.idx.msk [tilespmem:v30+s3+$0x0], $0xffff;
	v30 =	vor.u32 $0x3, v17  }
0x1a4: {  	v25 =	vadd.s32 $0x5, v17;
	v15 =	vadd.f32 v20, v10;
	v10 =	vadd.f32 v21, v29;
	v22 =	vld.idx.msk [tilespmem:v17+s3+$0x0], $0xffff  }
0x1a5: {  	v16 =	vadd.s32 $0xA, v17;
	v29 =	vadd.f32 v19, v29;
	v20 =	vld.idx.msk [tilespmem:v26+s3+$0x0], $0xffff;
	v26 =	vadd.s32 $0x6, v17  }
0x1a6: {  	v14 =	vadd.f32 v14, v13;
	v13 =	vadd.f32 v33, v10;
	v21 =	vld.idx.msk [tilespmem:v27+s3+$0x0], $0xffff;
	v27 =	vadd.s32 $0x7, v17  }
0x1a7: {  	v28 =	vadd.s32 $0x8, v17;
	v10 =	vadd.f32 v34, v5;
	v5 =	vadd.f32 v31, v63;
	v19 =	vld.idx.msk [tilespmem:v35+s3+$0x0], $0xffff  }
0x1a8: {  	s1 =	simm.s32 $0x4;
	v18 =	vld.idx.msk [tilespmem:v30+s3+$0x0], $0xffff;
	v6 =	vadd.f32 v6, v24;
	v30 =	vadd.s32 $0x9, v17;
	v24 =	vor.u32 $0x2, v4  }
.LBB2_15:
0x1a9: {  	v31 =	vmov s1;
	s4 =	sadd.s32 $0x1, s1;
	p0 =	slt.u32 s1, $0xC6;
	s1 =	sadd.s32 $0x2, s1;
	v25 =	vld.idx.msk [tilespmem:v25+s3+$0x0], $0xffff;
	v17 =	vadd.s32 $0xB, v17;
	v29 =	vadd.f32 v23, v29  }
0x1aa: {  	v33 =	vmovc v22;
	v23 =	vand.u32 $0x7E, v31;
	v31 =	vshll.u32 v31, $0x3;
	v32 =	vmov s4;
	v26 =	vld.idx.msk [tilespmem:v26+s3+$0x0], $0xffff  }
0x1ab: {  	v34 =	vor.u32 $0x1, v4;
	v22 =	vand.u32 $0x400, v31;
	v31 =	vshll.u32 v32, $0x3;
	v27 =	vld.idx.msk [tilespmem:v27+s3+$0x0], $0xffff  }
0x1ac: {  	v22 =	vor.u32 v22, v23;
	v23 =	vand.u32 $0x7F, v32;
	v31 =	vand.u32 $0x400, v31;
	v28 =	vld.idx.msk [tilespmem:v28+s3+$0x0], $0xffff  }
0x1ad: {  	v22 =	vor.u32 v3, v22;
	v23 =	vor.u32 v31, v23;
	v30 =	vld.idx.msk [tilespmem:v30+s3+$0x0], $0xffff  }
0x1ae: {  	v23 =	vor.u32 v3, v23;
	v31 =	vld.idx.msk [tilespmem:v16+s3+$0x0], $0xffff  }
0x1af: {  	v16 =	vor.u32 $0x3, v4;
	v32 =	vld.idx.msk [tilespmem:v17+s3+$0x0], $0xffff  }
0x1b0: {  	v17 =	vld.idx.msk [tilespmem:v34+s3+$0x0], $0xffff;
	v34 =	vadd.s32 $0x4, v4  }
0x1b1: {  	v35 =	vadd.s32 $0x5, v4;
	v24 =	vld.idx.msk [tilespmem:v24+s3+$0x0], $0xffff  }
0x1b2: {  	v36 =	vadd.s32 $0x6, v4;
	v22 =	vld.idx.msk [tilespmem:v22+s23+$0x0], $0xffff  }
0x1b3: {  	v37 =	vadd.s32 $0x7, v4;
	v23 =	vld.idx.msk [tilespmem:v23+s23+$0x0], $0xffff  }
0x1b4: {  	v7 =	vadd.f32 v20, v7;
	v20 =	vld.idx.msk [tilespmem:v16+s3+$0x0], $0xffff;
	v16 =	vadd.s32 $0x8, v4  }
0x1b5: {  	v8 =	vadd.f32 v21, v8;
	v21 =	vld.idx.msk [tilespmem:v34+s3+$0x0], $0xffff;
	v34 =	vadd.s32 $0x9, v4  }
0x1b6: {  	v38 =	vadd.s32 $0xA, v4;
	v7 =	vadd.f32 v17, v7;
	v35 =	vld.idx.msk [tilespmem:v35+s3+$0x0], $0xffff  }
0x1b7: {  	v8 =	vadd.f32 v24, v8;
	v24 =	vld.idx.msk [tilespmem:v36+s3+$0x0], $0xffff;
	v36 =	vadd.s32 $0xB, v4  }
0x1b8: {  	v9 =	vadd.f32 v18, v9;
	v17 =	vmul.u32 $0xC, v22;
	v18 =	vld.idx.msk [tilespmem:v37+s3+$0x0], $0xffff  }
0x1b9: {  	v11 =	vadd.f32 v19, v11;
	v15 =	vadd.f32 v25, v15;
	v22 =	vmul.u32 $0xC, v23;
	v19 =	vld.idx.msk [tilespmem:v16+s3+$0x0], $0xffff  }
0x1ba: {  	v37 =	vor.u32 $0x1, v17;
	v16 =	vadd.s32 $0xA, v17;
	v9 =	vadd.f32 v20, v9;
	v34 =	vld.idx.msk [tilespmem:v34+s3+$0x0], $0xffff  }
0x1bb: {  	v14 =	vadd.f32 v26, v14;
	v39 =	vor.u32 $0x2, v17;
	v11 =	vadd.f32 v21, v11;
	v38 =	vld.idx.msk [tilespmem:v38+s3+$0x0], $0xffff  }
0x1bc: {  	v12 =	vadd.f32 v27, v12;
	v40 =	vor.u32 $0x3, v17;
	v15 =	vadd.f32 v35, v15;
	v35 =	vld.idx.msk [tilespmem:v36+s3+$0x0], $0xffff  }
0x1bd: {  	v13 =	vadd.f32 v28, v13;
	v36 =	vadd.s32 $0x4, v17;
	v14 =	vadd.f32 v24, v14;
	v23 =	vld.idx.msk [tilespmem:v4+s3+$0x0], $0xffff;
	v4 =	vmovc v22  }
.Ltmp6:
0x1be: {  	v10 =	vadd.f32 v30, v10;
	v25 =	vadd.s32 $0x5, v17;
	v12 =	vadd.f32 v18, v12;
	v22 =	vld.idx.msk [tilespmem:v17+s3+$0x0], $0xffff;
	(pc) =	sbr.rel @p0 .LBB2_15-.Ltmp6, $4  }
0x1bf: {  	v6 =	vadd.f32 v31, v6;
	v26 =	vadd.s32 $0x6, v17;
	v13 =	vadd.f32 v19, v13;
	v20 =	vld.idx.msk [tilespmem:v37+s3+$0x0], $0xffff  }
0x1c0: {  	v5 =	vadd.f32 v32, v5;
	v27 =	vadd.s32 $0x7, v17;
	v10 =	vadd.f32 v34, v10;
	v21 =	vld.idx.msk [tilespmem:v39+s3+$0x0], $0xffff  }
0x1c1: {  	v29 =	vadd.f32 v33, v29;
	v28 =	vadd.s32 $0x8, v17;
	v6 =	vadd.f32 v38, v6;
	v18 =	vld.idx.msk [tilespmem:v40+s3+$0x0], $0xffff  }
0x1c2: {  	v30 =	vadd.s32 $0x9, v17;
	v24 =	vor.u32 $0x2, v4;
	v5 =	vadd.f32 v35, v5;
	v19 =	vld.idx.msk [tilespmem:v36+s3+$0x0], $0xffff  }
0x1c3: {  	_ =	sdelay $0x3  }
0x1c4: {  	v3 =	vld.idx.msk [tilespmem:v25+s3+$0x0], $0xffff  }
0x1c5: {  	v26 =	vld.idx.msk [tilespmem:v26+s3+$0x0], $0xffff  }
0x1c6: {  	v27 =	vld.idx.msk [tilespmem:v27+s3+$0x0], $0xffff  }
0x1c7: {  	v36 =	vor.u32 $0x1, v4;
	v28 =	vld.idx.msk [tilespmem:v28+s3+$0x0], $0xffff  }
0x1c8: {  	v31 =	vor.u32 $0x3, v4;
	v30 =	vld.idx.msk [tilespmem:v30+s3+$0x0], $0xffff  }
0x1c9: {  	v32 =	vadd.s32 $0x4, v4;
	v24 =	vld.idx.msk [tilespmem:v24+s3+$0x0], $0xffff  }
0x1ca: {  	v33 =	vadd.s32 $0x5, v4;
	v16 =	vld.idx.msk [tilespmem:v16+s3+$0x0], $0xffff  }
0x1cb: {  	v17 =	vadd.s32 $0xB, v17;
	v40 =	vld.idx.msk [tilespmem:v4+s3+$0x0], $0xffff  }
0x1cc: {  	v34 =	vadd.s32 $0x6, v4;
	v37 =	vadd.s32 $0x7, v4;
	v23 =	vadd.f32 v23, v29;
	v25 =	vld.idx.msk [tilespmem:v36+s3+$0x0], $0xffff  }
0x1cd: {  	v39 =	vadd.s32 $0x8, v4;
	v41 =	vadd.s32 $0x9, v4;
	v42 =	vadd.s32 $0xA, v4;
	v31 =	vld.idx.msk [tilespmem:v31+s3+$0x0], $0xffff  }
0x1ce: {  	v44 =	vadd.s32 $0xB, v4;
	v2 =	vshll.u32 v2, $0x7;
	v7 =	vadd.f32 v20, v7;
	v38 =	vld.idx.msk [tilespmem:v32+s3+$0x0], $0xffff  }
0x1cf: {  	v48 =	vor.u32 $0x1, v2;
	v50 =	vor.u32 $0x2, v2;
	v51 =	vor.u32 $0x3, v2;
	v33 =	vld.idx.msk [tilespmem:v33+s3+$0x0], $0xffff  }
0x1d0: {  	v52 =	vor.u32 $0x4, v2;
	v53 =	vor.u32 $0x5, v2;
	v45 =	vadd.f32 v22, v23;
	v17 =	vld.idx.msk [tilespmem:v17+s3+$0x0], $0xffff  }
0x1d1: {  	v55 =	vor.u32 $0x6, v2;
	v57 =	vor.u32 $0x7, v2;
	v8 =	vadd.f32 v21, v8;
	v43 =	vld.idx.msk [tilespmem:v34+s3+$0x0], $0xffff  }
0x1d2: {  	v58 =	vor.u32 $0x8, v2;
	v3 =	vadd.f32 v3, v15;
	v46 =	vld.idx.msk [tilespmem:v37+s3+$0x0], $0xffff;
	v15 =	vadd.f32 v40, v45  }
0x1d3: {  	v60 =	vor.u32 $0x9, v2;
	v9 =	vadd.f32 v18, v9;
	v47 =	vld.idx.msk [tilespmem:v39+s3+$0x0], $0xffff;
	v7 =	vadd.f32 v25, v7  }
0x1d4: {  	v11 =	vadd.f32 v19, v11;
	v8 =	vadd.f32 v24, v8;
	v49 =	vld.idx.msk [tilespmem:v41+s3+$0x0], $0xffff;
	v15 =	vmul.f32 $4.999999890e-03, v15  }
0x1d5: {  	v14 =	vadd.f32 v26, v14;
	v24 =	vld.idx.msk [tilespmem:v42+s3+$0x0], $0xffff;
	v9 =	vadd.f32 v31, v9;
	v7 =	vmul.f32 $4.999999890e-03, v7  }
0x1d6: {  	v61 =	vor.u32 $0xA, v2;
	v4 =	vld.idx.msk [tilespmem:v44+s3+$0x0], $0xffff;
	v8 =	vmul.f32 $4.999999890e-03, v8;
	[tilespmem:v2+s28+$0x0] =	vst.idx.msk $0xffff, v15;
	v11 =	vadd.f32 v38, v11  }
0x1d7: {  	v12 =	vadd.f32 v27, v12;
	v3 =	vadd.f32 v33, v3;
	v54 =	vmul.f32 $4.999999890e-03, v9;
	[tilespmem:v48+s28+$0x0] =	vst.idx.msk $0xffff, v7  }
0x1d8: {  	v13 =	vadd.f32 v28, v13;
	v14 =	vadd.f32 v43, v14;
	v56 =	vmul.f32 $4.999999890e-03, v11;
	[tilespmem:v50+s28+$0x0] =	vst.idx.msk $0xffff, v8  }
0x1d9: {  	v10 =	vadd.f32 v30, v10;
	v12 =	vadd.f32 v46, v12;
	v3 =	vmul.f32 $4.999999890e-03, v3;
	[tilespmem:v51+s28+$0x0] =	vst.idx.msk $0xffff, v54  }
0x1da: {  	v6 =	vadd.f32 v16, v6;
	v13 =	vadd.f32 v47, v13;
	v59 =	vmul.f32 $4.999999890e-03, v14;
	[tilespmem:v52+s28+$0x0] =	vst.idx.msk $0xffff, v56  }
0x1db: {  	s2 =	sadd.s32 $0x1, s2;
	v5 =	vadd.f32 v17, v5;
	v10 =	vadd.f32 v49, v10;
	[tilespmem:v53+s28+$0x0] =	vst.idx.msk $0xffff, v3;
	v3 =	vmul.f32 $4.999999890e-03, v12  }
0x1dc: {  	p0 =	sne.s32 s2, $0x4;
	v2 =	vor.u32 $0xB, v2;
	v6 =	vadd.f32 v24, v6;
	v62 =	vmul.f32 $4.999999890e-03, v13;
	[tilespmem:v55+s28+$0x0] =	vst.idx.msk $0xffff, v59  }
.Ltmp7:
0x1dd: {  	v4 =	vadd.f32 v4, v5;
	[tilespmem:v57+s28+$0x0] =	vst.idx.msk $0xffff, v3;
	v3 =	vmul.f32 $4.999999890e-03, v10;
	(pc) =	sbr.rel @p0 .LBB2_14-.Ltmp7, $4  }
0x1de: {  	v63 =	vmul.f32 $4.999999890e-03, v6;
	[tilespmem:v58+s28+$0x0] =	vst.idx.msk $0xffff, v62  }
0x1df: {  	[tilespmem:v60+s28+$0x0] =	vst.idx.msk $0xffff, v3;
	v3 =	vmul.f32 $4.999999890e-03, v4  }
0x1e0: {  	[tilespmem:v61+s28+$0x0] =	vst.idx.msk $0xffff, v63  }
0x1e1: {  	[tilespmem:v2+s28+$0x0] =	vst.idx.msk $0xffff, v3  }
0x1e2: {  	s0 =	simm.s32 $0x0  }
0x1e3: {  	[hbm4b:s12+s0] =	stream.linear.scatter [tilespmem:s28], [sflag:$0x4], $0x2000, $0x38;
	[tilespmem:$0xEF00] =	vst v63  }
0x1e4: {  	_ = 	snop  }
0x1e5: {  	[tilespmem:s23], [sflag:$0x2] =	stream.linear.gather [hbm4b:s13+s0], $0x4000, $0x38;
	[tilespmem:$0xEF00] =	vst v63  }
0x1e6: {  	_ =	swait.ge [sflag:s24], $0x4000  }
0x1e7: {  	[sflag:s24] =	ssyncset.done $0x0  }
0x1e8: {  	[sflag:s24] =	ssyncadd.s32 $0xFFFFC000  }
0x1e9: {  	_ =	swait.ge [sflag:s29], $0x2000  }
0x1ea: {  	[sflag:s29] =	ssyncset.done $0x0  }
0x1eb: {  	s2 =	simm.s32 $0x0;
	[sflag:s29] =	ssyncadd.s32 $0xFFFFE000  }
.LBB2_18:
0x1ec: {  	s1 =	sshll.u32 s2, $0x4  }
0x1ed: {  	v3 =	vmov s0;
	v2 =	vor.u32 s1, v0  }
0x1ee: {  	v5 =	vshll.u32 v3, $0x3;
	v4 =	vshll.u32 v2, $0x8  }
0x1ef: {  	v6 =	vand.u32 $0x7E, v3;
	v5 =	vand.u32 $0x400, v5;
	v4 =	vand.u32 $0x3800, v4  }
0x1f0: {  	v3 =	vor.u32 v1, v4;
	v4 =	vor.u32 v5, v6  }
0x1f1: {  	v4 =	vor.u32 v3, v4;
	_ =	sdelay $0x2  }
0x1f2: {  	s4 =	simm.s32 $0x1  }
0x1f3: {  	v5 =	vmov s4  }
0x1f4: {  	v6 =	vshll.u32 v5, $0x3;
	v4 =	vld.idx.msk [tilespmem:v4+s21+$0x0], $0xffff  }
0x1f5: {  	v5 =	vand.u32 $0x7F, v5;
	v6 =	vand.u32 $0x400, v6  }
0x1f6: {  	v5 =	vor.u32 v6, v5  }
0x1f7: {  	v5 =	vor.u32 v3, v5;
	_ =	sdelay $0x1  }
0x1f8: {  	v4 =	vmul.u32 $0xC, v4;
	_ =	sdelay $0x1  }
0x1f9: {  	v6 =	vor.u32 $0x1, v4  }
0x1fa: {  	v5 =	vld.idx.msk [tilespmem:v5+s21+$0x0], $0xffff;
	v7 =	vor.u32 $0x2, v4  }
0x1fb: {  	v8 =	vor.u32 $0x3, v4  }
0x1fc: {  	v9 =	vadd.s32 $0x4, v4  }
0x1fd: {  	v10 =	vadd.s32 $0x5, v4;
	v19 =	vld.idx.msk [tilespmem:v4+s3+$0x0], $0xffff  }
0x1fe: {  	v11 =	vadd.s32 $0x6, v4;
	v6 =	vld.idx.msk [tilespmem:v6+s3+$0x0], $0xffff  }
0x1ff: {  	v12 =	vadd.s32 $0x7, v4;
	v5 =	vmul.u32 $0xC, v5;
	v7 =	vld.idx.msk [tilespmem:v7+s3+$0x0], $0xffff  }
0x200: {  	v14 =	vadd.s32 $0xA, v4;
	v13 =	vld.idx.msk [tilespmem:v8+s3+$0x0], $0xffff  }
0x201: {  	v22 =	vor.u32 $0x1, v5;
	v9 =	vld.idx.msk [tilespmem:v9+s3+$0x0], $0xffff  }
0x202: {  	s4 =	simm.s32 $0x2;
	v8 =	vadd.s32 $0x8, v4;
	v10 =	vld.idx.msk [tilespmem:v10+s3+$0x0], $0xffff  }
0x203: {  	v17 =	vmov s4;
	v15 =	vadd.s32 $0x9, v4;
	v4 =	vadd.s32 $0xB, v4;
	v11 =	vld.idx.msk [tilespmem:v11+s3+$0x0], $0xffff  }
0x204: {  	s4 =	simm.s32 $0x3;
	v18 =	vand.u32 $0x7E, v17;
	v17 =	vshll.u32 v17, $0x3;
	v12 =	vld.idx.msk [tilespmem:v12+s3+$0x0], $0xffff  }
0x205: {  	v20 =	vmov s4;
	v17 =	vand.u32 $0x400, v17;
	v16 =	vor.u32 $0x2, v5;
	v24 =	vld.idx.msk [tilespmem:v14+s3+$0x0], $0xffff  }
0x206: {  	v21 =	vshll.u32 v20, $0x3;
	v17 =	vor.u32 v17, v18;
	v23 =	vadd.s32 $0x7, v5;
	v14 =	vld.idx.msk [tilespmem:v22+s3+$0x0], $0xffff  }
0x207: {  	v18 =	vand.u32 $0x7F, v20;
	v20 =	vand.u32 $0x400, v21;
	v21 =	vld.idx.msk [tilespmem:v8+s3+$0x0], $0xffff;
	v8 =	vor.u32 v3, v17  }
0x208: {  	v17 =	vor.u32 v20, v18;
	v28 =	vld.idx.msk [tilespmem:v4+s3+$0x0], $0xffff;
	v4 =	vor.u32 $0x3, v5  }
0x209: {  	v18 =	vld.idx.msk [tilespmem:v15+s3+$0x0], $0xffff;
	v15 =	vor.u32 v3, v17  }
0x20a: {  	v16 =	vld.idx.msk [tilespmem:v16+s3+$0x0], $0xffff;
	v17 =	vadd.s32 $0x4, v5  }
0x20b: {  	v26 =	vadd.s32 $0x8, v5;
	v32 =	vld.idx.msk [tilespmem:v23+s3+$0x0], $0xffff  }
0x20c: {  	v22 =	vld.idx.msk [tilespmem:v8+s21+$0x0], $0xffff;
	v8 =	vadd.s32 $0x6, v5  }
0x20d: {  	v20 =	vadd.s32 $0x5, v5;
	v25 =	vld.idx.msk [tilespmem:v4+s3+$0x0], $0xffff  }
0x20e: {  	v29 =	vimm.f32 $0.0e+00;
	v27 =	vadd.s32 $0x9, v5;
	v15 =	vld.idx.msk [tilespmem:v15+s21+$0x0], $0xffff  }
0x20f: {  	v30 =	vadd.s32 $0xA, v5;
	v4 =	vadd.f32 v6, v29;
	v6 =	vld.idx.msk [tilespmem:v17+s3+$0x0], $0xffff;
	v17 =	vadd.f32 v7, v29  }
0x210: {  	v31 =	vadd.s32 $0xB, v5;
	v33 =	vld.idx.msk [tilespmem:v26+s3+$0x0], $0xffff;
	v13 =	vadd.f32 v13, v29;
	v12 =	vadd.f32 v12, v29  }
0x211: {  	v7 =	vadd.f32 v14, v4;
	v14 =	vld.idx.msk [tilespmem:v8+s3+$0x0], $0xffff;
	v8 =	vadd.f32 v16, v17;
	v17 =	vmul.u32 $0xC, v22  }
0x212: {  	v10 =	vadd.f32 v10, v29;
	v24 =	vadd.f32 v24, v29;
	v20 =	vld.idx.msk [tilespmem:v20+s3+$0x0], $0xffff  }
0x213: {  	v23 =	vld.idx.msk [tilespmem:v5+s3+$0x0], $0xffff;
	v12 =	vadd.f32 v32, v12;
	v5 =	vadd.f32 v18, v29;
	v26 =	vor.u32 $0x1, v17  }
0x214: {  	v34 =	vld.idx.msk [tilespmem:v27+s3+$0x0], $0xffff;
	v4 =	vmul.u32 $0xC, v15;
	v15 =	vadd.f32 v9, v29;
	v27 =	vor.u32 $0x2, v17  }
0x215: {  	v31 =	vld.idx.msk [tilespmem:v31+s3+$0x0], $0xffff;
	v63 =	vadd.f32 v28, v29;
	v9 =	vadd.f32 v25, v13;
	v35 =	vadd.s32 $0x4, v17  }
0x216: {  	v13 =	vadd.f32 v11, v29;
	v11 =	vadd.f32 v6, v15;
	v6 =	vld.idx.msk [tilespmem:v30+s3+$0x0], $0xffff;
	v30 =	vor.u32 $0x3, v17  }
0x217: {  	v25 =	vadd.s32 $0x5, v17;
	v15 =	vadd.f32 v20, v10;
	v10 =	vadd.f32 v21, v29;
	v22 =	vld.idx.msk [tilespmem:v17+s3+$0x0], $0xffff  }
0x218: {  	v16 =	vadd.s32 $0xA, v17;
	v29 =	vadd.f32 v19, v29;
	v20 =	vld.idx.msk [tilespmem:v26+s3+$0x0], $0xffff;
	v26 =	vadd.s32 $0x6, v17  }
0x219: {  	v14 =	vadd.f32 v14, v13;
	v13 =	vadd.f32 v33, v10;
	v21 =	vld.idx.msk [tilespmem:v27+s3+$0x0], $0xffff;
	v27 =	vadd.s32 $0x7, v17  }
0x21a: {  	v28 =	vadd.s32 $0x8, v17;
	v10 =	vadd.f32 v34, v5;
	v5 =	vadd.f32 v31, v63;
	v19 =	vld.idx.msk [tilespmem:v35+s3+$0x0], $0xffff  }
0x21b: {  	s1 =	simm.s32 $0x4;
	v18 =	vld.idx.msk [tilespmem:v30+s3+$0x0], $0xffff;
	v6 =	vadd.f32 v6, v24;
	v30 =	vadd.s32 $0x9, v17;
	v24 =	vor.u32 $0x2, v4  }
.LBB2_19:
0x21c: {  	v31 =	vmov s1;
	s4 =	sadd.s32 $0x1, s1;
	p0 =	slt.u32 s1, $0xC6;
	s1 =	sadd.s32 $0x2, s1;
	v25 =	vld.idx.msk [tilespmem:v25+s3+$0x0], $0xffff;
	v17 =	vadd.s32 $0xB, v17;
	v29 =	vadd.f32 v23, v29  }
0x21d: {  	v33 =	vmovc v22;
	v23 =	vand.u32 $0x7E, v31;
	v31 =	vshll.u32 v31, $0x3;
	v32 =	vmov s4;
	v26 =	vld.idx.msk [tilespmem:v26+s3+$0x0], $0xffff  }
0x21e: {  	v34 =	vor.u32 $0x1, v4;
	v22 =	vand.u32 $0x400, v31;
	v31 =	vshll.u32 v32, $0x3;
	v27 =	vld.idx.msk [tilespmem:v27+s3+$0x0], $0xffff  }
0x21f: {  	v22 =	vor.u32 v22, v23;
	v23 =	vand.u32 $0x7F, v32;
	v31 =	vand.u32 $0x400, v31;
	v28 =	vld.idx.msk [tilespmem:v28+s3+$0x0], $0xffff  }
0x220: {  	v22 =	vor.u32 v3, v22;
	v23 =	vor.u32 v31, v23;
	v30 =	vld.idx.msk [tilespmem:v30+s3+$0x0], $0xffff  }
0x221: {  	v23 =	vor.u32 v3, v23;
	v31 =	vld.idx.msk [tilespmem:v16+s3+$0x0], $0xffff  }
0x222: {  	v16 =	vor.u32 $0x3, v4;
	v32 =	vld.idx.msk [tilespmem:v17+s3+$0x0], $0xffff  }
0x223: {  	v17 =	vld.idx.msk [tilespmem:v34+s3+$0x0], $0xffff;
	v34 =	vadd.s32 $0x4, v4  }
0x224: {  	v35 =	vadd.s32 $0x5, v4;
	v24 =	vld.idx.msk [tilespmem:v24+s3+$0x0], $0xffff  }
0x225: {  	v36 =	vadd.s32 $0x6, v4;
	v22 =	vld.idx.msk [tilespmem:v22+s21+$0x0], $0xffff  }
0x226: {  	v37 =	vadd.s32 $0x7, v4;
	v23 =	vld.idx.msk [tilespmem:v23+s21+$0x0], $0xffff  }
0x227: {  	v7 =	vadd.f32 v20, v7;
	v20 =	vld.idx.msk [tilespmem:v16+s3+$0x0], $0xffff;
	v16 =	vadd.s32 $0x8, v4  }
0x228: {  	v8 =	vadd.f32 v21, v8;
	v21 =	vld.idx.msk [tilespmem:v34+s3+$0x0], $0xffff;
	v34 =	vadd.s32 $0x9, v4  }
0x229: {  	v38 =	vadd.s32 $0xA, v4;
	v7 =	vadd.f32 v17, v7;
	v35 =	vld.idx.msk [tilespmem:v35+s3+$0x0], $0xffff  }
0x22a: {  	v8 =	vadd.f32 v24, v8;
	v24 =	vld.idx.msk [tilespmem:v36+s3+$0x0], $0xffff;
	v36 =	vadd.s32 $0xB, v4  }
0x22b: {  	v9 =	vadd.f32 v18, v9;
	v17 =	vmul.u32 $0xC, v22;
	v18 =	vld.idx.msk [tilespmem:v37+s3+$0x0], $0xffff  }
0x22c: {  	v11 =	vadd.f32 v19, v11;
	v15 =	vadd.f32 v25, v15;
	v22 =	vmul.u32 $0xC, v23;
	v19 =	vld.idx.msk [tilespmem:v16+s3+$0x0], $0xffff  }
0x22d: {  	v37 =	vor.u32 $0x1, v17;
	v16 =	vadd.s32 $0xA, v17;
	v9 =	vadd.f32 v20, v9;
	v34 =	vld.idx.msk [tilespmem:v34+s3+$0x0], $0xffff  }
0x22e: {  	v14 =	vadd.f32 v26, v14;
	v39 =	vor.u32 $0x2, v17;
	v11 =	vadd.f32 v21, v11;
	v38 =	vld.idx.msk [tilespmem:v38+s3+$0x0], $0xffff  }
0x22f: {  	v12 =	vadd.f32 v27, v12;
	v40 =	vor.u32 $0x3, v17;
	v15 =	vadd.f32 v35, v15;
	v35 =	vld.idx.msk [tilespmem:v36+s3+$0x0], $0xffff  }
0x230: {  	v13 =	vadd.f32 v28, v13;
	v36 =	vadd.s32 $0x4, v17;
	v14 =	vadd.f32 v24, v14;
	v23 =	vld.idx.msk [tilespmem:v4+s3+$0x0], $0xffff;
	v4 =	vmovc v22  }
.Ltmp8:
0x231: {  	v10 =	vadd.f32 v30, v10;
	v25 =	vadd.s32 $0x5, v17;
	v12 =	vadd.f32 v18, v12;
	v22 =	vld.idx.msk [tilespmem:v17+s3+$0x0], $0xffff;
	(pc) =	sbr.rel @p0 .LBB2_19-.Ltmp8, $4  }
0x232: {  	v6 =	vadd.f32 v31, v6;
	v26 =	vadd.s32 $0x6, v17;
	v13 =	vadd.f32 v19, v13;
	v20 =	vld.idx.msk [tilespmem:v37+s3+$0x0], $0xffff  }
0x233: {  	v5 =	vadd.f32 v32, v5;
	v27 =	vadd.s32 $0x7, v17;
	v10 =	vadd.f32 v34, v10;
	v21 =	vld.idx.msk [tilespmem:v39+s3+$0x0], $0xffff  }
0x234: {  	v29 =	vadd.f32 v33, v29;
	v28 =	vadd.s32 $0x8, v17;
	v6 =	vadd.f32 v38, v6;
	v18 =	vld.idx.msk [tilespmem:v40+s3+$0x0], $0xffff  }
0x235: {  	v30 =	vadd.s32 $0x9, v17;
	v24 =	vor.u32 $0x2, v4;
	v5 =	vadd.f32 v35, v5;
	v19 =	vld.idx.msk [tilespmem:v36+s3+$0x0], $0xffff  }
0x236: {  	_ =	sdelay $0x3  }
0x237: {  	v3 =	vld.idx.msk [tilespmem:v25+s3+$0x0], $0xffff  }
0x238: {  	v26 =	vld.idx.msk [tilespmem:v26+s3+$0x0], $0xffff  }
0x239: {  	v27 =	vld.idx.msk [tilespmem:v27+s3+$0x0], $0xffff  }
0x23a: {  	v36 =	vor.u32 $0x1, v4;
	v28 =	vld.idx.msk [tilespmem:v28+s3+$0x0], $0xffff  }
0x23b: {  	v31 =	vor.u32 $0x3, v4;
	v30 =	vld.idx.msk [tilespmem:v30+s3+$0x0], $0xffff  }
0x23c: {  	v32 =	vadd.s32 $0x4, v4;
	v24 =	vld.idx.msk [tilespmem:v24+s3+$0x0], $0xffff  }
0x23d: {  	v33 =	vadd.s32 $0x5, v4;
	v16 =	vld.idx.msk [tilespmem:v16+s3+$0x0], $0xffff  }
0x23e: {  	v17 =	vadd.s32 $0xB, v17;
	v40 =	vld.idx.msk [tilespmem:v4+s3+$0x0], $0xffff  }
0x23f: {  	v34 =	vadd.s32 $0x6, v4;
	v37 =	vadd.s32 $0x7, v4;
	v23 =	vadd.f32 v23, v29;
	v25 =	vld.idx.msk [tilespmem:v36+s3+$0x0], $0xffff  }
0x240: {  	v39 =	vadd.s32 $0x8, v4;
	v41 =	vadd.s32 $0x9, v4;
	v42 =	vadd.s32 $0xA, v4;
	v31 =	vld.idx.msk [tilespmem:v31+s3+$0x0], $0xffff  }
0x241: {  	v44 =	vadd.s32 $0xB, v4;
	v2 =	vshll.u32 v2, $0x7;
	v7 =	vadd.f32 v20, v7;
	v38 =	vld.idx.msk [tilespmem:v32+s3+$0x0], $0xffff  }
0x242: {  	v48 =	vor.u32 $0x1, v2;
	v50 =	vor.u32 $0x2, v2;
	v51 =	vor.u32 $0x3, v2;
	v33 =	vld.idx.msk [tilespmem:v33+s3+$0x0], $0xffff  }
0x243: {  	v52 =	vor.u32 $0x4, v2;
	v53 =	vor.u32 $0x5, v2;
	v45 =	vadd.f32 v22, v23;
	v17 =	vld.idx.msk [tilespmem:v17+s3+$0x0], $0xffff  }
0x244: {  	v55 =	vor.u32 $0x6, v2;
	v57 =	vor.u32 $0x7, v2;
	v8 =	vadd.f32 v21, v8;
	v43 =	vld.idx.msk [tilespmem:v34+s3+$0x0], $0xffff  }
0x245: {  	v58 =	vor.u32 $0x8, v2;
	v3 =	vadd.f32 v3, v15;
	v46 =	vld.idx.msk [tilespmem:v37+s3+$0x0], $0xffff;
	v15 =	vadd.f32 v40, v45  }
0x246: {  	v60 =	vor.u32 $0x9, v2;
	v9 =	vadd.f32 v18, v9;
	v47 =	vld.idx.msk [tilespmem:v39+s3+$0x0], $0xffff;
	v7 =	vadd.f32 v25, v7  }
0x247: {  	v11 =	vadd.f32 v19, v11;
	v8 =	vadd.f32 v24, v8;
	v49 =	vld.idx.msk [tilespmem:v41+s3+$0x0], $0xffff;
	v15 =	vmul.f32 $4.999999890e-03, v15  }
0x248: {  	v14 =	vadd.f32 v26, v14;
	v24 =	vld.idx.msk [tilespmem:v42+s3+$0x0], $0xffff;
	v9 =	vadd.f32 v31, v9;
	v7 =	vmul.f32 $4.999999890e-03, v7  }
0x249: {  	v61 =	vor.u32 $0xA, v2;
	v4 =	vld.idx.msk [tilespmem:v44+s3+$0x0], $0xffff;
	v8 =	vmul.f32 $4.999999890e-03, v8;
	[tilespmem:v2+s25+$0x0] =	vst.idx.msk $0xffff, v15;
	v11 =	vadd.f32 v38, v11  }
0x24a: {  	v12 =	vadd.f32 v27, v12;
	v3 =	vadd.f32 v33, v3;
	v54 =	vmul.f32 $4.999999890e-03, v9;
	[tilespmem:v48+s25+$0x0] =	vst.idx.msk $0xffff, v7  }
0x24b: {  	v13 =	vadd.f32 v28, v13;
	v14 =	vadd.f32 v43, v14;
	v56 =	vmul.f32 $4.999999890e-03, v11;
	[tilespmem:v50+s25+$0x0] =	vst.idx.msk $0xffff, v8  }
0x24c: {  	v10 =	vadd.f32 v30, v10;
	v12 =	vadd.f32 v46, v12;
	v3 =	vmul.f32 $4.999999890e-03, v3;
	[tilespmem:v51+s25+$0x0] =	vst.idx.msk $0xffff, v54  }
0x24d: {  	v6 =	vadd.f32 v16, v6;
	v13 =	vadd.f32 v47, v13;
	v59 =	vmul.f32 $4.999999890e-03, v14;
	[tilespmem:v52+s25+$0x0] =	vst.idx.msk $0xffff, v56  }
0x24e: {  	s2 =	sadd.s32 $0x1, s2;
	v5 =	vadd.f32 v17, v5;
	v10 =	vadd.f32 v49, v10;
	[tilespmem:v53+s25+$0x0] =	vst.idx.msk $0xffff, v3;
	v3 =	vmul.f32 $4.999999890e-03, v12  }
0x24f: {  	p0 =	sne.s32 s2, $0x4;
	v2 =	vor.u32 $0xB, v2;
	v6 =	vadd.f32 v24, v6;
	v62 =	vmul.f32 $4.999999890e-03, v13;
	[tilespmem:v55+s25+$0x0] =	vst.idx.msk $0xffff, v59  }
.Ltmp9:
0x250: {  	v4 =	vadd.f32 v4, v5;
	[tilespmem:v57+s25+$0x0] =	vst.idx.msk $0xffff, v3;
	v3 =	vmul.f32 $4.999999890e-03, v10;
	(pc) =	sbr.rel @p0 .LBB2_18-.Ltmp9, $4  }
0x251: {  	v63 =	vmul.f32 $4.999999890e-03, v6;
	[tilespmem:v58+s25+$0x0] =	vst.idx.msk $0xffff, v62  }
0x252: {  	[tilespmem:v60+s25+$0x0] =	vst.idx.msk $0xffff, v3;
	v3 =	vmul.f32 $4.999999890e-03, v4  }
0x253: {  	[tilespmem:v61+s25+$0x0] =	vst.idx.msk $0xffff, v63  }
0x254: {  	[tilespmem:v2+s25+$0x0] =	vst.idx.msk $0xffff, v3  }
0x255: {  	s0 =	simm.s32 $0x0  }
0x256: {  	[hbm4b:s14+s0] =	stream.linear.scatter [tilespmem:s25], [sflag:$0x3], $0x2000, $0x38;
	[tilespmem:$0xEF00] =	vst v63  }
0x257: {  	_ = 	snop  }
0x258: {  	[tilespmem:s21], [sflag:$0x1] =	stream.linear.gather [hbm4b:s15+s0], $0x4000, $0x38;
	[tilespmem:$0xEF00] =	vst v63  }
0x259: {  	_ =	swait.ge [sflag:s26], $0x4000  }
0x25a: {  	[sflag:s26] =	ssyncset.done $0x0  }
0x25b: {  	[sflag:s26] =	ssyncadd.s32 $0xFFFFC000  }
0x25c: {  	_ =	swait.ge [sflag:s30], $0x2000  }
0x25d: {  	[sflag:s30] =	ssyncset.done $0x0  }
0x25e: {  	s2 =	simm.s32 $0x0;
	[sflag:s30] =	ssyncadd.s32 $0xFFFFE000  }
.LBB2_22:
0x25f: {  	s1 =	sshll.u32 s2, $0x4  }
0x260: {  	v3 =	vmov s0;
	v2 =	vor.u32 s1, v0  }
0x261: {  	v5 =	vshll.u32 v3, $0x3;
	v4 =	vshll.u32 v2, $0x8  }
0x262: {  	v6 =	vand.u32 $0x7E, v3;
	v5 =	vand.u32 $0x400, v5;
	v4 =	vand.u32 $0x3800, v4  }
0x263: {  	v3 =	vor.u32 v1, v4;
	v4 =	vor.u32 v5, v6  }
0x264: {  	v4 =	vor.u32 v3, v4;
	_ =	sdelay $0x2  }
0x265: {  	s4 =	simm.s32 $0x1  }
0x266: {  	v5 =	vmov s4  }
0x267: {  	v6 =	vshll.u32 v5, $0x3;
	v4 =	vld.idx.msk [tilespmem:v4+s23+$0x0], $0xffff  }
0x268: {  	v5 =	vand.u32 $0x7F, v5;
	v6 =	vand.u32 $0x400, v6  }
0x269: {  	v5 =	vor.u32 v6, v5  }
0x26a: {  	v5 =	vor.u32 v3, v5;
	_ =	sdelay $0x1  }
0x26b: {  	v4 =	vmul.u32 $0xC, v4;
	_ =	sdelay $0x1  }
0x26c: {  	v6 =	vor.u32 $0x1, v4  }
0x26d: {  	v5 =	vld.idx.msk [tilespmem:v5+s23+$0x0], $0xffff;
	v7 =	vor.u32 $0x2, v4  }
0x26e: {  	v8 =	vor.u32 $0x3, v4  }
0x26f: {  	v9 =	vadd.s32 $0x4, v4  }
0x270: {  	v10 =	vadd.s32 $0x5, v4;
	v19 =	vld.idx.msk [tilespmem:v4+s3+$0x0], $0xffff  }
0x271: {  	v11 =	vadd.s32 $0x6, v4;
	v6 =	vld.idx.msk [tilespmem:v6+s3+$0x0], $0xffff  }
0x272: {  	v12 =	vadd.s32 $0x7, v4;
	v5 =	vmul.u32 $0xC, v5;
	v7 =	vld.idx.msk [tilespmem:v7+s3+$0x0], $0xffff  }
0x273: {  	v14 =	vadd.s32 $0xA, v4;
	v13 =	vld.idx.msk [tilespmem:v8+s3+$0x0], $0xffff  }
0x274: {  	v22 =	vor.u32 $0x1, v5;
	v9 =	vld.idx.msk [tilespmem:v9+s3+$0x0], $0xffff  }
0x275: {  	s4 =	simm.s32 $0x2;
	v8 =	vadd.s32 $0x8, v4;
	v10 =	vld.idx.msk [tilespmem:v10+s3+$0x0], $0xffff  }
0x276: {  	v17 =	vmov s4;
	v15 =	vadd.s32 $0x9, v4;
	v4 =	vadd.s32 $0xB, v4;
	v11 =	vld.idx.msk [tilespmem:v11+s3+$0x0], $0xffff  }
0x277: {  	s4 =	simm.s32 $0x3;
	v18 =	vand.u32 $0x7E, v17;
	v17 =	vshll.u32 v17, $0x3;
	v12 =	vld.idx.msk [tilespmem:v12+s3+$0x0], $0xffff  }
0x278: {  	v20 =	vmov s4;
	v17 =	vand.u32 $0x400, v17;
	v16 =	vor.u32 $0x2, v5;
	v24 =	vld.idx.msk [tilespmem:v14+s3+$0x0], $0xffff  }
0x279: {  	v21 =	vshll.u32 v20, $0x3;
	v17 =	vor.u32 v17, v18;
	v23 =	vadd.s32 $0x7, v5;
	v14 =	vld.idx.msk [tilespmem:v22+s3+$0x0], $0xffff  }
0x27a: {  	v18 =	vand.u32 $0x7F, v20;
	v20 =	vand.u32 $0x400, v21;
	v21 =	vld.idx.msk [tilespmem:v8+s3+$0x0], $0xffff;
	v8 =	vor.u32 v3, v17  }
0x27b: {  	v17 =	vor.u32 v20, v18;
	v28 =	vld.idx.msk [tilespmem:v4+s3+$0x0], $0xffff;
	v4 =	vor.u32 $0x3, v5  }
0x27c: {  	v18 =	vld.idx.msk [tilespmem:v15+s3+$0x0], $0xffff;
	v15 =	vor.u32 v3, v17  }
0x27d: {  	v16 =	vld.idx.msk [tilespmem:v16+s3+$0x0], $0xffff;
	v17 =	vadd.s32 $0x4, v5  }
0x27e: {  	v26 =	vadd.s32 $0x8, v5;
	v32 =	vld.idx.msk [tilespmem:v23+s3+$0x0], $0xffff  }
0x27f: {  	v22 =	vld.idx.msk [tilespmem:v8+s23+$0x0], $0xffff;
	v8 =	vadd.s32 $0x6, v5  }
0x280: {  	v20 =	vadd.s32 $0x5, v5;
	v25 =	vld.idx.msk [tilespmem:v4+s3+$0x0], $0xffff  }
0x281: {  	v29 =	vimm.f32 $0.0e+00;
	v27 =	vadd.s32 $0x9, v5;
	v15 =	vld.idx.msk [tilespmem:v15+s23+$0x0], $0xffff  }
0x282: {  	v30 =	vadd.s32 $0xA, v5;
	v4 =	vadd.f32 v6, v29;
	v6 =	vld.idx.msk [tilespmem:v17+s3+$0x0], $0xffff;
	v17 =	vadd.f32 v7, v29  }
0x283: {  	v31 =	vadd.s32 $0xB, v5;
	v33 =	vld.idx.msk [tilespmem:v26+s3+$0x0], $0xffff;
	v13 =	vadd.f32 v13, v29;
	v12 =	vadd.f32 v12, v29  }
0x284: {  	v7 =	vadd.f32 v14, v4;
	v14 =	vld.idx.msk [tilespmem:v8+s3+$0x0], $0xffff;
	v8 =	vadd.f32 v16, v17;
	v17 =	vmul.u32 $0xC, v22  }
0x285: {  	v10 =	vadd.f32 v10, v29;
	v24 =	vadd.f32 v24, v29;
	v20 =	vld.idx.msk [tilespmem:v20+s3+$0x0], $0xffff  }
0x286: {  	v23 =	vld.idx.msk [tilespmem:v5+s3+$0x0], $0xffff;
	v12 =	vadd.f32 v32, v12;
	v5 =	vadd.f32 v18, v29;
	v26 =	vor.u32 $0x1, v17  }
0x287: {  	v34 =	vld.idx.msk [tilespmem:v27+s3+$0x0], $0xffff;
	v4 =	vmul.u32 $0xC, v15;
	v15 =	vadd.f32 v9, v29;
	v27 =	vor.u32 $0x2, v17  }
0x288: {  	v31 =	vld.idx.msk [tilespmem:v31+s3+$0x0], $0xffff;
	v63 =	vadd.f32 v28, v29;
	v9 =	vadd.f32 v25, v13;
	v35 =	vadd.s32 $0x4, v17  }
0x289: {  	v13 =	vadd.f32 v11, v29;
	v11 =	vadd.f32 v6, v15;
	v6 =	vld.idx.msk [tilespmem:v30+s3+$0x0], $0xffff;
	v30 =	vor.u32 $0x3, v17  }
0x28a: {  	v25 =	vadd.s32 $0x5, v17;
	v15 =	vadd.f32 v20, v10;
	v10 =	vadd.f32 v21, v29;
	v22 =	vld.idx.msk [tilespmem:v17+s3+$0x0], $0xffff  }
0x28b: {  	v16 =	vadd.s32 $0xA, v17;
	v29 =	vadd.f32 v19, v29;
	v20 =	vld.idx.msk [tilespmem:v26+s3+$0x0], $0xffff;
	v26 =	vadd.s32 $0x6, v17  }
0x28c: {  	v14 =	vadd.f32 v14, v13;
	v13 =	vadd.f32 v33, v10;
	v21 =	vld.idx.msk [tilespmem:v27+s3+$0x0], $0xffff;
	v27 =	vadd.s32 $0x7, v17  }
0x28d: {  	v28 =	vadd.s32 $0x8, v17;
	v10 =	vadd.f32 v34, v5;
	v5 =	vadd.f32 v31, v63;
	v19 =	vld.idx.msk [tilespmem:v35+s3+$0x0], $0xffff  }
0x28e: {  	s1 =	simm.s32 $0x4;
	v18 =	vld.idx.msk [tilespmem:v30+s3+$0x0], $0xffff;
	v6 =	vadd.f32 v6, v24;
	v30 =	vadd.s32 $0x9, v17;
	v24 =	vor.u32 $0x2, v4  }
.LBB2_23:
0x28f: {  	v31 =	vmov s1;
	s4 =	sadd.s32 $0x1, s1;
	p0 =	slt.u32 s1, $0xC6;
	s1 =	sadd.s32 $0x2, s1;
	v25 =	vld.idx.msk [tilespmem:v25+s3+$0x0], $0xffff;
	v17 =	vadd.s32 $0xB, v17;
	v29 =	vadd.f32 v23, v29  }
0x290: {  	v33 =	vmovc v22;
	v23 =	vand.u32 $0x7E, v31;
	v31 =	vshll.u32 v31, $0x3;
	v32 =	vmov s4;
	v26 =	vld.idx.msk [tilespmem:v26+s3+$0x0], $0xffff  }
0x291: {  	v34 =	vor.u32 $0x1, v4;
	v22 =	vand.u32 $0x400, v31;
	v31 =	vshll.u32 v32, $0x3;
	v27 =	vld.idx.msk [tilespmem:v27+s3+$0x0], $0xffff  }
0x292: {  	v22 =	vor.u32 v22, v23;
	v23 =	vand.u32 $0x7F, v32;
	v31 =	vand.u32 $0x400, v31;
	v28 =	vld.idx.msk [tilespmem:v28+s3+$0x0], $0xffff  }
0x293: {  	v22 =	vor.u32 v3, v22;
	v23 =	vor.u32 v31, v23;
	v30 =	vld.idx.msk [tilespmem:v30+s3+$0x0], $0xffff  }
0x294: {  	v23 =	vor.u32 v3, v23;
	v31 =	vld.idx.msk [tilespmem:v16+s3+$0x0], $0xffff  }
0x295: {  	v16 =	vor.u32 $0x3, v4;
	v32 =	vld.idx.msk [tilespmem:v17+s3+$0x0], $0xffff  }
0x296: {  	v17 =	vld.idx.msk [tilespmem:v34+s3+$0x0], $0xffff;
	v34 =	vadd.s32 $0x4, v4  }
0x297: {  	v35 =	vadd.s32 $0x5, v4;
	v24 =	vld.idx.msk [tilespmem:v24+s3+$0x0], $0xffff  }
0x298: {  	v36 =	vadd.s32 $0x6, v4;
	v22 =	vld.idx.msk [tilespmem:v22+s23+$0x0], $0xffff  }
0x299: {  	v37 =	vadd.s32 $0x7, v4;
	v23 =	vld.idx.msk [tilespmem:v23+s23+$0x0], $0xffff  }
0x29a: {  	v7 =	vadd.f32 v20, v7;
	v20 =	vld.idx.msk [tilespmem:v16+s3+$0x0], $0xffff;
	v16 =	vadd.s32 $0x8, v4  }
0x29b: {  	v8 =	vadd.f32 v21, v8;
	v21 =	vld.idx.msk [tilespmem:v34+s3+$0x0], $0xffff;
	v34 =	vadd.s32 $0x9, v4  }
0x29c: {  	v38 =	vadd.s32 $0xA, v4;
	v7 =	vadd.f32 v17, v7;
	v35 =	vld.idx.msk [tilespmem:v35+s3+$0x0], $0xffff  }
0x29d: {  	v8 =	vadd.f32 v24, v8;
	v24 =	vld.idx.msk [tilespmem:v36+s3+$0x0], $0xffff;
	v36 =	vadd.s32 $0xB, v4  }
0x29e: {  	v9 =	vadd.f32 v18, v9;
	v17 =	vmul.u32 $0xC, v22;
	v18 =	vld.idx.msk [tilespmem:v37+s3+$0x0], $0xffff  }
0x29f: {  	v11 =	vadd.f32 v19, v11;
	v15 =	vadd.f32 v25, v15;
	v22 =	vmul.u32 $0xC, v23;
	v19 =	vld.idx.msk [tilespmem:v16+s3+$0x0], $0xffff  }
0x2a0: {  	v37 =	vor.u32 $0x1, v17;
	v16 =	vadd.s32 $0xA, v17;
	v9 =	vadd.f32 v20, v9;
	v34 =	vld.idx.msk [tilespmem:v34+s3+$0x0], $0xffff  }
0x2a1: {  	v14 =	vadd.f32 v26, v14;
	v39 =	vor.u32 $0x2, v17;
	v11 =	vadd.f32 v21, v11;
	v38 =	vld.idx.msk [tilespmem:v38+s3+$0x0], $0xffff  }
0x2a2: {  	v12 =	vadd.f32 v27, v12;
	v40 =	vor.u32 $0x3, v17;
	v15 =	vadd.f32 v35, v15;
	v35 =	vld.idx.msk [tilespmem:v36+s3+$0x0], $0xffff  }
0x2a3: {  	v13 =	vadd.f32 v28, v13;
	v36 =	vadd.s32 $0x4, v17;
	v14 =	vadd.f32 v24, v14;
	v23 =	vld.idx.msk [tilespmem:v4+s3+$0x0], $0xffff;
	v4 =	vmovc v22  }
.Ltmp10:
0x2a4: {  	v10 =	vadd.f32 v30, v10;
	v25 =	vadd.s32 $0x5, v17;
	v12 =	vadd.f32 v18, v12;
	v22 =	vld.idx.msk [tilespmem:v17+s3+$0x0], $0xffff;
	(pc) =	sbr.rel @p0 .LBB2_23-.Ltmp10, $4  }
0x2a5: {  	v6 =	vadd.f32 v31, v6;
	v26 =	vadd.s32 $0x6, v17;
	v13 =	vadd.f32 v19, v13;
	v20 =	vld.idx.msk [tilespmem:v37+s3+$0x0], $0xffff  }
0x2a6: {  	v5 =	vadd.f32 v32, v5;
	v27 =	vadd.s32 $0x7, v17;
	v10 =	vadd.f32 v34, v10;
	v21 =	vld.idx.msk [tilespmem:v39+s3+$0x0], $0xffff  }
0x2a7: {  	v29 =	vadd.f32 v33, v29;
	v28 =	vadd.s32 $0x8, v17;
	v6 =	vadd.f32 v38, v6;
	v18 =	vld.idx.msk [tilespmem:v40+s3+$0x0], $0xffff  }
0x2a8: {  	v30 =	vadd.s32 $0x9, v17;
	v24 =	vor.u32 $0x2, v4;
	v5 =	vadd.f32 v35, v5;
	v19 =	vld.idx.msk [tilespmem:v36+s3+$0x0], $0xffff  }
0x2a9: {  	_ =	sdelay $0x3  }
0x2aa: {  	v3 =	vld.idx.msk [tilespmem:v25+s3+$0x0], $0xffff  }
0x2ab: {  	v26 =	vld.idx.msk [tilespmem:v26+s3+$0x0], $0xffff  }
0x2ac: {  	v27 =	vld.idx.msk [tilespmem:v27+s3+$0x0], $0xffff  }
0x2ad: {  	v36 =	vor.u32 $0x1, v4;
	v28 =	vld.idx.msk [tilespmem:v28+s3+$0x0], $0xffff  }
0x2ae: {  	v31 =	vor.u32 $0x3, v4;
	v30 =	vld.idx.msk [tilespmem:v30+s3+$0x0], $0xffff  }
0x2af: {  	v32 =	vadd.s32 $0x4, v4;
	v24 =	vld.idx.msk [tilespmem:v24+s3+$0x0], $0xffff  }
0x2b0: {  	v33 =	vadd.s32 $0x5, v4;
	v16 =	vld.idx.msk [tilespmem:v16+s3+$0x0], $0xffff  }
0x2b1: {  	v17 =	vadd.s32 $0xB, v17;
	v40 =	vld.idx.msk [tilespmem:v4+s3+$0x0], $0xffff  }
0x2b2: {  	v34 =	vadd.s32 $0x6, v4;
	v37 =	vadd.s32 $0x7, v4;
	v23 =	vadd.f32 v23, v29;
	v25 =	vld.idx.msk [tilespmem:v36+s3+$0x0], $0xffff  }
0x2b3: {  	v39 =	vadd.s32 $0x8, v4;
	v41 =	vadd.s32 $0x9, v4;
	v42 =	vadd.s32 $0xA, v4;
	v31 =	vld.idx.msk [tilespmem:v31+s3+$0x0], $0xffff  }
0x2b4: {  	v44 =	vadd.s32 $0xB, v4;
	v2 =	vshll.u32 v2, $0x7;
	v7 =	vadd.f32 v20, v7;
	v38 =	vld.idx.msk [tilespmem:v32+s3+$0x0], $0xffff  }
0x2b5: {  	v48 =	vor.u32 $0x1, v2;
	v50 =	vor.u32 $0x2, v2;
	v51 =	vor.u32 $0x3, v2;
	v33 =	vld.idx.msk [tilespmem:v33+s3+$0x0], $0xffff  }
0x2b6: {  	v52 =	vor.u32 $0x4, v2;
	v53 =	vor.u32 $0x5, v2;
	v45 =	vadd.f32 v22, v23;
	v17 =	vld.idx.msk [tilespmem:v17+s3+$0x0], $0xffff  }
0x2b7: {  	v55 =	vor.u32 $0x6, v2;
	v57 =	vor.u32 $0x7, v2;
	v8 =	vadd.f32 v21, v8;
	v43 =	vld.idx.msk [tilespmem:v34+s3+$0x0], $0xffff  }
0x2b8: {  	v58 =	vor.u32 $0x8, v2;
	v3 =	vadd.f32 v3, v15;
	v46 =	vld.idx.msk [tilespmem:v37+s3+$0x0], $0xffff;
	v15 =	vadd.f32 v40, v45  }
0x2b9: {  	v60 =	vor.u32 $0x9, v2;
	v9 =	vadd.f32 v18, v9;
	v47 =	vld.idx.msk [tilespmem:v39+s3+$0x0], $0xffff;
	v7 =	vadd.f32 v25, v7  }
0x2ba: {  	v11 =	vadd.f32 v19, v11;
	v8 =	vadd.f32 v24, v8;
	v49 =	vld.idx.msk [tilespmem:v41+s3+$0x0], $0xffff;
	v15 =	vmul.f32 $4.999999890e-03, v15  }
0x2bb: {  	v14 =	vadd.f32 v26, v14;
	v24 =	vld.idx.msk [tilespmem:v42+s3+$0x0], $0xffff;
	v9 =	vadd.f32 v31, v9;
	v7 =	vmul.f32 $4.999999890e-03, v7  }
0x2bc: {  	v61 =	vor.u32 $0xA, v2;
	v4 =	vld.idx.msk [tilespmem:v44+s3+$0x0], $0xffff;
	v8 =	vmul.f32 $4.999999890e-03, v8;
	[tilespmem:v2+s28+$0x0] =	vst.idx.msk $0xffff, v15;
	v11 =	vadd.f32 v38, v11  }
0x2bd: {  	v12 =	vadd.f32 v27, v12;
	v3 =	vadd.f32 v33, v3;
	v54 =	vmul.f32 $4.999999890e-03, v9;
	[tilespmem:v48+s28+$0x0] =	vst.idx.msk $0xffff, v7  }
0x2be: {  	v13 =	vadd.f32 v28, v13;
	v14 =	vadd.f32 v43, v14;
	v56 =	vmul.f32 $4.999999890e-03, v11;
	[tilespmem:v50+s28+$0x0] =	vst.idx.msk $0xffff, v8  }
0x2bf: {  	v10 =	vadd.f32 v30, v10;
	v12 =	vadd.f32 v46, v12;
	v3 =	vmul.f32 $4.999999890e-03, v3;
	[tilespmem:v51+s28+$0x0] =	vst.idx.msk $0xffff, v54  }
0x2c0: {  	v6 =	vadd.f32 v16, v6;
	v13 =	vadd.f32 v47, v13;
	v59 =	vmul.f32 $4.999999890e-03, v14;
	[tilespmem:v52+s28+$0x0] =	vst.idx.msk $0xffff, v56  }
0x2c1: {  	s2 =	sadd.s32 $0x1, s2;
	v5 =	vadd.f32 v17, v5;
	v10 =	vadd.f32 v49, v10;
	[tilespmem:v53+s28+$0x0] =	vst.idx.msk $0xffff, v3;
	v3 =	vmul.f32 $4.999999890e-03, v12  }
0x2c2: {  	p0 =	sne.s32 s2, $0x4;
	v2 =	vor.u32 $0xB, v2;
	v6 =	vadd.f32 v24, v6;
	v62 =	vmul.f32 $4.999999890e-03, v13;
	[tilespmem:v55+s28+$0x0] =	vst.idx.msk $0xffff, v59  }
.Ltmp11:
0x2c3: {  	v4 =	vadd.f32 v4, v5;
	[tilespmem:v57+s28+$0x0] =	vst.idx.msk $0xffff, v3;
	v3 =	vmul.f32 $4.999999890e-03, v10;
	(pc) =	sbr.rel @p0 .LBB2_22-.Ltmp11, $4  }
0x2c4: {  	v63 =	vmul.f32 $4.999999890e-03, v6;
	[tilespmem:v58+s28+$0x0] =	vst.idx.msk $0xffff, v62  }
0x2c5: {  	[tilespmem:v60+s28+$0x0] =	vst.idx.msk $0xffff, v3;
	v3 =	vmul.f32 $4.999999890e-03, v4  }
0x2c6: {  	[tilespmem:v61+s28+$0x0] =	vst.idx.msk $0xffff, v63  }
0x2c7: {  	[tilespmem:v2+s28+$0x0] =	vst.idx.msk $0xffff, v3  }
0x2c8: {  	s0 =	simm.s32 $0x0  }
0x2c9: {  	[hbm4b:s16+s0] =	stream.linear.scatter [tilespmem:s28], [sflag:$0x4], $0x2000, $0x38;
	[tilespmem:$0xEF00] =	vst v63  }
0x2ca: {  	_ = 	snop  }
0x2cb: {  	[tilespmem:s23], [sflag:$0x2] =	stream.linear.gather [hbm4b:s17+s0], $0x4000, $0x38;
	[tilespmem:$0xEF00] =	vst v63  }
0x2cc: {  	_ =	swait.ge [sflag:s24], $0x4000  }
0x2cd: {  	[sflag:s24] =	ssyncset.done $0x0  }
0x2ce: {  	[sflag:s24] =	ssyncadd.s32 $0xFFFFC000  }
0x2cf: {  	_ =	swait.ge [sflag:s29], $0x2000  }
0x2d0: {  	[sflag:s29] =	ssyncset.done $0x0  }
0x2d1: {  	s2 =	simm.s32 $0x0;
	[sflag:s29] =	ssyncadd.s32 $0xFFFFE000  }
.LBB2_26:
0x2d2: {  	s1 =	sshll.u32 s2, $0x4  }
0x2d3: {  	v3 =	vmov s0;
	v2 =	vor.u32 s1, v0  }
0x2d4: {  	v5 =	vshll.u32 v3, $0x3;
	v4 =	vshll.u32 v2, $0x8  }
0x2d5: {  	v6 =	vand.u32 $0x7E, v3;
	v5 =	vand.u32 $0x400, v5;
	v4 =	vand.u32 $0x3800, v4  }
0x2d6: {  	v3 =	vor.u32 v1, v4;
	v4 =	vor.u32 v5, v6  }
0x2d7: {  	v4 =	vor.u32 v3, v4;
	_ =	sdelay $0x2  }
0x2d8: {  	s4 =	simm.s32 $0x1  }
0x2d9: {  	v5 =	vmov s4  }
0x2da: {  	v6 =	vshll.u32 v5, $0x3;
	v4 =	vld.idx.msk [tilespmem:v4+s21+$0x0], $0xffff  }
0x2db: {  	v5 =	vand.u32 $0x7F, v5;
	v6 =	vand.u32 $0x400, v6  }
0x2dc: {  	v5 =	vor.u32 v6, v5  }
0x2dd: {  	v5 =	vor.u32 v3, v5;
	_ =	sdelay $0x1  }
0x2de: {  	v4 =	vmul.u32 $0xC, v4;
	_ =	sdelay $0x1  }
0x2df: {  	v6 =	vor.u32 $0x1, v4  }
0x2e0: {  	v5 =	vld.idx.msk [tilespmem:v5+s21+$0x0], $0xffff;
	v7 =	vor.u32 $0x2, v4  }
0x2e1: {  	v8 =	vor.u32 $0x3, v4  }
0x2e2: {  	v9 =	vadd.s32 $0x4, v4  }
0x2e3: {  	v10 =	vadd.s32 $0x5, v4;
	v19 =	vld.idx.msk [tilespmem:v4+s3+$0x0], $0xffff  }
0x2e4: {  	v11 =	vadd.s32 $0x6, v4;
	v6 =	vld.idx.msk [tilespmem:v6+s3+$0x0], $0xffff  }
0x2e5: {  	v12 =	vadd.s32 $0x7, v4;
	v5 =	vmul.u32 $0xC, v5;
	v7 =	vld.idx.msk [tilespmem:v7+s3+$0x0], $0xffff  }
0x2e6: {  	v14 =	vadd.s32 $0xA, v4;
	v13 =	vld.idx.msk [tilespmem:v8+s3+$0x0], $0xffff  }
0x2e7: {  	v22 =	vor.u32 $0x1, v5;
	v9 =	vld.idx.msk [tilespmem:v9+s3+$0x0], $0xffff  }
0x2e8: {  	s4 =	simm.s32 $0x2;
	v8 =	vadd.s32 $0x8, v4;
	v10 =	vld.idx.msk [tilespmem:v10+s3+$0x0], $0xffff  }
0x2e9: {  	v17 =	vmov s4;
	v15 =	vadd.s32 $0x9, v4;
	v4 =	vadd.s32 $0xB, v4;
	v11 =	vld.idx.msk [tilespmem:v11+s3+$0x0], $0xffff  }
0x2ea: {  	s4 =	simm.s32 $0x3;
	v18 =	vand.u32 $0x7E, v17;
	v17 =	vshll.u32 v17, $0x3;
	v12 =	vld.idx.msk [tilespmem:v12+s3+$0x0], $0xffff  }
0x2eb: {  	v20 =	vmov s4;
	v17 =	vand.u32 $0x400, v17;
	v16 =	vor.u32 $0x2, v5;
	v24 =	vld.idx.msk [tilespmem:v14+s3+$0x0], $0xffff  }
0x2ec: {  	v21 =	vshll.u32 v20, $0x3;
	v17 =	vor.u32 v17, v18;
	v23 =	vadd.s32 $0x7, v5;
	v14 =	vld.idx.msk [tilespmem:v22+s3+$0x0], $0xffff  }
0x2ed: {  	v18 =	vand.u32 $0x7F, v20;
	v20 =	vand.u32 $0x400, v21;
	v21 =	vld.idx.msk [tilespmem:v8+s3+$0x0], $0xffff;
	v8 =	vor.u32 v3, v17  }
0x2ee: {  	v17 =	vor.u32 v20, v18;
	v28 =	vld.idx.msk [tilespmem:v4+s3+$0x0], $0xffff;
	v4 =	vor.u32 $0x3, v5  }
0x2ef: {  	v18 =	vld.idx.msk [tilespmem:v15+s3+$0x0], $0xffff;
	v15 =	vor.u32 v3, v17  }
0x2f0: {  	v16 =	vld.idx.msk [tilespmem:v16+s3+$0x0], $0xffff;
	v17 =	vadd.s32 $0x4, v5  }
0x2f1: {  	v26 =	vadd.s32 $0x8, v5;
	v32 =	vld.idx.msk [tilespmem:v23+s3+$0x0], $0xffff  }
0x2f2: {  	v22 =	vld.idx.msk [tilespmem:v8+s21+$0x0], $0xffff;
	v8 =	vadd.s32 $0x6, v5  }
0x2f3: {  	v20 =	vadd.s32 $0x5, v5;
	v25 =	vld.idx.msk [tilespmem:v4+s3+$0x0], $0xffff  }
0x2f4: {  	v29 =	vimm.f32 $0.0e+00;
	v27 =	vadd.s32 $0x9, v5;
	v15 =	vld.idx.msk [tilespmem:v15+s21+$0x0], $0xffff  }
0x2f5: {  	v30 =	vadd.s32 $0xA, v5;
	v4 =	vadd.f32 v6, v29;
	v6 =	vld.idx.msk [tilespmem:v17+s3+$0x0], $0xffff;
	v17 =	vadd.f32 v7, v29  }
0x2f6: {  	v31 =	vadd.s32 $0xB, v5;
	v33 =	vld.idx.msk [tilespmem:v26+s3+$0x0], $0xffff;
	v13 =	vadd.f32 v13, v29;
	v12 =	vadd.f32 v12, v29  }
0x2f7: {  	v7 =	vadd.f32 v14, v4;
	v14 =	vld.idx.msk [tilespmem:v8+s3+$0x0], $0xffff;
	v8 =	vadd.f32 v16, v17;
	v17 =	vmul.u32 $0xC, v22  }
0x2f8: {  	v10 =	vadd.f32 v10, v29;
	v24 =	vadd.f32 v24, v29;
	v20 =	vld.idx.msk [tilespmem:v20+s3+$0x0], $0xffff  }
0x2f9: {  	v23 =	vld.idx.msk [tilespmem:v5+s3+$0x0], $0xffff;
	v12 =	vadd.f32 v32, v12;
	v5 =	vadd.f32 v18, v29;
	v26 =	vor.u32 $0x1, v17  }
0x2fa: {  	v34 =	vld.idx.msk [tilespmem:v27+s3+$0x0], $0xffff;
	v4 =	vmul.u32 $0xC, v15;
	v15 =	vadd.f32 v9, v29;
	v27 =	vor.u32 $0x2, v17  }
0x2fb: {  	v31 =	vld.idx.msk [tilespmem:v31+s3+$0x0], $0xffff;
	v63 =	vadd.f32 v28, v29;
	v9 =	vadd.f32 v25, v13;
	v35 =	vadd.s32 $0x4, v17  }
0x2fc: {  	v13 =	vadd.f32 v11, v29;
	v11 =	vadd.f32 v6, v15;
	v6 =	vld.idx.msk [tilespmem:v30+s3+$0x0], $0xffff;
	v30 =	vor.u32 $0x3, v17  }
0x2fd: {  	v25 =	vadd.s32 $0x5, v17;
	v15 =	vadd.f32 v20, v10;
	v10 =	vadd.f32 v21, v29;
	v22 =	vld.idx.msk [tilespmem:v17+s3+$0x0], $0xffff  }
0x2fe: {  	v16 =	vadd.s32 $0xA, v17;
	v29 =	vadd.f32 v19, v29;
	v20 =	vld.idx.msk [tilespmem:v26+s3+$0x0], $0xffff;
	v26 =	vadd.s32 $0x6, v17  }
0x2ff: {  	v14 =	vadd.f32 v14, v13;
	v13 =	vadd.f32 v33, v10;
	v21 =	vld.idx.msk [tilespmem:v27+s3+$0x0], $0xffff;
	v27 =	vadd.s32 $0x7, v17  }
0x300: {  	v28 =	vadd.s32 $0x8, v17;
	v10 =	vadd.f32 v34, v5;
	v5 =	vadd.f32 v31, v63;
	v19 =	vld.idx.msk [tilespmem:v35+s3+$0x0], $0xffff  }
0x301: {  	s1 =	simm.s32 $0x4;
	v18 =	vld.idx.msk [tilespmem:v30+s3+$0x0], $0xffff;
	v6 =	vadd.f32 v6, v24;
	v30 =	vadd.s32 $0x9, v17;
	v24 =	vor.u32 $0x2, v4  }
.LBB2_27:
0x302: {  	v31 =	vmov s1;
	s4 =	sadd.s32 $0x1, s1;
	p0 =	slt.u32 s1, $0xC6;
	s1 =	sadd.s32 $0x2, s1;
	v25 =	vld.idx.msk [tilespmem:v25+s3+$0x0], $0xffff;
	v17 =	vadd.s32 $0xB, v17;
	v29 =	vadd.f32 v23, v29  }
0x303: {  	v33 =	vmovc v22;
	v23 =	vand.u32 $0x7E, v31;
	v31 =	vshll.u32 v31, $0x3;
	v32 =	vmov s4;
	v26 =	vld.idx.msk [tilespmem:v26+s3+$0x0], $0xffff  }
0x304: {  	v34 =	vor.u32 $0x1, v4;
	v22 =	vand.u32 $0x400, v31;
	v31 =	vshll.u32 v32, $0x3;
	v27 =	vld.idx.msk [tilespmem:v27+s3+$0x0], $0xffff  }
0x305: {  	v22 =	vor.u32 v22, v23;
	v23 =	vand.u32 $0x7F, v32;
	v31 =	vand.u32 $0x400, v31;
	v28 =	vld.idx.msk [tilespmem:v28+s3+$0x0], $0xffff  }
0x306: {  	v22 =	vor.u32 v3, v22;
	v23 =	vor.u32 v31, v23;
	v30 =	vld.idx.msk [tilespmem:v30+s3+$0x0], $0xffff  }
0x307: {  	v23 =	vor.u32 v3, v23;
	v31 =	vld.idx.msk [tilespmem:v16+s3+$0x0], $0xffff  }
0x308: {  	v16 =	vor.u32 $0x3, v4;
	v32 =	vld.idx.msk [tilespmem:v17+s3+$0x0], $0xffff  }
0x309: {  	v17 =	vld.idx.msk [tilespmem:v34+s3+$0x0], $0xffff;
	v34 =	vadd.s32 $0x4, v4  }
0x30a: {  	v35 =	vadd.s32 $0x5, v4;
	v24 =	vld.idx.msk [tilespmem:v24+s3+$0x0], $0xffff  }
0x30b: {  	v36 =	vadd.s32 $0x6, v4;
	v22 =	vld.idx.msk [tilespmem:v22+s21+$0x0], $0xffff  }
0x30c: {  	v37 =	vadd.s32 $0x7, v4;
	v23 =	vld.idx.msk [tilespmem:v23+s21+$0x0], $0xffff  }
0x30d: {  	v7 =	vadd.f32 v20, v7;
	v20 =	vld.idx.msk [tilespmem:v16+s3+$0x0], $0xffff;
	v16 =	vadd.s32 $0x8, v4  }
0x30e: {  	v8 =	vadd.f32 v21, v8;
	v21 =	vld.idx.msk [tilespmem:v34+s3+$0x0], $0xffff;
	v34 =	vadd.s32 $0x9, v4  }
0x30f: {  	v38 =	vadd.s32 $0xA, v4;
	v7 =	vadd.f32 v17, v7;
	v35 =	vld.idx.msk [tilespmem:v35+s3+$0x0], $0xffff  }
0x310: {  	v8 =	vadd.f32 v24, v8;
	v24 =	vld.idx.msk [tilespmem:v36+s3+$0x0], $0xffff;
	v36 =	vadd.s32 $0xB, v4  }
0x311: {  	v9 =	vadd.f32 v18, v9;
	v17 =	vmul.u32 $0xC, v22;
	v18 =	vld.idx.msk [tilespmem:v37+s3+$0x0], $0xffff  }
0x312: {  	v11 =	vadd.f32 v19, v11;
	v15 =	vadd.f32 v25, v15;
	v22 =	vmul.u32 $0xC, v23;
	v19 =	vld.idx.msk [tilespmem:v16+s3+$0x0], $0xffff  }
0x313: {  	v37 =	vor.u32 $0x1, v17;
	v16 =	vadd.s32 $0xA, v17;
	v9 =	vadd.f32 v20, v9;
	v34 =	vld.idx.msk [tilespmem:v34+s3+$0x0], $0xffff  }
0x314: {  	v14 =	vadd.f32 v26, v14;
	v39 =	vor.u32 $0x2, v17;
	v11 =	vadd.f32 v21, v11;
	v38 =	vld.idx.msk [tilespmem:v38+s3+$0x0], $0xffff  }
0x315: {  	v12 =	vadd.f32 v27, v12;
	v40 =	vor.u32 $0x3, v17;
	v15 =	vadd.f32 v35, v15;
	v35 =	vld.idx.msk [tilespmem:v36+s3+$0x0], $0xffff  }
0x316: {  	v13 =	vadd.f32 v28, v13;
	v36 =	vadd.s32 $0x4, v17;
	v14 =	vadd.f32 v24, v14;
	v23 =	vld.idx.msk [tilespmem:v4+s3+$0x0], $0xffff;
	v4 =	vmovc v22  }
.Ltmp12:
0x317: {  	v10 =	vadd.f32 v30, v10;
	v25 =	vadd.s32 $0x5, v17;
	v12 =	vadd.f32 v18, v12;
	v22 =	vld.idx.msk [tilespmem:v17+s3+$0x0], $0xffff;
	(pc) =	sbr.rel @p0 .LBB2_27-.Ltmp12, $4  }
0x318: {  	v6 =	vadd.f32 v31, v6;
	v26 =	vadd.s32 $0x6, v17;
	v13 =	vadd.f32 v19, v13;
	v20 =	vld.idx.msk [tilespmem:v37+s3+$0x0], $0xffff  }
0x319: {  	v5 =	vadd.f32 v32, v5;
	v27 =	vadd.s32 $0x7, v17;
	v10 =	vadd.f32 v34, v10;
	v21 =	vld.idx.msk [tilespmem:v39+s3+$0x0], $0xffff  }
0x31a: {  	v29 =	vadd.f32 v33, v29;
	v28 =	vadd.s32 $0x8, v17;
	v6 =	vadd.f32 v38, v6;
	v18 =	vld.idx.msk [tilespmem:v40+s3+$0x0], $0xffff  }
0x31b: {  	v30 =	vadd.s32 $0x9, v17;
	v24 =	vor.u32 $0x2, v4;
	v5 =	vadd.f32 v35, v5;
	v19 =	vld.idx.msk [tilespmem:v36+s3+$0x0], $0xffff  }
0x31c: {  	_ =	sdelay $0x3  }
0x31d: {  	v3 =	vld.idx.msk [tilespmem:v25+s3+$0x0], $0xffff  }
0x31e: {  	v26 =	vld.idx.msk [tilespmem:v26+s3+$0x0], $0xffff  }
0x31f: {  	v27 =	vld.idx.msk [tilespmem:v27+s3+$0x0], $0xffff  }
0x320: {  	v36 =	vor.u32 $0x1, v4;
	v28 =	vld.idx.msk [tilespmem:v28+s3+$0x0], $0xffff  }
0x321: {  	v31 =	vor.u32 $0x3, v4;
	v30 =	vld.idx.msk [tilespmem:v30+s3+$0x0], $0xffff  }
0x322: {  	v32 =	vadd.s32 $0x4, v4;
	v24 =	vld.idx.msk [tilespmem:v24+s3+$0x0], $0xffff  }
0x323: {  	v33 =	vadd.s32 $0x5, v4;
	v16 =	vld.idx.msk [tilespmem:v16+s3+$0x0], $0xffff  }
0x324: {  	v17 =	vadd.s32 $0xB, v17;
	v40 =	vld.idx.msk [tilespmem:v4+s3+$0x0], $0xffff  }
0x325: {  	v34 =	vadd.s32 $0x6, v4;
	v37 =	vadd.s32 $0x7, v4;
	v23 =	vadd.f32 v23, v29;
	v25 =	vld.idx.msk [tilespmem:v36+s3+$0x0], $0xffff  }
0x326: {  	v39 =	vadd.s32 $0x8, v4;
	v41 =	vadd.s32 $0x9, v4;
	v42 =	vadd.s32 $0xA, v4;
	v31 =	vld.idx.msk [tilespmem:v31+s3+$0x0], $0xffff  }
0x327: {  	v44 =	vadd.s32 $0xB, v4;
	v2 =	vshll.u32 v2, $0x7;
	v7 =	vadd.f32 v20, v7;
	v38 =	vld.idx.msk [tilespmem:v32+s3+$0x0], $0xffff  }
0x328: {  	v48 =	vor.u32 $0x1, v2;
	v50 =	vor.u32 $0x2, v2;
	v51 =	vor.u32 $0x3, v2;
	v33 =	vld.idx.msk [tilespmem:v33+s3+$0x0], $0xffff  }
0x329: {  	v52 =	vor.u32 $0x4, v2;
	v53 =	vor.u32 $0x5, v2;
	v45 =	vadd.f32 v22, v23;
	v17 =	vld.idx.msk [tilespmem:v17+s3+$0x0], $0xffff  }
0x32a: {  	v55 =	vor.u32 $0x6, v2;
	v57 =	vor.u32 $0x7, v2;
	v8 =	vadd.f32 v21, v8;
	v43 =	vld.idx.msk [tilespmem:v34+s3+$0x0], $0xffff  }
0x32b: {  	v58 =	vor.u32 $0x8, v2;
	v3 =	vadd.f32 v3, v15;
	v46 =	vld.idx.msk [tilespmem:v37+s3+$0x0], $0xffff;
	v15 =	vadd.f32 v40, v45  }
0x32c: {  	v60 =	vor.u32 $0x9, v2;
	v9 =	vadd.f32 v18, v9;
	v47 =	vld.idx.msk [tilespmem:v39+s3+$0x0], $0xffff;
	v7 =	vadd.f32 v25, v7  }
0x32d: {  	v11 =	vadd.f32 v19, v11;
	v8 =	vadd.f32 v24, v8;
	v49 =	vld.idx.msk [tilespmem:v41+s3+$0x0], $0xffff;
	v15 =	vmul.f32 $4.999999890e-03, v15  }
0x32e: {  	v14 =	vadd.f32 v26, v14;
	v24 =	vld.idx.msk [tilespmem:v42+s3+$0x0], $0xffff;
	v9 =	vadd.f32 v31, v9;
	v7 =	vmul.f32 $4.999999890e-03, v7  }
0x32f: {  	v61 =	vor.u32 $0xA, v2;
	v4 =	vld.idx.msk [tilespmem:v44+s3+$0x0], $0xffff;
	v8 =	vmul.f32 $4.999999890e-03, v8;
	[tilespmem:v2+s25+$0x0] =	vst.idx.msk $0xffff, v15;
	v11 =	vadd.f32 v38, v11  }
0x330: {  	v12 =	vadd.f32 v27, v12;
	v3 =	vadd.f32 v33, v3;
	v54 =	vmul.f32 $4.999999890e-03, v9;
	[tilespmem:v48+s25+$0x0] =	vst.idx.msk $0xffff, v7  }
0x331: {  	v13 =	vadd.f32 v28, v13;
	v14 =	vadd.f32 v43, v14;
	v56 =	vmul.f32 $4.999999890e-03, v11;
	[tilespmem:v50+s25+$0x0] =	vst.idx.msk $0xffff, v8  }
0x332: {  	v10 =	vadd.f32 v30, v10;
	v12 =	vadd.f32 v46, v12;
	v3 =	vmul.f32 $4.999999890e-03, v3;
	[tilespmem:v51+s25+$0x0] =	vst.idx.msk $0xffff, v54  }
0x333: {  	v6 =	vadd.f32 v16, v6;
	v13 =	vadd.f32 v47, v13;
	v59 =	vmul.f32 $4.999999890e-03, v14;
	[tilespmem:v52+s25+$0x0] =	vst.idx.msk $0xffff, v56  }
0x334: {  	s2 =	sadd.s32 $0x1, s2;
	v5 =	vadd.f32 v17, v5;
	v10 =	vadd.f32 v49, v10;
	[tilespmem:v53+s25+$0x0] =	vst.idx.msk $0xffff, v3;
	v3 =	vmul.f32 $4.999999890e-03, v12  }
0x335: {  	p0 =	sne.s32 s2, $0x4;
	v2 =	vor.u32 $0xB, v2;
	v6 =	vadd.f32 v24, v6;
	v62 =	vmul.f32 $4.999999890e-03, v13;
	[tilespmem:v55+s25+$0x0] =	vst.idx.msk $0xffff, v59  }
.Ltmp13:
0x336: {  	v4 =	vadd.f32 v4, v5;
	[tilespmem:v57+s25+$0x0] =	vst.idx.msk $0xffff, v3;
	v3 =	vmul.f32 $4.999999890e-03, v10;
	(pc) =	sbr.rel @p0 .LBB2_26-.Ltmp13, $4  }
0x337: {  	v63 =	vmul.f32 $4.999999890e-03, v6;
	[tilespmem:v58+s25+$0x0] =	vst.idx.msk $0xffff, v62  }
0x338: {  	[tilespmem:v60+s25+$0x0] =	vst.idx.msk $0xffff, v3;
	v3 =	vmul.f32 $4.999999890e-03, v4  }
0x339: {  	[tilespmem:v61+s25+$0x0] =	vst.idx.msk $0xffff, v63  }
0x33a: {  	[tilespmem:v2+s25+$0x0] =	vst.idx.msk $0xffff, v3  }
0x33b: {  	s0 =	simm.s32 $0x0  }
0x33c: {  	[hbm4b:s18+s0] =	stream.linear.scatter [tilespmem:s25], [sflag:$0x3], $0x2000, $0x38;
	[tilespmem:$0xEF00] =	vst v63  }
0x33d: {  	_ =	swait.ge [sflag:s26], $0x4000  }
0x33e: {  	[sflag:s26] =	ssyncset.done $0x0  }
0x33f: {  	[sflag:s26] =	ssyncadd.s32 $0xFFFFC000  }
0x340: {  	_ =	swait.ge [sflag:s30], $0x2000  }
0x341: {  	[sflag:s30] =	ssyncset.done $0x0  }
0x342: {  	s2 =	simm.s32 $0x0;
	[sflag:s30] =	ssyncadd.s32 $0xFFFFE000  }
.LBB2_30:
0x343: {  	s1 =	sshll.u32 s2, $0x4  }
0x344: {  	v3 =	vmov s0;
	v2 =	vor.u32 s1, v0  }
0x345: {  	v5 =	vshll.u32 v3, $0x3;
	v4 =	vshll.u32 v2, $0x8  }
0x346: {  	v6 =	vand.u32 $0x7E, v3;
	v5 =	vand.u32 $0x400, v5;
	v4 =	vand.u32 $0x3800, v4  }
0x347: {  	v3 =	vor.u32 v1, v4;
	v4 =	vor.u32 v5, v6  }
0x348: {  	v4 =	vor.u32 v3, v4;
	_ =	sdelay $0x2  }
0x349: {  	s4 =	simm.s32 $0x1  }
0x34a: {  	v5 =	vmov s4  }
0x34b: {  	v6 =	vshll.u32 v5, $0x3;
	v4 =	vld.idx.msk [tilespmem:v4+s23+$0x0], $0xffff  }
0x34c: {  	v5 =	vand.u32 $0x7F, v5;
	v6 =	vand.u32 $0x400, v6  }
0x34d: {  	v5 =	vor.u32 v6, v5  }
0x34e: {  	v5 =	vor.u32 v3, v5;
	_ =	sdelay $0x1  }
0x34f: {  	v4 =	vmul.u32 $0xC, v4;
	_ =	sdelay $0x1  }
0x350: {  	v6 =	vor.u32 $0x1, v4  }
0x351: {  	v5 =	vld.idx.msk [tilespmem:v5+s23+$0x0], $0xffff;
	v7 =	vor.u32 $0x2, v4  }
0x352: {  	v8 =	vor.u32 $0x3, v4  }
0x353: {  	v9 =	vadd.s32 $0x4, v4  }
0x354: {  	v10 =	vadd.s32 $0x5, v4;
	v19 =	vld.idx.msk [tilespmem:v4+s3+$0x0], $0xffff  }
0x355: {  	v11 =	vadd.s32 $0x6, v4;
	v6 =	vld.idx.msk [tilespmem:v6+s3+$0x0], $0xffff  }
0x356: {  	v12 =	vadd.s32 $0x7, v4;
	v5 =	vmul.u32 $0xC, v5;
	v7 =	vld.idx.msk [tilespmem:v7+s3+$0x0], $0xffff  }
0x357: {  	v14 =	vadd.s32 $0xA, v4;
	v13 =	vld.idx.msk [tilespmem:v8+s3+$0x0], $0xffff  }
0x358: {  	v22 =	vor.u32 $0x1, v5;
	v9 =	vld.idx.msk [tilespmem:v9+s3+$0x0], $0xffff  }
0x359: {  	s4 =	simm.s32 $0x2;
	v8 =	vadd.s32 $0x8, v4;
	v10 =	vld.idx.msk [tilespmem:v10+s3+$0x0], $0xffff  }
0x35a: {  	v17 =	vmov s4;
	v15 =	vadd.s32 $0x9, v4;
	v4 =	vadd.s32 $0xB, v4;
	v11 =	vld.idx.msk [tilespmem:v11+s3+$0x0], $0xffff  }
0x35b: {  	s4 =	simm.s32 $0x3;
	v18 =	vand.u32 $0x7E, v17;
	v17 =	vshll.u32 v17, $0x3;
	v12 =	vld.idx.msk [tilespmem:v12+s3+$0x0], $0xffff  }
0x35c: {  	v20 =	vmov s4;
	v17 =	vand.u32 $0x400, v17;
	v16 =	vor.u32 $0x2, v5;
	v24 =	vld.idx.msk [tilespmem:v14+s3+$0x0], $0xffff  }
0x35d: {  	v21 =	vshll.u32 v20, $0x3;
	v17 =	vor.u32 v17, v18;
	v23 =	vadd.s32 $0x7, v5;
	v14 =	vld.idx.msk [tilespmem:v22+s3+$0x0], $0xffff  }
0x35e: {  	v18 =	vand.u32 $0x7F, v20;
	v20 =	vand.u32 $0x400, v21;
	v21 =	vld.idx.msk [tilespmem:v8+s3+$0x0], $0xffff;
	v8 =	vor.u32 v3, v17  }
0x35f: {  	v17 =	vor.u32 v20, v18;
	v28 =	vld.idx.msk [tilespmem:v4+s3+$0x0], $0xffff;
	v4 =	vor.u32 $0x3, v5  }
0x360: {  	v18 =	vld.idx.msk [tilespmem:v15+s3+$0x0], $0xffff;
	v15 =	vor.u32 v3, v17  }
0x361: {  	v16 =	vld.idx.msk [tilespmem:v16+s3+$0x0], $0xffff;
	v17 =	vadd.s32 $0x4, v5  }
0x362: {  	v26 =	vadd.s32 $0x8, v5;
	v32 =	vld.idx.msk [tilespmem:v23+s3+$0x0], $0xffff  }
0x363: {  	v22 =	vld.idx.msk [tilespmem:v8+s23+$0x0], $0xffff;
	v8 =	vadd.s32 $0x6, v5  }
0x364: {  	v20 =	vadd.s32 $0x5, v5;
	v25 =	vld.idx.msk [tilespmem:v4+s3+$0x0], $0xffff  }
0x365: {  	v29 =	vimm.f32 $0.0e+00;
	v27 =	vadd.s32 $0x9, v5;
	v15 =	vld.idx.msk [tilespmem:v15+s23+$0x0], $0xffff  }
0x366: {  	v30 =	vadd.s32 $0xA, v5;
	v4 =	vadd.f32 v6, v29;
	v6 =	vld.idx.msk [tilespmem:v17+s3+$0x0], $0xffff;
	v17 =	vadd.f32 v7, v29  }
0x367: {  	v31 =	vadd.s32 $0xB, v5;
	v33 =	vld.idx.msk [tilespmem:v26+s3+$0x0], $0xffff;
	v13 =	vadd.f32 v13, v29;
	v12 =	vadd.f32 v12, v29  }
0x368: {  	v7 =	vadd.f32 v14, v4;
	v14 =	vld.idx.msk [tilespmem:v8+s3+$0x0], $0xffff;
	v8 =	vadd.f32 v16, v17;
	v17 =	vmul.u32 $0xC, v22  }
0x369: {  	v10 =	vadd.f32 v10, v29;
	v24 =	vadd.f32 v24, v29;
	v20 =	vld.idx.msk [tilespmem:v20+s3+$0x0], $0xffff  }
0x36a: {  	v23 =	vld.idx.msk [tilespmem:v5+s3+$0x0], $0xffff;
	v12 =	vadd.f32 v32, v12;
	v5 =	vadd.f32 v18, v29;
	v26 =	vor.u32 $0x1, v17  }
0x36b: {  	v34 =	vld.idx.msk [tilespmem:v27+s3+$0x0], $0xffff;
	v4 =	vmul.u32 $0xC, v15;
	v15 =	vadd.f32 v9, v29;
	v27 =	vor.u32 $0x2, v17  }
0x36c: {  	v31 =	vld.idx.msk [tilespmem:v31+s3+$0x0], $0xffff;
	v63 =	vadd.f32 v28, v29;
	v9 =	vadd.f32 v25, v13;
	v35 =	vadd.s32 $0x4, v17  }
0x36d: {  	v13 =	vadd.f32 v11, v29;
	v11 =	vadd.f32 v6, v15;
	v6 =	vld.idx.msk [tilespmem:v30+s3+$0x0], $0xffff;
	v30 =	vor.u32 $0x3, v17  }
0x36e: {  	v25 =	vadd.s32 $0x5, v17;
	v15 =	vadd.f32 v20, v10;
	v10 =	vadd.f32 v21, v29;
	v22 =	vld.idx.msk [tilespmem:v17+s3+$0x0], $0xffff  }
0x36f: {  	v16 =	vadd.s32 $0xA, v17;
	v29 =	vadd.f32 v19, v29;
	v20 =	vld.idx.msk [tilespmem:v26+s3+$0x0], $0xffff;
	v26 =	vadd.s32 $0x6, v17  }
0x370: {  	v14 =	vadd.f32 v14, v13;
	v13 =	vadd.f32 v33, v10;
	v21 =	vld.idx.msk [tilespmem:v27+s3+$0x0], $0xffff;
	v27 =	vadd.s32 $0x7, v17  }
0x371: {  	v28 =	vadd.s32 $0x8, v17;
	v10 =	vadd.f32 v34, v5;
	v5 =	vadd.f32 v31, v63;
	v19 =	vld.idx.msk [tilespmem:v35+s3+$0x0], $0xffff  }
0x372: {  	s1 =	simm.s32 $0x4;
	v18 =	vld.idx.msk [tilespmem:v30+s3+$0x0], $0xffff;
	v6 =	vadd.f32 v6, v24;
	v30 =	vadd.s32 $0x9, v17;
	v24 =	vor.u32 $0x2, v4  }
.LBB2_31:
0x373: {  	v31 =	vmov s1;
	s4 =	sadd.s32 $0x1, s1;
	p0 =	slt.u32 s1, $0xC6;
	s1 =	sadd.s32 $0x2, s1;
	v25 =	vld.idx.msk [tilespmem:v25+s3+$0x0], $0xffff;
	v17 =	vadd.s32 $0xB, v17;
	v29 =	vadd.f32 v23, v29  }
0x374: {  	v33 =	vmovc v22;
	v23 =	vand.u32 $0x7E, v31;
	v31 =	vshll.u32 v31, $0x3;
	v32 =	vmov s4;
	v26 =	vld.idx.msk [tilespmem:v26+s3+$0x0], $0xffff  }
0x375: {  	v34 =	vor.u32 $0x1, v4;
	v22 =	vand.u32 $0x400, v31;
	v31 =	vshll.u32 v32, $0x3;
	v27 =	vld.idx.msk [tilespmem:v27+s3+$0x0], $0xffff  }
0x376: {  	v22 =	vor.u32 v22, v23;
	v23 =	vand.u32 $0x7F, v32;
	v31 =	vand.u32 $0x400, v31;
	v28 =	vld.idx.msk [tilespmem:v28+s3+$0x0], $0xffff  }
0x377: {  	v22 =	vor.u32 v3, v22;
	v23 =	vor.u32 v31, v23;
	v30 =	vld.idx.msk [tilespmem:v30+s3+$0x0], $0xffff  }
0x378: {  	v23 =	vor.u32 v3, v23;
	v31 =	vld.idx.msk [tilespmem:v16+s3+$0x0], $0xffff  }
0x379: {  	v16 =	vor.u32 $0x3, v4;
	v32 =	vld.idx.msk [tilespmem:v17+s3+$0x0], $0xffff  }
0x37a: {  	v17 =	vld.idx.msk [tilespmem:v34+s3+$0x0], $0xffff;
	v34 =	vadd.s32 $0x4, v4  }
0x37b: {  	v35 =	vadd.s32 $0x5, v4;
	v24 =	vld.idx.msk [tilespmem:v24+s3+$0x0], $0xffff  }
0x37c: {  	v36 =	vadd.s32 $0x6, v4;
	v22 =	vld.idx.msk [tilespmem:v22+s23+$0x0], $0xffff  }
0x37d: {  	v37 =	vadd.s32 $0x7, v4;
	v23 =	vld.idx.msk [tilespmem:v23+s23+$0x0], $0xffff  }
0x37e: {  	v7 =	vadd.f32 v20, v7;
	v20 =	vld.idx.msk [tilespmem:v16+s3+$0x0], $0xffff;
	v16 =	vadd.s32 $0x8, v4  }
0x37f: {  	v8 =	vadd.f32 v21, v8;
	v21 =	vld.idx.msk [tilespmem:v34+s3+$0x0], $0xffff;
	v34 =	vadd.s32 $0x9, v4  }
0x380: {  	v38 =	vadd.s32 $0xA, v4;
	v7 =	vadd.f32 v17, v7;
	v35 =	vld.idx.msk [tilespmem:v35+s3+$0x0], $0xffff  }
0x381: {  	v8 =	vadd.f32 v24, v8;
	v24 =	vld.idx.msk [tilespmem:v36+s3+$0x0], $0xffff;
	v36 =	vadd.s32 $0xB, v4  }
0x382: {  	v9 =	vadd.f32 v18, v9;
	v17 =	vmul.u32 $0xC, v22;
	v18 =	vld.idx.msk [tilespmem:v37+s3+$0x0], $0xffff  }
0x383: {  	v11 =	vadd.f32 v19, v11;
	v15 =	vadd.f32 v25, v15;
	v22 =	vmul.u32 $0xC, v23;
	v19 =	vld.idx.msk [tilespmem:v16+s3+$0x0], $0xffff  }
0x384: {  	v37 =	vor.u32 $0x1, v17;
	v16 =	vadd.s32 $0xA, v17;
	v9 =	vadd.f32 v20, v9;
	v34 =	vld.idx.msk [tilespmem:v34+s3+$0x0], $0xffff  }
0x385: {  	v14 =	vadd.f32 v26, v14;
	v39 =	vor.u32 $0x2, v17;
	v11 =	vadd.f32 v21, v11;
	v38 =	vld.idx.msk [tilespmem:v38+s3+$0x0], $0xffff  }
0x386: {  	v12 =	vadd.f32 v27, v12;
	v40 =	vor.u32 $0x3, v17;
	v15 =	vadd.f32 v35, v15;
	v35 =	vld.idx.msk [tilespmem:v36+s3+$0x0], $0xffff  }
0x387: {  	v13 =	vadd.f32 v28, v13;
	v36 =	vadd.s32 $0x4, v17;
	v14 =	vadd.f32 v24, v14;
	v23 =	vld.idx.msk [tilespmem:v4+s3+$0x0], $0xffff;
	v4 =	vmovc v22  }
.Ltmp14:
0x388: {  	v10 =	vadd.f32 v30, v10;
	v25 =	vadd.s32 $0x5, v17;
	v12 =	vadd.f32 v18, v12;
	v22 =	vld.idx.msk [tilespmem:v17+s3+$0x0], $0xffff;
	(pc) =	sbr.rel @p0 .LBB2_31-.Ltmp14, $4  }
0x389: {  	v6 =	vadd.f32 v31, v6;
	v26 =	vadd.s32 $0x6, v17;
	v13 =	vadd.f32 v19, v13;
	v20 =	vld.idx.msk [tilespmem:v37+s3+$0x0], $0xffff  }
0x38a: {  	v5 =	vadd.f32 v32, v5;
	v27 =	vadd.s32 $0x7, v17;
	v10 =	vadd.f32 v34, v10;
	v21 =	vld.idx.msk [tilespmem:v39+s3+$0x0], $0xffff  }
0x38b: {  	v29 =	vadd.f32 v33, v29;
	v28 =	vadd.s32 $0x8, v17;
	v6 =	vadd.f32 v38, v6;
	v18 =	vld.idx.msk [tilespmem:v40+s3+$0x0], $0xffff  }
0x38c: {  	v30 =	vadd.s32 $0x9, v17;
	v24 =	vor.u32 $0x2, v4;
	v5 =	vadd.f32 v35, v5;
	v19 =	vld.idx.msk [tilespmem:v36+s3+$0x0], $0xffff  }
0x38d: {  	_ =	sdelay $0x3  }
0x38e: {  	v3 =	vld.idx.msk [tilespmem:v25+s3+$0x0], $0xffff  }
0x38f: {  	v26 =	vld.idx.msk [tilespmem:v26+s3+$0x0], $0xffff  }
0x390: {  	v27 =	vld.idx.msk [tilespmem:v27+s3+$0x0], $0xffff  }
0x391: {  	v36 =	vor.u32 $0x1, v4;
	v28 =	vld.idx.msk [tilespmem:v28+s3+$0x0], $0xffff  }
0x392: {  	v31 =	vor.u32 $0x3, v4;
	v30 =	vld.idx.msk [tilespmem:v30+s3+$0x0], $0xffff  }
0x393: {  	v32 =	vadd.s32 $0x4, v4;
	v24 =	vld.idx.msk [tilespmem:v24+s3+$0x0], $0xffff  }
0x394: {  	v33 =	vadd.s32 $0x5, v4;
	v16 =	vld.idx.msk [tilespmem:v16+s3+$0x0], $0xffff  }
0x395: {  	v17 =	vadd.s32 $0xB, v17;
	v40 =	vld.idx.msk [tilespmem:v4+s3+$0x0], $0xffff  }
0x396: {  	v34 =	vadd.s32 $0x6, v4;
	v37 =	vadd.s32 $0x7, v4;
	v23 =	vadd.f32 v23, v29;
	v25 =	vld.idx.msk [tilespmem:v36+s3+$0x0], $0xffff  }
0x397: {  	v39 =	vadd.s32 $0x8, v4;
	v41 =	vadd.s32 $0x9, v4;
	v42 =	vadd.s32 $0xA, v4;
	v31 =	vld.idx.msk [tilespmem:v31+s3+$0x0], $0xffff  }
0x398: {  	v44 =	vadd.s32 $0xB, v4;
	v2 =	vshll.u32 v2, $0x7;
	v7 =	vadd.f32 v20, v7;
	v38 =	vld.idx.msk [tilespmem:v32+s3+$0x0], $0xffff  }
0x399: {  	v48 =	vor.u32 $0x1, v2;
	v50 =	vor.u32 $0x2, v2;
	v51 =	vor.u32 $0x3, v2;
	v33 =	vld.idx.msk [tilespmem:v33+s3+$0x0], $0xffff  }
0x39a: {  	v52 =	vor.u32 $0x4, v2;
	v53 =	vor.u32 $0x5, v2;
	v45 =	vadd.f32 v22, v23;
	v17 =	vld.idx.msk [tilespmem:v17+s3+$0x0], $0xffff  }
0x39b: {  	v55 =	vor.u32 $0x6, v2;
	v57 =	vor.u32 $0x7, v2;
	v8 =	vadd.f32 v21, v8;
	v43 =	vld.idx.msk [tilespmem:v34+s3+$0x0], $0xffff  }
0x39c: {  	v58 =	vor.u32 $0x8, v2;
	v3 =	vadd.f32 v3, v15;
	v46 =	vld.idx.msk [tilespmem:v37+s3+$0x0], $0xffff;
	v15 =	vadd.f32 v40, v45  }
0x39d: {  	v60 =	vor.u32 $0x9, v2;
	v9 =	vadd.f32 v18, v9;
	v47 =	vld.idx.msk [tilespmem:v39+s3+$0x0], $0xffff;
	v7 =	vadd.f32 v25, v7  }
0x39e: {  	v11 =	vadd.f32 v19, v11;
	v8 =	vadd.f32 v24, v8;
	v49 =	vld.idx.msk [tilespmem:v41+s3+$0x0], $0xffff;
	v15 =	vmul.f32 $4.999999890e-03, v15  }
0x39f: {  	v14 =	vadd.f32 v26, v14;
	v24 =	vld.idx.msk [tilespmem:v42+s3+$0x0], $0xffff;
	v9 =	vadd.f32 v31, v9;
	v7 =	vmul.f32 $4.999999890e-03, v7  }
0x3a0: {  	v61 =	vor.u32 $0xA, v2;
	v4 =	vld.idx.msk [tilespmem:v44+s3+$0x0], $0xffff;
	v8 =	vmul.f32 $4.999999890e-03, v8;
	[tilespmem:v2+s28+$0x0] =	vst.idx.msk $0xffff, v15;
	v11 =	vadd.f32 v38, v11  }
0x3a1: {  	v12 =	vadd.f32 v27, v12;
	v3 =	vadd.f32 v33, v3;
	v54 =	vmul.f32 $4.999999890e-03, v9;
	[tilespmem:v48+s28+$0x0] =	vst.idx.msk $0xffff, v7  }
0x3a2: {  	v13 =	vadd.f32 v28, v13;
	v14 =	vadd.f32 v43, v14;
	v56 =	vmul.f32 $4.999999890e-03, v11;
	[tilespmem:v50+s28+$0x0] =	vst.idx.msk $0xffff, v8  }
0x3a3: {  	v10 =	vadd.f32 v30, v10;
	v12 =	vadd.f32 v46, v12;
	v3 =	vmul.f32 $4.999999890e-03, v3;
	[tilespmem:v51+s28+$0x0] =	vst.idx.msk $0xffff, v54  }
0x3a4: {  	v6 =	vadd.f32 v16, v6;
	v13 =	vadd.f32 v47, v13;
	v59 =	vmul.f32 $4.999999890e-03, v14;
	[tilespmem:v52+s28+$0x0] =	vst.idx.msk $0xffff, v56  }
0x3a5: {  	s2 =	sadd.s32 $0x1, s2;
	v5 =	vadd.f32 v17, v5;
	v10 =	vadd.f32 v49, v10;
	[tilespmem:v53+s28+$0x0] =	vst.idx.msk $0xffff, v3;
	v3 =	vmul.f32 $4.999999890e-03, v12  }
0x3a6: {  	p0 =	sne.s32 s2, $0x4;
	v2 =	vor.u32 $0xB, v2;
	v6 =	vadd.f32 v24, v6;
	v62 =	vmul.f32 $4.999999890e-03, v13;
	[tilespmem:v55+s28+$0x0] =	vst.idx.msk $0xffff, v59  }
.Ltmp15:
0x3a7: {  	v4 =	vadd.f32 v4, v5;
	[tilespmem:v57+s28+$0x0] =	vst.idx.msk $0xffff, v3;
	v3 =	vmul.f32 $4.999999890e-03, v10;
	(pc) =	sbr.rel @p0 .LBB2_30-.Ltmp15, $4  }
0x3a8: {  	v63 =	vmul.f32 $4.999999890e-03, v6;
	[tilespmem:v58+s28+$0x0] =	vst.idx.msk $0xffff, v62  }
0x3a9: {  	[tilespmem:v60+s28+$0x0] =	vst.idx.msk $0xffff, v3;
	v3 =	vmul.f32 $4.999999890e-03, v4  }
0x3aa: {  	[tilespmem:v61+s28+$0x0] =	vst.idx.msk $0xffff, v63  }
0x3ab: {  	[tilespmem:v2+s28+$0x0] =	vst.idx.msk $0xffff, v3  }
0x3ac: {  	[hbm4b:s19+s3] =	stream.linear.scatter [tilespmem:s28], [sflag:$0x4], $0x2000, $0x38;
	[tilespmem:$0xEF00] =	vst v63  }
0x3ad: {  	s31 =	sadd.s32 $0x1, s31  }
0x3ae: {  	_ =	swait.ge [sflag:s29], $0x2000;
	p0 =	sne.s32 s31, s20  }
.Ltmp16:
0x3af: {  	[sflag:s29] =	ssyncset.done $0x0;
	(pc) =	sbr.rel @p0 .LBB2_1-.Ltmp16, $4  }
0x3b0: {  	[sflag:s29] =	ssyncadd.s32 $0xFFFFE000  }
0x3b1: {  	_ =	swait.ge [sflag:s30], $0x2000  }
0x3b2: {  	[sflag:s30] =	ssyncset.done $0x0  }
0x3b3: {  	[sflag:s30] =	ssyncadd.s32 $0xFFFFE000  }
0x3b4: {  	_ =	sfence.sel $0x180000  }
0x3b5: {  	[bflag:$0x0] =	sbarrier.arrive $0xFFFF  }
0x3b6: {  	_ =	strace $0x90000047  }
0x3b7: {  	s0 =	stileid.u32;
	[bflag:$0x2] =	sbarrier.arrive $0xFFFF  }
0x3b8: {  	p0 =	sne.s32 s0, $0x0;
	s0 =	rddreg [dreg:$0x2]  }
0x3b9: {  	s0 =	sadd.s32 @!p0 $0x100000, s0  }
0x3ba: {  	[sflag:s0] =	ssyncadd.tile.s32 @!p0 $0x1;
	_ =	shalt  }
.Lfunc_end2:
_tile_overlayer_lowered:
.L_overlay_start_2:
0x3bb: {  	(tag) =	ssettag $0x2  }
0x3bc: {  	s0 =	rddreg [dreg:$0x0];
	s2 =	stileid.u32  }
0x3bd: {  	s1 =	rddreg [dreg:$0x1];
	p0 =	sne.s32 s2, $0x0  }
0x3be: {  	s3 =	rddreg [dreg:$0x2];
	[bflag:$0x3] =	sbarrier.arrive $0xFFFF;
	s2 =	simm.s32 @!p0 $0x1C05  }
0x3bf: {  	[timem:s3], [sflag:s2] =	dma.local @!p0 [hbm:s0], s1  }
0x3c0: {  	s0 =	simm.s32 @!p0 $0x5  }
0x3c1: {  	_ =	swait.ge @!p0 [sflag:s0], s1  }
0x3c2: {  	s1 =	ssub.s32 @!p0 $0x0, s1;
	[sflag:s0] =	ssyncset.done @!p0 $0x0  }
0x3c3: {  	[sflag:s0] =	ssyncadd.s32 @!p0 s1  }
0x3c4: {  	[bflag:$0x3] =	sbarrier.arrive $0xFFFF  }
0x3c5: {  	_ =	shalt  }

</sc_bundles>
